<compile_context>
chip_gen: v7x
topology: tpu7x:2x2x1
jax: 0.10.2.dev20260603
libtpu: 0.0.44.dev20260713+nightly
codegen_flags: <defaults>
</compile_context>

<pallas_src>
import functools

import jax
import jax.numpy as jnp
from jax import lax
from jax.experimental import pallas as pl
from jax.experimental.pallas import tpu as pltpu
from jax.experimental.pallas import tpu_sc as plsc

N = 10000
E = 320000
D = 128
G = 64
NC = 2
NS = 16
NW = NC * NS
EPW = E // NW
K = 80
NCHUNK = EPW // K
CP0 = 632
CP1 = N - 15 * CP0


def _slab_init(zsrc, accref, sid):
    @pl.when(sid < 15)
    def _():
        pltpu.sync_copy(zsrc, accref.at[pl.ds(sid * CP0, CP0)])

    @pl.when(sid == 15)
    def _():
        pltpu.sync_copy(zsrc.at[pl.ds(0, CP1)], accref.at[pl.ds(15 * CP0, CP1)])


def _slab_out(accref, outref, cid, sid):
    @pl.when(sid < 15)
    def _():
        pltpu.sync_copy(accref.at[pl.ds(sid * CP0, CP0)],
                        outref.at[pl.ds(cid * N + sid * CP0, CP0)])

    @pl.when(sid == 15)
    def _():
        pltpu.sync_copy(accref.at[pl.ds(15 * CP0, CP1)],
                        outref.at[pl.ds(cid * N + 15 * CP0, CP1)])


def _sc_agg(with_counts):
    mesh = plsc.VectorSubcoreMesh(core_axis_name="c", subcore_axis_name="s")
    out_type = [jax.ShapeDtypeStruct((NC * N, D), jnp.float32)]
    scratch = (
        [pltpu.VMEM((2, K), jnp.int32)] * 6
        + [pltpu.VMEM((K, D), jnp.float32) for _ in range(3)]
        + [pltpu.SemaphoreType.DMA] * 12
        + [pltpu.VMEM_SHARED((N, D), jnp.float32)]
    )
    if with_counts:
        out_type.append(jax.ShapeDtypeStruct((NC * N,), jnp.float32))
        scratch += [
            pltpu.VMEM((K,), jnp.float32),
            pltpu.VMEM_SHARED((N,), jnp.float32),
            pltpu.VMEM((CP0,), jnp.float32),
        ]

    def body(table, src, dst, zrow, *rest):
        if with_counts:
            zcnt, ones, out_acc, out_cnt = rest[0], rest[1], rest[2], rest[3]
            sc = rest[4:]
        else:
            out_acc = rest[0]
            sc = rest[1:]
        iset = sc[0:6]
        rows = sc[6:9]
        semg = sc[9:12]
        semsc = sc[12:15]
        semi = sc[15:21]
        acc = sc[21]
        if with_counts:
            ones_v, cacc, cnt_v = sc[22:25]

        cid = lax.axis_index("c")
        sid = lax.axis_index("s")
        base = (cid * NS + sid) * EPW

        def idx_issue(c, s):
            off = base + c * K
            pltpu.async_copy(src.at[pl.ds(off, K)], iset[s].at[0], semi[s])
            pltpu.async_copy(dst.at[pl.ds(off, K)], iset[s].at[1], semi[s])

        def idx_wait(s):
            pltpu.make_async_copy(src.at[pl.ds(0, K)], iset[s].at[0],
                                  semi[s]).wait()
            pltpu.make_async_copy(dst.at[pl.ds(0, K)], iset[s].at[1],
                                  semi[s]).wait()

        def gissue(b, s):
            pltpu.async_copy(table.at[iset[s].at[0]], rows[b], semg[b])

        def gwait(b, s):
            pltpu.make_async_copy(table.at[iset[s].at[0]], rows[b],
                                  semg[b]).wait()

        def scatter_async(b, s):
            pltpu.async_copy(rows[b], acc.at[iset[s].at[1]], semsc[b],
                             add=True)
            if with_counts:
                pltpu.async_copy(ones_v, cacc.at[iset[s].at[1]], semsc[b],
                                 add=True)

        def scw(b, s):
            pltpu.make_async_copy(rows[b], acc.at[iset[s].at[1]],
                                  semsc[b]).wait()
            if with_counts:
                pltpu.make_async_copy(ones_v, cacc.at[iset[s].at[1]],
                                      semsc[b]).wait()

        for p in range(5):
            idx_issue(p, p)
        _slab_init(zrow, acc, sid)
        if with_counts:
            pltpu.sync_copy(zcnt, cnt_v)

            @pl.when(sid < 15)
            def _():
                pltpu.sync_copy(cnt_v, cacc.at[pl.ds(sid * CP0, CP0)])

            @pl.when(sid == 15)
            def _():
                pltpu.sync_copy(cnt_v.at[pl.ds(0, CP1)],
                                cacc.at[pl.ds(15 * CP0, CP1)])

            pltpu.sync_copy(ones, ones_v)
        plsc.subcore_barrier()

        idx_wait(0)
        gissue(0, 0)
        idx_wait(1)
        gissue(1, 1)

        def phase(c, p, guard_first):
            b, s = p % 3, p % 6
            b2, s2 = (p + 2) % 3, (p + 2) % 6
            bprev, sprev = (p - 1) % 3, (p - 1) % 6

            if guard_first:
                @pl.when(c > 0)
                def _():
                    scw(bprev, sprev)
            else:
                scw(bprev, sprev)
            idx_issue(c + 5, (p + 5) % 6)
            idx_wait(s2)
            gissue(b2, s2)
            gwait(b, s)
            scatter_async(b, s)

        def sextet(j, carry):
            c = 6 * j
            for p in range(6):
                phase(c + p, p, p == 0)
            return carry

        lax.fori_loop(0, (NCHUNK - 5) // 6, sextet, 0)
        for c in range(NCHUNK - 5, NCHUNK):
            b, s = c % 3, c % 6
            b2, s2 = (c + 2) % 3, (c + 2) % 6
            scw((c - 1) % 3, (c - 1) % 6)
            if c + 2 < NCHUNK:
                idx_wait(s2)
                gissue(b2, s2)
            gwait(b, s)
            scatter_async(b, s)
        scw((NCHUNK - 1) % 3, (NCHUNK - 1) % 6)
        plsc.subcore_barrier()
        _slab_out(acc, out_acc, cid, sid)
        if with_counts:
            @pl.when(sid < 15)
            def _():
                pltpu.sync_copy(cacc.at[pl.ds(sid * CP0, CP0)], cnt_v)
                pltpu.sync_copy(cnt_v,
                                out_cnt.at[pl.ds(cid * N + sid * CP0, CP0)])

            @pl.when(sid == 15)
            def _():
                pltpu.sync_copy(cacc.at[pl.ds(15 * CP0, CP1)],
                                cnt_v.at[pl.ds(0, CP1)])
                pltpu.sync_copy(cnt_v.at[pl.ds(0, CP1)],
                                out_cnt.at[pl.ds(cid * N + 15 * CP0, CP1)])

    return pl.kernel(body, mesh=mesh, out_type=out_type, scratch_types=scratch)


def _tc_pre(x, w1l, w1r, b1l):
    def body(x_ref, wl_ref, wr_ref, b_ref, t_ref, p_ref):
        xv = x_ref[...]
        t_ref[...] = jnp.dot(xv, wl_ref[...], preferred_element_type=jnp.float32)
        p_ref[...] = (jnp.dot(xv, wr_ref[...], preferred_element_type=jnp.float32)
                      + b_ref[...])

    return pl.pallas_call(
        body,
        out_shape=[jax.ShapeDtypeStruct((N, D), jnp.float32),
                   jax.ShapeDtypeStruct((N, D), jnp.float32)],
    )(x, w1l, w1r, b1l)


def _tc_mid(acc2n, cnt_a, cnt_b, p1, g1, be1, w2l, w2r, b2l):
    def body(a_ref, ca_ref, cb_ref, p_ref, g_ref, be_ref, wl_ref, wr_ref,
             b_ref, t_ref, p2_ref, cnt_ref):
        agg = a_ref[0:N, :] + a_ref[N:2 * N, :]
        cnt = jnp.maximum(ca_ref[...] + cb_ref[...], 1.0)
        s = agg / cnt + p_ref[...]
        mu = jnp.mean(s, axis=0, keepdims=True)
        var = jnp.mean((s - mu) ** 2, axis=0, keepdims=True)
        h = (s - mu) * lax.rsqrt(var + 1e-5) * g_ref[...] + be_ref[...]
        h = jnp.maximum(h, 0.0)
        t_ref[...] = jnp.dot(h, wl_ref[...], preferred_element_type=jnp.float32)
        p2_ref[...] = (jnp.dot(h, wr_ref[...], preferred_element_type=jnp.float32)
                       + b_ref[...])
        cnt_ref[...] = cnt

    return pl.pallas_call(
        body,
        out_shape=[jax.ShapeDtypeStruct((N, D), jnp.float32),
                   jax.ShapeDtypeStruct((N, D), jnp.float32),
                   jax.ShapeDtypeStruct((N, 1), jnp.float32)],
    )(acc2n, cnt_a, cnt_b, p1, g1, be1, w2l, w2r, b2l)


def _tc_post(acc2n, cnt, p2, g2, be2, batch2d, wlin_pad, blin_pad):
    def body(a_ref, c_ref, p_ref, g_ref, be_ref, bt_ref, wl_ref, bl_ref, o_ref):
        agg = a_ref[0:N, :] + a_ref[N:2 * N, :]
        s = agg / c_ref[...] + p_ref[...]
        mu = jnp.mean(s, axis=0, keepdims=True)
        var = jnp.mean((s - mu) ** 2, axis=0, keepdims=True)
        h = (s - mu) * lax.rsqrt(var + 1e-5) * g_ref[...] + be_ref[...]
        h = jnp.maximum(h, 0.0)
        gid = lax.broadcasted_iota(jnp.int32, (G, N), 0)
        oh = (gid == bt_ref[...]).astype(jnp.float32)
        sums = jnp.dot(oh, h, preferred_element_type=jnp.float32)
        cnts = jnp.maximum(jnp.sum(oh, axis=1, keepdims=True), 1.0)
        pooled = sums / cnts
        z = jnp.dot(pooled, wl_ref[...], preferred_element_type=jnp.float32) + bl_ref[...]
        o_ref[...] = 1.0 / (1.0 + jnp.exp(-z))

    return pl.pallas_call(
        body,
        out_shape=jax.ShapeDtypeStruct((G, D), jnp.float32),
    )(acc2n, cnt, p2, g2, be2, batch2d, wlin_pad, blin_pad)


def kernel(x, edge_index, batch, W1l, b1l, W1r, g1, be1, W2l, b2l, W2r, g2,
           be2, Wlin, blin):
    src = edge_index[0]
    dst = edge_index[1]
    zrow = jnp.zeros((CP0, D), jnp.float32)
    zcnt = jnp.zeros((CP0,), jnp.float32)
    ones = jnp.ones((K,), jnp.float32)

    t1, p1 = _tc_pre(x, W1l, W1r, b1l.reshape(1, D))

    acc1, cntp = _sc_agg(True)(t1, src, dst, zrow, zcnt, ones)

    t2, p2, cnt = _tc_mid(acc1, cntp[:N].reshape(N, 1),
                          cntp[N:].reshape(N, 1),
                          p1, g1.reshape(1, D), be1.reshape(1, D),
                          W2l, W2r, b2l.reshape(1, D))

    (acc2,) = _sc_agg(False)(t2, src, dst, zrow)

    wlin_pad = jnp.zeros((D, D), jnp.float32).at[:, :Wlin.shape[1]].set(Wlin)
    blin_pad = jnp.zeros((1, D), jnp.float32).at[0, :blin.shape[0]].set(blin)
    out = _tc_post(acc2, cnt, p2,
                   g2.reshape(1, D), be2.reshape(1, D),
                   batch.reshape(1, N).astype(jnp.int32), wlin_pad, blin_pad)
    return out[:, :Wlin.shape[1]]

# --- scband reference (transcript-rebuilt; emitter-appended) ---
"""Pipeline reference for scband-sageattack-classifier-84585085928054 (READ-ONLY COPY).

The authoritative reference and input builder live on the scoring server;
editing this copy changes nothing except your own understanding.
"""

import jax, jax.numpy as jnp
import numpy as np

N = 10000
E = 320000
D = 128
H = 128
C = 2
G = 64


def setup_inputs(seed: int = 0) -> dict:
    key = jax.random.key(seed)
    ks = jax.random.split(key, 20)
    x = jax.random.normal(ks[0], (N, D), dtype=jnp.float32)
    edge_index = jax.random.randint(ks[1], (2, E), 0, N, dtype=jnp.int32)
    batch = jnp.sort(jax.random.randint(ks[2], (N,), 0, G, dtype=jnp.int32))
    s1 = 1.0 / np.sqrt(D)
    s2 = 1.0 / np.sqrt(H)
    W1l = jax.random.uniform(ks[3], (D, H), jnp.float32, -s1, s1)
    b1l = jax.random.uniform(ks[4], (H,), jnp.float32, -s1, s1)
    W1r = jax.random.uniform(ks[5], (D, H), jnp.float32, -s1, s1)
    g1 = jnp.ones((H,), jnp.float32)
    be1 = jnp.zeros((H,), jnp.float32)
    W2l = jax.random.uniform(ks[6], (H, H), jnp.float32, -s2, s2)
    b2l = jax.random.uniform(ks[7], (H,), jnp.float32, -s2, s2)
    W2r = jax.random.uniform(ks[8], (H, H), jnp.float32, -s2, s2)
    g2 = jnp.ones((H,), jnp.float32)
    be2 = jnp.zeros((H,), jnp.float32)
    Wlin = jax.random.uniform(ks[9], (H, C), jnp.float32, -s2, s2)
    blin = jax.random.uniform(ks[10], (C,), jnp.float32, -s2, s2)
    return {"x": x, "edge_index": edge_index, "batch": batch,
            "W1l": W1l, "b1l": b1l, "W1r": W1r, "g1": g1, "be1": be1,
            "W2l": W2l, "b2l": b2l, "W2r": W2r, "g2": g2, "be2": be2,
            "Wlin": Wlin, "blin": blin}


def _sage(x, edge_index, Wl, bl, Wr):
    src = edge_index[0]
    dst = edge_index[1]
    msgs = jnp.take(x, src, axis=0)
    agg = jax.ops.segment_sum(msgs, dst, num_segments=x.shape[0])
    cnt = jax.ops.segment_sum(jnp.ones((src.shape[0], 1), x.dtype), dst, num_segments=x.shape[0])
    agg = agg / jnp.clip(cnt, 1.0, None)
    return agg @ Wl + bl + x @ Wr


def _bn(x, g, b, eps=1e-5):
    mu = jnp.mean(x, axis=0)
    var = jnp.var(x, axis=0)
    return (x - mu) / jnp.sqrt(var + eps) * g + b


def _gmp(x, batch, num_graphs):
    sums = jax.ops.segment_sum(x, batch, num_segments=num_graphs)
    cnts = jax.ops.segment_sum(jnp.ones((x.shape[0], 1), x.dtype), batch, num_segments=num_graphs)
    return sums / jnp.clip(cnts, 1.0, None)


def reference(x, edge_index, batch, W1l, b1l, W1r, g1, be1, W2l, b2l, W2r, g2, be2, Wlin, blin):
    h = _sage(x, edge_index, W1l, b1l, W1r)
    h = _bn(h, g1, be1)
    h = jax.nn.relu(h)
    h = _sage(h, edge_index, W2l, b2l, W2r)
    h = _bn(h, g2, be2)
    h = jax.nn.relu(h)
    h = _gmp(h, batch, G)
    h = h @ Wlin + blin
    return jax.nn.sigmoid(h)

if __name__ == "__main__":
    import jax
    _d = setup_inputs()
    print(jax.jit(kernel)(*tuple(_d.values())))

</pallas_src>

<mosaic_0001>
#map = affine_map<(d0, d1) -> (0, 0)>
#map1 = affine_map<(d0, d1) -> (0)>
module attributes {stable_mosaic.version = 14 : i64} {
  func.func @body(%arg0: i32, %arg1: i32, %arg2: memref<10000x128xf32, #tpu.memory_space<hbm>>, %arg3: memref<320000xi32, #tpu.memory_space<hbm>>, %arg4: memref<320000xi32, #tpu.memory_space<hbm>>, %arg5: memref<632x128xf32, #tpu.memory_space<hbm>>, %arg6: memref<632xf32, #tpu.memory_space<hbm>>, %arg7: memref<80xf32, #tpu.memory_space<hbm>>, %arg8: memref<20000x128xf32, #tpu.memory_space<hbm>>, %arg9: memref<20000xf32, #tpu.memory_space<hbm>>, %arg10: memref<2x80xi32, #tpu.memory_space<vmem>>, %arg11: memref<2x80xi32, #tpu.memory_space<vmem>>, %arg12: memref<2x80xi32, #tpu.memory_space<vmem>>, %arg13: memref<2x80xi32, #tpu.memory_space<vmem>>, %arg14: memref<2x80xi32, #tpu.memory_space<vmem>>, %arg15: memref<2x80xi32, #tpu.memory_space<vmem>>, %arg16: memref<80x128xf32, #tpu.memory_space<vmem>>, %arg17: memref<80x128xf32, #tpu.memory_space<vmem>>, %arg18: memref<80x128xf32, #tpu.memory_space<vmem>>, %arg19: memref<!tpu.dma_semaphore, #tpu.memory_space<semaphore_mem>>, %arg20: memref<!tpu.dma_semaphore, #tpu.memory_space<semaphore_mem>>, %arg21: memref<!tpu.dma_semaphore, #tpu.memory_space<semaphore_mem>>, %arg22: memref<!tpu.dma_semaphore, #tpu.memory_space<semaphore_mem>>, %arg23: memref<!tpu.dma_semaphore, #tpu.memory_space<semaphore_mem>>, %arg24: memref<!tpu.dma_semaphore, #tpu.memory_space<semaphore_mem>>, %arg25: memref<!tpu.dma_semaphore, #tpu.memory_space<semaphore_mem>>, %arg26: memref<!tpu.dma_semaphore, #tpu.memory_space<semaphore_mem>>, %arg27: memref<!tpu.dma_semaphore, #tpu.memory_space<semaphore_mem>>, %arg28: memref<!tpu.dma_semaphore, #tpu.memory_space<semaphore_mem>>, %arg29: memref<!tpu.dma_semaphore, #tpu.memory_space<semaphore_mem>>, %arg30: memref<!tpu.dma_semaphore, #tpu.memory_space<semaphore_mem>>, %arg31: memref<10000x128xf32, #tpu.memory_space<vmem_shared>>, %arg32: memref<80xf32, #tpu.memory_space<vmem>>, %arg33: memref<10000xf32, #tpu.memory_space<vmem_shared>>, %arg34: memref<632xf32, #tpu.memory_space<vmem>>) attributes {dimension_semantics = [#tpu.dimension_semantics<core_parallel>, #tpu.dimension_semantics<subcore_parallel>], iteration_bounds = array<i64: 2, 16>, scalar_prefetch = 0 : i64, scratch_operands = 25 : i64, tpu.core_type = #tpu.core_type<sc_vector_subcore>, window_params = [{transform_indices = #map}, {transform_indices = #map1}, {transform_indices = #map1}, {transform_indices = #map}, {transform_indices = #map1}, {transform_indices = #map1}, {transform_indices = #map}, {transform_indices = #map1}]} {
    %mul3A = arith.constant 16 : i32
    %mul3A_0 = arith.muli %arg0, %mul3A : i32
    %add3A = arith.addi %mul3A_0, %arg1 : i32
    %mul3A_1 = arith.constant 10000 : i32
    %mul3A_2 = arith.muli %add3A, %mul3A_1 : i32
    %add3A_3 = arith.constant 0 : i32
    %add3A_4 = arith.addi %mul3A_2, %add3A_3 : i32
    %dma_start3A = arith.constant 0 : i32
    %dma_start3A_5 = arith.constant 0 : i32
    %dma_start3A_6 = tpu.memref_slice %arg10[%dma_start3A, %dma_start3A_5] : memref<2x80xi32, #tpu.memory_space<vmem>> -> memref<1x80xi32, #tpu.memory_space<vmem>>
    %dma_start3A_7 = tpu.memref_squeeze %dma_start3A_6 : memref<1x80xi32, #tpu.memory_space<vmem>> -> memref<80xi32, #tpu.memory_space<vmem>>
    %dma_start3A_8 = tpu.memref_slice %arg3[%add3A_4] : memref<320000xi32, #tpu.memory_space<hbm>> -> memref<80xi32, #tpu.memory_space<hbm>>
    %dma_start3A_9 = arith.constant 0 : i32
    %dma_start3A_10 = tpu.memref_slice %arg10[%dma_start3A, %dma_start3A_9] : memref<2x80xi32, #tpu.memory_space<vmem>> -> memref<1x80xi32, #tpu.memory_space<vmem>>
    %dma_start3A_11 = tpu.memref_squeeze %dma_start3A_10 : memref<1x80xi32, #tpu.memory_space<vmem>> -> memref<80xi32, #tpu.memory_space<vmem>>
    %dma_start3A_12 = tpu.memref_slice %arg3[%add3A_4] : memref<320000xi32, #tpu.memory_space<hbm>> -> memref<80xi32, #tpu.memory_space<hbm>>
    tpu.enqueue_dma source(%dma_start3A_12 : memref<80xi32, #tpu.memory_space<hbm>>) target(%dma_start3A_11 : memref<80xi32, #tpu.memory_space<vmem>>) target_semaphore(%arg25 : memref<!tpu.dma_semaphore, #tpu.memory_space<semaphore_mem>>)
    %dma_start3A_13 = arith.constant 1 : i32
    %dma_start3A_14 = arith.constant 0 : i32
    %dma_start3A_15 = tpu.memref_slice %arg10[%dma_start3A_13, %dma_start3A_14] : memref<2x80xi32, #tpu.memory_space<vmem>> -> memref<1x80xi32, #tpu.memory_space<vmem>>
    %dma_start3A_16 = tpu.memref_squeeze %dma_start3A_15 : memref<1x80xi32, #tpu.memory_space<vmem>> -> memref<80xi32, #tpu.memory_space<vmem>>
    %dma_start3A_17 = tpu.memref_slice %arg4[%add3A_4] : memref<320000xi32, #tpu.memory_space<hbm>> -> memref<80xi32, #tpu.memory_space<hbm>>
    %dma_start3A_18 = arith.constant 0 : i32
    %dma_start3A_19 = tpu.memref_slice %arg10[%dma_start3A_13, %dma_start3A_18] : memref<2x80xi32, #tpu.memory_space<vmem>> -> memref<1x80xi32, #tpu.memory_space<vmem>>
    %dma_start3A_20 = tpu.memref_squeeze %dma_start3A_19 : memref<1x80xi32, #tpu.memory_space<vmem>> -> memref<80xi32, #tpu.memory_space<vmem>>
    %dma_start3A_21 = tpu.memref_slice %arg4[%add3A_4] : memref<320000xi32, #tpu.memory_space<hbm>> -> memref<80xi32, #tpu.memory_space<hbm>>
    tpu.enqueue_dma source(%dma_start3A_21 : memref<80xi32, #tpu.memory_space<hbm>>) target(%dma_start3A_20 : memref<80xi32, #tpu.memory_space<vmem>>) target_semaphore(%arg25 : memref<!tpu.dma_semaphore, #tpu.memory_space<semaphore_mem>>)
    %add3A_22 = arith.constant 80 : i32
    %add3A_23 = arith.addi %mul3A_2, %add3A_22 : i32
    %dma_start3A_24 = arith.constant 0 : i32
    %dma_start3A_25 = arith.constant 0 : i32
    %dma_start3A_26 = tpu.memref_slice %arg11[%dma_start3A_24, %dma_start3A_25] : memref<2x80xi32, #tpu.memory_space<vmem>> -> memref<1x80xi32, #tpu.memory_space<vmem>>
    %dma_start3A_27 = tpu.memref_squeeze %dma_start3A_26 : memref<1x80xi32, #tpu.memory_space<vmem>> -> memref<80xi32, #tpu.memory_space<vmem>>
    %dma_start3A_28 = tpu.memref_slice %arg3[%add3A_23] : memref<320000xi32, #tpu.memory_space<hbm>> -> memref<80xi32, #tpu.memory_space<hbm>>
    %dma_start3A_29 = arith.constant 0 : i32
    %dma_start3A_30 = tpu.memref_slice %arg11[%dma_start3A_24, %dma_start3A_29] : memref<2x80xi32, #tpu.memory_space<vmem>> -> memref<1x80xi32, #tpu.memory_space<vmem>>
    %dma_start3A_31 = tpu.memref_squeeze %dma_start3A_30 : memref<1x80xi32, #tpu.memory_space<vmem>> -> memref<80xi32, #tpu.memory_space<vmem>>
    %dma_start3A_32 = tpu.memref_slice %arg3[%add3A_23] : memref<320000xi32, #tpu.memory_space<hbm>> -> memref<80xi32, #tpu.memory_space<hbm>>
    tpu.enqueue_dma source(%dma_start3A_32 : memref<80xi32, #tpu.memory_space<hbm>>) target(%dma_start3A_31 : memref<80xi32, #tpu.memory_space<vmem>>) target_semaphore(%arg26 : memref<!tpu.dma_semaphore, #tpu.memory_space<semaphore_mem>>)
    %dma_start3A_33 = arith.constant 1 : i32
    %dma_start3A_34 = arith.constant 0 : i32
    %dma_start3A_35 = tpu.memref_slice %arg11[%dma_start3A_33, %dma_start3A_34] : memref<2x80xi32, #tpu.memory_space<vmem>> -> memref<1x80xi32, #tpu.memory_space<vmem>>
    %dma_start3A_36 = tpu.memref_squeeze %dma_start3A_35 : memref<1x80xi32, #tpu.memory_space<vmem>> -> memref<80xi32, #tpu.memory_space<vmem>>
    %dma_start3A_37 = tpu.memref_slice %arg4[%add3A_23] : memref<320000xi32, #tpu.memory_space<hbm>> -> memref<80xi32, #tpu.memory_space<hbm>>
    %dma_start3A_38 = arith.constant 0 : i32
    %dma_start3A_39 = tpu.memref_slice %arg11[%dma_start3A_33, %dma_start3A_38] : memref<2x80xi32, #tpu.memory_space<vmem>> -> memref<1x80xi32, #tpu.memory_space<vmem>>
    %dma_start3A_40 = tpu.memref_squeeze %dma_start3A_39 : memref<1x80xi32, #tpu.memory_space<vmem>> -> memref<80xi32, #tpu.memory_space<vmem>>
    %dma_start3A_41 = tpu.memref_slice %arg4[%add3A_23] : memref<320000xi32, #tpu.memory_space<hbm>> -> memref<80xi32, #tpu.memory_space<hbm>>
    tpu.enqueue_dma source(%dma_start3A_41 : memref<80xi32, #tpu.memory_space<hbm>>) target(%dma_start3A_40 : memref<80xi32, #tpu.memory_space<vmem>>) target_semaphore(%arg26 : memref<!tpu.dma_semaphore, #tpu.memory_space<semaphore_mem>>)
    %add3A_42 = arith.constant 160 : i32
    %add3A_43 = arith.addi %mul3A_2, %add3A_42 : i32
    %dma_start3A_44 = arith.constant 0 : i32
    %dma_start3A_45 = arith.constant 0 : i32
    %dma_start3A_46 = tpu.memref_slice %arg12[%dma_start3A_44, %dma_start3A_45] : memref<2x80xi32, #tpu.memory_space<vmem>> -> memref<1x80xi32, #tpu.memory_space<vmem>>
    %dma_start3A_47 = tpu.memref_squeeze %dma_start3A_46 : memref<1x80xi32, #tpu.memory_space<vmem>> -> memref<80xi32, #tpu.memory_space<vmem>>
    %dma_start3A_48 = tpu.memref_slice %arg3[%add3A_43] : memref<320000xi32, #tpu.memory_space<hbm>> -> memref<80xi32, #tpu.memory_space<hbm>>
    %dma_start3A_49 = arith.constant 0 : i32
    %dma_start3A_50 = tpu.memref_slice %arg12[%dma_start3A_44, %dma_start3A_49] : memref<2x80xi32, #tpu.memory_space<vmem>> -> memref<1x80xi32, #tpu.memory_space<vmem>>
    %dma_start3A_51 = tpu.memref_squeeze %dma_start3A_50 : memref<1x80xi32, #tpu.memory_space<vmem>> -> memref<80xi32, #tpu.memory_space<vmem>>
    %dma_start3A_52 = tpu.memref_slice %arg3[%add3A_43] : memref<320000xi32, #tpu.memory_space<hbm>> -> memref<80xi32, #tpu.memory_space<hbm>>
    tpu.enqueue_dma source(%dma_start3A_52 : memref<80xi32, #tpu.memory_space<hbm>>) target(%dma_start3A_51 : memref<80xi32, #tpu.memory_space<vmem>>) target_semaphore(%arg27 : memref<!tpu.dma_semaphore, #tpu.memory_space<semaphore_mem>>)
    %dma_start3A_53 = arith.constant 1 : i32
    %dma_start3A_54 = arith.constant 0 : i32
    %dma_start3A_55 = tpu.memref_slice %arg12[%dma_start3A_53, %dma_start3A_54] : memref<2x80xi32, #tpu.memory_space<vmem>> -> memref<1x80xi32, #tpu.memory_space<vmem>>
    %dma_start3A_56 = tpu.memref_squeeze %dma_start3A_55 : memref<1x80xi32, #tpu.memory_space<vmem>> -> memref<80xi32, #tpu.memory_space<vmem>>
    %dma_start3A_57 = tpu.memref_slice %arg4[%add3A_43] : memref<320000xi32, #tpu.memory_space<hbm>> -> memref<80xi32, #tpu.memory_space<hbm>>
    %dma_start3A_58 = arith.constant 0 : i32
    %dma_start3A_59 = tpu.memref_slice %arg12[%dma_start3A_53, %dma_start3A_58] : memref<2x80xi32, #tpu.memory_space<vmem>> -> memref<1x80xi32, #tpu.memory_space<vmem>>
    %dma_start3A_60 = tpu.memref_squeeze %dma_start3A_59 : memref<1x80xi32, #tpu.memory_space<vmem>> -> memref<80xi32, #tpu.memory_space<vmem>>
    %dma_start3A_61 = tpu.memref_slice %arg4[%add3A_43] : memref<320000xi32, #tpu.memory_space<hbm>> -> memref<80xi32, #tpu.memory_space<hbm>>
    tpu.enqueue_dma source(%dma_start3A_61 : memref<80xi32, #tpu.memory_space<hbm>>) target(%dma_start3A_60 : memref<80xi32, #tpu.memory_space<vmem>>) target_semaphore(%arg27 : memref<!tpu.dma_semaphore, #tpu.memory_space<semaphore_mem>>)
    %add3A_62 = arith.constant 240 : i32
    %add3A_63 = arith.addi %mul3A_2, %add3A_62 : i32
    %dma_start3A_64 = arith.constant 0 : i32
    %dma_start3A_65 = arith.constant 0 : i32
    %dma_start3A_66 = tpu.memref_slice %arg13[%dma_start3A_64, %dma_start3A_65] : memref<2x80xi32, #tpu.memory_space<vmem>> -> memref<1x80xi32, #tpu.memory_space<vmem>>
    %dma_start3A_67 = tpu.memref_squeeze %dma_start3A_66 : memref<1x80xi32, #tpu.memory_space<vmem>> -> memref<80xi32, #tpu.memory_space<vmem>>
    %dma_start3A_68 = tpu.memref_slice %arg3[%add3A_63] : memref<320000xi32, #tpu.memory_space<hbm>> -> memref<80xi32, #tpu.memory_space<hbm>>
    %dma_start3A_69 = arith.constant 0 : i32
    %dma_start3A_70 = tpu.memref_slice %arg13[%dma_start3A_64, %dma_start3A_69] : memref<2x80xi32, #tpu.memory_space<vmem>> -> memref<1x80xi32, #tpu.memory_space<vmem>>
    %dma_start3A_71 = tpu.memref_squeeze %dma_start3A_70 : memref<1x80xi32, #tpu.memory_space<vmem>> -> memref<80xi32, #tpu.memory_space<vmem>>
    %dma_start3A_72 = tpu.memref_slice %arg3[%add3A_63] : memref<320000xi32, #tpu.memory_space<hbm>> -> memref<80xi32, #tpu.memory_space<hbm>>
    tpu.enqueue_dma source(%dma_start3A_72 : memref<80xi32, #tpu.memory_space<hbm>>) target(%dma_start3A_71 : memref<80xi32, #tpu.memory_space<vmem>>) target_semaphore(%arg28 : memref<!tpu.dma_semaphore, #tpu.memory_space<semaphore_mem>>)
    %dma_start3A_73 = arith.constant 1 : i32
    %dma_start3A_74 = arith.constant 0 : i32
    %dma_start3A_75 = tpu.memref_slice %arg13[%dma_start3A_73, %dma_start3A_74] : memref<2x80xi32, #tpu.memory_space<vmem>> -> memref<1x80xi32, #tpu.memory_space<vmem>>
    %dma_start3A_76 = tpu.memref_squeeze %dma_start3A_75 : memref<1x80xi32, #tpu.memory_space<vmem>> -> memref<80xi32, #tpu.memory_space<vmem>>
    %dma_start3A_77 = tpu.memref_slice %arg4[%add3A_63] : memref<320000xi32, #tpu.memory_space<hbm>> -> memref<80xi32, #tpu.memory_space<hbm>>
    %dma_start3A_78 = arith.constant 0 : i32
    %dma_start3A_79 = tpu.memref_slice %arg13[%dma_start3A_73, %dma_start3A_78] : memref<2x80xi32, #tpu.memory_space<vmem>> -> memref<1x80xi32, #tpu.memory_space<vmem>>
    %dma_start3A_80 = tpu.memref_squeeze %dma_start3A_79 : memref<1x80xi32, #tpu.memory_space<vmem>> -> memref<80xi32, #tpu.memory_space<vmem>>
    %dma_start3A_81 = tpu.memref_slice %arg4[%add3A_63] : memref<320000xi32, #tpu.memory_space<hbm>> -> memref<80xi32, #tpu.memory_space<hbm>>
    tpu.enqueue_dma source(%dma_start3A_81 : memref<80xi32, #tpu.memory_space<hbm>>) target(%dma_start3A_80 : memref<80xi32, #tpu.memory_space<vmem>>) target_semaphore(%arg28 : memref<!tpu.dma_semaphore, #tpu.memory_space<semaphore_mem>>)
    %add3A_82 = arith.constant 320 : i32
    %add3A_83 = arith.addi %mul3A_2, %add3A_82 : i32
    %dma_start3A_84 = arith.constant 0 : i32
    %dma_start3A_85 = arith.constant 0 : i32
    %dma_start3A_86 = tpu.memref_slice %arg14[%dma_start3A_84, %dma_start3A_85] : memref<2x80xi32, #tpu.memory_space<vmem>> -> memref<1x80xi32, #tpu.memory_space<vmem>>
    %dma_start3A_87 = tpu.memref_squeeze %dma_start3A_86 : memref<1x80xi32, #tpu.memory_space<vmem>> -> memref<80xi32, #tpu.memory_space<vmem>>
    %dma_start3A_88 = tpu.memref_slice %arg3[%add3A_83] : memref<320000xi32, #tpu.memory_space<hbm>> -> memref<80xi32, #tpu.memory_space<hbm>>
    %dma_start3A_89 = arith.constant 0 : i32
    %dma_start3A_90 = tpu.memref_slice %arg14[%dma_start3A_84, %dma_start3A_89] : memref<2x80xi32, #tpu.memory_space<vmem>> -> memref<1x80xi32, #tpu.memory_space<vmem>>
    %dma_start3A_91 = tpu.memref_squeeze %dma_start3A_90 : memref<1x80xi32, #tpu.memory_space<vmem>> -> memref<80xi32, #tpu.memory_space<vmem>>
    %dma_start3A_92 = tpu.memref_slice %arg3[%add3A_83] : memref<320000xi32, #tpu.memory_space<hbm>> -> memref<80xi32, #tpu.memory_space<hbm>>
    tpu.enqueue_dma source(%dma_start3A_92 : memref<80xi32, #tpu.memory_space<hbm>>) target(%dma_start3A_91 : memref<80xi32, #tpu.memory_space<vmem>>) target_semaphore(%arg29 : memref<!tpu.dma_semaphore, #tpu.memory_space<semaphore_mem>>)
    %dma_start3A_93 = arith.constant 1 : i32
    %dma_start3A_94 = arith.constant 0 : i32
    %dma_start3A_95 = tpu.memref_slice %arg14[%dma_start3A_93, %dma_start3A_94] : memref<2x80xi32, #tpu.memory_space<vmem>> -> memref<1x80xi32, #tpu.memory_space<vmem>>
    %dma_start3A_96 = tpu.memref_squeeze %dma_start3A_95 : memref<1x80xi32, #tpu.memory_space<vmem>> -> memref<80xi32, #tpu.memory_space<vmem>>
    %dma_start3A_97 = tpu.memref_slice %arg4[%add3A_83] : memref<320000xi32, #tpu.memory_space<hbm>> -> memref<80xi32, #tpu.memory_space<hbm>>
    %dma_start3A_98 = arith.constant 0 : i32
    %dma_start3A_99 = tpu.memref_slice %arg14[%dma_start3A_93, %dma_start3A_98] : memref<2x80xi32, #tpu.memory_space<vmem>> -> memref<1x80xi32, #tpu.memory_space<vmem>>
    %dma_start3A_100 = tpu.memref_squeeze %dma_start3A_99 : memref<1x80xi32, #tpu.memory_space<vmem>> -> memref<80xi32, #tpu.memory_space<vmem>>
    %dma_start3A_101 = tpu.memref_slice %arg4[%add3A_83] : memref<320000xi32, #tpu.memory_space<hbm>> -> memref<80xi32, #tpu.memory_space<hbm>>
    tpu.enqueue_dma source(%dma_start3A_101 : memref<80xi32, #tpu.memory_space<hbm>>) target(%dma_start3A_100 : memref<80xi32, #tpu.memory_space<vmem>>) target_semaphore(%arg29 : memref<!tpu.dma_semaphore, #tpu.memory_space<semaphore_mem>>)
    %lt3A = arith.constant 15 : i32
    %lt3A_102 = arith.cmpi slt, %arg1, %lt3A : i32
    %convert_element_type3A = arith.extui %lt3A_102 : i1 to i32
    %cond3A = arith.constant 0 : i32
    %cond3A_103 = arith.cmpi ne, %convert_element_type3A, %cond3A : i32
    scf.if %cond3A_103 {
      %mul3A_466 = arith.constant 632 : i32
      %mul3A_467 = arith.muli %arg1, %mul3A_466 : i32
      "tpu.region"() ({
        %run_scoped3A = tpu.sem_alloc : memref<!tpu.dma_semaphore, #tpu.memory_space<semaphore_mem>>
        %dma_start3A_468 = arith.constant 0 : i32
        %dma_start3A_469 = tpu.memref_slice %arg31[%mul3A_467, %dma_start3A_468] : memref<10000x128xf32, #tpu.memory_space<vmem_shared>> -> memref<632x128xf32, #tpu.memory_space<vmem_shared>>
        tpu.enqueue_dma source(%arg5 : memref<632x128xf32, #tpu.memory_space<hbm>>) target(%dma_start3A_469 : memref<632x128xf32, #tpu.memory_space<vmem_shared>>) target_semaphore(%run_scoped3A : memref<!tpu.dma_semaphore, #tpu.memory_space<semaphore_mem>>)
        %dma_wait3A_470 = arith.constant 0 : i32
        %dma_wait3A_471 = tpu.memref_slice %arg31[%mul3A_467, %dma_wait3A_470] : memref<10000x128xf32, #tpu.memory_space<vmem_shared>> -> memref<632x128xf32, #tpu.memory_space<vmem_shared>>
        tpu.wait_dma2 semaphore(%run_scoped3A : memref<!tpu.dma_semaphore, #tpu.memory_space<semaphore_mem>>) src(%arg5 : memref<632x128xf32, #tpu.memory_space<hbm>>) dst(%dma_wait3A_471 : memref<632x128xf32, #tpu.memory_space<vmem_shared>>)
        tpu.yield
      }) : () -> ()
    } else {
    }
    %eq3A = arith.constant 15 : i32
    %eq3A_104 = arith.cmpi eq, %arg1, %eq3A : i32
    %convert_element_type3A_105 = arith.extui %eq3A_104 : i1 to i32
    %cond3A_106 = arith.constant 0 : i32
    %cond3A_107 = arith.cmpi ne, %convert_element_type3A_105, %cond3A_106 : i32
    scf.if %cond3A_107 {
      "tpu.region"() ({
        %run_scoped3A = tpu.sem_alloc : memref<!tpu.dma_semaphore, #tpu.memory_space<semaphore_mem>>
        %dma_start3A_466 = arith.constant 9480 : i32
        %dma_start3A_467 = arith.constant 0 : i32
        %dma_start3A_468 = tpu.memref_slice %arg31[%dma_start3A_466, %dma_start3A_467] : memref<10000x128xf32, #tpu.memory_space<vmem_shared>> -> memref<520x128xf32, #tpu.memory_space<vmem_shared>>
        %dma_start3A_469 = arith.constant 0 : i32
        %dma_start3A_470 = arith.constant 0 : i32
        %dma_start3A_471 = tpu.memref_slice %arg5[%dma_start3A_469, %dma_start3A_470] : memref<632x128xf32, #tpu.memory_space<hbm>> -> memref<520x128xf32, #tpu.memory_space<hbm>>
        tpu.enqueue_dma source(%dma_start3A_471 : memref<520x128xf32, #tpu.memory_space<hbm>>) target(%dma_start3A_468 : memref<520x128xf32, #tpu.memory_space<vmem_shared>>) target_semaphore(%run_scoped3A : memref<!tpu.dma_semaphore, #tpu.memory_space<semaphore_mem>>)
        %dma_wait3A_472 = arith.constant 9480 : i32
        %dma_wait3A_473 = arith.constant 0 : i32
        %dma_wait3A_474 = tpu.memref_slice %arg31[%dma_wait3A_472, %dma_wait3A_473] : memref<10000x128xf32, #tpu.memory_space<vmem_shared>> -> memref<520x128xf32, #tpu.memory_space<vmem_shared>>
        %dma_wait3A_475 = arith.constant 0 : i32
        %dma_wait3A_476 = arith.constant 0 : i32
        %dma_wait3A_477 = tpu.memref_slice %arg5[%dma_wait3A_475, %dma_wait3A_476] : memref<632x128xf32, #tpu.memory_space<hbm>> -> memref<520x128xf32, #tpu.memory_space<hbm>>
        tpu.wait_dma2 semaphore(%run_scoped3A : memref<!tpu.dma_semaphore, #tpu.memory_space<semaphore_mem>>) src(%dma_wait3A_477 : memref<520x128xf32, #tpu.memory_space<hbm>>) dst(%dma_wait3A_474 : memref<520x128xf32, #tpu.memory_space<vmem_shared>>)
        tpu.yield
      }) : () -> ()
    } else {
    }
    "tpu.region"() ({
      %run_scoped3A = tpu.sem_alloc : memref<!tpu.dma_semaphore, #tpu.memory_space<semaphore_mem>>
      tpu.enqueue_dma source(%arg6 : memref<632xf32, #tpu.memory_space<hbm>>) target(%arg34 : memref<632xf32, #tpu.memory_space<vmem>>) target_semaphore(%run_scoped3A : memref<!tpu.dma_semaphore, #tpu.memory_space<semaphore_mem>>)
      tpu.wait_dma2 semaphore(%run_scoped3A : memref<!tpu.dma_semaphore, #tpu.memory_space<semaphore_mem>>) src(%arg6 : memref<632xf32, #tpu.memory_space<hbm>>) dst(%arg34 : memref<632xf32, #tpu.memory_space<vmem>>)
      tpu.yield
    }) : () -> ()
    %lt3A_108 = arith.constant 15 : i32
    %lt3A_109 = arith.cmpi slt, %arg1, %lt3A_108 : i32
    %convert_element_type3A_110 = arith.extui %lt3A_109 : i1 to i32
    %cond3A_111 = arith.constant 0 : i32
    %cond3A_112 = arith.cmpi ne, %convert_element_type3A_110, %cond3A_111 : i32
    scf.if %cond3A_112 {
      %mul3A_466 = arith.constant 632 : i32
      %mul3A_467 = arith.muli %arg1, %mul3A_466 : i32
      "tpu.region"() ({
        %run_scoped3A = tpu.sem_alloc : memref<!tpu.dma_semaphore, #tpu.memory_space<semaphore_mem>>
        %dma_start3A_468 = tpu.memref_slice %arg33[%mul3A_467] : memref<10000xf32, #tpu.memory_space<vmem_shared>> -> memref<632xf32, #tpu.memory_space<vmem_shared>>
        %dma_start3A_469 = tpu.memref_slice %arg33[%mul3A_467] : memref<10000xf32, #tpu.memory_space<vmem_shared>> -> memref<632xf32, #tpu.memory_space<vmem_shared>>
        tpu.enqueue_dma source(%arg34 : memref<632xf32, #tpu.memory_space<vmem>>) target(%dma_start3A_469 : memref<632xf32, #tpu.memory_space<vmem_shared>>) target_semaphore(%run_scoped3A : memref<!tpu.dma_semaphore, #tpu.memory_space<semaphore_mem>>)
        %dma_wait3A_470 = tpu.memref_slice %arg33[%mul3A_467] : memref<10000xf32, #tpu.memory_space<vmem_shared>> -> memref<632xf32, #tpu.memory_space<vmem_shared>>
        %dma_wait3A_471 = tpu.memref_slice %arg33[%mul3A_467] : memref<10000xf32, #tpu.memory_space<vmem_shared>> -> memref<632xf32, #tpu.memory_space<vmem_shared>>
        tpu.wait_dma2 semaphore(%run_scoped3A : memref<!tpu.dma_semaphore, #tpu.memory_space<semaphore_mem>>) src(%arg34 : memref<632xf32, #tpu.memory_space<vmem>>) dst(%dma_wait3A_471 : memref<632xf32, #tpu.memory_space<vmem_shared>>)
        tpu.yield
      }) : () -> ()
    } else {
    }
    %eq3A_113 = arith.constant 15 : i32
    %eq3A_114 = arith.cmpi eq, %arg1, %eq3A_113 : i32
    %convert_element_type3A_115 = arith.extui %eq3A_114 : i1 to i32
    %cond3A_116 = arith.constant 0 : i32
    %cond3A_117 = arith.cmpi ne, %convert_element_type3A_115, %cond3A_116 : i32
    scf.if %cond3A_117 {
      "tpu.region"() ({
        %run_scoped3A = tpu.sem_alloc : memref<!tpu.dma_semaphore, #tpu.memory_space<semaphore_mem>>
        %dma_start3A_466 = arith.constant 0 : i32
        %dma_start3A_467 = tpu.memref_slice %arg34[%dma_start3A_466] : memref<632xf32, #tpu.memory_space<vmem>> -> memref<520xf32, #tpu.memory_space<vmem>>
        %dma_start3A_468 = arith.constant 9480 : i32
        %dma_start3A_469 = tpu.memref_slice %arg33[%dma_start3A_468] : memref<10000xf32, #tpu.memory_space<vmem_shared>> -> memref<520xf32, #tpu.memory_space<vmem_shared>>
        %dma_start3A_470 = arith.constant 9480 : i32
        %dma_start3A_471 = tpu.memref_slice %arg33[%dma_start3A_470] : memref<10000xf32, #tpu.memory_space<vmem_shared>> -> memref<520xf32, #tpu.memory_space<vmem_shared>>
        %dma_start3A_472 = arith.constant 0 : i32
        %dma_start3A_473 = tpu.memref_slice %arg34[%dma_start3A_472] : memref<632xf32, #tpu.memory_space<vmem>> -> memref<520xf32, #tpu.memory_space<vmem>>
        tpu.enqueue_dma source(%dma_start3A_473 : memref<520xf32, #tpu.memory_space<vmem>>) target(%dma_start3A_471 : memref<520xf32, #tpu.memory_space<vmem_shared>>) target_semaphore(%run_scoped3A : memref<!tpu.dma_semaphore, #tpu.memory_space<semaphore_mem>>)
        %dma_wait3A_474 = arith.constant 0 : i32
        %dma_wait3A_475 = tpu.memref_slice %arg34[%dma_wait3A_474] : memref<632xf32, #tpu.memory_space<vmem>> -> memref<520xf32, #tpu.memory_space<vmem>>
        %dma_wait3A_476 = arith.constant 9480 : i32
        %dma_wait3A_477 = tpu.memref_slice %arg33[%dma_wait3A_476] : memref<10000xf32, #tpu.memory_space<vmem_shared>> -> memref<520xf32, #tpu.memory_space<vmem_shared>>
        %dma_wait3A_478 = arith.constant 9480 : i32
        %dma_wait3A_479 = tpu.memref_slice %arg33[%dma_wait3A_478] : memref<10000xf32, #tpu.memory_space<vmem_shared>> -> memref<520xf32, #tpu.memory_space<vmem_shared>>
        %dma_wait3A_480 = arith.constant 0 : i32
        %dma_wait3A_481 = tpu.memref_slice %arg34[%dma_wait3A_480] : memref<632xf32, #tpu.memory_space<vmem>> -> memref<520xf32, #tpu.memory_space<vmem>>
        tpu.wait_dma2 semaphore(%run_scoped3A : memref<!tpu.dma_semaphore, #tpu.memory_space<semaphore_mem>>) src(%dma_wait3A_481 : memref<520xf32, #tpu.memory_space<vmem>>) dst(%dma_wait3A_479 : memref<520xf32, #tpu.memory_space<vmem_shared>>)
        tpu.yield
      }) : () -> ()
    } else {
    }
    "tpu.region"() ({
      %run_scoped3A = tpu.sem_alloc : memref<!tpu.dma_semaphore, #tpu.memory_space<semaphore_mem>>
      tpu.enqueue_dma source(%arg7 : memref<80xf32, #tpu.memory_space<hbm>>) target(%arg32 : memref<80xf32, #tpu.memory_space<vmem>>) target_semaphore(%run_scoped3A : memref<!tpu.dma_semaphore, #tpu.memory_space<semaphore_mem>>)
      tpu.wait_dma2 semaphore(%run_scoped3A : memref<!tpu.dma_semaphore, #tpu.memory_space<semaphore_mem>>) src(%arg7 : memref<80xf32, #tpu.memory_space<hbm>>) dst(%arg32 : memref<80xf32, #tpu.memory_space<vmem>>)
      tpu.yield
    }) : () -> ()
    %barrier3A = arith.constant 0 : index
    tpu.barrier barrier_id(%barrier3A)
    %dma_wait3A = arith.constant 0 : i32
    %dma_wait3A_118 = arith.constant 0 : i32
    %dma_wait3A_119 = tpu.memref_slice %arg10[%dma_wait3A, %dma_wait3A_118] : memref<2x80xi32, #tpu.memory_space<vmem>> -> memref<1x80xi32, #tpu.memory_space<vmem>>
    %dma_wait3A_120 = tpu.memref_squeeze %dma_wait3A_119 : memref<1x80xi32, #tpu.memory_space<vmem>> -> memref<80xi32, #tpu.memory_space<vmem>>
    %dma_wait3A_121 = arith.constant 0 : i32
    %dma_wait3A_122 = tpu.memref_slice %arg3[%dma_wait3A_121] : memref<320000xi32, #tpu.memory_space<hbm>> -> memref<80xi32, #tpu.memory_space<hbm>>
    %dma_wait3A_123 = arith.constant 0 : i32
    %dma_wait3A_124 = tpu.memref_slice %arg10[%dma_wait3A, %dma_wait3A_123] : memref<2x80xi32, #tpu.memory_space<vmem>> -> memref<1x80xi32, #tpu.memory_space<vmem>>
    %dma_wait3A_125 = tpu.memref_squeeze %dma_wait3A_124 : memref<1x80xi32, #tpu.memory_space<vmem>> -> memref<80xi32, #tpu.memory_space<vmem>>
    %dma_wait3A_126 = arith.constant 0 : i32
    %dma_wait3A_127 = tpu.memref_slice %arg3[%dma_wait3A_126] : memref<320000xi32, #tpu.memory_space<hbm>> -> memref<80xi32, #tpu.memory_space<hbm>>
    tpu.wait_dma2 semaphore(%arg25 : memref<!tpu.dma_semaphore, #tpu.memory_space<semaphore_mem>>) src(%dma_wait3A_127 : memref<80xi32, #tpu.memory_space<hbm>>) dst(%dma_wait3A_125 : memref<80xi32, #tpu.memory_space<vmem>>)
    %dma_wait3A_128 = arith.constant 1 : i32
    %dma_wait3A_129 = arith.constant 0 : i32
    %dma_wait3A_130 = tpu.memref_slice %arg10[%dma_wait3A_128, %dma_wait3A_129] : memref<2x80xi32, #tpu.memory_space<vmem>> -> memref<1x80xi32, #tpu.memory_space<vmem>>
    %dma_wait3A_131 = tpu.memref_squeeze %dma_wait3A_130 : memref<1x80xi32, #tpu.memory_space<vmem>> -> memref<80xi32, #tpu.memory_space<vmem>>
    %dma_wait3A_132 = arith.constant 0 : i32
    %dma_wait3A_133 = tpu.memref_slice %arg4[%dma_wait3A_132] : memref<320000xi32, #tpu.memory_space<hbm>> -> memref<80xi32, #tpu.memory_space<hbm>>
    %dma_wait3A_134 = arith.constant 0 : i32
    %dma_wait3A_135 = tpu.memref_slice %arg10[%dma_wait3A_128, %dma_wait3A_134] : memref<2x80xi32, #tpu.memory_space<vmem>> -> memref<1x80xi32, #tpu.memory_space<vmem>>
    %dma_wait3A_136 = tpu.memref_squeeze %dma_wait3A_135 : memref<1x80xi32, #tpu.memory_space<vmem>> -> memref<80xi32, #tpu.memory_space<vmem>>
    %dma_wait3A_137 = arith.constant 0 : i32
    %dma_wait3A_138 = tpu.memref_slice %arg4[%dma_wait3A_137] : memref<320000xi32, #tpu.memory_space<hbm>> -> memref<80xi32, #tpu.memory_space<hbm>>
    tpu.wait_dma2 semaphore(%arg25 : memref<!tpu.dma_semaphore, #tpu.memory_space<semaphore_mem>>) src(%dma_wait3A_138 : memref<80xi32, #tpu.memory_space<hbm>>) dst(%dma_wait3A_136 : memref<80xi32, #tpu.memory_space<vmem>>)
    %dma_start3A_139 = arith.constant 0 : i32
    %dma_start3A_140 = arith.constant 0 : i32
    %dma_start3A_141 = tpu.memref_slice %arg10[%dma_start3A_139, %dma_start3A_140] : memref<2x80xi32, #tpu.memory_space<vmem>> -> memref<1x80xi32, #tpu.memory_space<vmem>>
    %dma_start3A_142 = tpu.memref_squeeze %dma_start3A_141 : memref<1x80xi32, #tpu.memory_space<vmem>> -> memref<80xi32, #tpu.memory_space<vmem>>
    %dma_start3A_143 = arith.constant 0 : i32
    %dma_start3A_144 = arith.constant 0 : i32
    %dma_start3A_145 = tpu.memref_slice %arg2[%dma_start3A_143, %dma_start3A_144] : memref<10000x128xf32, #tpu.memory_space<hbm>> -> memref<10000x128xf32, #tpu.memory_space<hbm>>
    tpu.enqueue_indirect_dma source(%dma_start3A_145 : memref<10000x128xf32, #tpu.memory_space<hbm>>) target(%arg16 : memref<80x128xf32, #tpu.memory_space<vmem>>) offsets(%dma_start3A_142 : memref<80xi32, #tpu.memory_space<vmem>>) semaphore(%arg19 : memref<!tpu.dma_semaphore, #tpu.memory_space<semaphore_mem>>)
    %dma_wait3A_146 = arith.constant 0 : i32
    %dma_wait3A_147 = arith.constant 0 : i32
    %dma_wait3A_148 = tpu.memref_slice %arg11[%dma_wait3A_146, %dma_wait3A_147] : memref<2x80xi32, #tpu.memory_space<vmem>> -> memref<1x80xi32, #tpu.memory_space<vmem>>
    %dma_wait3A_149 = tpu.memref_squeeze %dma_wait3A_148 : memref<1x80xi32, #tpu.memory_space<vmem>> -> memref<80xi32, #tpu.memory_space<vmem>>
    %dma_wait3A_150 = arith.constant 0 : i32
    %dma_wait3A_151 = tpu.memref_slice %arg3[%dma_wait3A_150] : memref<320000xi32, #tpu.memory_space<hbm>> -> memref<80xi32, #tpu.memory_space<hbm>>
    %dma_wait3A_152 = arith.constant 0 : i32
    %dma_wait3A_153 = tpu.memref_slice %arg11[%dma_wait3A_146, %dma_wait3A_152] : memref<2x80xi32, #tpu.memory_space<vmem>> -> memref<1x80xi32, #tpu.memory_space<vmem>>
    %dma_wait3A_154 = tpu.memref_squeeze %dma_wait3A_153 : memref<1x80xi32, #tpu.memory_space<vmem>> -> memref<80xi32, #tpu.memory_space<vmem>>
    %dma_wait3A_155 = arith.constant 0 : i32
    %dma_wait3A_156 = tpu.memref_slice %arg3[%dma_wait3A_155] : memref<320000xi32, #tpu.memory_space<hbm>> -> memref<80xi32, #tpu.memory_space<hbm>>
    tpu.wait_dma2 semaphore(%arg26 : memref<!tpu.dma_semaphore, #tpu.memory_space<semaphore_mem>>) src(%dma_wait3A_156 : memref<80xi32, #tpu.memory_space<hbm>>) dst(%dma_wait3A_154 : memref<80xi32, #tpu.memory_space<vmem>>)
    %dma_wait3A_157 = arith.constant 1 : i32
    %dma_wait3A_158 = arith.constant 0 : i32
    %dma_wait3A_159 = tpu.memref_slice %arg11[%dma_wait3A_157, %dma_wait3A_158] : memref<2x80xi32, #tpu.memory_space<vmem>> -> memref<1x80xi32, #tpu.memory_space<vmem>>
    %dma_wait3A_160 = tpu.memref_squeeze %dma_wait3A_159 : memref<1x80xi32, #tpu.memory_space<vmem>> -> memref<80xi32, #tpu.memory_space<vmem>>
    %dma_wait3A_161 = arith.constant 0 : i32
    %dma_wait3A_162 = tpu.memref_slice %arg4[%dma_wait3A_161] : memref<320000xi32, #tpu.memory_space<hbm>> -> memref<80xi32, #tpu.memory_space<hbm>>
    %dma_wait3A_163 = arith.constant 0 : i32
    %dma_wait3A_164 = tpu.memref_slice %arg11[%dma_wait3A_157, %dma_wait3A_163] : memref<2x80xi32, #tpu.memory_space<vmem>> -> memref<1x80xi32, #tpu.memory_space<vmem>>
    %dma_wait3A_165 = tpu.memref_squeeze %dma_wait3A_164 : memref<1x80xi32, #tpu.memory_space<vmem>> -> memref<80xi32, #tpu.memory_space<vmem>>
    %dma_wait3A_166 = arith.constant 0 : i32
    %dma_wait3A_167 = tpu.memref_slice %arg4[%dma_wait3A_166] : memref<320000xi32, #tpu.memory_space<hbm>> -> memref<80xi32, #tpu.memory_space<hbm>>
    tpu.wait_dma2 semaphore(%arg26 : memref<!tpu.dma_semaphore, #tpu.memory_space<semaphore_mem>>) src(%dma_wait3A_167 : memref<80xi32, #tpu.memory_space<hbm>>) dst(%dma_wait3A_165 : memref<80xi32, #tpu.memory_space<vmem>>)
    %dma_start3A_168 = arith.constant 0 : i32
    %dma_start3A_169 = arith.constant 0 : i32
    %dma_start3A_170 = tpu.memref_slice %arg11[%dma_start3A_168, %dma_start3A_169] : memref<2x80xi32, #tpu.memory_space<vmem>> -> memref<1x80xi32, #tpu.memory_space<vmem>>
    %dma_start3A_171 = tpu.memref_squeeze %dma_start3A_170 : memref<1x80xi32, #tpu.memory_space<vmem>> -> memref<80xi32, #tpu.memory_space<vmem>>
    %dma_start3A_172 = arith.constant 0 : i32
    %dma_start3A_173 = arith.constant 0 : i32
    %dma_start3A_174 = tpu.memref_slice %arg2[%dma_start3A_172, %dma_start3A_173] : memref<10000x128xf32, #tpu.memory_space<hbm>> -> memref<10000x128xf32, #tpu.memory_space<hbm>>
    tpu.enqueue_indirect_dma source(%dma_start3A_174 : memref<10000x128xf32, #tpu.memory_space<hbm>>) target(%arg17 : memref<80x128xf32, #tpu.memory_space<vmem>>) offsets(%dma_start3A_171 : memref<80xi32, #tpu.memory_space<vmem>>) semaphore(%arg20 : memref<!tpu.dma_semaphore, #tpu.memory_space<semaphore_mem>>)
    %scan3A = arith.constant 0 : i32
    %scan3A_175 = arith.constant 0 : i32
    %scan3A_176 = arith.constant 20 : i32
    %scan3A_177 = arith.addi %scan3A_175, %scan3A_176 : i32
    %scan3A_178 = arith.constant 1 : i32
    scf.for %scan3A_466 = %scan3A_175 to %scan3A_177 step %scan3A_178  : i32 {
      %mul3A_467 = arith.constant 6 : i32
      %mul3A_468 = arith.muli %mul3A_467, %scan3A_466 : i32
      %add3A_469 = arith.constant 0 : i32
      %add3A_470 = arith.addi %mul3A_468, %add3A_469 : i32
      %gt3A = arith.constant 0 : i32
      %gt3A_471 = arith.cmpi sgt, %add3A_470, %gt3A : i32
      %convert_element_type3A_472 = arith.extui %gt3A_471 : i1 to i32
      %cond3A_473 = arith.constant 0 : i32
      %cond3A_474 = arith.cmpi ne, %convert_element_type3A_472, %cond3A_473 : i32
      scf.if %cond3A_474 {
        %dma_wait3A_982 = arith.constant 1 : i32
        %dma_wait3A_983 = arith.constant 0 : i32
        %dma_wait3A_984 = tpu.memref_slice %arg15[%dma_wait3A_982, %dma_wait3A_983] : memref<2x80xi32, #tpu.memory_space<vmem>> -> memref<1x80xi32, #tpu.memory_space<vmem>>
        %dma_wait3A_985 = tpu.memref_squeeze %dma_wait3A_984 : memref<1x80xi32, #tpu.memory_space<vmem>> -> memref<80xi32, #tpu.memory_space<vmem>>
        %dma_wait3A_986 = arith.constant 0 : i32
        %dma_wait3A_987 = arith.constant 0 : i32
        %dma_wait3A_988 = tpu.memref_slice %arg31[%dma_wait3A_986, %dma_wait3A_987] : memref<10000x128xf32, #tpu.memory_space<vmem_shared>> -> memref<10000x128xf32, #tpu.memory_space<vmem_shared>>
        tpu.wait_indirect_dma semaphore(%arg24 : memref<!tpu.dma_semaphore, #tpu.memory_space<semaphore_mem>>) src(%arg18 : memref<80x128xf32, #tpu.memory_space<vmem>>) dst(%dma_wait3A_988 : memref<10000x128xf32, #tpu.memory_space<vmem_shared>>)
        %dma_wait3A_989 = arith.constant 1 : i32
        %dma_wait3A_990 = arith.constant 0 : i32
        %dma_wait3A_991 = tpu.memref_slice %arg15[%dma_wait3A_989, %dma_wait3A_990] : memref<2x80xi32, #tpu.memory_space<vmem>> -> memref<1x80xi32, #tpu.memory_space<vmem>>
        %dma_wait3A_992 = tpu.memref_squeeze %dma_wait3A_991 : memref<1x80xi32, #tpu.memory_space<vmem>> -> memref<80xi32, #tpu.memory_space<vmem>>
        %dma_wait3A_993 = arith.constant 0 : i32
        %dma_wait3A_994 = tpu.memref_slice %arg33[%dma_wait3A_993] : memref<10000xf32, #tpu.memory_space<vmem_shared>> -> memref<10000xf32, #tpu.memory_space<vmem_shared>>
        tpu.wait_indirect_dma semaphore(%arg24 : memref<!tpu.dma_semaphore, #tpu.memory_space<semaphore_mem>>) src(%arg32 : memref<80xf32, #tpu.memory_space<vmem>>) dst(%dma_wait3A_994 : memref<10000xf32, #tpu.memory_space<vmem_shared>>)
      } else {
      }
      %add3A_475 = arith.constant 5 : i32
      %add3A_476 = arith.addi %add3A_470, %add3A_475 : i32
      %mul3A_477 = arith.constant 80 : i32
      %mul3A_478 = arith.muli %add3A_476, %mul3A_477 : i32
      %add3A_479 = arith.addi %mul3A_2, %mul3A_478 : i32
      %dma_start3A_480 = arith.constant 0 : i32
      %dma_start3A_481 = arith.constant 0 : i32
      %dma_start3A_482 = tpu.memref_slice %arg15[%dma_start3A_480, %dma_start3A_481] : memref<2x80xi32, #tpu.memory_space<vmem>> -> memref<1x80xi32, #tpu.memory_space<vmem>>
      %dma_start3A_483 = tpu.memref_squeeze %dma_start3A_482 : memref<1x80xi32, #tpu.memory_space<vmem>> -> memref<80xi32, #tpu.memory_space<vmem>>
      %dma_start3A_484 = tpu.memref_slice %arg3[%add3A_479] : memref<320000xi32, #tpu.memory_space<hbm>> -> memref<80xi32, #tpu.memory_space<hbm>>
      %dma_start3A_485 = arith.constant 0 : i32
      %dma_start3A_486 = tpu.memref_slice %arg15[%dma_start3A_480, %dma_start3A_485] : memref<2x80xi32, #tpu.memory_space<vmem>> -> memref<1x80xi32, #tpu.memory_space<vmem>>
      %dma_start3A_487 = tpu.memref_squeeze %dma_start3A_486 : memref<1x80xi32, #tpu.memory_space<vmem>> -> memref<80xi32, #tpu.memory_space<vmem>>
      %dma_start3A_488 = tpu.memref_slice %arg3[%add3A_479] : memref<320000xi32, #tpu.memory_space<hbm>> -> memref<80xi32, #tpu.memory_space<hbm>>
      tpu.enqueue_dma source(%dma_start3A_488 : memref<80xi32, #tpu.memory_space<hbm>>) target(%dma_start3A_487 : memref<80xi32, #tpu.memory_space<vmem>>) target_semaphore(%arg30 : memref<!tpu.dma_semaphore, #tpu.memory_space<semaphore_mem>>)
      %dma_start3A_489 = arith.constant 1 : i32
      %dma_start3A_490 = arith.constant 0 : i32
      %dma_start3A_491 = tpu.memref_slice %arg15[%dma_start3A_489, %dma_start3A_490] : memref<2x80xi32, #tpu.memory_space<vmem>> -> memref<1x80xi32, #tpu.memory_space<vmem>>
      %dma_start3A_492 = tpu.memref_squeeze %dma_start3A_491 : memref<1x80xi32, #tpu.memory_space<vmem>> -> memref<80xi32, #tpu.memory_space<vmem>>
      %dma_start3A_493 = tpu.memref_slice %arg4[%add3A_479] : memref<320000xi32, #tpu.memory_space<hbm>> -> memref<80xi32, #tpu.memory_space<hbm>>
      %dma_start3A_494 = arith.constant 0 : i32
      %dma_start3A_495 = tpu.memref_slice %arg15[%dma_start3A_489, %dma_start3A_494] : memref<2x80xi32, #tpu.memory_space<vmem>> -> memref<1x80xi32, #tpu.memory_space<vmem>>
      %dma_start3A_496 = tpu.memref_squeeze %dma_start3A_495 : memref<1x80xi32, #tpu.memory_space<vmem>> -> memref<80xi32, #tpu.memory_space<vmem>>
      %dma_start3A_497 = tpu.memref_slice %arg4[%add3A_479] : memref<320000xi32, #tpu.memory_space<hbm>> -> memref<80xi32, #tpu.memory_space<hbm>>
      tpu.enqueue_dma source(%dma_start3A_497 : memref<80xi32, #tpu.memory_space<hbm>>) target(%dma_start3A_496 : memref<80xi32, #tpu.memory_space<vmem>>) target_semaphore(%arg30 : memref<!tpu.dma_semaphore, #tpu.memory_space<semaphore_mem>>)
      %dma_wait3A_498 = arith.constant 0 : i32
      %dma_wait3A_499 = arith.constant 0 : i32
      %dma_wait3A_500 = tpu.memref_slice %arg12[%dma_wait3A_498, %dma_wait3A_499] : memref<2x80xi32, #tpu.memory_space<vmem>> -> memref<1x80xi32, #tpu.memory_space<vmem>>
      %dma_wait3A_501 = tpu.memref_squeeze %dma_wait3A_500 : memref<1x80xi32, #tpu.memory_space<vmem>> -> memref<80xi32, #tpu.memory_space<vmem>>
      %dma_wait3A_502 = arith.constant 0 : i32
      %dma_wait3A_503 = tpu.memref_slice %arg3[%dma_wait3A_502] : memref<320000xi32, #tpu.memory_space<hbm>> -> memref<80xi32, #tpu.memory_space<hbm>>
      %dma_wait3A_504 = arith.constant 0 : i32
      %dma_wait3A_505 = tpu.memref_slice %arg12[%dma_wait3A_498, %dma_wait3A_504] : memref<2x80xi32, #tpu.memory_space<vmem>> -> memref<1x80xi32, #tpu.memory_space<vmem>>
      %dma_wait3A_506 = tpu.memref_squeeze %dma_wait3A_505 : memref<1x80xi32, #tpu.memory_space<vmem>> -> memref<80xi32, #tpu.memory_space<vmem>>
      %dma_wait3A_507 = arith.constant 0 : i32
      %dma_wait3A_508 = tpu.memref_slice %arg3[%dma_wait3A_507] : memref<320000xi32, #tpu.memory_space<hbm>> -> memref<80xi32, #tpu.memory_space<hbm>>
      tpu.wait_dma2 semaphore(%arg27 : memref<!tpu.dma_semaphore, #tpu.memory_space<semaphore_mem>>) src(%dma_wait3A_508 : memref<80xi32, #tpu.memory_space<hbm>>) dst(%dma_wait3A_506 : memref<80xi32, #tpu.memory_space<vmem>>)
      %dma_wait3A_509 = arith.constant 1 : i32
      %dma_wait3A_510 = arith.constant 0 : i32
      %dma_wait3A_511 = tpu.memref_slice %arg12[%dma_wait3A_509, %dma_wait3A_510] : memref<2x80xi32, #tpu.memory_space<vmem>> -> memref<1x80xi32, #tpu.memory_space<vmem>>
      %dma_wait3A_512 = tpu.memref_squeeze %dma_wait3A_511 : memref<1x80xi32, #tpu.memory_space<vmem>> -> memref<80xi32, #tpu.memory_space<vmem>>
      %dma_wait3A_513 = arith.constant 0 : i32
      %dma_wait3A_514 = tpu.memref_slice %arg4[%dma_wait3A_513] : memref<320000xi32, #tpu.memory_space<hbm>> -> memref<80xi32, #tpu.memory_space<hbm>>
      %dma_wait3A_515 = arith.constant 0 : i32
      %dma_wait3A_516 = tpu.memref_slice %arg12[%dma_wait3A_509, %dma_wait3A_515] : memref<2x80xi32, #tpu.memory_space<vmem>> -> memref<1x80xi32, #tpu.memory_space<vmem>>
      %dma_wait3A_517 = tpu.memref_squeeze %dma_wait3A_516 : memref<1x80xi32, #tpu.memory_space<vmem>> -> memref<80xi32, #tpu.memory_space<vmem>>
      %dma_wait3A_518 = arith.constant 0 : i32
      %dma_wait3A_519 = tpu.memref_slice %arg4[%dma_wait3A_518] : memref<320000xi32, #tpu.memory_space<hbm>> -> memref<80xi32, #tpu.memory_space<hbm>>
      tpu.wait_dma2 semaphore(%arg27 : memref<!tpu.dma_semaphore, #tpu.memory_space<semaphore_mem>>) src(%dma_wait3A_519 : memref<80xi32, #tpu.memory_space<hbm>>) dst(%dma_wait3A_517 : memref<80xi32, #tpu.memory_space<vmem>>)
      %dma_start3A_520 = arith.constant 0 : i32
      %dma_start3A_521 = arith.constant 0 : i32
      %dma_start3A_522 = tpu.memref_slice %arg12[%dma_start3A_520, %dma_start3A_521] : memref<2x80xi32, #tpu.memory_space<vmem>> -> memref<1x80xi32, #tpu.memory_space<vmem>>
      %dma_start3A_523 = tpu.memref_squeeze %dma_start3A_522 : memref<1x80xi32, #tpu.memory_space<vmem>> -> memref<80xi32, #tpu.memory_space<vmem>>
      %dma_start3A_524 = arith.constant 0 : i32
      %dma_start3A_525 = arith.constant 0 : i32
      %dma_start3A_526 = tpu.memref_slice %arg2[%dma_start3A_524, %dma_start3A_525] : memref<10000x128xf32, #tpu.memory_space<hbm>> -> memref<10000x128xf32, #tpu.memory_space<hbm>>
      tpu.enqueue_indirect_dma source(%dma_start3A_526 : memref<10000x128xf32, #tpu.memory_space<hbm>>) target(%arg18 : memref<80x128xf32, #tpu.memory_space<vmem>>) offsets(%dma_start3A_523 : memref<80xi32, #tpu.memory_space<vmem>>) semaphore(%arg21 : memref<!tpu.dma_semaphore, #tpu.memory_space<semaphore_mem>>)
      %dma_wait3A_527 = arith.constant 0 : i32
      %dma_wait3A_528 = arith.constant 0 : i32
      %dma_wait3A_529 = tpu.memref_slice %arg10[%dma_wait3A_527, %dma_wait3A_528] : memref<2x80xi32, #tpu.memory_space<vmem>> -> memref<1x80xi32, #tpu.memory_space<vmem>>
      %dma_wait3A_530 = tpu.memref_squeeze %dma_wait3A_529 : memref<1x80xi32, #tpu.memory_space<vmem>> -> memref<80xi32, #tpu.memory_space<vmem>>
      %dma_wait3A_531 = arith.constant 0 : i32
      %dma_wait3A_532 = arith.constant 0 : i32
      %dma_wait3A_533 = tpu.memref_slice %arg2[%dma_wait3A_531, %dma_wait3A_532] : memref<10000x128xf32, #tpu.memory_space<hbm>> -> memref<10000x128xf32, #tpu.memory_space<hbm>>
      tpu.wait_indirect_dma semaphore(%arg19 : memref<!tpu.dma_semaphore, #tpu.memory_space<semaphore_mem>>) src(%dma_wait3A_533 : memref<10000x128xf32, #tpu.memory_space<hbm>>) dst(%arg16 : memref<80x128xf32, #tpu.memory_space<vmem>>)
      %dma_start3A_534 = arith.constant 1 : i32
      %dma_start3A_535 = arith.constant 0 : i32
      %dma_start3A_536 = tpu.memref_slice %arg10[%dma_start3A_534, %dma_start3A_535] : memref<2x80xi32, #tpu.memory_space<vmem>> -> memref<1x80xi32, #tpu.memory_space<vmem>>
      %dma_start3A_537 = tpu.memref_squeeze %dma_start3A_536 : memref<1x80xi32, #tpu.memory_space<vmem>> -> memref<80xi32, #tpu.memory_space<vmem>>
      %dma_start3A_538 = arith.constant 0 : i32
      %dma_start3A_539 = arith.constant 0 : i32
      %dma_start3A_540 = tpu.memref_slice %arg31[%dma_start3A_538, %dma_start3A_539] : memref<10000x128xf32, #tpu.memory_space<vmem_shared>> -> memref<10000x128xf32, #tpu.memory_space<vmem_shared>>
      tpu.enqueue_indirect_dma source(%arg16 : memref<80x128xf32, #tpu.memory_space<vmem>>) target(%dma_start3A_540 : memref<10000x128xf32, #tpu.memory_space<vmem_shared>>) offsets(%dma_start3A_537 : memref<80xi32, #tpu.memory_space<vmem>>) semaphore(%arg22 : memref<!tpu.dma_semaphore, #tpu.memory_space<semaphore_mem>>) {add = true}
      %dma_start3A_541 = arith.constant 1 : i32
      %dma_start3A_542 = arith.constant 0 : i32
      %dma_start3A_543 = tpu.memref_slice %arg10[%dma_start3A_541, %dma_start3A_542] : memref<2x80xi32, #tpu.memory_space<vmem>> -> memref<1x80xi32, #tpu.memory_space<vmem>>
      %dma_start3A_544 = tpu.memref_squeeze %dma_start3A_543 : memref<1x80xi32, #tpu.memory_space<vmem>> -> memref<80xi32, #tpu.memory_space<vmem>>
      %dma_start3A_545 = arith.constant 0 : i32
      %dma_start3A_546 = tpu.memref_slice %arg33[%dma_start3A_545] : memref<10000xf32, #tpu.memory_space<vmem_shared>> -> memref<10000xf32, #tpu.memory_space<vmem_shared>>
      tpu.enqueue_indirect_dma source(%arg32 : memref<80xf32, #tpu.memory_space<vmem>>) target(%dma_start3A_546 : memref<10000xf32, #tpu.memory_space<vmem_shared>>) offsets(%dma_start3A_544 : memref<80xi32, #tpu.memory_space<vmem>>) semaphore(%arg22 : memref<!tpu.dma_semaphore, #tpu.memory_space<semaphore_mem>>) {add = true}
      %add3A_547 = arith.constant 1 : i32
      %add3A_548 = arith.addi %mul3A_468, %add3A_547 : i32
      %dma_wait3A_549 = arith.constant 1 : i32
      %dma_wait3A_550 = arith.constant 0 : i32
      %dma_wait3A_551 = tpu.memref_slice %arg10[%dma_wait3A_549, %dma_wait3A_550] : memref<2x80xi32, #tpu.memory_space<vmem>> -> memref<1x80xi32, #tpu.memory_space<vmem>>
      %dma_wait3A_552 = tpu.memref_squeeze %dma_wait3A_551 : memref<1x80xi32, #tpu.memory_space<vmem>> -> memref<80xi32, #tpu.memory_space<vmem>>
      %dma_wait3A_553 = arith.constant 0 : i32
      %dma_wait3A_554 = arith.constant 0 : i32
      %dma_wait3A_555 = tpu.memref_slice %arg31[%dma_wait3A_553, %dma_wait3A_554] : memref<10000x128xf32, #tpu.memory_space<vmem_shared>> -> memref<10000x128xf32, #tpu.memory_space<vmem_shared>>
      tpu.wait_indirect_dma semaphore(%arg22 : memref<!tpu.dma_semaphore, #tpu.memory_space<semaphore_mem>>) src(%arg16 : memref<80x128xf32, #tpu.memory_space<vmem>>) dst(%dma_wait3A_555 : memref<10000x128xf32, #tpu.memory_space<vmem_shared>>)
      %dma_wait3A_556 = arith.constant 1 : i32
      %dma_wait3A_557 = arith.constant 0 : i32
      %dma_wait3A_558 = tpu.memref_slice %arg10[%dma_wait3A_556, %dma_wait3A_557] : memref<2x80xi32, #tpu.memory_space<vmem>> -> memref<1x80xi32, #tpu.memory_space<vmem>>
      %dma_wait3A_559 = tpu.memref_squeeze %dma_wait3A_558 : memref<1x80xi32, #tpu.memory_space<vmem>> -> memref<80xi32, #tpu.memory_space<vmem>>
      %dma_wait3A_560 = arith.constant 0 : i32
      %dma_wait3A_561 = tpu.memref_slice %arg33[%dma_wait3A_560] : memref<10000xf32, #tpu.memory_space<vmem_shared>> -> memref<10000xf32, #tpu.memory_space<vmem_shared>>
      tpu.wait_indirect_dma semaphore(%arg22 : memref<!tpu.dma_semaphore, #tpu.memory_space<semaphore_mem>>) src(%arg32 : memref<80xf32, #tpu.memory_space<vmem>>) dst(%dma_wait3A_561 : memref<10000xf32, #tpu.memory_space<vmem_shared>>)
      %add3A_562 = arith.constant 5 : i32
      %add3A_563 = arith.addi %add3A_548, %add3A_562 : i32
      %mul3A_564 = arith.constant 80 : i32
      %mul3A_565 = arith.muli %add3A_563, %mul3A_564 : i32
      %add3A_566 = arith.addi %mul3A_2, %mul3A_565 : i32
      %dma_start3A_567 = arith.constant 0 : i32
      %dma_start3A_568 = arith.constant 0 : i32
      %dma_start3A_569 = tpu.memref_slice %arg10[%dma_start3A_567, %dma_start3A_568] : memref<2x80xi32, #tpu.memory_space<vmem>> -> memref<1x80xi32, #tpu.memory_space<vmem>>
      %dma_start3A_570 = tpu.memref_squeeze %dma_start3A_569 : memref<1x80xi32, #tpu.memory_space<vmem>> -> memref<80xi32, #tpu.memory_space<vmem>>
      %dma_start3A_571 = tpu.memref_slice %arg3[%add3A_566] : memref<320000xi32, #tpu.memory_space<hbm>> -> memref<80xi32, #tpu.memory_space<hbm>>
      %dma_start3A_572 = arith.constant 0 : i32
      %dma_start3A_573 = tpu.memref_slice %arg10[%dma_start3A_567, %dma_start3A_572] : memref<2x80xi32, #tpu.memory_space<vmem>> -> memref<1x80xi32, #tpu.memory_space<vmem>>
      %dma_start3A_574 = tpu.memref_squeeze %dma_start3A_573 : memref<1x80xi32, #tpu.memory_space<vmem>> -> memref<80xi32, #tpu.memory_space<vmem>>
      %dma_start3A_575 = tpu.memref_slice %arg3[%add3A_566] : memref<320000xi32, #tpu.memory_space<hbm>> -> memref<80xi32, #tpu.memory_space<hbm>>
      tpu.enqueue_dma source(%dma_start3A_575 : memref<80xi32, #tpu.memory_space<hbm>>) target(%dma_start3A_574 : memref<80xi32, #tpu.memory_space<vmem>>) target_semaphore(%arg25 : memref<!tpu.dma_semaphore, #tpu.memory_space<semaphore_mem>>)
      %dma_start3A_576 = arith.constant 1 : i32
      %dma_start3A_577 = arith.constant 0 : i32
      %dma_start3A_578 = tpu.memref_slice %arg10[%dma_start3A_576, %dma_start3A_577] : memref<2x80xi32, #tpu.memory_space<vmem>> -> memref<1x80xi32, #tpu.memory_space<vmem>>
      %dma_start3A_579 = tpu.memref_squeeze %dma_start3A_578 : memref<1x80xi32, #tpu.memory_space<vmem>> -> memref<80xi32, #tpu.memory_space<vmem>>
      %dma_start3A_580 = tpu.memref_slice %arg4[%add3A_566] : memref<320000xi32, #tpu.memory_space<hbm>> -> memref<80xi32, #tpu.memory_space<hbm>>
      %dma_start3A_581 = arith.constant 0 : i32
      %dma_start3A_582 = tpu.memref_slice %arg10[%dma_start3A_576, %dma_start3A_581] : memref<2x80xi32, #tpu.memory_space<vmem>> -> memref<1x80xi32, #tpu.memory_space<vmem>>
      %dma_start3A_583 = tpu.memref_squeeze %dma_start3A_582 : memref<1x80xi32, #tpu.memory_space<vmem>> -> memref<80xi32, #tpu.memory_space<vmem>>
      %dma_start3A_584 = tpu.memref_slice %arg4[%add3A_566] : memref<320000xi32, #tpu.memory_space<hbm>> -> memref<80xi32, #tpu.memory_space<hbm>>
      tpu.enqueue_dma source(%dma_start3A_584 : memref<80xi32, #tpu.memory_space<hbm>>) target(%dma_start3A_583 : memref<80xi32, #tpu.memory_space<vmem>>) target_semaphore(%arg25 : memref<!tpu.dma_semaphore, #tpu.memory_space<semaphore_mem>>)
      %dma_wait3A_585 = arith.constant 0 : i32
      %dma_wait3A_586 = arith.constant 0 : i32
      %dma_wait3A_587 = tpu.memref_slice %arg13[%dma_wait3A_585, %dma_wait3A_586] : memref<2x80xi32, #tpu.memory_space<vmem>> -> memref<1x80xi32, #tpu.memory_space<vmem>>
      %dma_wait3A_588 = tpu.memref_squeeze %dma_wait3A_587 : memref<1x80xi32, #tpu.memory_space<vmem>> -> memref<80xi32, #tpu.memory_space<vmem>>
      %dma_wait3A_589 = arith.constant 0 : i32
      %dma_wait3A_590 = tpu.memref_slice %arg3[%dma_wait3A_589] : memref<320000xi32, #tpu.memory_space<hbm>> -> memref<80xi32, #tpu.memory_space<hbm>>
      %dma_wait3A_591 = arith.constant 0 : i32
      %dma_wait3A_592 = tpu.memref_slice %arg13[%dma_wait3A_585, %dma_wait3A_591] : memref<2x80xi32, #tpu.memory_space<vmem>> -> memref<1x80xi32, #tpu.memory_space<vmem>>
      %dma_wait3A_593 = tpu.memref_squeeze %dma_wait3A_592 : memref<1x80xi32, #tpu.memory_space<vmem>> -> memref<80xi32, #tpu.memory_space<vmem>>
      %dma_wait3A_594 = arith.constant 0 : i32
      %dma_wait3A_595 = tpu.memref_slice %arg3[%dma_wait3A_594] : memref<320000xi32, #tpu.memory_space<hbm>> -> memref<80xi32, #tpu.memory_space<hbm>>
      tpu.wait_dma2 semaphore(%arg28 : memref<!tpu.dma_semaphore, #tpu.memory_space<semaphore_mem>>) src(%dma_wait3A_595 : memref<80xi32, #tpu.memory_space<hbm>>) dst(%dma_wait3A_593 : memref<80xi32, #tpu.memory_space<vmem>>)
      %dma_wait3A_596 = arith.constant 1 : i32
      %dma_wait3A_597 = arith.constant 0 : i32
      %dma_wait3A_598 = tpu.memref_slice %arg13[%dma_wait3A_596, %dma_wait3A_597] : memref<2x80xi32, #tpu.memory_space<vmem>> -> memref<1x80xi32, #tpu.memory_space<vmem>>
      %dma_wait3A_599 = tpu.memref_squeeze %dma_wait3A_598 : memref<1x80xi32, #tpu.memory_space<vmem>> -> memref<80xi32, #tpu.memory_space<vmem>>
      %dma_wait3A_600 = arith.constant 0 : i32
      %dma_wait3A_601 = tpu.memref_slice %arg4[%dma_wait3A_600] : memref<320000xi32, #tpu.memory_space<hbm>> -> memref<80xi32, #tpu.memory_space<hbm>>
      %dma_wait3A_602 = arith.constant 0 : i32
      %dma_wait3A_603 = tpu.memref_slice %arg13[%dma_wait3A_596, %dma_wait3A_602] : memref<2x80xi32, #tpu.memory_space<vmem>> -> memref<1x80xi32, #tpu.memory_space<vmem>>
      %dma_wait3A_604 = tpu.memref_squeeze %dma_wait3A_603 : memref<1x80xi32, #tpu.memory_space<vmem>> -> memref<80xi32, #tpu.memory_space<vmem>>
      %dma_wait3A_605 = arith.constant 0 : i32
      %dma_wait3A_606 = tpu.memref_slice %arg4[%dma_wait3A_605] : memref<320000xi32, #tpu.memory_space<hbm>> -> memref<80xi32, #tpu.memory_space<hbm>>
      tpu.wait_dma2 semaphore(%arg28 : memref<!tpu.dma_semaphore, #tpu.memory_space<semaphore_mem>>) src(%dma_wait3A_606 : memref<80xi32, #tpu.memory_space<hbm>>) dst(%dma_wait3A_604 : memref<80xi32, #tpu.memory_space<vmem>>)
      %dma_start3A_607 = arith.constant 0 : i32
      %dma_start3A_608 = arith.constant 0 : i32
      %dma_start3A_609 = tpu.memref_slice %arg13[%dma_start3A_607, %dma_start3A_608] : memref<2x80xi32, #tpu.memory_space<vmem>> -> memref<1x80xi32, #tpu.memory_space<vmem>>
      %dma_start3A_610 = tpu.memref_squeeze %dma_start3A_609 : memref<1x80xi32, #tpu.memory_space<vmem>> -> memref<80xi32, #tpu.memory_space<vmem>>
      %dma_start3A_611 = arith.constant 0 : i32
      %dma_start3A_612 = arith.constant 0 : i32
      %dma_start3A_613 = tpu.memref_slice %arg2[%dma_start3A_611, %dma_start3A_612] : memref<10000x128xf32, #tpu.memory_space<hbm>> -> memref<10000x128xf32, #tpu.memory_space<hbm>>
      tpu.enqueue_indirect_dma source(%dma_start3A_613 : memref<10000x128xf32, #tpu.memory_space<hbm>>) target(%arg16 : memref<80x128xf32, #tpu.memory_space<vmem>>) offsets(%dma_start3A_610 : memref<80xi32, #tpu.memory_space<vmem>>) semaphore(%arg19 : memref<!tpu.dma_semaphore, #tpu.memory_space<semaphore_mem>>)
      %dma_wait3A_614 = arith.constant 0 : i32
      %dma_wait3A_615 = arith.constant 0 : i32
      %dma_wait3A_616 = tpu.memref_slice %arg11[%dma_wait3A_614, %dma_wait3A_615] : memref<2x80xi32, #tpu.memory_space<vmem>> -> memref<1x80xi32, #tpu.memory_space<vmem>>
      %dma_wait3A_617 = tpu.memref_squeeze %dma_wait3A_616 : memref<1x80xi32, #tpu.memory_space<vmem>> -> memref<80xi32, #tpu.memory_space<vmem>>
      %dma_wait3A_618 = arith.constant 0 : i32
      %dma_wait3A_619 = arith.constant 0 : i32
      %dma_wait3A_620 = tpu.memref_slice %arg2[%dma_wait3A_618, %dma_wait3A_619] : memref<10000x128xf32, #tpu.memory_space<hbm>> -> memref<10000x128xf32, #tpu.memory_space<hbm>>
      tpu.wait_indirect_dma semaphore(%arg20 : memref<!tpu.dma_semaphore, #tpu.memory_space<semaphore_mem>>) src(%dma_wait3A_620 : memref<10000x128xf32, #tpu.memory_space<hbm>>) dst(%arg17 : memref<80x128xf32, #tpu.memory_space<vmem>>)
      %dma_start3A_621 = arith.constant 1 : i32
      %dma_start3A_622 = arith.constant 0 : i32
      %dma_start3A_623 = tpu.memref_slice %arg11[%dma_start3A_621, %dma_start3A_622] : memref<2x80xi32, #tpu.memory_space<vmem>> -> memref<1x80xi32, #tpu.memory_space<vmem>>
      %dma_start3A_624 = tpu.memref_squeeze %dma_start3A_623 : memref<1x80xi32, #tpu.memory_space<vmem>> -> memref<80xi32, #tpu.memory_space<vmem>>
      %dma_start3A_625 = arith.constant 0 : i32
      %dma_start3A_626 = arith.constant 0 : i32
      %dma_start3A_627 = tpu.memref_slice %arg31[%dma_start3A_625, %dma_start3A_626] : memref<10000x128xf32, #tpu.memory_space<vmem_shared>> -> memref<10000x128xf32, #tpu.memory_space<vmem_shared>>
      tpu.enqueue_indirect_dma source(%arg17 : memref<80x128xf32, #tpu.memory_space<vmem>>) target(%dma_start3A_627 : memref<10000x128xf32, #tpu.memory_space<vmem_shared>>) offsets(%dma_start3A_624 : memref<80xi32, #tpu.memory_space<vmem>>) semaphore(%arg23 : memref<!tpu.dma_semaphore, #tpu.memory_space<semaphore_mem>>) {add = true}
      %dma_start3A_628 = arith.constant 1 : i32
      %dma_start3A_629 = arith.constant 0 : i32
      %dma_start3A_630 = tpu.memref_slice %arg11[%dma_start3A_628, %dma_start3A_629] : memref<2x80xi32, #tpu.memory_space<vmem>> -> memref<1x80xi32, #tpu.memory_space<vmem>>
      %dma_start3A_631 = tpu.memref_squeeze %dma_start3A_630 : memref<1x80xi32, #tpu.memory_space<vmem>> -> memref<80xi32, #tpu.memory_space<vmem>>
      %dma_start3A_632 = arith.constant 0 : i32
      %dma_start3A_633 = tpu.memref_slice %arg33[%dma_start3A_632] : memref<10000xf32, #tpu.memory_space<vmem_shared>> -> memref<10000xf32, #tpu.memory_space<vmem_shared>>
      tpu.enqueue_indirect_dma source(%arg32 : memref<80xf32, #tpu.memory_space<vmem>>) target(%dma_start3A_633 : memref<10000xf32, #tpu.memory_space<vmem_shared>>) offsets(%dma_start3A_631 : memref<80xi32, #tpu.memory_space<vmem>>) semaphore(%arg23 : memref<!tpu.dma_semaphore, #tpu.memory_space<semaphore_mem>>) {add = true}
      %add3A_634 = arith.constant 2 : i32
      %add3A_635 = arith.addi %mul3A_468, %add3A_634 : i32
      %dma_wait3A_636 = arith.constant 1 : i32
      %dma_wait3A_637 = arith.constant 0 : i32
      %dma_wait3A_638 = tpu.memref_slice %arg11[%dma_wait3A_636, %dma_wait3A_637] : memref<2x80xi32, #tpu.memory_space<vmem>> -> memref<1x80xi32, #tpu.memory_space<vmem>>
      %dma_wait3A_639 = tpu.memref_squeeze %dma_wait3A_638 : memref<1x80xi32, #tpu.memory_space<vmem>> -> memref<80xi32, #tpu.memory_space<vmem>>
      %dma_wait3A_640 = arith.constant 0 : i32
      %dma_wait3A_641 = arith.constant 0 : i32
      %dma_wait3A_642 = tpu.memref_slice %arg31[%dma_wait3A_640, %dma_wait3A_641] : memref<10000x128xf32, #tpu.memory_space<vmem_shared>> -> memref<10000x128xf32, #tpu.memory_space<vmem_shared>>
      tpu.wait_indirect_dma semaphore(%arg23 : memref<!tpu.dma_semaphore, #tpu.memory_space<semaphore_mem>>) src(%arg17 : memref<80x128xf32, #tpu.memory_space<vmem>>) dst(%dma_wait3A_642 : memref<10000x128xf32, #tpu.memory_space<vmem_shared>>)
      %dma_wait3A_643 = arith.constant 1 : i32
      %dma_wait3A_644 = arith.constant 0 : i32
      %dma_wait3A_645 = tpu.memref_slice %arg11[%dma_wait3A_643, %dma_wait3A_644] : memref<2x80xi32, #tpu.memory_space<vmem>> -> memref<1x80xi32, #tpu.memory_space<vmem>>
      %dma_wait3A_646 = tpu.memref_squeeze %dma_wait3A_645 : memref<1x80xi32, #tpu.memory_space<vmem>> -> memref<80xi32, #tpu.memory_space<vmem>>
      %dma_wait3A_647 = arith.constant 0 : i32
      %dma_wait3A_648 = tpu.memref_slice %arg33[%dma_wait3A_647] : memref<10000xf32, #tpu.memory_space<vmem_shared>> -> memref<10000xf32, #tpu.memory_space<vmem_shared>>
      tpu.wait_indirect_dma semaphore(%arg23 : memref<!tpu.dma_semaphore, #tpu.memory_space<semaphore_mem>>) src(%arg32 : memref<80xf32, #tpu.memory_space<vmem>>) dst(%dma_wait3A_648 : memref<10000xf32, #tpu.memory_space<vmem_shared>>)
      %add3A_649 = arith.constant 5 : i32
      %add3A_650 = arith.addi %add3A_635, %add3A_649 : i32
      %mul3A_651 = arith.constant 80 : i32
      %mul3A_652 = arith.muli %add3A_650, %mul3A_651 : i32
      %add3A_653 = arith.addi %mul3A_2, %mul3A_652 : i32
      %dma_start3A_654 = arith.constant 0 : i32
      %dma_start3A_655 = arith.constant 0 : i32
      %dma_start3A_656 = tpu.memref_slice %arg11[%dma_start3A_654, %dma_start3A_655] : memref<2x80xi32, #tpu.memory_space<vmem>> -> memref<1x80xi32, #tpu.memory_space<vmem>>
      %dma_start3A_657 = tpu.memref_squeeze %dma_start3A_656 : memref<1x80xi32, #tpu.memory_space<vmem>> -> memref<80xi32, #tpu.memory_space<vmem>>
      %dma_start3A_658 = tpu.memref_slice %arg3[%add3A_653] : memref<320000xi32, #tpu.memory_space<hbm>> -> memref<80xi32, #tpu.memory_space<hbm>>
      %dma_start3A_659 = arith.constant 0 : i32
      %dma_start3A_660 = tpu.memref_slice %arg11[%dma_start3A_654, %dma_start3A_659] : memref<2x80xi32, #tpu.memory_space<vmem>> -> memref<1x80xi32, #tpu.memory_space<vmem>>
      %dma_start3A_661 = tpu.memref_squeeze %dma_start3A_660 : memref<1x80xi32, #tpu.memory_space<vmem>> -> memref<80xi32, #tpu.memory_space<vmem>>
      %dma_start3A_662 = tpu.memref_slice %arg3[%add3A_653] : memref<320000xi32, #tpu.memory_space<hbm>> -> memref<80xi32, #tpu.memory_space<hbm>>
      tpu.enqueue_dma source(%dma_start3A_662 : memref<80xi32, #tpu.memory_space<hbm>>) target(%dma_start3A_661 : memref<80xi32, #tpu.memory_space<vmem>>) target_semaphore(%arg26 : memref<!tpu.dma_semaphore, #tpu.memory_space<semaphore_mem>>)
      %dma_start3A_663 = arith.constant 1 : i32
      %dma_start3A_664 = arith.constant 0 : i32
      %dma_start3A_665 = tpu.memref_slice %arg11[%dma_start3A_663, %dma_start3A_664] : memref<2x80xi32, #tpu.memory_space<vmem>> -> memref<1x80xi32, #tpu.memory_space<vmem>>
      %dma_start3A_666 = tpu.memref_squeeze %dma_start3A_665 : memref<1x80xi32, #tpu.memory_space<vmem>> -> memref<80xi32, #tpu.memory_space<vmem>>
      %dma_start3A_667 = tpu.memref_slice %arg4[%add3A_653] : memref<320000xi32, #tpu.memory_space<hbm>> -> memref<80xi32, #tpu.memory_space<hbm>>
      %dma_start3A_668 = arith.constant 0 : i32
      %dma_start3A_669 = tpu.memref_slice %arg11[%dma_start3A_663, %dma_start3A_668] : memref<2x80xi32, #tpu.memory_space<vmem>> -> memref<1x80xi32, #tpu.memory_space<vmem>>
      %dma_start3A_670 = tpu.memref_squeeze %dma_start3A_669 : memref<1x80xi32, #tpu.memory_space<vmem>> -> memref<80xi32, #tpu.memory_space<vmem>>
      %dma_start3A_671 = tpu.memref_slice %arg4[%add3A_653] : memref<320000xi32, #tpu.memory_space<hbm>> -> memref<80xi32, #tpu.memory_space<hbm>>
      tpu.enqueue_dma source(%dma_start3A_671 : memref<80xi32, #tpu.memory_space<hbm>>) target(%dma_start3A_670 : memref<80xi32, #tpu.memory_space<vmem>>) target_semaphore(%arg26 : memref<!tpu.dma_semaphore, #tpu.memory_space<semaphore_mem>>)
      %dma_wait3A_672 = arith.constant 0 : i32
      %dma_wait3A_673 = arith.constant 0 : i32
      %dma_wait3A_674 = tpu.memref_slice %arg14[%dma_wait3A_672, %dma_wait3A_673] : memref<2x80xi32, #tpu.memory_space<vmem>> -> memref<1x80xi32, #tpu.memory_space<vmem>>
      %dma_wait3A_675 = tpu.memref_squeeze %dma_wait3A_674 : memref<1x80xi32, #tpu.memory_space<vmem>> -> memref<80xi32, #tpu.memory_space<vmem>>
      %dma_wait3A_676 = arith.constant 0 : i32
      %dma_wait3A_677 = tpu.memref_slice %arg3[%dma_wait3A_676] : memref<320000xi32, #tpu.memory_space<hbm>> -> memref<80xi32, #tpu.memory_space<hbm>>
      %dma_wait3A_678 = arith.constant 0 : i32
      %dma_wait3A_679 = tpu.memref_slice %arg14[%dma_wait3A_672, %dma_wait3A_678] : memref<2x80xi32, #tpu.memory_space<vmem>> -> memref<1x80xi32, #tpu.memory_space<vmem>>
      %dma_wait3A_680 = tpu.memref_squeeze %dma_wait3A_679 : memref<1x80xi32, #tpu.memory_space<vmem>> -> memref<80xi32, #tpu.memory_space<vmem>>
      %dma_wait3A_681 = arith.constant 0 : i32
      %dma_wait3A_682 = tpu.memref_slice %arg3[%dma_wait3A_681] : memref<320000xi32, #tpu.memory_space<hbm>> -> memref<80xi32, #tpu.memory_space<hbm>>
      tpu.wait_dma2 semaphore(%arg29 : memref<!tpu.dma_semaphore, #tpu.memory_space<semaphore_mem>>) src(%dma_wait3A_682 : memref<80xi32, #tpu.memory_space<hbm>>) dst(%dma_wait3A_680 : memref<80xi32, #tpu.memory_space<vmem>>)
      %dma_wait3A_683 = arith.constant 1 : i32
      %dma_wait3A_684 = arith.constant 0 : i32
      %dma_wait3A_685 = tpu.memref_slice %arg14[%dma_wait3A_683, %dma_wait3A_684] : memref<2x80xi32, #tpu.memory_space<vmem>> -> memref<1x80xi32, #tpu.memory_space<vmem>>
      %dma_wait3A_686 = tpu.memref_squeeze %dma_wait3A_685 : memref<1x80xi32, #tpu.memory_space<vmem>> -> memref<80xi32, #tpu.memory_space<vmem>>
      %dma_wait3A_687 = arith.constant 0 : i32
      %dma_wait3A_688 = tpu.memref_slice %arg4[%dma_wait3A_687] : memref<320000xi32, #tpu.memory_space<hbm>> -> memref<80xi32, #tpu.memory_space<hbm>>
      %dma_wait3A_689 = arith.constant 0 : i32
      %dma_wait3A_690 = tpu.memref_slice %arg14[%dma_wait3A_683, %dma_wait3A_689] : memref<2x80xi32, #tpu.memory_space<vmem>> -> memref<1x80xi32, #tpu.memory_space<vmem>>
      %dma_wait3A_691 = tpu.memref_squeeze %dma_wait3A_690 : memref<1x80xi32, #tpu.memory_space<vmem>> -> memref<80xi32, #tpu.memory_space<vmem>>
      %dma_wait3A_692 = arith.constant 0 : i32
      %dma_wait3A_693 = tpu.memref_slice %arg4[%dma_wait3A_692] : memref<320000xi32, #tpu.memory_space<hbm>> -> memref<80xi32, #tpu.memory_space<hbm>>
      tpu.wait_dma2 semaphore(%arg29 : memref<!tpu.dma_semaphore, #tpu.memory_space<semaphore_mem>>) src(%dma_wait3A_693 : memref<80xi32, #tpu.memory_space<hbm>>) dst(%dma_wait3A_691 : memref<80xi32, #tpu.memory_space<vmem>>)
      %dma_start3A_694 = arith.constant 0 : i32
      %dma_start3A_695 = arith.constant 0 : i32
      %dma_start3A_696 = tpu.memref_slice %arg14[%dma_start3A_694, %dma_start3A_695] : memref<2x80xi32, #tpu.memory_space<vmem>> -> memref<1x80xi32, #tpu.memory_space<vmem>>
      %dma_start3A_697 = tpu.memref_squeeze %dma_start3A_696 : memref<1x80xi32, #tpu.memory_space<vmem>> -> memref<80xi32, #tpu.memory_space<vmem>>
      %dma_start3A_698 = arith.constant 0 : i32
      %dma_start3A_699 = arith.constant 0 : i32
      %dma_start3A_700 = tpu.memref_slice %arg2[%dma_start3A_698, %dma_start3A_699] : memref<10000x128xf32, #tpu.memory_space<hbm>> -> memref<10000x128xf32, #tpu.memory_space<hbm>>
      tpu.enqueue_indirect_dma source(%dma_start3A_700 : memref<10000x128xf32, #tpu.memory_space<hbm>>) target(%arg17 : memref<80x128xf32, #tpu.memory_space<vmem>>) offsets(%dma_start3A_697 : memref<80xi32, #tpu.memory_space<vmem>>) semaphore(%arg20 : memref<!tpu.dma_semaphore, #tpu.memory_space<semaphore_mem>>)
      %dma_wait3A_701 = arith.constant 0 : i32
      %dma_wait3A_702 = arith.constant 0 : i32
      %dma_wait3A_703 = tpu.memref_slice %arg12[%dma_wait3A_701, %dma_wait3A_702] : memref<2x80xi32, #tpu.memory_space<vmem>> -> memref<1x80xi32, #tpu.memory_space<vmem>>
      %dma_wait3A_704 = tpu.memref_squeeze %dma_wait3A_703 : memref<1x80xi32, #tpu.memory_space<vmem>> -> memref<80xi32, #tpu.memory_space<vmem>>
      %dma_wait3A_705 = arith.constant 0 : i32
      %dma_wait3A_706 = arith.constant 0 : i32
      %dma_wait3A_707 = tpu.memref_slice %arg2[%dma_wait3A_705, %dma_wait3A_706] : memref<10000x128xf32, #tpu.memory_space<hbm>> -> memref<10000x128xf32, #tpu.memory_space<hbm>>
      tpu.wait_indirect_dma semaphore(%arg21 : memref<!tpu.dma_semaphore, #tpu.memory_space<semaphore_mem>>) src(%dma_wait3A_707 : memref<10000x128xf32, #tpu.memory_space<hbm>>) dst(%arg18 : memref<80x128xf32, #tpu.memory_space<vmem>>)
      %dma_start3A_708 = arith.constant 1 : i32
      %dma_start3A_709 = arith.constant 0 : i32
      %dma_start3A_710 = tpu.memref_slice %arg12[%dma_start3A_708, %dma_start3A_709] : memref<2x80xi32, #tpu.memory_space<vmem>> -> memref<1x80xi32, #tpu.memory_space<vmem>>
      %dma_start3A_711 = tpu.memref_squeeze %dma_start3A_710 : memref<1x80xi32, #tpu.memory_space<vmem>> -> memref<80xi32, #tpu.memory_space<vmem>>
      %dma_start3A_712 = arith.constant 0 : i32
      %dma_start3A_713 = arith.constant 0 : i32
      %dma_start3A_714 = tpu.memref_slice %arg31[%dma_start3A_712, %dma_start3A_713] : memref<10000x128xf32, #tpu.memory_space<vmem_shared>> -> memref<10000x128xf32, #tpu.memory_space<vmem_shared>>
      tpu.enqueue_indirect_dma source(%arg18 : memref<80x128xf32, #tpu.memory_space<vmem>>) target(%dma_start3A_714 : memref<10000x128xf32, #tpu.memory_space<vmem_shared>>) offsets(%dma_start3A_711 : memref<80xi32, #tpu.memory_space<vmem>>) semaphore(%arg24 : memref<!tpu.dma_semaphore, #tpu.memory_space<semaphore_mem>>) {add = true}
      %dma_start3A_715 = arith.constant 1 : i32
      %dma_start3A_716 = arith.constant 0 : i32
      %dma_start3A_717 = tpu.memref_slice %arg12[%dma_start3A_715, %dma_start3A_716] : memref<2x80xi32, #tpu.memory_space<vmem>> -> memref<1x80xi32, #tpu.memory_space<vmem>>
      %dma_start3A_718 = tpu.memref_squeeze %dma_start3A_717 : memref<1x80xi32, #tpu.memory_space<vmem>> -> memref<80xi32, #tpu.memory_space<vmem>>
      %dma_start3A_719 = arith.constant 0 : i32
      %dma_start3A_720 = tpu.memref_slice %arg33[%dma_start3A_719] : memref<10000xf32, #tpu.memory_space<vmem_shared>> -> memref<10000xf32, #tpu.memory_space<vmem_shared>>
      tpu.enqueue_indirect_dma source(%arg32 : memref<80xf32, #tpu.memory_space<vmem>>) target(%dma_start3A_720 : memref<10000xf32, #tpu.memory_space<vmem_shared>>) offsets(%dma_start3A_718 : memref<80xi32, #tpu.memory_space<vmem>>) semaphore(%arg24 : memref<!tpu.dma_semaphore, #tpu.memory_space<semaphore_mem>>) {add = true}
      %add3A_721 = arith.constant 3 : i32
      %add3A_722 = arith.addi %mul3A_468, %add3A_721 : i32
      %dma_wait3A_723 = arith.constant 1 : i32
      %dma_wait3A_724 = arith.constant 0 : i32
      %dma_wait3A_725 = tpu.memref_slice %arg12[%dma_wait3A_723, %dma_wait3A_724] : memref<2x80xi32, #tpu.memory_space<vmem>> -> memref<1x80xi32, #tpu.memory_space<vmem>>
      %dma_wait3A_726 = tpu.memref_squeeze %dma_wait3A_725 : memref<1x80xi32, #tpu.memory_space<vmem>> -> memref<80xi32, #tpu.memory_space<vmem>>
      %dma_wait3A_727 = arith.constant 0 : i32
      %dma_wait3A_728 = arith.constant 0 : i32
      %dma_wait3A_729 = tpu.memref_slice %arg31[%dma_wait3A_727, %dma_wait3A_728] : memref<10000x128xf32, #tpu.memory_space<vmem_shared>> -> memref<10000x128xf32, #tpu.memory_space<vmem_shared>>
      tpu.wait_indirect_dma semaphore(%arg24 : memref<!tpu.dma_semaphore, #tpu.memory_space<semaphore_mem>>) src(%arg18 : memref<80x128xf32, #tpu.memory_space<vmem>>) dst(%dma_wait3A_729 : memref<10000x128xf32, #tpu.memory_space<vmem_shared>>)
      %dma_wait3A_730 = arith.constant 1 : i32
      %dma_wait3A_731 = arith.constant 0 : i32
      %dma_wait3A_732 = tpu.memref_slice %arg12[%dma_wait3A_730, %dma_wait3A_731] : memref<2x80xi32, #tpu.memory_space<vmem>> -> memref<1x80xi32, #tpu.memory_space<vmem>>
      %dma_wait3A_733 = tpu.memref_squeeze %dma_wait3A_732 : memref<1x80xi32, #tpu.memory_space<vmem>> -> memref<80xi32, #tpu.memory_space<vmem>>
      %dma_wait3A_734 = arith.constant 0 : i32
      %dma_wait3A_735 = tpu.memref_slice %arg33[%dma_wait3A_734] : memref<10000xf32, #tpu.memory_space<vmem_shared>> -> memref<10000xf32, #tpu.memory_space<vmem_shared>>
      tpu.wait_indirect_dma semaphore(%arg24 : memref<!tpu.dma_semaphore, #tpu.memory_space<semaphore_mem>>) src(%arg32 : memref<80xf32, #tpu.memory_space<vmem>>) dst(%dma_wait3A_735 : memref<10000xf32, #tpu.memory_space<vmem_shared>>)
      %add3A_736 = arith.constant 5 : i32
      %add3A_737 = arith.addi %add3A_722, %add3A_736 : i32
      %mul3A_738 = arith.constant 80 : i32
      %mul3A_739 = arith.muli %add3A_737, %mul3A_738 : i32
      %add3A_740 = arith.addi %mul3A_2, %mul3A_739 : i32
      %dma_start3A_741 = arith.constant 0 : i32
      %dma_start3A_742 = arith.constant 0 : i32
      %dma_start3A_743 = tpu.memref_slice %arg12[%dma_start3A_741, %dma_start3A_742] : memref<2x80xi32, #tpu.memory_space<vmem>> -> memref<1x80xi32, #tpu.memory_space<vmem>>
      %dma_start3A_744 = tpu.memref_squeeze %dma_start3A_743 : memref<1x80xi32, #tpu.memory_space<vmem>> -> memref<80xi32, #tpu.memory_space<vmem>>
      %dma_start3A_745 = tpu.memref_slice %arg3[%add3A_740] : memref<320000xi32, #tpu.memory_space<hbm>> -> memref<80xi32, #tpu.memory_space<hbm>>
      %dma_start3A_746 = arith.constant 0 : i32
      %dma_start3A_747 = tpu.memref_slice %arg12[%dma_start3A_741, %dma_start3A_746] : memref<2x80xi32, #tpu.memory_space<vmem>> -> memref<1x80xi32, #tpu.memory_space<vmem>>
      %dma_start3A_748 = tpu.memref_squeeze %dma_start3A_747 : memref<1x80xi32, #tpu.memory_space<vmem>> -> memref<80xi32, #tpu.memory_space<vmem>>
      %dma_start3A_749 = tpu.memref_slice %arg3[%add3A_740] : memref<320000xi32, #tpu.memory_space<hbm>> -> memref<80xi32, #tpu.memory_space<hbm>>
      tpu.enqueue_dma source(%dma_start3A_749 : memref<80xi32, #tpu.memory_space<hbm>>) target(%dma_start3A_748 : memref<80xi32, #tpu.memory_space<vmem>>) target_semaphore(%arg27 : memref<!tpu.dma_semaphore, #tpu.memory_space<semaphore_mem>>)
      %dma_start3A_750 = arith.constant 1 : i32
      %dma_start3A_751 = arith.constant 0 : i32
      %dma_start3A_752 = tpu.memref_slice %arg12[%dma_start3A_750, %dma_start3A_751] : memref<2x80xi32, #tpu.memory_space<vmem>> -> memref<1x80xi32, #tpu.memory_space<vmem>>
      %dma_start3A_753 = tpu.memref_squeeze %dma_start3A_752 : memref<1x80xi32, #tpu.memory_space<vmem>> -> memref<80xi32, #tpu.memory_space<vmem>>
      %dma_start3A_754 = tpu.memref_slice %arg4[%add3A_740] : memref<320000xi32, #tpu.memory_space<hbm>> -> memref<80xi32, #tpu.memory_space<hbm>>
      %dma_start3A_755 = arith.constant 0 : i32
      %dma_start3A_756 = tpu.memref_slice %arg12[%dma_start3A_750, %dma_start3A_755] : memref<2x80xi32, #tpu.memory_space<vmem>> -> memref<1x80xi32, #tpu.memory_space<vmem>>
      %dma_start3A_757 = tpu.memref_squeeze %dma_start3A_756 : memref<1x80xi32, #tpu.memory_space<vmem>> -> memref<80xi32, #tpu.memory_space<vmem>>
      %dma_start3A_758 = tpu.memref_slice %arg4[%add3A_740] : memref<320000xi32, #tpu.memory_space<hbm>> -> memref<80xi32, #tpu.memory_space<hbm>>
      tpu.enqueue_dma source(%dma_start3A_758 : memref<80xi32, #tpu.memory_space<hbm>>) target(%dma_start3A_757 : memref<80xi32, #tpu.memory_space<vmem>>) target_semaphore(%arg27 : memref<!tpu.dma_semaphore, #tpu.memory_space<semaphore_mem>>)
      %dma_wait3A_759 = arith.constant 0 : i32
      %dma_wait3A_760 = arith.constant 0 : i32
      %dma_wait3A_761 = tpu.memref_slice %arg15[%dma_wait3A_759, %dma_wait3A_760] : memref<2x80xi32, #tpu.memory_space<vmem>> -> memref<1x80xi32, #tpu.memory_space<vmem>>
      %dma_wait3A_762 = tpu.memref_squeeze %dma_wait3A_761 : memref<1x80xi32, #tpu.memory_space<vmem>> -> memref<80xi32, #tpu.memory_space<vmem>>
      %dma_wait3A_763 = arith.constant 0 : i32
      %dma_wait3A_764 = tpu.memref_slice %arg3[%dma_wait3A_763] : memref<320000xi32, #tpu.memory_space<hbm>> -> memref<80xi32, #tpu.memory_space<hbm>>
      %dma_wait3A_765 = arith.constant 0 : i32
      %dma_wait3A_766 = tpu.memref_slice %arg15[%dma_wait3A_759, %dma_wait3A_765] : memref<2x80xi32, #tpu.memory_space<vmem>> -> memref<1x80xi32, #tpu.memory_space<vmem>>
      %dma_wait3A_767 = tpu.memref_squeeze %dma_wait3A_766 : memref<1x80xi32, #tpu.memory_space<vmem>> -> memref<80xi32, #tpu.memory_space<vmem>>
      %dma_wait3A_768 = arith.constant 0 : i32
      %dma_wait3A_769 = tpu.memref_slice %arg3[%dma_wait3A_768] : memref<320000xi32, #tpu.memory_space<hbm>> -> memref<80xi32, #tpu.memory_space<hbm>>
      tpu.wait_dma2 semaphore(%arg30 : memref<!tpu.dma_semaphore, #tpu.memory_space<semaphore_mem>>) src(%dma_wait3A_769 : memref<80xi32, #tpu.memory_space<hbm>>) dst(%dma_wait3A_767 : memref<80xi32, #tpu.memory_space<vmem>>)
      %dma_wait3A_770 = arith.constant 1 : i32
      %dma_wait3A_771 = arith.constant 0 : i32
      %dma_wait3A_772 = tpu.memref_slice %arg15[%dma_wait3A_770, %dma_wait3A_771] : memref<2x80xi32, #tpu.memory_space<vmem>> -> memref<1x80xi32, #tpu.memory_space<vmem>>
      %dma_wait3A_773 = tpu.memref_squeeze %dma_wait3A_772 : memref<1x80xi32, #tpu.memory_space<vmem>> -> memref<80xi32, #tpu.memory_space<vmem>>
      %dma_wait3A_774 = arith.constant 0 : i32
      %dma_wait3A_775 = tpu.memref_slice %arg4[%dma_wait3A_774] : memref<320000xi32, #tpu.memory_space<hbm>> -> memref<80xi32, #tpu.memory_space<hbm>>
      %dma_wait3A_776 = arith.constant 0 : i32
      %dma_wait3A_777 = tpu.memref_slice %arg15[%dma_wait3A_770, %dma_wait3A_776] : memref<2x80xi32, #tpu.memory_space<vmem>> -> memref<1x80xi32, #tpu.memory_space<vmem>>
      %dma_wait3A_778 = tpu.memref_squeeze %dma_wait3A_777 : memref<1x80xi32, #tpu.memory_space<vmem>> -> memref<80xi32, #tpu.memory_space<vmem>>
      %dma_wait3A_779 = arith.constant 0 : i32
      %dma_wait3A_780 = tpu.memref_slice %arg4[%dma_wait3A_779] : memref<320000xi32, #tpu.memory_space<hbm>> -> memref<80xi32, #tpu.memory_space<hbm>>
      tpu.wait_dma2 semaphore(%arg30 : memref<!tpu.dma_semaphore, #tpu.memory_space<semaphore_mem>>) src(%dma_wait3A_780 : memref<80xi32, #tpu.memory_space<hbm>>) dst(%dma_wait3A_778 : memref<80xi32, #tpu.memory_space<vmem>>)
      %dma_start3A_781 = arith.constant 0 : i32
      %dma_start3A_782 = arith.constant 0 : i32
      %dma_start3A_783 = tpu.memref_slice %arg15[%dma_start3A_781, %dma_start3A_782] : memref<2x80xi32, #tpu.memory_space<vmem>> -> memref<1x80xi32, #tpu.memory_space<vmem>>
      %dma_start3A_784 = tpu.memref_squeeze %dma_start3A_783 : memref<1x80xi32, #tpu.memory_space<vmem>> -> memref<80xi32, #tpu.memory_space<vmem>>
      %dma_start3A_785 = arith.constant 0 : i32
      %dma_start3A_786 = arith.constant 0 : i32
      %dma_start3A_787 = tpu.memref_slice %arg2[%dma_start3A_785, %dma_start3A_786] : memref<10000x128xf32, #tpu.memory_space<hbm>> -> memref<10000x128xf32, #tpu.memory_space<hbm>>
      tpu.enqueue_indirect_dma source(%dma_start3A_787 : memref<10000x128xf32, #tpu.memory_space<hbm>>) target(%arg18 : memref<80x128xf32, #tpu.memory_space<vmem>>) offsets(%dma_start3A_784 : memref<80xi32, #tpu.memory_space<vmem>>) semaphore(%arg21 : memref<!tpu.dma_semaphore, #tpu.memory_space<semaphore_mem>>)
      %dma_wait3A_788 = arith.constant 0 : i32
      %dma_wait3A_789 = arith.constant 0 : i32
      %dma_wait3A_790 = tpu.memref_slice %arg13[%dma_wait3A_788, %dma_wait3A_789] : memref<2x80xi32, #tpu.memory_space<vmem>> -> memref<1x80xi32, #tpu.memory_space<vmem>>
      %dma_wait3A_791 = tpu.memref_squeeze %dma_wait3A_790 : memref<1x80xi32, #tpu.memory_space<vmem>> -> memref<80xi32, #tpu.memory_space<vmem>>
      %dma_wait3A_792 = arith.constant 0 : i32
      %dma_wait3A_793 = arith.constant 0 : i32
      %dma_wait3A_794 = tpu.memref_slice %arg2[%dma_wait3A_792, %dma_wait3A_793] : memref<10000x128xf32, #tpu.memory_space<hbm>> -> memref<10000x128xf32, #tpu.memory_space<hbm>>
      tpu.wait_indirect_dma semaphore(%arg19 : memref<!tpu.dma_semaphore, #tpu.memory_space<semaphore_mem>>) src(%dma_wait3A_794 : memref<10000x128xf32, #tpu.memory_space<hbm>>) dst(%arg16 : memref<80x128xf32, #tpu.memory_space<vmem>>)
      %dma_start3A_795 = arith.constant 1 : i32
      %dma_start3A_796 = arith.constant 0 : i32
      %dma_start3A_797 = tpu.memref_slice %arg13[%dma_start3A_795, %dma_start3A_796] : memref<2x80xi32, #tpu.memory_space<vmem>> -> memref<1x80xi32, #tpu.memory_space<vmem>>
      %dma_start3A_798 = tpu.memref_squeeze %dma_start3A_797 : memref<1x80xi32, #tpu.memory_space<vmem>> -> memref<80xi32, #tpu.memory_space<vmem>>
      %dma_start3A_799 = arith.constant 0 : i32
      %dma_start3A_800 = arith.constant 0 : i32
      %dma_start3A_801 = tpu.memref_slice %arg31[%dma_start3A_799, %dma_start3A_800] : memref<10000x128xf32, #tpu.memory_space<vmem_shared>> -> memref<10000x128xf32, #tpu.memory_space<vmem_shared>>
      tpu.enqueue_indirect_dma source(%arg16 : memref<80x128xf32, #tpu.memory_space<vmem>>) target(%dma_start3A_801 : memref<10000x128xf32, #tpu.memory_space<vmem_shared>>) offsets(%dma_start3A_798 : memref<80xi32, #tpu.memory_space<vmem>>) semaphore(%arg22 : memref<!tpu.dma_semaphore, #tpu.memory_space<semaphore_mem>>) {add = true}
      %dma_start3A_802 = arith.constant 1 : i32
      %dma_start3A_803 = arith.constant 0 : i32
      %dma_start3A_804 = tpu.memref_slice %arg13[%dma_start3A_802, %dma_start3A_803] : memref<2x80xi32, #tpu.memory_space<vmem>> -> memref<1x80xi32, #tpu.memory_space<vmem>>
      %dma_start3A_805 = tpu.memref_squeeze %dma_start3A_804 : memref<1x80xi32, #tpu.memory_space<vmem>> -> memref<80xi32, #tpu.memory_space<vmem>>
      %dma_start3A_806 = arith.constant 0 : i32
      %dma_start3A_807 = tpu.memref_slice %arg33[%dma_start3A_806] : memref<10000xf32, #tpu.memory_space<vmem_shared>> -> memref<10000xf32, #tpu.memory_space<vmem_shared>>
      tpu.enqueue_indirect_dma source(%arg32 : memref<80xf32, #tpu.memory_space<vmem>>) target(%dma_start3A_807 : memref<10000xf32, #tpu.memory_space<vmem_shared>>) offsets(%dma_start3A_805 : memref<80xi32, #tpu.memory_space<vmem>>) semaphore(%arg22 : memref<!tpu.dma_semaphore, #tpu.memory_space<semaphore_mem>>) {add = true}
      %add3A_808 = arith.constant 4 : i32
      %add3A_809 = arith.addi %mul3A_468, %add3A_808 : i32
      %dma_wait3A_810 = arith.constant 1 : i32
      %dma_wait3A_811 = arith.constant 0 : i32
      %dma_wait3A_812 = tpu.memref_slice %arg13[%dma_wait3A_810, %dma_wait3A_811] : memref<2x80xi32, #tpu.memory_space<vmem>> -> memref<1x80xi32, #tpu.memory_space<vmem>>
      %dma_wait3A_813 = tpu.memref_squeeze %dma_wait3A_812 : memref<1x80xi32, #tpu.memory_space<vmem>> -> memref<80xi32, #tpu.memory_space<vmem>>
      %dma_wait3A_814 = arith.constant 0 : i32
      %dma_wait3A_815 = arith.constant 0 : i32
      %dma_wait3A_816 = tpu.memref_slice %arg31[%dma_wait3A_814, %dma_wait3A_815] : memref<10000x128xf32, #tpu.memory_space<vmem_shared>> -> memref<10000x128xf32, #tpu.memory_space<vmem_shared>>
      tpu.wait_indirect_dma semaphore(%arg22 : memref<!tpu.dma_semaphore, #tpu.memory_space<semaphore_mem>>) src(%arg16 : memref<80x128xf32, #tpu.memory_space<vmem>>) dst(%dma_wait3A_816 : memref<10000x128xf32, #tpu.memory_space<vmem_shared>>)
      %dma_wait3A_817 = arith.constant 1 : i32
      %dma_wait3A_818 = arith.constant 0 : i32
      %dma_wait3A_819 = tpu.memref_slice %arg13[%dma_wait3A_817, %dma_wait3A_818] : memref<2x80xi32, #tpu.memory_space<vmem>> -> memref<1x80xi32, #tpu.memory_space<vmem>>
      %dma_wait3A_820 = tpu.memref_squeeze %dma_wait3A_819 : memref<1x80xi32, #tpu.memory_space<vmem>> -> memref<80xi32, #tpu.memory_space<vmem>>
      %dma_wait3A_821 = arith.constant 0 : i32
      %dma_wait3A_822 = tpu.memref_slice %arg33[%dma_wait3A_821] : memref<10000xf32, #tpu.memory_space<vmem_shared>> -> memref<10000xf32, #tpu.memory_space<vmem_shared>>
      tpu.wait_indirect_dma semaphore(%arg22 : memref<!tpu.dma_semaphore, #tpu.memory_space<semaphore_mem>>) src(%arg32 : memref<80xf32, #tpu.memory_space<vmem>>) dst(%dma_wait3A_822 : memref<10000xf32, #tpu.memory_space<vmem_shared>>)
      %add3A_823 = arith.constant 5 : i32
      %add3A_824 = arith.addi %add3A_809, %add3A_823 : i32
      %mul3A_825 = arith.constant 80 : i32
      %mul3A_826 = arith.muli %add3A_824, %mul3A_825 : i32
      %add3A_827 = arith.addi %mul3A_2, %mul3A_826 : i32
      %dma_start3A_828 = arith.constant 0 : i32
      %dma_start3A_829 = arith.constant 0 : i32
      %dma_start3A_830 = tpu.memref_slice %arg13[%dma_start3A_828, %dma_start3A_829] : memref<2x80xi32, #tpu.memory_space<vmem>> -> memref<1x80xi32, #tpu.memory_space<vmem>>
      %dma_start3A_831 = tpu.memref_squeeze %dma_start3A_830 : memref<1x80xi32, #tpu.memory_space<vmem>> -> memref<80xi32, #tpu.memory_space<vmem>>
      %dma_start3A_832 = tpu.memref_slice %arg3[%add3A_827] : memref<320000xi32, #tpu.memory_space<hbm>> -> memref<80xi32, #tpu.memory_space<hbm>>
      %dma_start3A_833 = arith.constant 0 : i32
      %dma_start3A_834 = tpu.memref_slice %arg13[%dma_start3A_828, %dma_start3A_833] : memref<2x80xi32, #tpu.memory_space<vmem>> -> memref<1x80xi32, #tpu.memory_space<vmem>>
      %dma_start3A_835 = tpu.memref_squeeze %dma_start3A_834 : memref<1x80xi32, #tpu.memory_space<vmem>> -> memref<80xi32, #tpu.memory_space<vmem>>
      %dma_start3A_836 = tpu.memref_slice %arg3[%add3A_827] : memref<320000xi32, #tpu.memory_space<hbm>> -> memref<80xi32, #tpu.memory_space<hbm>>
      tpu.enqueue_dma source(%dma_start3A_836 : memref<80xi32, #tpu.memory_space<hbm>>) target(%dma_start3A_835 : memref<80xi32, #tpu.memory_space<vmem>>) target_semaphore(%arg28 : memref<!tpu.dma_semaphore, #tpu.memory_space<semaphore_mem>>)
      %dma_start3A_837 = arith.constant 1 : i32
      %dma_start3A_838 = arith.constant 0 : i32
      %dma_start3A_839 = tpu.memref_slice %arg13[%dma_start3A_837, %dma_start3A_838] : memref<2x80xi32, #tpu.memory_space<vmem>> -> memref<1x80xi32, #tpu.memory_space<vmem>>
      %dma_start3A_840 = tpu.memref_squeeze %dma_start3A_839 : memref<1x80xi32, #tpu.memory_space<vmem>> -> memref<80xi32, #tpu.memory_space<vmem>>
      %dma_start3A_841 = tpu.memref_slice %arg4[%add3A_827] : memref<320000xi32, #tpu.memory_space<hbm>> -> memref<80xi32, #tpu.memory_space<hbm>>
      %dma_start3A_842 = arith.constant 0 : i32
      %dma_start3A_843 = tpu.memref_slice %arg13[%dma_start3A_837, %dma_start3A_842] : memref<2x80xi32, #tpu.memory_space<vmem>> -> memref<1x80xi32, #tpu.memory_space<vmem>>
      %dma_start3A_844 = tpu.memref_squeeze %dma_start3A_843 : memref<1x80xi32, #tpu.memory_space<vmem>> -> memref<80xi32, #tpu.memory_space<vmem>>
      %dma_start3A_845 = tpu.memref_slice %arg4[%add3A_827] : memref<320000xi32, #tpu.memory_space<hbm>> -> memref<80xi32, #tpu.memory_space<hbm>>
      tpu.enqueue_dma source(%dma_start3A_845 : memref<80xi32, #tpu.memory_space<hbm>>) target(%dma_start3A_844 : memref<80xi32, #tpu.memory_space<vmem>>) target_semaphore(%arg28 : memref<!tpu.dma_semaphore, #tpu.memory_space<semaphore_mem>>)
      %dma_wait3A_846 = arith.constant 0 : i32
      %dma_wait3A_847 = arith.constant 0 : i32
      %dma_wait3A_848 = tpu.memref_slice %arg10[%dma_wait3A_846, %dma_wait3A_847] : memref<2x80xi32, #tpu.memory_space<vmem>> -> memref<1x80xi32, #tpu.memory_space<vmem>>
      %dma_wait3A_849 = tpu.memref_squeeze %dma_wait3A_848 : memref<1x80xi32, #tpu.memory_space<vmem>> -> memref<80xi32, #tpu.memory_space<vmem>>
      %dma_wait3A_850 = arith.constant 0 : i32
      %dma_wait3A_851 = tpu.memref_slice %arg3[%dma_wait3A_850] : memref<320000xi32, #tpu.memory_space<hbm>> -> memref<80xi32, #tpu.memory_space<hbm>>
      %dma_wait3A_852 = arith.constant 0 : i32
      %dma_wait3A_853 = tpu.memref_slice %arg10[%dma_wait3A_846, %dma_wait3A_852] : memref<2x80xi32, #tpu.memory_space<vmem>> -> memref<1x80xi32, #tpu.memory_space<vmem>>
      %dma_wait3A_854 = tpu.memref_squeeze %dma_wait3A_853 : memref<1x80xi32, #tpu.memory_space<vmem>> -> memref<80xi32, #tpu.memory_space<vmem>>
      %dma_wait3A_855 = arith.constant 0 : i32
      %dma_wait3A_856 = tpu.memref_slice %arg3[%dma_wait3A_855] : memref<320000xi32, #tpu.memory_space<hbm>> -> memref<80xi32, #tpu.memory_space<hbm>>
      tpu.wait_dma2 semaphore(%arg25 : memref<!tpu.dma_semaphore, #tpu.memory_space<semaphore_mem>>) src(%dma_wait3A_856 : memref<80xi32, #tpu.memory_space<hbm>>) dst(%dma_wait3A_854 : memref<80xi32, #tpu.memory_space<vmem>>)
      %dma_wait3A_857 = arith.constant 1 : i32
      %dma_wait3A_858 = arith.constant 0 : i32
      %dma_wait3A_859 = tpu.memref_slice %arg10[%dma_wait3A_857, %dma_wait3A_858] : memref<2x80xi32, #tpu.memory_space<vmem>> -> memref<1x80xi32, #tpu.memory_space<vmem>>
      %dma_wait3A_860 = tpu.memref_squeeze %dma_wait3A_859 : memref<1x80xi32, #tpu.memory_space<vmem>> -> memref<80xi32, #tpu.memory_space<vmem>>
      %dma_wait3A_861 = arith.constant 0 : i32
      %dma_wait3A_862 = tpu.memref_slice %arg4[%dma_wait3A_861] : memref<320000xi32, #tpu.memory_space<hbm>> -> memref<80xi32, #tpu.memory_space<hbm>>
      %dma_wait3A_863 = arith.constant 0 : i32
      %dma_wait3A_864 = tpu.memref_slice %arg10[%dma_wait3A_857, %dma_wait3A_863] : memref<2x80xi32, #tpu.memory_space<vmem>> -> memref<1x80xi32, #tpu.memory_space<vmem>>
      %dma_wait3A_865 = tpu.memref_squeeze %dma_wait3A_864 : memref<1x80xi32, #tpu.memory_space<vmem>> -> memref<80xi32, #tpu.memory_space<vmem>>
      %dma_wait3A_866 = arith.constant 0 : i32
      %dma_wait3A_867 = tpu.memref_slice %arg4[%dma_wait3A_866] : memref<320000xi32, #tpu.memory_space<hbm>> -> memref<80xi32, #tpu.memory_space<hbm>>
      tpu.wait_dma2 semaphore(%arg25 : memref<!tpu.dma_semaphore, #tpu.memory_space<semaphore_mem>>) src(%dma_wait3A_867 : memref<80xi32, #tpu.memory_space<hbm>>) dst(%dma_wait3A_865 : memref<80xi32, #tpu.memory_space<vmem>>)
      %dma_start3A_868 = arith.constant 0 : i32
      %dma_start3A_869 = arith.constant 0 : i32
      %dma_start3A_870 = tpu.memref_slice %arg10[%dma_start3A_868, %dma_start3A_869] : memref<2x80xi32, #tpu.memory_space<vmem>> -> memref<1x80xi32, #tpu.memory_space<vmem>>
      %dma_start3A_871 = tpu.memref_squeeze %dma_start3A_870 : memref<1x80xi32, #tpu.memory_space<vmem>> -> memref<80xi32, #tpu.memory_space<vmem>>
      %dma_start3A_872 = arith.constant 0 : i32
      %dma_start3A_873 = arith.constant 0 : i32
      %dma_start3A_874 = tpu.memref_slice %arg2[%dma_start3A_872, %dma_start3A_873] : memref<10000x128xf32, #tpu.memory_space<hbm>> -> memref<10000x128xf32, #tpu.memory_space<hbm>>
      tpu.enqueue_indirect_dma source(%dma_start3A_874 : memref<10000x128xf32, #tpu.memory_space<hbm>>) target(%arg16 : memref<80x128xf32, #tpu.memory_space<vmem>>) offsets(%dma_start3A_871 : memref<80xi32, #tpu.memory_space<vmem>>) semaphore(%arg19 : memref<!tpu.dma_semaphore, #tpu.memory_space<semaphore_mem>>)
      %dma_wait3A_875 = arith.constant 0 : i32
      %dma_wait3A_876 = arith.constant 0 : i32
      %dma_wait3A_877 = tpu.memref_slice %arg14[%dma_wait3A_875, %dma_wait3A_876] : memref<2x80xi32, #tpu.memory_space<vmem>> -> memref<1x80xi32, #tpu.memory_space<vmem>>
      %dma_wait3A_878 = tpu.memref_squeeze %dma_wait3A_877 : memref<1x80xi32, #tpu.memory_space<vmem>> -> memref<80xi32, #tpu.memory_space<vmem>>
      %dma_wait3A_879 = arith.constant 0 : i32
      %dma_wait3A_880 = arith.constant 0 : i32
      %dma_wait3A_881 = tpu.memref_slice %arg2[%dma_wait3A_879, %dma_wait3A_880] : memref<10000x128xf32, #tpu.memory_space<hbm>> -> memref<10000x128xf32, #tpu.memory_space<hbm>>
      tpu.wait_indirect_dma semaphore(%arg20 : memref<!tpu.dma_semaphore, #tpu.memory_space<semaphore_mem>>) src(%dma_wait3A_881 : memref<10000x128xf32, #tpu.memory_space<hbm>>) dst(%arg17 : memref<80x128xf32, #tpu.memory_space<vmem>>)
      %dma_start3A_882 = arith.constant 1 : i32
      %dma_start3A_883 = arith.constant 0 : i32
      %dma_start3A_884 = tpu.memref_slice %arg14[%dma_start3A_882, %dma_start3A_883] : memref<2x80xi32, #tpu.memory_space<vmem>> -> memref<1x80xi32, #tpu.memory_space<vmem>>
      %dma_start3A_885 = tpu.memref_squeeze %dma_start3A_884 : memref<1x80xi32, #tpu.memory_space<vmem>> -> memref<80xi32, #tpu.memory_space<vmem>>
      %dma_start3A_886 = arith.constant 0 : i32
      %dma_start3A_887 = arith.constant 0 : i32
      %dma_start3A_888 = tpu.memref_slice %arg31[%dma_start3A_886, %dma_start3A_887] : memref<10000x128xf32, #tpu.memory_space<vmem_shared>> -> memref<10000x128xf32, #tpu.memory_space<vmem_shared>>
      tpu.enqueue_indirect_dma source(%arg17 : memref<80x128xf32, #tpu.memory_space<vmem>>) target(%dma_start3A_888 : memref<10000x128xf32, #tpu.memory_space<vmem_shared>>) offsets(%dma_start3A_885 : memref<80xi32, #tpu.memory_space<vmem>>) semaphore(%arg23 : memref<!tpu.dma_semaphore, #tpu.memory_space<semaphore_mem>>) {add = true}
      %dma_start3A_889 = arith.constant 1 : i32
      %dma_start3A_890 = arith.constant 0 : i32
      %dma_start3A_891 = tpu.memref_slice %arg14[%dma_start3A_889, %dma_start3A_890] : memref<2x80xi32, #tpu.memory_space<vmem>> -> memref<1x80xi32, #tpu.memory_space<vmem>>
      %dma_start3A_892 = tpu.memref_squeeze %dma_start3A_891 : memref<1x80xi32, #tpu.memory_space<vmem>> -> memref<80xi32, #tpu.memory_space<vmem>>
      %dma_start3A_893 = arith.constant 0 : i32
      %dma_start3A_894 = tpu.memref_slice %arg33[%dma_start3A_893] : memref<10000xf32, #tpu.memory_space<vmem_shared>> -> memref<10000xf32, #tpu.memory_space<vmem_shared>>
      tpu.enqueue_indirect_dma source(%arg32 : memref<80xf32, #tpu.memory_space<vmem>>) target(%dma_start3A_894 : memref<10000xf32, #tpu.memory_space<vmem_shared>>) offsets(%dma_start3A_892 : memref<80xi32, #tpu.memory_space<vmem>>) semaphore(%arg23 : memref<!tpu.dma_semaphore, #tpu.memory_space<semaphore_mem>>) {add = true}
      %add3A_895 = arith.constant 5 : i32
      %add3A_896 = arith.addi %mul3A_468, %add3A_895 : i32
      %dma_wait3A_897 = arith.constant 1 : i32
      %dma_wait3A_898 = arith.constant 0 : i32
      %dma_wait3A_899 = tpu.memref_slice %arg14[%dma_wait3A_897, %dma_wait3A_898] : memref<2x80xi32, #tpu.memory_space<vmem>> -> memref<1x80xi32, #tpu.memory_space<vmem>>
      %dma_wait3A_900 = tpu.memref_squeeze %dma_wait3A_899 : memref<1x80xi32, #tpu.memory_space<vmem>> -> memref<80xi32, #tpu.memory_space<vmem>>
      %dma_wait3A_901 = arith.constant 0 : i32
      %dma_wait3A_902 = arith.constant 0 : i32
      %dma_wait3A_903 = tpu.memref_slice %arg31[%dma_wait3A_901, %dma_wait3A_902] : memref<10000x128xf32, #tpu.memory_space<vmem_shared>> -> memref<10000x128xf32, #tpu.memory_space<vmem_shared>>
      tpu.wait_indirect_dma semaphore(%arg23 : memref<!tpu.dma_semaphore, #tpu.memory_space<semaphore_mem>>) src(%arg17 : memref<80x128xf32, #tpu.memory_space<vmem>>) dst(%dma_wait3A_903 : memref<10000x128xf32, #tpu.memory_space<vmem_shared>>)
      %dma_wait3A_904 = arith.constant 1 : i32
      %dma_wait3A_905 = arith.constant 0 : i32
      %dma_wait3A_906 = tpu.memref_slice %arg14[%dma_wait3A_904, %dma_wait3A_905] : memref<2x80xi32, #tpu.memory_space<vmem>> -> memref<1x80xi32, #tpu.memory_space<vmem>>
      %dma_wait3A_907 = tpu.memref_squeeze %dma_wait3A_906 : memref<1x80xi32, #tpu.memory_space<vmem>> -> memref<80xi32, #tpu.memory_space<vmem>>
      %dma_wait3A_908 = arith.constant 0 : i32
      %dma_wait3A_909 = tpu.memref_slice %arg33[%dma_wait3A_908] : memref<10000xf32, #tpu.memory_space<vmem_shared>> -> memref<10000xf32, #tpu.memory_space<vmem_shared>>
      tpu.wait_indirect_dma semaphore(%arg23 : memref<!tpu.dma_semaphore, #tpu.memory_space<semaphore_mem>>) src(%arg32 : memref<80xf32, #tpu.memory_space<vmem>>) dst(%dma_wait3A_909 : memref<10000xf32, #tpu.memory_space<vmem_shared>>)
      %add3A_910 = arith.constant 5 : i32
      %add3A_911 = arith.addi %add3A_896, %add3A_910 : i32
      %mul3A_912 = arith.constant 80 : i32
      %mul3A_913 = arith.muli %add3A_911, %mul3A_912 : i32
      %add3A_914 = arith.addi %mul3A_2, %mul3A_913 : i32
      %dma_start3A_915 = arith.constant 0 : i32
      %dma_start3A_916 = arith.constant 0 : i32
      %dma_start3A_917 = tpu.memref_slice %arg14[%dma_start3A_915, %dma_start3A_916] : memref<2x80xi32, #tpu.memory_space<vmem>> -> memref<1x80xi32, #tpu.memory_space<vmem>>
      %dma_start3A_918 = tpu.memref_squeeze %dma_start3A_917 : memref<1x80xi32, #tpu.memory_space<vmem>> -> memref<80xi32, #tpu.memory_space<vmem>>
      %dma_start3A_919 = tpu.memref_slice %arg3[%add3A_914] : memref<320000xi32, #tpu.memory_space<hbm>> -> memref<80xi32, #tpu.memory_space<hbm>>
      %dma_start3A_920 = arith.constant 0 : i32
      %dma_start3A_921 = tpu.memref_slice %arg14[%dma_start3A_915, %dma_start3A_920] : memref<2x80xi32, #tpu.memory_space<vmem>> -> memref<1x80xi32, #tpu.memory_space<vmem>>
      %dma_start3A_922 = tpu.memref_squeeze %dma_start3A_921 : memref<1x80xi32, #tpu.memory_space<vmem>> -> memref<80xi32, #tpu.memory_space<vmem>>
      %dma_start3A_923 = tpu.memref_slice %arg3[%add3A_914] : memref<320000xi32, #tpu.memory_space<hbm>> -> memref<80xi32, #tpu.memory_space<hbm>>
      tpu.enqueue_dma source(%dma_start3A_923 : memref<80xi32, #tpu.memory_space<hbm>>) target(%dma_start3A_922 : memref<80xi32, #tpu.memory_space<vmem>>) target_semaphore(%arg29 : memref<!tpu.dma_semaphore, #tpu.memory_space<semaphore_mem>>)
      %dma_start3A_924 = arith.constant 1 : i32
      %dma_start3A_925 = arith.constant 0 : i32
      %dma_start3A_926 = tpu.memref_slice %arg14[%dma_start3A_924, %dma_start3A_925] : memref<2x80xi32, #tpu.memory_space<vmem>> -> memref<1x80xi32, #tpu.memory_space<vmem>>
      %dma_start3A_927 = tpu.memref_squeeze %dma_start3A_926 : memref<1x80xi32, #tpu.memory_space<vmem>> -> memref<80xi32, #tpu.memory_space<vmem>>
      %dma_start3A_928 = tpu.memref_slice %arg4[%add3A_914] : memref<320000xi32, #tpu.memory_space<hbm>> -> memref<80xi32, #tpu.memory_space<hbm>>
      %dma_start3A_929 = arith.constant 0 : i32
      %dma_start3A_930 = tpu.memref_slice %arg14[%dma_start3A_924, %dma_start3A_929] : memref<2x80xi32, #tpu.memory_space<vmem>> -> memref<1x80xi32, #tpu.memory_space<vmem>>
      %dma_start3A_931 = tpu.memref_squeeze %dma_start3A_930 : memref<1x80xi32, #tpu.memory_space<vmem>> -> memref<80xi32, #tpu.memory_space<vmem>>
      %dma_start3A_932 = tpu.memref_slice %arg4[%add3A_914] : memref<320000xi32, #tpu.memory_space<hbm>> -> memref<80xi32, #tpu.memory_space<hbm>>
      tpu.enqueue_dma source(%dma_start3A_932 : memref<80xi32, #tpu.memory_space<hbm>>) target(%dma_start3A_931 : memref<80xi32, #tpu.memory_space<vmem>>) target_semaphore(%arg29 : memref<!tpu.dma_semaphore, #tpu.memory_space<semaphore_mem>>)
      %dma_wait3A_933 = arith.constant 0 : i32
      %dma_wait3A_934 = arith.constant 0 : i32
      %dma_wait3A_935 = tpu.memref_slice %arg11[%dma_wait3A_933, %dma_wait3A_934] : memref<2x80xi32, #tpu.memory_space<vmem>> -> memref<1x80xi32, #tpu.memory_space<vmem>>
      %dma_wait3A_936 = tpu.memref_squeeze %dma_wait3A_935 : memref<1x80xi32, #tpu.memory_space<vmem>> -> memref<80xi32, #tpu.memory_space<vmem>>
      %dma_wait3A_937 = arith.constant 0 : i32
      %dma_wait3A_938 = tpu.memref_slice %arg3[%dma_wait3A_937] : memref<320000xi32, #tpu.memory_space<hbm>> -> memref<80xi32, #tpu.memory_space<hbm>>
      %dma_wait3A_939 = arith.constant 0 : i32
      %dma_wait3A_940 = tpu.memref_slice %arg11[%dma_wait3A_933, %dma_wait3A_939] : memref<2x80xi32, #tpu.memory_space<vmem>> -> memref<1x80xi32, #tpu.memory_space<vmem>>
      %dma_wait3A_941 = tpu.memref_squeeze %dma_wait3A_940 : memref<1x80xi32, #tpu.memory_space<vmem>> -> memref<80xi32, #tpu.memory_space<vmem>>
      %dma_wait3A_942 = arith.constant 0 : i32
      %dma_wait3A_943 = tpu.memref_slice %arg3[%dma_wait3A_942] : memref<320000xi32, #tpu.memory_space<hbm>> -> memref<80xi32, #tpu.memory_space<hbm>>
      tpu.wait_dma2 semaphore(%arg26 : memref<!tpu.dma_semaphore, #tpu.memory_space<semaphore_mem>>) src(%dma_wait3A_943 : memref<80xi32, #tpu.memory_space<hbm>>) dst(%dma_wait3A_941 : memref<80xi32, #tpu.memory_space<vmem>>)
      %dma_wait3A_944 = arith.constant 1 : i32
      %dma_wait3A_945 = arith.constant 0 : i32
      %dma_wait3A_946 = tpu.memref_slice %arg11[%dma_wait3A_944, %dma_wait3A_945] : memref<2x80xi32, #tpu.memory_space<vmem>> -> memref<1x80xi32, #tpu.memory_space<vmem>>
      %dma_wait3A_947 = tpu.memref_squeeze %dma_wait3A_946 : memref<1x80xi32, #tpu.memory_space<vmem>> -> memref<80xi32, #tpu.memory_space<vmem>>
      %dma_wait3A_948 = arith.constant 0 : i32
      %dma_wait3A_949 = tpu.memref_slice %arg4[%dma_wait3A_948] : memref<320000xi32, #tpu.memory_space<hbm>> -> memref<80xi32, #tpu.memory_space<hbm>>
      %dma_wait3A_950 = arith.constant 0 : i32
      %dma_wait3A_951 = tpu.memref_slice %arg11[%dma_wait3A_944, %dma_wait3A_950] : memref<2x80xi32, #tpu.memory_space<vmem>> -> memref<1x80xi32, #tpu.memory_space<vmem>>
      %dma_wait3A_952 = tpu.memref_squeeze %dma_wait3A_951 : memref<1x80xi32, #tpu.memory_space<vmem>> -> memref<80xi32, #tpu.memory_space<vmem>>
      %dma_wait3A_953 = arith.constant 0 : i32
      %dma_wait3A_954 = tpu.memref_slice %arg4[%dma_wait3A_953] : memref<320000xi32, #tpu.memory_space<hbm>> -> memref<80xi32, #tpu.memory_space<hbm>>
      tpu.wait_dma2 semaphore(%arg26 : memref<!tpu.dma_semaphore, #tpu.memory_space<semaphore_mem>>) src(%dma_wait3A_954 : memref<80xi32, #tpu.memory_space<hbm>>) dst(%dma_wait3A_952 : memref<80xi32, #tpu.memory_space<vmem>>)
      %dma_start3A_955 = arith.constant 0 : i32
      %dma_start3A_956 = arith.constant 0 : i32
      %dma_start3A_957 = tpu.memref_slice %arg11[%dma_start3A_955, %dma_start3A_956] : memref<2x80xi32, #tpu.memory_space<vmem>> -> memref<1x80xi32, #tpu.memory_space<vmem>>
      %dma_start3A_958 = tpu.memref_squeeze %dma_start3A_957 : memref<1x80xi32, #tpu.memory_space<vmem>> -> memref<80xi32, #tpu.memory_space<vmem>>
      %dma_start3A_959 = arith.constant 0 : i32
      %dma_start3A_960 = arith.constant 0 : i32
      %dma_start3A_961 = tpu.memref_slice %arg2[%dma_start3A_959, %dma_start3A_960] : memref<10000x128xf32, #tpu.memory_space<hbm>> -> memref<10000x128xf32, #tpu.memory_space<hbm>>
      tpu.enqueue_indirect_dma source(%dma_start3A_961 : memref<10000x128xf32, #tpu.memory_space<hbm>>) target(%arg17 : memref<80x128xf32, #tpu.memory_space<vmem>>) offsets(%dma_start3A_958 : memref<80xi32, #tpu.memory_space<vmem>>) semaphore(%arg20 : memref<!tpu.dma_semaphore, #tpu.memory_space<semaphore_mem>>)
      %dma_wait3A_962 = arith.constant 0 : i32
      %dma_wait3A_963 = arith.constant 0 : i32
      %dma_wait3A_964 = tpu.memref_slice %arg15[%dma_wait3A_962, %dma_wait3A_963] : memref<2x80xi32, #tpu.memory_space<vmem>> -> memref<1x80xi32, #tpu.memory_space<vmem>>
      %dma_wait3A_965 = tpu.memref_squeeze %dma_wait3A_964 : memref<1x80xi32, #tpu.memory_space<vmem>> -> memref<80xi32, #tpu.memory_space<vmem>>
      %dma_wait3A_966 = arith.constant 0 : i32
      %dma_wait3A_967 = arith.constant 0 : i32
      %dma_wait3A_968 = tpu.memref_slice %arg2[%dma_wait3A_966, %dma_wait3A_967] : memref<10000x128xf32, #tpu.memory_space<hbm>> -> memref<10000x128xf32, #tpu.memory_space<hbm>>
      tpu.wait_indirect_dma semaphore(%arg21 : memref<!tpu.dma_semaphore, #tpu.memory_space<semaphore_mem>>) src(%dma_wait3A_968 : memref<10000x128xf32, #tpu.memory_space<hbm>>) dst(%arg18 : memref<80x128xf32, #tpu.memory_space<vmem>>)
      %dma_start3A_969 = arith.constant 1 : i32
      %dma_start3A_970 = arith.constant 0 : i32
      %dma_start3A_971 = tpu.memref_slice %arg15[%dma_start3A_969, %dma_start3A_970] : memref<2x80xi32, #tpu.memory_space<vmem>> -> memref<1x80xi32, #tpu.memory_space<vmem>>
      %dma_start3A_972 = tpu.memref_squeeze %dma_start3A_971 : memref<1x80xi32, #tpu.memory_space<vmem>> -> memref<80xi32, #tpu.memory_space<vmem>>
      %dma_start3A_973 = arith.constant 0 : i32
      %dma_start3A_974 = arith.constant 0 : i32
      %dma_start3A_975 = tpu.memref_slice %arg31[%dma_start3A_973, %dma_start3A_974] : memref<10000x128xf32, #tpu.memory_space<vmem_shared>> -> memref<10000x128xf32, #tpu.memory_space<vmem_shared>>
      tpu.enqueue_indirect_dma source(%arg18 : memref<80x128xf32, #tpu.memory_space<vmem>>) target(%dma_start3A_975 : memref<10000x128xf32, #tpu.memory_space<vmem_shared>>) offsets(%dma_start3A_972 : memref<80xi32, #tpu.memory_space<vmem>>) semaphore(%arg24 : memref<!tpu.dma_semaphore, #tpu.memory_space<semaphore_mem>>) {add = true}
      %dma_start3A_976 = arith.constant 1 : i32
      %dma_start3A_977 = arith.constant 0 : i32
      %dma_start3A_978 = tpu.memref_slice %arg15[%dma_start3A_976, %dma_start3A_977] : memref<2x80xi32, #tpu.memory_space<vmem>> -> memref<1x80xi32, #tpu.memory_space<vmem>>
      %dma_start3A_979 = tpu.memref_squeeze %dma_start3A_978 : memref<1x80xi32, #tpu.memory_space<vmem>> -> memref<80xi32, #tpu.memory_space<vmem>>
      %dma_start3A_980 = arith.constant 0 : i32
      %dma_start3A_981 = tpu.memref_slice %arg33[%dma_start3A_980] : memref<10000xf32, #tpu.memory_space<vmem_shared>> -> memref<10000xf32, #tpu.memory_space<vmem_shared>>
      tpu.enqueue_indirect_dma source(%arg32 : memref<80xf32, #tpu.memory_space<vmem>>) target(%dma_start3A_981 : memref<10000xf32, #tpu.memory_space<vmem_shared>>) offsets(%dma_start3A_979 : memref<80xi32, #tpu.memory_space<vmem>>) semaphore(%arg24 : memref<!tpu.dma_semaphore, #tpu.memory_space<semaphore_mem>>) {add = true}
    }
    %scan3A_179 = arith.constant 20 : i32
    %dma_wait3A_180 = arith.constant 1 : i32
    %dma_wait3A_181 = arith.constant 0 : i32
    %dma_wait3A_182 = tpu.memref_slice %arg15[%dma_wait3A_180, %dma_wait3A_181] : memref<2x80xi32, #tpu.memory_space<vmem>> -> memref<1x80xi32, #tpu.memory_space<vmem>>
    %dma_wait3A_183 = tpu.memref_squeeze %dma_wait3A_182 : memref<1x80xi32, #tpu.memory_space<vmem>> -> memref<80xi32, #tpu.memory_space<vmem>>
    %dma_wait3A_184 = arith.constant 0 : i32
    %dma_wait3A_185 = arith.constant 0 : i32
    %dma_wait3A_186 = tpu.memref_slice %arg31[%dma_wait3A_184, %dma_wait3A_185] : memref<10000x128xf32, #tpu.memory_space<vmem_shared>> -> memref<10000x128xf32, #tpu.memory_space<vmem_shared>>
    tpu.wait_indirect_dma semaphore(%arg24 : memref<!tpu.dma_semaphore, #tpu.memory_space<semaphore_mem>>) src(%arg18 : memref<80x128xf32, #tpu.memory_space<vmem>>) dst(%dma_wait3A_186 : memref<10000x128xf32, #tpu.memory_space<vmem_shared>>)
    %dma_wait3A_187 = arith.constant 1 : i32
    %dma_wait3A_188 = arith.constant 0 : i32
    %dma_wait3A_189 = tpu.memref_slice %arg15[%dma_wait3A_187, %dma_wait3A_188] : memref<2x80xi32, #tpu.memory_space<vmem>> -> memref<1x80xi32, #tpu.memory_space<vmem>>
    %dma_wait3A_190 = tpu.memref_squeeze %dma_wait3A_189 : memref<1x80xi32, #tpu.memory_space<vmem>> -> memref<80xi32, #tpu.memory_space<vmem>>
    %dma_wait3A_191 = arith.constant 0 : i32
    %dma_wait3A_192 = tpu.memref_slice %arg33[%dma_wait3A_191] : memref<10000xf32, #tpu.memory_space<vmem_shared>> -> memref<10000xf32, #tpu.memory_space<vmem_shared>>
    tpu.wait_indirect_dma semaphore(%arg24 : memref<!tpu.dma_semaphore, #tpu.memory_space<semaphore_mem>>) src(%arg32 : memref<80xf32, #tpu.memory_space<vmem>>) dst(%dma_wait3A_192 : memref<10000xf32, #tpu.memory_space<vmem_shared>>)
    %dma_wait3A_193 = arith.constant 0 : i32
    %dma_wait3A_194 = arith.constant 0 : i32
    %dma_wait3A_195 = tpu.memref_slice %arg12[%dma_wait3A_193, %dma_wait3A_194] : memref<2x80xi32, #tpu.memory_space<vmem>> -> memref<1x80xi32, #tpu.memory_space<vmem>>
    %dma_wait3A_196 = tpu.memref_squeeze %dma_wait3A_195 : memref<1x80xi32, #tpu.memory_space<vmem>> -> memref<80xi32, #tpu.memory_space<vmem>>
    %dma_wait3A_197 = arith.constant 0 : i32
    %dma_wait3A_198 = tpu.memref_slice %arg3[%dma_wait3A_197] : memref<320000xi32, #tpu.memory_space<hbm>> -> memref<80xi32, #tpu.memory_space<hbm>>
    %dma_wait3A_199 = arith.constant 0 : i32
    %dma_wait3A_200 = tpu.memref_slice %arg12[%dma_wait3A_193, %dma_wait3A_199] : memref<2x80xi32, #tpu.memory_space<vmem>> -> memref<1x80xi32, #tpu.memory_space<vmem>>
    %dma_wait3A_201 = tpu.memref_squeeze %dma_wait3A_200 : memref<1x80xi32, #tpu.memory_space<vmem>> -> memref<80xi32, #tpu.memory_space<vmem>>
    %dma_wait3A_202 = arith.constant 0 : i32
    %dma_wait3A_203 = tpu.memref_slice %arg3[%dma_wait3A_202] : memref<320000xi32, #tpu.memory_space<hbm>> -> memref<80xi32, #tpu.memory_space<hbm>>
    tpu.wait_dma2 semaphore(%arg27 : memref<!tpu.dma_semaphore, #tpu.memory_space<semaphore_mem>>) src(%dma_wait3A_203 : memref<80xi32, #tpu.memory_space<hbm>>) dst(%dma_wait3A_201 : memref<80xi32, #tpu.memory_space<vmem>>)
    %dma_wait3A_204 = arith.constant 1 : i32
    %dma_wait3A_205 = arith.constant 0 : i32
    %dma_wait3A_206 = tpu.memref_slice %arg12[%dma_wait3A_204, %dma_wait3A_205] : memref<2x80xi32, #tpu.memory_space<vmem>> -> memref<1x80xi32, #tpu.memory_space<vmem>>
    %dma_wait3A_207 = tpu.memref_squeeze %dma_wait3A_206 : memref<1x80xi32, #tpu.memory_space<vmem>> -> memref<80xi32, #tpu.memory_space<vmem>>
    %dma_wait3A_208 = arith.constant 0 : i32
    %dma_wait3A_209 = tpu.memref_slice %arg4[%dma_wait3A_208] : memref<320000xi32, #tpu.memory_space<hbm>> -> memref<80xi32, #tpu.memory_space<hbm>>
    %dma_wait3A_210 = arith.constant 0 : i32
    %dma_wait3A_211 = tpu.memref_slice %arg12[%dma_wait3A_204, %dma_wait3A_210] : memref<2x80xi32, #tpu.memory_space<vmem>> -> memref<1x80xi32, #tpu.memory_space<vmem>>
    %dma_wait3A_212 = tpu.memref_squeeze %dma_wait3A_211 : memref<1x80xi32, #tpu.memory_space<vmem>> -> memref<80xi32, #tpu.memory_space<vmem>>
    %dma_wait3A_213 = arith.constant 0 : i32
    %dma_wait3A_214 = tpu.memref_slice %arg4[%dma_wait3A_213] : memref<320000xi32, #tpu.memory_space<hbm>> -> memref<80xi32, #tpu.memory_space<hbm>>
    tpu.wait_dma2 semaphore(%arg27 : memref<!tpu.dma_semaphore, #tpu.memory_space<semaphore_mem>>) src(%dma_wait3A_214 : memref<80xi32, #tpu.memory_space<hbm>>) dst(%dma_wait3A_212 : memref<80xi32, #tpu.memory_space<vmem>>)
    %dma_start3A_215 = arith.constant 0 : i32
    %dma_start3A_216 = arith.constant 0 : i32
    %dma_start3A_217 = tpu.memref_slice %arg12[%dma_start3A_215, %dma_start3A_216] : memref<2x80xi32, #tpu.memory_space<vmem>> -> memref<1x80xi32, #tpu.memory_space<vmem>>
    %dma_start3A_218 = tpu.memref_squeeze %dma_start3A_217 : memref<1x80xi32, #tpu.memory_space<vmem>> -> memref<80xi32, #tpu.memory_space<vmem>>
    %dma_start3A_219 = arith.constant 0 : i32
    %dma_start3A_220 = arith.constant 0 : i32
    %dma_start3A_221 = tpu.memref_slice %arg2[%dma_start3A_219, %dma_start3A_220] : memref<10000x128xf32, #tpu.memory_space<hbm>> -> memref<10000x128xf32, #tpu.memory_space<hbm>>
    tpu.enqueue_indirect_dma source(%dma_start3A_221 : memref<10000x128xf32, #tpu.memory_space<hbm>>) target(%arg18 : memref<80x128xf32, #tpu.memory_space<vmem>>) offsets(%dma_start3A_218 : memref<80xi32, #tpu.memory_space<vmem>>) semaphore(%arg21 : memref<!tpu.dma_semaphore, #tpu.memory_space<semaphore_mem>>)
    %dma_wait3A_222 = arith.constant 0 : i32
    %dma_wait3A_223 = arith.constant 0 : i32
    %dma_wait3A_224 = tpu.memref_slice %arg10[%dma_wait3A_222, %dma_wait3A_223] : memref<2x80xi32, #tpu.memory_space<vmem>> -> memref<1x80xi32, #tpu.memory_space<vmem>>
    %dma_wait3A_225 = tpu.memref_squeeze %dma_wait3A_224 : memref<1x80xi32, #tpu.memory_space<vmem>> -> memref<80xi32, #tpu.memory_space<vmem>>
    %dma_wait3A_226 = arith.constant 0 : i32
    %dma_wait3A_227 = arith.constant 0 : i32
    %dma_wait3A_228 = tpu.memref_slice %arg2[%dma_wait3A_226, %dma_wait3A_227] : memref<10000x128xf32, #tpu.memory_space<hbm>> -> memref<10000x128xf32, #tpu.memory_space<hbm>>
    tpu.wait_indirect_dma semaphore(%arg19 : memref<!tpu.dma_semaphore, #tpu.memory_space<semaphore_mem>>) src(%dma_wait3A_228 : memref<10000x128xf32, #tpu.memory_space<hbm>>) dst(%arg16 : memref<80x128xf32, #tpu.memory_space<vmem>>)
    %dma_start3A_229 = arith.constant 1 : i32
    %dma_start3A_230 = arith.constant 0 : i32
    %dma_start3A_231 = tpu.memref_slice %arg10[%dma_start3A_229, %dma_start3A_230] : memref<2x80xi32, #tpu.memory_space<vmem>> -> memref<1x80xi32, #tpu.memory_space<vmem>>
    %dma_start3A_232 = tpu.memref_squeeze %dma_start3A_231 : memref<1x80xi32, #tpu.memory_space<vmem>> -> memref<80xi32, #tpu.memory_space<vmem>>
    %dma_start3A_233 = arith.constant 0 : i32
    %dma_start3A_234 = arith.constant 0 : i32
    %dma_start3A_235 = tpu.memref_slice %arg31[%dma_start3A_233, %dma_start3A_234] : memref<10000x128xf32, #tpu.memory_space<vmem_shared>> -> memref<10000x128xf32, #tpu.memory_space<vmem_shared>>
    tpu.enqueue_indirect_dma source(%arg16 : memref<80x128xf32, #tpu.memory_space<vmem>>) target(%dma_start3A_235 : memref<10000x128xf32, #tpu.memory_space<vmem_shared>>) offsets(%dma_start3A_232 : memref<80xi32, #tpu.memory_space<vmem>>) semaphore(%arg22 : memref<!tpu.dma_semaphore, #tpu.memory_space<semaphore_mem>>) {add = true}
    %dma_start3A_236 = arith.constant 1 : i32
    %dma_start3A_237 = arith.constant 0 : i32
    %dma_start3A_238 = tpu.memref_slice %arg10[%dma_start3A_236, %dma_start3A_237] : memref<2x80xi32, #tpu.memory_space<vmem>> -> memref<1x80xi32, #tpu.memory_space<vmem>>
    %dma_start3A_239 = tpu.memref_squeeze %dma_start3A_238 : memref<1x80xi32, #tpu.memory_space<vmem>> -> memref<80xi32, #tpu.memory_space<vmem>>
    %dma_start3A_240 = arith.constant 0 : i32
    %dma_start3A_241 = tpu.memref_slice %arg33[%dma_start3A_240] : memref<10000xf32, #tpu.memory_space<vmem_shared>> -> memref<10000xf32, #tpu.memory_space<vmem_shared>>
    tpu.enqueue_indirect_dma source(%arg32 : memref<80xf32, #tpu.memory_space<vmem>>) target(%dma_start3A_241 : memref<10000xf32, #tpu.memory_space<vmem_shared>>) offsets(%dma_start3A_239 : memref<80xi32, #tpu.memory_space<vmem>>) semaphore(%arg22 : memref<!tpu.dma_semaphore, #tpu.memory_space<semaphore_mem>>) {add = true}
    %dma_wait3A_242 = arith.constant 1 : i32
    %dma_wait3A_243 = arith.constant 0 : i32
    %dma_wait3A_244 = tpu.memref_slice %arg10[%dma_wait3A_242, %dma_wait3A_243] : memref<2x80xi32, #tpu.memory_space<vmem>> -> memref<1x80xi32, #tpu.memory_space<vmem>>
    %dma_wait3A_245 = tpu.memref_squeeze %dma_wait3A_244 : memref<1x80xi32, #tpu.memory_space<vmem>> -> memref<80xi32, #tpu.memory_space<vmem>>
    %dma_wait3A_246 = arith.constant 0 : i32
    %dma_wait3A_247 = arith.constant 0 : i32
    %dma_wait3A_248 = tpu.memref_slice %arg31[%dma_wait3A_246, %dma_wait3A_247] : memref<10000x128xf32, #tpu.memory_space<vmem_shared>> -> memref<10000x128xf32, #tpu.memory_space<vmem_shared>>
    tpu.wait_indirect_dma semaphore(%arg22 : memref<!tpu.dma_semaphore, #tpu.memory_space<semaphore_mem>>) src(%arg16 : memref<80x128xf32, #tpu.memory_space<vmem>>) dst(%dma_wait3A_248 : memref<10000x128xf32, #tpu.memory_space<vmem_shared>>)
    %dma_wait3A_249 = arith.constant 1 : i32
    %dma_wait3A_250 = arith.constant 0 : i32
    %dma_wait3A_251 = tpu.memref_slice %arg10[%dma_wait3A_249, %dma_wait3A_250] : memref<2x80xi32, #tpu.memory_space<vmem>> -> memref<1x80xi32, #tpu.memory_space<vmem>>
    %dma_wait3A_252 = tpu.memref_squeeze %dma_wait3A_251 : memref<1x80xi32, #tpu.memory_space<vmem>> -> memref<80xi32, #tpu.memory_space<vmem>>
    %dma_wait3A_253 = arith.constant 0 : i32
    %dma_wait3A_254 = tpu.memref_slice %arg33[%dma_wait3A_253] : memref<10000xf32, #tpu.memory_space<vmem_shared>> -> memref<10000xf32, #tpu.memory_space<vmem_shared>>
    tpu.wait_indirect_dma semaphore(%arg22 : memref<!tpu.dma_semaphore, #tpu.memory_space<semaphore_mem>>) src(%arg32 : memref<80xf32, #tpu.memory_space<vmem>>) dst(%dma_wait3A_254 : memref<10000xf32, #tpu.memory_space<vmem_shared>>)
    %dma_wait3A_255 = arith.constant 0 : i32
    %dma_wait3A_256 = arith.constant 0 : i32
    %dma_wait3A_257 = tpu.memref_slice %arg13[%dma_wait3A_255, %dma_wait3A_256] : memref<2x80xi32, #tpu.memory_space<vmem>> -> memref<1x80xi32, #tpu.memory_space<vmem>>
    %dma_wait3A_258 = tpu.memref_squeeze %dma_wait3A_257 : memref<1x80xi32, #tpu.memory_space<vmem>> -> memref<80xi32, #tpu.memory_space<vmem>>
    %dma_wait3A_259 = arith.constant 0 : i32
    %dma_wait3A_260 = tpu.memref_slice %arg3[%dma_wait3A_259] : memref<320000xi32, #tpu.memory_space<hbm>> -> memref<80xi32, #tpu.memory_space<hbm>>
    %dma_wait3A_261 = arith.constant 0 : i32
    %dma_wait3A_262 = tpu.memref_slice %arg13[%dma_wait3A_255, %dma_wait3A_261] : memref<2x80xi32, #tpu.memory_space<vmem>> -> memref<1x80xi32, #tpu.memory_space<vmem>>
    %dma_wait3A_263 = tpu.memref_squeeze %dma_wait3A_262 : memref<1x80xi32, #tpu.memory_space<vmem>> -> memref<80xi32, #tpu.memory_space<vmem>>
    %dma_wait3A_264 = arith.constant 0 : i32
    %dma_wait3A_265 = tpu.memref_slice %arg3[%dma_wait3A_264] : memref<320000xi32, #tpu.memory_space<hbm>> -> memref<80xi32, #tpu.memory_space<hbm>>
    tpu.wait_dma2 semaphore(%arg28 : memref<!tpu.dma_semaphore, #tpu.memory_space<semaphore_mem>>) src(%dma_wait3A_265 : memref<80xi32, #tpu.memory_space<hbm>>) dst(%dma_wait3A_263 : memref<80xi32, #tpu.memory_space<vmem>>)
    %dma_wait3A_266 = arith.constant 1 : i32
    %dma_wait3A_267 = arith.constant 0 : i32
    %dma_wait3A_268 = tpu.memref_slice %arg13[%dma_wait3A_266, %dma_wait3A_267] : memref<2x80xi32, #tpu.memory_space<vmem>> -> memref<1x80xi32, #tpu.memory_space<vmem>>
    %dma_wait3A_269 = tpu.memref_squeeze %dma_wait3A_268 : memref<1x80xi32, #tpu.memory_space<vmem>> -> memref<80xi32, #tpu.memory_space<vmem>>
    %dma_wait3A_270 = arith.constant 0 : i32
    %dma_wait3A_271 = tpu.memref_slice %arg4[%dma_wait3A_270] : memref<320000xi32, #tpu.memory_space<hbm>> -> memref<80xi32, #tpu.memory_space<hbm>>
    %dma_wait3A_272 = arith.constant 0 : i32
    %dma_wait3A_273 = tpu.memref_slice %arg13[%dma_wait3A_266, %dma_wait3A_272] : memref<2x80xi32, #tpu.memory_space<vmem>> -> memref<1x80xi32, #tpu.memory_space<vmem>>
    %dma_wait3A_274 = tpu.memref_squeeze %dma_wait3A_273 : memref<1x80xi32, #tpu.memory_space<vmem>> -> memref<80xi32, #tpu.memory_space<vmem>>
    %dma_wait3A_275 = arith.constant 0 : i32
    %dma_wait3A_276 = tpu.memref_slice %arg4[%dma_wait3A_275] : memref<320000xi32, #tpu.memory_space<hbm>> -> memref<80xi32, #tpu.memory_space<hbm>>
    tpu.wait_dma2 semaphore(%arg28 : memref<!tpu.dma_semaphore, #tpu.memory_space<semaphore_mem>>) src(%dma_wait3A_276 : memref<80xi32, #tpu.memory_space<hbm>>) dst(%dma_wait3A_274 : memref<80xi32, #tpu.memory_space<vmem>>)
    %dma_start3A_277 = arith.constant 0 : i32
    %dma_start3A_278 = arith.constant 0 : i32
    %dma_start3A_279 = tpu.memref_slice %arg13[%dma_start3A_277, %dma_start3A_278] : memref<2x80xi32, #tpu.memory_space<vmem>> -> memref<1x80xi32, #tpu.memory_space<vmem>>
    %dma_start3A_280 = tpu.memref_squeeze %dma_start3A_279 : memref<1x80xi32, #tpu.memory_space<vmem>> -> memref<80xi32, #tpu.memory_space<vmem>>
    %dma_start3A_281 = arith.constant 0 : i32
    %dma_start3A_282 = arith.constant 0 : i32
    %dma_start3A_283 = tpu.memref_slice %arg2[%dma_start3A_281, %dma_start3A_282] : memref<10000x128xf32, #tpu.memory_space<hbm>> -> memref<10000x128xf32, #tpu.memory_space<hbm>>
    tpu.enqueue_indirect_dma source(%dma_start3A_283 : memref<10000x128xf32, #tpu.memory_space<hbm>>) target(%arg16 : memref<80x128xf32, #tpu.memory_space<vmem>>) offsets(%dma_start3A_280 : memref<80xi32, #tpu.memory_space<vmem>>) semaphore(%arg19 : memref<!tpu.dma_semaphore, #tpu.memory_space<semaphore_mem>>)
    %dma_wait3A_284 = arith.constant 0 : i32
    %dma_wait3A_285 = arith.constant 0 : i32
    %dma_wait3A_286 = tpu.memref_slice %arg11[%dma_wait3A_284, %dma_wait3A_285] : memref<2x80xi32, #tpu.memory_space<vmem>> -> memref<1x80xi32, #tpu.memory_space<vmem>>
    %dma_wait3A_287 = tpu.memref_squeeze %dma_wait3A_286 : memref<1x80xi32, #tpu.memory_space<vmem>> -> memref<80xi32, #tpu.memory_space<vmem>>
    %dma_wait3A_288 = arith.constant 0 : i32
    %dma_wait3A_289 = arith.constant 0 : i32
    %dma_wait3A_290 = tpu.memref_slice %arg2[%dma_wait3A_288, %dma_wait3A_289] : memref<10000x128xf32, #tpu.memory_space<hbm>> -> memref<10000x128xf32, #tpu.memory_space<hbm>>
    tpu.wait_indirect_dma semaphore(%arg20 : memref<!tpu.dma_semaphore, #tpu.memory_space<semaphore_mem>>) src(%dma_wait3A_290 : memref<10000x128xf32, #tpu.memory_space<hbm>>) dst(%arg17 : memref<80x128xf32, #tpu.memory_space<vmem>>)
    %dma_start3A_291 = arith.constant 1 : i32
    %dma_start3A_292 = arith.constant 0 : i32
    %dma_start3A_293 = tpu.memref_slice %arg11[%dma_start3A_291, %dma_start3A_292] : memref<2x80xi32, #tpu.memory_space<vmem>> -> memref<1x80xi32, #tpu.memory_space<vmem>>
    %dma_start3A_294 = tpu.memref_squeeze %dma_start3A_293 : memref<1x80xi32, #tpu.memory_space<vmem>> -> memref<80xi32, #tpu.memory_space<vmem>>
    %dma_start3A_295 = arith.constant 0 : i32
    %dma_start3A_296 = arith.constant 0 : i32
    %dma_start3A_297 = tpu.memref_slice %arg31[%dma_start3A_295, %dma_start3A_296] : memref<10000x128xf32, #tpu.memory_space<vmem_shared>> -> memref<10000x128xf32, #tpu.memory_space<vmem_shared>>
    tpu.enqueue_indirect_dma source(%arg17 : memref<80x128xf32, #tpu.memory_space<vmem>>) target(%dma_start3A_297 : memref<10000x128xf32, #tpu.memory_space<vmem_shared>>) offsets(%dma_start3A_294 : memref<80xi32, #tpu.memory_space<vmem>>) semaphore(%arg23 : memref<!tpu.dma_semaphore, #tpu.memory_space<semaphore_mem>>) {add = true}
    %dma_start3A_298 = arith.constant 1 : i32
    %dma_start3A_299 = arith.constant 0 : i32
    %dma_start3A_300 = tpu.memref_slice %arg11[%dma_start3A_298, %dma_start3A_299] : memref<2x80xi32, #tpu.memory_space<vmem>> -> memref<1x80xi32, #tpu.memory_space<vmem>>
    %dma_start3A_301 = tpu.memref_squeeze %dma_start3A_300 : memref<1x80xi32, #tpu.memory_space<vmem>> -> memref<80xi32, #tpu.memory_space<vmem>>
    %dma_start3A_302 = arith.constant 0 : i32
    %dma_start3A_303 = tpu.memref_slice %arg33[%dma_start3A_302] : memref<10000xf32, #tpu.memory_space<vmem_shared>> -> memref<10000xf32, #tpu.memory_space<vmem_shared>>
    tpu.enqueue_indirect_dma source(%arg32 : memref<80xf32, #tpu.memory_space<vmem>>) target(%dma_start3A_303 : memref<10000xf32, #tpu.memory_space<vmem_shared>>) offsets(%dma_start3A_301 : memref<80xi32, #tpu.memory_space<vmem>>) semaphore(%arg23 : memref<!tpu.dma_semaphore, #tpu.memory_space<semaphore_mem>>) {add = true}
    %dma_wait3A_304 = arith.constant 1 : i32
    %dma_wait3A_305 = arith.constant 0 : i32
    %dma_wait3A_306 = tpu.memref_slice %arg11[%dma_wait3A_304, %dma_wait3A_305] : memref<2x80xi32, #tpu.memory_space<vmem>> -> memref<1x80xi32, #tpu.memory_space<vmem>>
    %dma_wait3A_307 = tpu.memref_squeeze %dma_wait3A_306 : memref<1x80xi32, #tpu.memory_space<vmem>> -> memref<80xi32, #tpu.memory_space<vmem>>
    %dma_wait3A_308 = arith.constant 0 : i32
    %dma_wait3A_309 = arith.constant 0 : i32
    %dma_wait3A_310 = tpu.memref_slice %arg31[%dma_wait3A_308, %dma_wait3A_309] : memref<10000x128xf32, #tpu.memory_space<vmem_shared>> -> memref<10000x128xf32, #tpu.memory_space<vmem_shared>>
    tpu.wait_indirect_dma semaphore(%arg23 : memref<!tpu.dma_semaphore, #tpu.memory_space<semaphore_mem>>) src(%arg17 : memref<80x128xf32, #tpu.memory_space<vmem>>) dst(%dma_wait3A_310 : memref<10000x128xf32, #tpu.memory_space<vmem_shared>>)
    %dma_wait3A_311 = arith.constant 1 : i32
    %dma_wait3A_312 = arith.constant 0 : i32
    %dma_wait3A_313 = tpu.memref_slice %arg11[%dma_wait3A_311, %dma_wait3A_312] : memref<2x80xi32, #tpu.memory_space<vmem>> -> memref<1x80xi32, #tpu.memory_space<vmem>>
    %dma_wait3A_314 = tpu.memref_squeeze %dma_wait3A_313 : memref<1x80xi32, #tpu.memory_space<vmem>> -> memref<80xi32, #tpu.memory_space<vmem>>
    %dma_wait3A_315 = arith.constant 0 : i32
    %dma_wait3A_316 = tpu.memref_slice %arg33[%dma_wait3A_315] : memref<10000xf32, #tpu.memory_space<vmem_shared>> -> memref<10000xf32, #tpu.memory_space<vmem_shared>>
    tpu.wait_indirect_dma semaphore(%arg23 : memref<!tpu.dma_semaphore, #tpu.memory_space<semaphore_mem>>) src(%arg32 : memref<80xf32, #tpu.memory_space<vmem>>) dst(%dma_wait3A_316 : memref<10000xf32, #tpu.memory_space<vmem_shared>>)
    %dma_wait3A_317 = arith.constant 0 : i32
    %dma_wait3A_318 = arith.constant 0 : i32
    %dma_wait3A_319 = tpu.memref_slice %arg14[%dma_wait3A_317, %dma_wait3A_318] : memref<2x80xi32, #tpu.memory_space<vmem>> -> memref<1x80xi32, #tpu.memory_space<vmem>>
    %dma_wait3A_320 = tpu.memref_squeeze %dma_wait3A_319 : memref<1x80xi32, #tpu.memory_space<vmem>> -> memref<80xi32, #tpu.memory_space<vmem>>
    %dma_wait3A_321 = arith.constant 0 : i32
    %dma_wait3A_322 = tpu.memref_slice %arg3[%dma_wait3A_321] : memref<320000xi32, #tpu.memory_space<hbm>> -> memref<80xi32, #tpu.memory_space<hbm>>
    %dma_wait3A_323 = arith.constant 0 : i32
    %dma_wait3A_324 = tpu.memref_slice %arg14[%dma_wait3A_317, %dma_wait3A_323] : memref<2x80xi32, #tpu.memory_space<vmem>> -> memref<1x80xi32, #tpu.memory_space<vmem>>
    %dma_wait3A_325 = tpu.memref_squeeze %dma_wait3A_324 : memref<1x80xi32, #tpu.memory_space<vmem>> -> memref<80xi32, #tpu.memory_space<vmem>>
    %dma_wait3A_326 = arith.constant 0 : i32
    %dma_wait3A_327 = tpu.memref_slice %arg3[%dma_wait3A_326] : memref<320000xi32, #tpu.memory_space<hbm>> -> memref<80xi32, #tpu.memory_space<hbm>>
    tpu.wait_dma2 semaphore(%arg29 : memref<!tpu.dma_semaphore, #tpu.memory_space<semaphore_mem>>) src(%dma_wait3A_327 : memref<80xi32, #tpu.memory_space<hbm>>) dst(%dma_wait3A_325 : memref<80xi32, #tpu.memory_space<vmem>>)
    %dma_wait3A_328 = arith.constant 1 : i32
    %dma_wait3A_329 = arith.constant 0 : i32
    %dma_wait3A_330 = tpu.memref_slice %arg14[%dma_wait3A_328, %dma_wait3A_329] : memref<2x80xi32, #tpu.memory_space<vmem>> -> memref<1x80xi32, #tpu.memory_space<vmem>>
    %dma_wait3A_331 = tpu.memref_squeeze %dma_wait3A_330 : memref<1x80xi32, #tpu.memory_space<vmem>> -> memref<80xi32, #tpu.memory_space<vmem>>
    %dma_wait3A_332 = arith.constant 0 : i32
    %dma_wait3A_333 = tpu.memref_slice %arg4[%dma_wait3A_332] : memref<320000xi32, #tpu.memory_space<hbm>> -> memref<80xi32, #tpu.memory_space<hbm>>
    %dma_wait3A_334 = arith.constant 0 : i32
    %dma_wait3A_335 = tpu.memref_slice %arg14[%dma_wait3A_328, %dma_wait3A_334] : memref<2x80xi32, #tpu.memory_space<vmem>> -> memref<1x80xi32, #tpu.memory_space<vmem>>
    %dma_wait3A_336 = tpu.memref_squeeze %dma_wait3A_335 : memref<1x80xi32, #tpu.memory_space<vmem>> -> memref<80xi32, #tpu.memory_space<vmem>>
    %dma_wait3A_337 = arith.constant 0 : i32
    %dma_wait3A_338 = tpu.memref_slice %arg4[%dma_wait3A_337] : memref<320000xi32, #tpu.memory_space<hbm>> -> memref<80xi32, #tpu.memory_space<hbm>>
    tpu.wait_dma2 semaphore(%arg29 : memref<!tpu.dma_semaphore, #tpu.memory_space<semaphore_mem>>) src(%dma_wait3A_338 : memref<80xi32, #tpu.memory_space<hbm>>) dst(%dma_wait3A_336 : memref<80xi32, #tpu.memory_space<vmem>>)
    %dma_start3A_339 = arith.constant 0 : i32
    %dma_start3A_340 = arith.constant 0 : i32
    %dma_start3A_341 = tpu.memref_slice %arg14[%dma_start3A_339, %dma_start3A_340] : memref<2x80xi32, #tpu.memory_space<vmem>> -> memref<1x80xi32, #tpu.memory_space<vmem>>
    %dma_start3A_342 = tpu.memref_squeeze %dma_start3A_341 : memref<1x80xi32, #tpu.memory_space<vmem>> -> memref<80xi32, #tpu.memory_space<vmem>>
    %dma_start3A_343 = arith.constant 0 : i32
    %dma_start3A_344 = arith.constant 0 : i32
    %dma_start3A_345 = tpu.memref_slice %arg2[%dma_start3A_343, %dma_start3A_344] : memref<10000x128xf32, #tpu.memory_space<hbm>> -> memref<10000x128xf32, #tpu.memory_space<hbm>>
    tpu.enqueue_indirect_dma source(%dma_start3A_345 : memref<10000x128xf32, #tpu.memory_space<hbm>>) target(%arg17 : memref<80x128xf32, #tpu.memory_space<vmem>>) offsets(%dma_start3A_342 : memref<80xi32, #tpu.memory_space<vmem>>) semaphore(%arg20 : memref<!tpu.dma_semaphore, #tpu.memory_space<semaphore_mem>>)
    %dma_wait3A_346 = arith.constant 0 : i32
    %dma_wait3A_347 = arith.constant 0 : i32
    %dma_wait3A_348 = tpu.memref_slice %arg12[%dma_wait3A_346, %dma_wait3A_347] : memref<2x80xi32, #tpu.memory_space<vmem>> -> memref<1x80xi32, #tpu.memory_space<vmem>>
    %dma_wait3A_349 = tpu.memref_squeeze %dma_wait3A_348 : memref<1x80xi32, #tpu.memory_space<vmem>> -> memref<80xi32, #tpu.memory_space<vmem>>
    %dma_wait3A_350 = arith.constant 0 : i32
    %dma_wait3A_351 = arith.constant 0 : i32
    %dma_wait3A_352 = tpu.memref_slice %arg2[%dma_wait3A_350, %dma_wait3A_351] : memref<10000x128xf32, #tpu.memory_space<hbm>> -> memref<10000x128xf32, #tpu.memory_space<hbm>>
    tpu.wait_indirect_dma semaphore(%arg21 : memref<!tpu.dma_semaphore, #tpu.memory_space<semaphore_mem>>) src(%dma_wait3A_352 : memref<10000x128xf32, #tpu.memory_space<hbm>>) dst(%arg18 : memref<80x128xf32, #tpu.memory_space<vmem>>)
    %dma_start3A_353 = arith.constant 1 : i32
    %dma_start3A_354 = arith.constant 0 : i32
    %dma_start3A_355 = tpu.memref_slice %arg12[%dma_start3A_353, %dma_start3A_354] : memref<2x80xi32, #tpu.memory_space<vmem>> -> memref<1x80xi32, #tpu.memory_space<vmem>>
    %dma_start3A_356 = tpu.memref_squeeze %dma_start3A_355 : memref<1x80xi32, #tpu.memory_space<vmem>> -> memref<80xi32, #tpu.memory_space<vmem>>
    %dma_start3A_357 = arith.constant 0 : i32
    %dma_start3A_358 = arith.constant 0 : i32
    %dma_start3A_359 = tpu.memref_slice %arg31[%dma_start3A_357, %dma_start3A_358] : memref<10000x128xf32, #tpu.memory_space<vmem_shared>> -> memref<10000x128xf32, #tpu.memory_space<vmem_shared>>
    tpu.enqueue_indirect_dma source(%arg18 : memref<80x128xf32, #tpu.memory_space<vmem>>) target(%dma_start3A_359 : memref<10000x128xf32, #tpu.memory_space<vmem_shared>>) offsets(%dma_start3A_356 : memref<80xi32, #tpu.memory_space<vmem>>) semaphore(%arg24 : memref<!tpu.dma_semaphore, #tpu.memory_space<semaphore_mem>>) {add = true}
    %dma_start3A_360 = arith.constant 1 : i32
    %dma_start3A_361 = arith.constant 0 : i32
    %dma_start3A_362 = tpu.memref_slice %arg12[%dma_start3A_360, %dma_start3A_361] : memref<2x80xi32, #tpu.memory_space<vmem>> -> memref<1x80xi32, #tpu.memory_space<vmem>>
    %dma_start3A_363 = tpu.memref_squeeze %dma_start3A_362 : memref<1x80xi32, #tpu.memory_space<vmem>> -> memref<80xi32, #tpu.memory_space<vmem>>
    %dma_start3A_364 = arith.constant 0 : i32
    %dma_start3A_365 = tpu.memref_slice %arg33[%dma_start3A_364] : memref<10000xf32, #tpu.memory_space<vmem_shared>> -> memref<10000xf32, #tpu.memory_space<vmem_shared>>
    tpu.enqueue_indirect_dma source(%arg32 : memref<80xf32, #tpu.memory_space<vmem>>) target(%dma_start3A_365 : memref<10000xf32, #tpu.memory_space<vmem_shared>>) offsets(%dma_start3A_363 : memref<80xi32, #tpu.memory_space<vmem>>) semaphore(%arg24 : memref<!tpu.dma_semaphore, #tpu.memory_space<semaphore_mem>>) {add = true}
    %dma_wait3A_366 = arith.constant 1 : i32
    %dma_wait3A_367 = arith.constant 0 : i32
    %dma_wait3A_368 = tpu.memref_slice %arg12[%dma_wait3A_366, %dma_wait3A_367] : memref<2x80xi32, #tpu.memory_space<vmem>> -> memref<1x80xi32, #tpu.memory_space<vmem>>
    %dma_wait3A_369 = tpu.memref_squeeze %dma_wait3A_368 : memref<1x80xi32, #tpu.memory_space<vmem>> -> memref<80xi32, #tpu.memory_space<vmem>>
    %dma_wait3A_370 = arith.constant 0 : i32
    %dma_wait3A_371 = arith.constant 0 : i32
    %dma_wait3A_372 = tpu.memref_slice %arg31[%dma_wait3A_370, %dma_wait3A_371] : memref<10000x128xf32, #tpu.memory_space<vmem_shared>> -> memref<10000x128xf32, #tpu.memory_space<vmem_shared>>
    tpu.wait_indirect_dma semaphore(%arg24 : memref<!tpu.dma_semaphore, #tpu.memory_space<semaphore_mem>>) src(%arg18 : memref<80x128xf32, #tpu.memory_space<vmem>>) dst(%dma_wait3A_372 : memref<10000x128xf32, #tpu.memory_space<vmem_shared>>)
    %dma_wait3A_373 = arith.constant 1 : i32
    %dma_wait3A_374 = arith.constant 0 : i32
    %dma_wait3A_375 = tpu.memref_slice %arg12[%dma_wait3A_373, %dma_wait3A_374] : memref<2x80xi32, #tpu.memory_space<vmem>> -> memref<1x80xi32, #tpu.memory_space<vmem>>
    %dma_wait3A_376 = tpu.memref_squeeze %dma_wait3A_375 : memref<1x80xi32, #tpu.memory_space<vmem>> -> memref<80xi32, #tpu.memory_space<vmem>>
    %dma_wait3A_377 = arith.constant 0 : i32
    %dma_wait3A_378 = tpu.memref_slice %arg33[%dma_wait3A_377] : memref<10000xf32, #tpu.memory_space<vmem_shared>> -> memref<10000xf32, #tpu.memory_space<vmem_shared>>
    tpu.wait_indirect_dma semaphore(%arg24 : memref<!tpu.dma_semaphore, #tpu.memory_space<semaphore_mem>>) src(%arg32 : memref<80xf32, #tpu.memory_space<vmem>>) dst(%dma_wait3A_378 : memref<10000xf32, #tpu.memory_space<vmem_shared>>)
    %dma_wait3A_379 = arith.constant 0 : i32
    %dma_wait3A_380 = arith.constant 0 : i32
    %dma_wait3A_381 = tpu.memref_slice %arg13[%dma_wait3A_379, %dma_wait3A_380] : memref<2x80xi32, #tpu.memory_space<vmem>> -> memref<1x80xi32, #tpu.memory_space<vmem>>
    %dma_wait3A_382 = tpu.memref_squeeze %dma_wait3A_381 : memref<1x80xi32, #tpu.memory_space<vmem>> -> memref<80xi32, #tpu.memory_space<vmem>>
    %dma_wait3A_383 = arith.constant 0 : i32
    %dma_wait3A_384 = arith.constant 0 : i32
    %dma_wait3A_385 = tpu.memref_slice %arg2[%dma_wait3A_383, %dma_wait3A_384] : memref<10000x128xf32, #tpu.memory_space<hbm>> -> memref<10000x128xf32, #tpu.memory_space<hbm>>
    tpu.wait_indirect_dma semaphore(%arg19 : memref<!tpu.dma_semaphore, #tpu.memory_space<semaphore_mem>>) src(%dma_wait3A_385 : memref<10000x128xf32, #tpu.memory_space<hbm>>) dst(%arg16 : memref<80x128xf32, #tpu.memory_space<vmem>>)
    %dma_start3A_386 = arith.constant 1 : i32
    %dma_start3A_387 = arith.constant 0 : i32
    %dma_start3A_388 = tpu.memref_slice %arg13[%dma_start3A_386, %dma_start3A_387] : memref<2x80xi32, #tpu.memory_space<vmem>> -> memref<1x80xi32, #tpu.memory_space<vmem>>
    %dma_start3A_389 = tpu.memref_squeeze %dma_start3A_388 : memref<1x80xi32, #tpu.memory_space<vmem>> -> memref<80xi32, #tpu.memory_space<vmem>>
    %dma_start3A_390 = arith.constant 0 : i32
    %dma_start3A_391 = arith.constant 0 : i32
    %dma_start3A_392 = tpu.memref_slice %arg31[%dma_start3A_390, %dma_start3A_391] : memref<10000x128xf32, #tpu.memory_space<vmem_shared>> -> memref<10000x128xf32, #tpu.memory_space<vmem_shared>>
    tpu.enqueue_indirect_dma source(%arg16 : memref<80x128xf32, #tpu.memory_space<vmem>>) target(%dma_start3A_392 : memref<10000x128xf32, #tpu.memory_space<vmem_shared>>) offsets(%dma_start3A_389 : memref<80xi32, #tpu.memory_space<vmem>>) semaphore(%arg22 : memref<!tpu.dma_semaphore, #tpu.memory_space<semaphore_mem>>) {add = true}
    %dma_start3A_393 = arith.constant 1 : i32
    %dma_start3A_394 = arith.constant 0 : i32
    %dma_start3A_395 = tpu.memref_slice %arg13[%dma_start3A_393, %dma_start3A_394] : memref<2x80xi32, #tpu.memory_space<vmem>> -> memref<1x80xi32, #tpu.memory_space<vmem>>
    %dma_start3A_396 = tpu.memref_squeeze %dma_start3A_395 : memref<1x80xi32, #tpu.memory_space<vmem>> -> memref<80xi32, #tpu.memory_space<vmem>>
    %dma_start3A_397 = arith.constant 0 : i32
    %dma_start3A_398 = tpu.memref_slice %arg33[%dma_start3A_397] : memref<10000xf32, #tpu.memory_space<vmem_shared>> -> memref<10000xf32, #tpu.memory_space<vmem_shared>>
    tpu.enqueue_indirect_dma source(%arg32 : memref<80xf32, #tpu.memory_space<vmem>>) target(%dma_start3A_398 : memref<10000xf32, #tpu.memory_space<vmem_shared>>) offsets(%dma_start3A_396 : memref<80xi32, #tpu.memory_space<vmem>>) semaphore(%arg22 : memref<!tpu.dma_semaphore, #tpu.memory_space<semaphore_mem>>) {add = true}
    %dma_wait3A_399 = arith.constant 1 : i32
    %dma_wait3A_400 = arith.constant 0 : i32
    %dma_wait3A_401 = tpu.memref_slice %arg13[%dma_wait3A_399, %dma_wait3A_400] : memref<2x80xi32, #tpu.memory_space<vmem>> -> memref<1x80xi32, #tpu.memory_space<vmem>>
    %dma_wait3A_402 = tpu.memref_squeeze %dma_wait3A_401 : memref<1x80xi32, #tpu.memory_space<vmem>> -> memref<80xi32, #tpu.memory_space<vmem>>
    %dma_wait3A_403 = arith.constant 0 : i32
    %dma_wait3A_404 = arith.constant 0 : i32
    %dma_wait3A_405 = tpu.memref_slice %arg31[%dma_wait3A_403, %dma_wait3A_404] : memref<10000x128xf32, #tpu.memory_space<vmem_shared>> -> memref<10000x128xf32, #tpu.memory_space<vmem_shared>>
    tpu.wait_indirect_dma semaphore(%arg22 : memref<!tpu.dma_semaphore, #tpu.memory_space<semaphore_mem>>) src(%arg16 : memref<80x128xf32, #tpu.memory_space<vmem>>) dst(%dma_wait3A_405 : memref<10000x128xf32, #tpu.memory_space<vmem_shared>>)
    %dma_wait3A_406 = arith.constant 1 : i32
    %dma_wait3A_407 = arith.constant 0 : i32
    %dma_wait3A_408 = tpu.memref_slice %arg13[%dma_wait3A_406, %dma_wait3A_407] : memref<2x80xi32, #tpu.memory_space<vmem>> -> memref<1x80xi32, #tpu.memory_space<vmem>>
    %dma_wait3A_409 = tpu.memref_squeeze %dma_wait3A_408 : memref<1x80xi32, #tpu.memory_space<vmem>> -> memref<80xi32, #tpu.memory_space<vmem>>
    %dma_wait3A_410 = arith.constant 0 : i32
    %dma_wait3A_411 = tpu.memref_slice %arg33[%dma_wait3A_410] : memref<10000xf32, #tpu.memory_space<vmem_shared>> -> memref<10000xf32, #tpu.memory_space<vmem_shared>>
    tpu.wait_indirect_dma semaphore(%arg22 : memref<!tpu.dma_semaphore, #tpu.memory_space<semaphore_mem>>) src(%arg32 : memref<80xf32, #tpu.memory_space<vmem>>) dst(%dma_wait3A_411 : memref<10000xf32, #tpu.memory_space<vmem_shared>>)
    %dma_wait3A_412 = arith.constant 0 : i32
    %dma_wait3A_413 = arith.constant 0 : i32
    %dma_wait3A_414 = tpu.memref_slice %arg14[%dma_wait3A_412, %dma_wait3A_413] : memref<2x80xi32, #tpu.memory_space<vmem>> -> memref<1x80xi32, #tpu.memory_space<vmem>>
    %dma_wait3A_415 = tpu.memref_squeeze %dma_wait3A_414 : memref<1x80xi32, #tpu.memory_space<vmem>> -> memref<80xi32, #tpu.memory_space<vmem>>
    %dma_wait3A_416 = arith.constant 0 : i32
    %dma_wait3A_417 = arith.constant 0 : i32
    %dma_wait3A_418 = tpu.memref_slice %arg2[%dma_wait3A_416, %dma_wait3A_417] : memref<10000x128xf32, #tpu.memory_space<hbm>> -> memref<10000x128xf32, #tpu.memory_space<hbm>>
    tpu.wait_indirect_dma semaphore(%arg20 : memref<!tpu.dma_semaphore, #tpu.memory_space<semaphore_mem>>) src(%dma_wait3A_418 : memref<10000x128xf32, #tpu.memory_space<hbm>>) dst(%arg17 : memref<80x128xf32, #tpu.memory_space<vmem>>)
    %dma_start3A_419 = arith.constant 1 : i32
    %dma_start3A_420 = arith.constant 0 : i32
    %dma_start3A_421 = tpu.memref_slice %arg14[%dma_start3A_419, %dma_start3A_420] : memref<2x80xi32, #tpu.memory_space<vmem>> -> memref<1x80xi32, #tpu.memory_space<vmem>>
    %dma_start3A_422 = tpu.memref_squeeze %dma_start3A_421 : memref<1x80xi32, #tpu.memory_space<vmem>> -> memref<80xi32, #tpu.memory_space<vmem>>
    %dma_start3A_423 = arith.constant 0 : i32
    %dma_start3A_424 = arith.constant 0 : i32
    %dma_start3A_425 = tpu.memref_slice %arg31[%dma_start3A_423, %dma_start3A_424] : memref<10000x128xf32, #tpu.memory_space<vmem_shared>> -> memref<10000x128xf32, #tpu.memory_space<vmem_shared>>
    tpu.enqueue_indirect_dma source(%arg17 : memref<80x128xf32, #tpu.memory_space<vmem>>) target(%dma_start3A_425 : memref<10000x128xf32, #tpu.memory_space<vmem_shared>>) offsets(%dma_start3A_422 : memref<80xi32, #tpu.memory_space<vmem>>) semaphore(%arg23 : memref<!tpu.dma_semaphore, #tpu.memory_space<semaphore_mem>>) {add = true}
    %dma_start3A_426 = arith.constant 1 : i32
    %dma_start3A_427 = arith.constant 0 : i32
    %dma_start3A_428 = tpu.memref_slice %arg14[%dma_start3A_426, %dma_start3A_427] : memref<2x80xi32, #tpu.memory_space<vmem>> -> memref<1x80xi32, #tpu.memory_space<vmem>>
    %dma_start3A_429 = tpu.memref_squeeze %dma_start3A_428 : memref<1x80xi32, #tpu.memory_space<vmem>> -> memref<80xi32, #tpu.memory_space<vmem>>
    %dma_start3A_430 = arith.constant 0 : i32
    %dma_start3A_431 = tpu.memref_slice %arg33[%dma_start3A_430] : memref<10000xf32, #tpu.memory_space<vmem_shared>> -> memref<10000xf32, #tpu.memory_space<vmem_shared>>
    tpu.enqueue_indirect_dma source(%arg32 : memref<80xf32, #tpu.memory_space<vmem>>) target(%dma_start3A_431 : memref<10000xf32, #tpu.memory_space<vmem_shared>>) offsets(%dma_start3A_429 : memref<80xi32, #tpu.memory_space<vmem>>) semaphore(%arg23 : memref<!tpu.dma_semaphore, #tpu.memory_space<semaphore_mem>>) {add = true}
    %dma_wait3A_432 = arith.constant 1 : i32
    %dma_wait3A_433 = arith.constant 0 : i32
    %dma_wait3A_434 = tpu.memref_slice %arg14[%dma_wait3A_432, %dma_wait3A_433] : memref<2x80xi32, #tpu.memory_space<vmem>> -> memref<1x80xi32, #tpu.memory_space<vmem>>
    %dma_wait3A_435 = tpu.memref_squeeze %dma_wait3A_434 : memref<1x80xi32, #tpu.memory_space<vmem>> -> memref<80xi32, #tpu.memory_space<vmem>>
    %dma_wait3A_436 = arith.constant 0 : i32
    %dma_wait3A_437 = arith.constant 0 : i32
    %dma_wait3A_438 = tpu.memref_slice %arg31[%dma_wait3A_436, %dma_wait3A_437] : memref<10000x128xf32, #tpu.memory_space<vmem_shared>> -> memref<10000x128xf32, #tpu.memory_space<vmem_shared>>
    tpu.wait_indirect_dma semaphore(%arg23 : memref<!tpu.dma_semaphore, #tpu.memory_space<semaphore_mem>>) src(%arg17 : memref<80x128xf32, #tpu.memory_space<vmem>>) dst(%dma_wait3A_438 : memref<10000x128xf32, #tpu.memory_space<vmem_shared>>)
    %dma_wait3A_439 = arith.constant 1 : i32
    %dma_wait3A_440 = arith.constant 0 : i32
    %dma_wait3A_441 = tpu.memref_slice %arg14[%dma_wait3A_439, %dma_wait3A_440] : memref<2x80xi32, #tpu.memory_space<vmem>> -> memref<1x80xi32, #tpu.memory_space<vmem>>
    %dma_wait3A_442 = tpu.memref_squeeze %dma_wait3A_441 : memref<1x80xi32, #tpu.memory_space<vmem>> -> memref<80xi32, #tpu.memory_space<vmem>>
    %dma_wait3A_443 = arith.constant 0 : i32
    %dma_wait3A_444 = tpu.memref_slice %arg33[%dma_wait3A_443] : memref<10000xf32, #tpu.memory_space<vmem_shared>> -> memref<10000xf32, #tpu.memory_space<vmem_shared>>
    tpu.wait_indirect_dma semaphore(%arg23 : memref<!tpu.dma_semaphore, #tpu.memory_space<semaphore_mem>>) src(%arg32 : memref<80xf32, #tpu.memory_space<vmem>>) dst(%dma_wait3A_444 : memref<10000xf32, #tpu.memory_space<vmem_shared>>)
    %barrier3A_445 = arith.constant 0 : index
    tpu.barrier barrier_id(%barrier3A_445)
    %lt3A_446 = arith.constant 15 : i32
    %lt3A_447 = arith.cmpi slt, %arg1, %lt3A_446 : i32
    %convert_element_type3A_448 = arith.extui %lt3A_447 : i1 to i32
    %cond3A_449 = arith.constant 0 : i32
    %cond3A_450 = arith.cmpi ne, %convert_element_type3A_448, %cond3A_449 : i32
    scf.if %cond3A_450 {
      %mul3A_466 = arith.constant 632 : i32
      %mul3A_467 = arith.muli %arg1, %mul3A_466 : i32
      %mul3A_468 = arith.constant 10000 : i32
      %mul3A_469 = arith.muli %arg0, %mul3A_468 : i32
      %mul3A_470 = arith.constant 632 : i32
      %mul3A_471 = arith.muli %arg1, %mul3A_470 : i32
      %add3A_472 = arith.addi %mul3A_469, %mul3A_471 : i32
      "tpu.region"() ({
        %run_scoped3A = tpu.sem_alloc : memref<!tpu.dma_semaphore, #tpu.memory_space<semaphore_mem>>
        %dma_start3A_473 = arith.constant 0 : i32
        %dma_start3A_474 = tpu.memref_slice %arg8[%add3A_472, %dma_start3A_473] : memref<20000x128xf32, #tpu.memory_space<hbm>> -> memref<632x128xf32, #tpu.memory_space<hbm>>
        %dma_start3A_475 = arith.constant 0 : i32
        %dma_start3A_476 = tpu.memref_slice %arg31[%mul3A_467, %dma_start3A_475] : memref<10000x128xf32, #tpu.memory_space<vmem_shared>> -> memref<632x128xf32, #tpu.memory_space<vmem_shared>>
        tpu.enqueue_dma source(%dma_start3A_476 : memref<632x128xf32, #tpu.memory_space<vmem_shared>>) target(%dma_start3A_474 : memref<632x128xf32, #tpu.memory_space<hbm>>) target_semaphore(%run_scoped3A : memref<!tpu.dma_semaphore, #tpu.memory_space<semaphore_mem>>)
        %dma_wait3A_477 = arith.constant 0 : i32
        %dma_wait3A_478 = tpu.memref_slice %arg8[%add3A_472, %dma_wait3A_477] : memref<20000x128xf32, #tpu.memory_space<hbm>> -> memref<632x128xf32, #tpu.memory_space<hbm>>
        %dma_wait3A_479 = arith.constant 0 : i32
        %dma_wait3A_480 = tpu.memref_slice %arg31[%mul3A_467, %dma_wait3A_479] : memref<10000x128xf32, #tpu.memory_space<vmem_shared>> -> memref<632x128xf32, #tpu.memory_space<vmem_shared>>
        tpu.wait_dma2 semaphore(%run_scoped3A : memref<!tpu.dma_semaphore, #tpu.memory_space<semaphore_mem>>) src(%dma_wait3A_480 : memref<632x128xf32, #tpu.memory_space<vmem_shared>>) dst(%dma_wait3A_478 : memref<632x128xf32, #tpu.memory_space<hbm>>)
        tpu.yield
      }) : () -> ()
    } else {
    }
    %eq3A_451 = arith.constant 15 : i32
    %eq3A_452 = arith.cmpi eq, %arg1, %eq3A_451 : i32
    %convert_element_type3A_453 = arith.extui %eq3A_452 : i1 to i32
    %cond3A_454 = arith.constant 0 : i32
    %cond3A_455 = arith.cmpi ne, %convert_element_type3A_453, %cond3A_454 : i32
    scf.if %cond3A_455 {
      %mul3A_466 = arith.constant 10000 : i32
      %mul3A_467 = arith.muli %arg0, %mul3A_466 : i32
      %add3A_468 = arith.constant 9480 : i32
      %add3A_469 = arith.addi %mul3A_467, %add3A_468 : i32
      "tpu.region"() ({
        %run_scoped3A = tpu.sem_alloc : memref<!tpu.dma_semaphore, #tpu.memory_space<semaphore_mem>>
        %dma_start3A_470 = arith.constant 0 : i32
        %dma_start3A_471 = tpu.memref_slice %arg8[%add3A_469, %dma_start3A_470] : memref<20000x128xf32, #tpu.memory_space<hbm>> -> memref<520x128xf32, #tpu.memory_space<hbm>>
        %dma_start3A_472 = arith.constant 9480 : i32
        %dma_start3A_473 = arith.constant 0 : i32
        %dma_start3A_474 = tpu.memref_slice %arg31[%dma_start3A_472, %dma_start3A_473] : memref<10000x128xf32, #tpu.memory_space<vmem_shared>> -> memref<520x128xf32, #tpu.memory_space<vmem_shared>>
        tpu.enqueue_dma source(%dma_start3A_474 : memref<520x128xf32, #tpu.memory_space<vmem_shared>>) target(%dma_start3A_471 : memref<520x128xf32, #tpu.memory_space<hbm>>) target_semaphore(%run_scoped3A : memref<!tpu.dma_semaphore, #tpu.memory_space<semaphore_mem>>)
        %dma_wait3A_475 = arith.constant 0 : i32
        %dma_wait3A_476 = tpu.memref_slice %arg8[%add3A_469, %dma_wait3A_475] : memref<20000x128xf32, #tpu.memory_space<hbm>> -> memref<520x128xf32, #tpu.memory_space<hbm>>
        %dma_wait3A_477 = arith.constant 9480 : i32
        %dma_wait3A_478 = arith.constant 0 : i32
        %dma_wait3A_479 = tpu.memref_slice %arg31[%dma_wait3A_477, %dma_wait3A_478] : memref<10000x128xf32, #tpu.memory_space<vmem_shared>> -> memref<520x128xf32, #tpu.memory_space<vmem_shared>>
        tpu.wait_dma2 semaphore(%run_scoped3A : memref<!tpu.dma_semaphore, #tpu.memory_space<semaphore_mem>>) src(%dma_wait3A_479 : memref<520x128xf32, #tpu.memory_space<vmem_shared>>) dst(%dma_wait3A_476 : memref<520x128xf32, #tpu.memory_space<hbm>>)
        tpu.yield
      }) : () -> ()
    } else {
    }
    %lt3A_456 = arith.constant 15 : i32
    %lt3A_457 = arith.cmpi slt, %arg1, %lt3A_456 : i32
    %convert_element_type3A_458 = arith.extui %lt3A_457 : i1 to i32
    %cond3A_459 = arith.constant 0 : i32
    %cond3A_460 = arith.cmpi ne, %convert_element_type3A_458, %cond3A_459 : i32
    scf.if %cond3A_460 {
      %mul3A_466 = arith.constant 632 : i32
      %mul3A_467 = arith.muli %arg1, %mul3A_466 : i32
      "tpu.region"() ({
        %run_scoped3A = tpu.sem_alloc : memref<!tpu.dma_semaphore, #tpu.memory_space<semaphore_mem>>
        %dma_start3A_473 = tpu.memref_slice %arg33[%mul3A_467] : memref<10000xf32, #tpu.memory_space<vmem_shared>> -> memref<632xf32, #tpu.memory_space<vmem_shared>>
        %dma_start3A_474 = tpu.memref_slice %arg33[%mul3A_467] : memref<10000xf32, #tpu.memory_space<vmem_shared>> -> memref<632xf32, #tpu.memory_space<vmem_shared>>
        tpu.enqueue_dma source(%dma_start3A_474 : memref<632xf32, #tpu.memory_space<vmem_shared>>) target(%arg34 : memref<632xf32, #tpu.memory_space<vmem>>) target_semaphore(%run_scoped3A : memref<!tpu.dma_semaphore, #tpu.memory_space<semaphore_mem>>)
        %dma_wait3A_475 = tpu.memref_slice %arg33[%mul3A_467] : memref<10000xf32, #tpu.memory_space<vmem_shared>> -> memref<632xf32, #tpu.memory_space<vmem_shared>>
        %dma_wait3A_476 = tpu.memref_slice %arg33[%mul3A_467] : memref<10000xf32, #tpu.memory_space<vmem_shared>> -> memref<632xf32, #tpu.memory_space<vmem_shared>>
        tpu.wait_dma2 semaphore(%run_scoped3A : memref<!tpu.dma_semaphore, #tpu.memory_space<semaphore_mem>>) src(%dma_wait3A_476 : memref<632xf32, #tpu.memory_space<vmem_shared>>) dst(%arg34 : memref<632xf32, #tpu.memory_space<vmem>>)
        tpu.yield
      }) : () -> ()
      %mul3A_468 = arith.constant 10000 : i32
      %mul3A_469 = arith.muli %arg0, %mul3A_468 : i32
      %mul3A_470 = arith.constant 632 : i32
      %mul3A_471 = arith.muli %arg1, %mul3A_470 : i32
      %add3A_472 = arith.addi %mul3A_469, %mul3A_471 : i32
      "tpu.region"() ({
        %run_scoped3A = tpu.sem_alloc : memref<!tpu.dma_semaphore, #tpu.memory_space<semaphore_mem>>
        %dma_start3A_473 = tpu.memref_slice %arg9[%add3A_472] : memref<20000xf32, #tpu.memory_space<hbm>> -> memref<632xf32, #tpu.memory_space<hbm>>
        %dma_start3A_474 = tpu.memref_slice %arg9[%add3A_472] : memref<20000xf32, #tpu.memory_space<hbm>> -> memref<632xf32, #tpu.memory_space<hbm>>
        tpu.enqueue_dma source(%arg34 : memref<632xf32, #tpu.memory_space<vmem>>) target(%dma_start3A_474 : memref<632xf32, #tpu.memory_space<hbm>>) target_semaphore(%run_scoped3A : memref<!tpu.dma_semaphore, #tpu.memory_space<semaphore_mem>>)
        %dma_wait3A_475 = tpu.memref_slice %arg9[%add3A_472] : memref<20000xf32, #tpu.memory_space<hbm>> -> memref<632xf32, #tpu.memory_space<hbm>>
        %dma_wait3A_476 = tpu.memref_slice %arg9[%add3A_472] : memref<20000xf32, #tpu.memory_space<hbm>> -> memref<632xf32, #tpu.memory_space<hbm>>
        tpu.wait_dma2 semaphore(%run_scoped3A : memref<!tpu.dma_semaphore, #tpu.memory_space<semaphore_mem>>) src(%arg34 : memref<632xf32, #tpu.memory_space<vmem>>) dst(%dma_wait3A_476 : memref<632xf32, #tpu.memory_space<hbm>>)
        tpu.yield
      }) : () -> ()
    } else {
    }
    %eq3A_461 = arith.constant 15 : i32
    %eq3A_462 = arith.cmpi eq, %arg1, %eq3A_461 : i32
    %convert_element_type3A_463 = arith.extui %eq3A_462 : i1 to i32
    %cond3A_464 = arith.constant 0 : i32
    %cond3A_465 = arith.cmpi ne, %convert_element_type3A_463, %cond3A_464 : i32
    scf.if %cond3A_465 {
      "tpu.region"() ({
        %run_scoped3A = tpu.sem_alloc : memref<!tpu.dma_semaphore, #tpu.memory_space<semaphore_mem>>
        %dma_start3A_470 = arith.constant 0 : i32
        %dma_start3A_471 = tpu.memref_slice %arg34[%dma_start3A_470] : memref<632xf32, #tpu.memory_space<vmem>> -> memref<520xf32, #tpu.memory_space<vmem>>
        %dma_start3A_472 = arith.constant 9480 : i32
        %dma_start3A_473 = tpu.memref_slice %arg33[%dma_start3A_472] : memref<10000xf32, #tpu.memory_space<vmem_shared>> -> memref<520xf32, #tpu.memory_space<vmem_shared>>
        %dma_start3A_474 = arith.constant 0 : i32
        %dma_start3A_475 = tpu.memref_slice %arg34[%dma_start3A_474] : memref<632xf32, #tpu.memory_space<vmem>> -> memref<520xf32, #tpu.memory_space<vmem>>
        %dma_start3A_476 = arith.constant 9480 : i32
        %dma_start3A_477 = tpu.memref_slice %arg33[%dma_start3A_476] : memref<10000xf32, #tpu.memory_space<vmem_shared>> -> memref<520xf32, #tpu.memory_space<vmem_shared>>
        tpu.enqueue_dma source(%dma_start3A_477 : memref<520xf32, #tpu.memory_space<vmem_shared>>) target(%dma_start3A_475 : memref<520xf32, #tpu.memory_space<vmem>>) target_semaphore(%run_scoped3A : memref<!tpu.dma_semaphore, #tpu.memory_space<semaphore_mem>>)
        %dma_wait3A_478 = arith.constant 0 : i32
        %dma_wait3A_479 = tpu.memref_slice %arg34[%dma_wait3A_478] : memref<632xf32, #tpu.memory_space<vmem>> -> memref<520xf32, #tpu.memory_space<vmem>>
        %dma_wait3A_480 = arith.constant 9480 : i32
        %dma_wait3A_481 = tpu.memref_slice %arg33[%dma_wait3A_480] : memref<10000xf32, #tpu.memory_space<vmem_shared>> -> memref<520xf32, #tpu.memory_space<vmem_shared>>
        %dma_wait3A_482 = arith.constant 0 : i32
        %dma_wait3A_483 = tpu.memref_slice %arg34[%dma_wait3A_482] : memref<632xf32, #tpu.memory_space<vmem>> -> memref<520xf32, #tpu.memory_space<vmem>>
        %dma_wait3A_484 = arith.constant 9480 : i32
        %dma_wait3A_485 = tpu.memref_slice %arg33[%dma_wait3A_484] : memref<10000xf32, #tpu.memory_space<vmem_shared>> -> memref<520xf32, #tpu.memory_space<vmem_shared>>
        tpu.wait_dma2 semaphore(%run_scoped3A : memref<!tpu.dma_semaphore, #tpu.memory_space<semaphore_mem>>) src(%dma_wait3A_485 : memref<520xf32, #tpu.memory_space<vmem_shared>>) dst(%dma_wait3A_483 : memref<520xf32, #tpu.memory_space<vmem>>)
        tpu.yield
      }) : () -> ()
      %mul3A_466 = arith.constant 10000 : i32
      %mul3A_467 = arith.muli %arg0, %mul3A_466 : i32
      %add3A_468 = arith.constant 9480 : i32
      %add3A_469 = arith.addi %mul3A_467, %add3A_468 : i32
      "tpu.region"() ({
        %run_scoped3A = tpu.sem_alloc : memref<!tpu.dma_semaphore, #tpu.memory_space<semaphore_mem>>
        %dma_start3A_470 = arith.constant 0 : i32
        %dma_start3A_471 = tpu.memref_slice %arg34[%dma_start3A_470] : memref<632xf32, #tpu.memory_space<vmem>> -> memref<520xf32, #tpu.memory_space<vmem>>
        %dma_start3A_472 = tpu.memref_slice %arg9[%add3A_469] : memref<20000xf32, #tpu.memory_space<hbm>> -> memref<520xf32, #tpu.memory_space<hbm>>
        %dma_start3A_473 = tpu.memref_slice %arg9[%add3A_469] : memref<20000xf32, #tpu.memory_space<hbm>> -> memref<520xf32, #tpu.memory_space<hbm>>
        %dma_start3A_474 = arith.constant 0 : i32
        %dma_start3A_475 = tpu.memref_slice %arg34[%dma_start3A_474] : memref<632xf32, #tpu.memory_space<vmem>> -> memref<520xf32, #tpu.memory_space<vmem>>
        tpu.enqueue_dma source(%dma_start3A_475 : memref<520xf32, #tpu.memory_space<vmem>>) target(%dma_start3A_473 : memref<520xf32, #tpu.memory_space<hbm>>) target_semaphore(%run_scoped3A : memref<!tpu.dma_semaphore, #tpu.memory_space<semaphore_mem>>)
        %dma_wait3A_476 = arith.constant 0 : i32
        %dma_wait3A_477 = tpu.memref_slice %arg34[%dma_wait3A_476] : memref<632xf32, #tpu.memory_space<vmem>> -> memref<520xf32, #tpu.memory_space<vmem>>
        %dma_wait3A_478 = tpu.memref_slice %arg9[%add3A_469] : memref<20000xf32, #tpu.memory_space<hbm>> -> memref<520xf32, #tpu.memory_space<hbm>>
        %dma_wait3A_479 = tpu.memref_slice %arg9[%add3A_469] : memref<20000xf32, #tpu.memory_space<hbm>> -> memref<520xf32, #tpu.memory_space<hbm>>
        %dma_wait3A_480 = arith.constant 0 : i32
        %dma_wait3A_481 = tpu.memref_slice %arg34[%dma_wait3A_480] : memref<632xf32, #tpu.memory_space<vmem>> -> memref<520xf32, #tpu.memory_space<vmem>>
        tpu.wait_dma2 semaphore(%run_scoped3A : memref<!tpu.dma_semaphore, #tpu.memory_space<semaphore_mem>>) src(%dma_wait3A_481 : memref<520xf32, #tpu.memory_space<vmem>>) dst(%dma_wait3A_479 : memref<520xf32, #tpu.memory_space<hbm>>)
        tpu.yield
      }) : () -> ()
    } else {
    }
    return
  }
}

#map = affine_map<(d0, d1) -> (0, 0)>
#map1 = affine_map<(d0, d1) -> (0)>
module attributes {stable_mosaic.version = 14 : i64} {
  func.func @body(%arg0: i32, %arg1: i32, %arg2: memref<10000x128xf32, #tpu.memory_space<hbm>>, %arg3: memref<320000xi32, #tpu.memory_space<hbm>>, %arg4: memref<320000xi32, #tpu.memory_space<hbm>>, %arg5: memref<632x128xf32, #tpu.memory_space<hbm>>, %arg6: memref<20000x128xf32, #tpu.memory_space<hbm>>, %arg7: memref<2x80xi32, #tpu.memory_space<vmem>>, %arg8: memref<2x80xi32, #tpu.memory_space<vmem>>, %arg9: memref<2x80xi32, #tpu.memory_space<vmem>>, %arg10: memref<2x80xi32, #tpu.memory_space<vmem>>, %arg11: memref<2x80xi32, #tpu.memory_space<vmem>>, %arg12: memref<2x80xi32, #tpu.memory_space<vmem>>, %arg13: memref<80x128xf32, #tpu.memory_space<vmem>>, %arg14: memref<80x128xf32, #tpu.memory_space<vmem>>, %arg15: memref<80x128xf32, #tpu.memory_space<vmem>>, %arg16: memref<!tpu.dma_semaphore, #tpu.memory_space<semaphore_mem>>, %arg17: memref<!tpu.dma_semaphore, #tpu.memory_space<semaphore_mem>>, %arg18: memref<!tpu.dma_semaphore, #tpu.memory_space<semaphore_mem>>, %arg19: memref<!tpu.dma_semaphore, #tpu.memory_space<semaphore_mem>>, %arg20: memref<!tpu.dma_semaphore, #tpu.memory_space<semaphore_mem>>, %arg21: memref<!tpu.dma_semaphore, #tpu.memory_space<semaphore_mem>>, %arg22: memref<!tpu.dma_semaphore, #tpu.memory_space<semaphore_mem>>, %arg23: memref<!tpu.dma_semaphore, #tpu.memory_space<semaphore_mem>>, %arg24: memref<!tpu.dma_semaphore, #tpu.memory_space<semaphore_mem>>, %arg25: memref<!tpu.dma_semaphore, #tpu.memory_space<semaphore_mem>>, %arg26: memref<!tpu.dma_semaphore, #tpu.memory_space<semaphore_mem>>, %arg27: memref<!tpu.dma_semaphore, #tpu.memory_space<semaphore_mem>>, %arg28: memref<10000x128xf32, #tpu.memory_space<vmem_shared>>) attributes {dimension_semantics = [#tpu.dimension_semantics<core_parallel>, #tpu.dimension_semantics<subcore_parallel>], iteration_bounds = array<i64: 2, 16>, scalar_prefetch = 0 : i64, scratch_operands = 22 : i64, tpu.core_type = #tpu.core_type<sc_vector_subcore>, window_params = [{transform_indices = #map}, {transform_indices = #map1}, {transform_indices = #map1}, {transform_indices = #map}, {transform_indices = #map}]} {
    %mul3A = arith.constant 16 : i32
    %mul3A_0 = arith.muli %arg0, %mul3A : i32
    %add3A = arith.addi %mul3A_0, %arg1 : i32
    %mul3A_1 = arith.constant 10000 : i32
    %mul3A_2 = arith.muli %add3A, %mul3A_1 : i32
    %add3A_3 = arith.constant 0 : i32
    %add3A_4 = arith.addi %mul3A_2, %add3A_3 : i32
    %dma_start3A = arith.constant 0 : i32
    %dma_start3A_5 = arith.constant 0 : i32
    %dma_start3A_6 = tpu.memref_slice %arg7[%dma_start3A, %dma_start3A_5] : memref<2x80xi32, #tpu.memory_space<vmem>> -> memref<1x80xi32, #tpu.memory_space<vmem>>
    %dma_start3A_7 = tpu.memref_squeeze %dma_start3A_6 : memref<1x80xi32, #tpu.memory_space<vmem>> -> memref<80xi32, #tpu.memory_space<vmem>>
    %dma_start3A_8 = tpu.memref_slice %arg3[%add3A_4] : memref<320000xi32, #tpu.memory_space<hbm>> -> memref<80xi32, #tpu.memory_space<hbm>>
    %dma_start3A_9 = arith.constant 0 : i32
    %dma_start3A_10 = tpu.memref_slice %arg7[%dma_start3A, %dma_start3A_9] : memref<2x80xi32, #tpu.memory_space<vmem>> -> memref<1x80xi32, #tpu.memory_space<vmem>>
    %dma_start3A_11 = tpu.memref_squeeze %dma_start3A_10 : memref<1x80xi32, #tpu.memory_space<vmem>> -> memref<80xi32, #tpu.memory_space<vmem>>
    %dma_start3A_12 = tpu.memref_slice %arg3[%add3A_4] : memref<320000xi32, #tpu.memory_space<hbm>> -> memref<80xi32, #tpu.memory_space<hbm>>
    tpu.enqueue_dma source(%dma_start3A_12 : memref<80xi32, #tpu.memory_space<hbm>>) target(%dma_start3A_11 : memref<80xi32, #tpu.memory_space<vmem>>) target_semaphore(%arg22 : memref<!tpu.dma_semaphore, #tpu.memory_space<semaphore_mem>>)
    %dma_start3A_13 = arith.constant 1 : i32
    %dma_start3A_14 = arith.constant 0 : i32
    %dma_start3A_15 = tpu.memref_slice %arg7[%dma_start3A_13, %dma_start3A_14] : memref<2x80xi32, #tpu.memory_space<vmem>> -> memref<1x80xi32, #tpu.memory_space<vmem>>
    %dma_start3A_16 = tpu.memref_squeeze %dma_start3A_15 : memref<1x80xi32, #tpu.memory_space<vmem>> -> memref<80xi32, #tpu.memory_space<vmem>>
    %dma_start3A_17 = tpu.memref_slice %arg4[%add3A_4] : memref<320000xi32, #tpu.memory_space<hbm>> -> memref<80xi32, #tpu.memory_space<hbm>>
    %dma_start3A_18 = arith.constant 0 : i32
    %dma_start3A_19 = tpu.memref_slice %arg7[%dma_start3A_13, %dma_start3A_18] : memref<2x80xi32, #tpu.memory_space<vmem>> -> memref<1x80xi32, #tpu.memory_space<vmem>>
    %dma_start3A_20 = tpu.memref_squeeze %dma_start3A_19 : memref<1x80xi32, #tpu.memory_space<vmem>> -> memref<80xi32, #tpu.memory_space<vmem>>
    %dma_start3A_21 = tpu.memref_slice %arg4[%add3A_4] : memref<320000xi32, #tpu.memory_space<hbm>> -> memref<80xi32, #tpu.memory_space<hbm>>
    tpu.enqueue_dma source(%dma_start3A_21 : memref<80xi32, #tpu.memory_space<hbm>>) target(%dma_start3A_20 : memref<80xi32, #tpu.memory_space<vmem>>) target_semaphore(%arg22 : memref<!tpu.dma_semaphore, #tpu.memory_space<semaphore_mem>>)
    %add3A_22 = arith.constant 80 : i32
    %add3A_23 = arith.addi %mul3A_2, %add3A_22 : i32
    %dma_start3A_24 = arith.constant 0 : i32
    %dma_start3A_25 = arith.constant 0 : i32
    %dma_start3A_26 = tpu.memref_slice %arg8[%dma_start3A_24, %dma_start3A_25] : memref<2x80xi32, #tpu.memory_space<vmem>> -> memref<1x80xi32, #tpu.memory_space<vmem>>
    %dma_start3A_27 = tpu.memref_squeeze %dma_start3A_26 : memref<1x80xi32, #tpu.memory_space<vmem>> -> memref<80xi32, #tpu.memory_space<vmem>>
    %dma_start3A_28 = tpu.memref_slice %arg3[%add3A_23] : memref<320000xi32, #tpu.memory_space<hbm>> -> memref<80xi32, #tpu.memory_space<hbm>>
    %dma_start3A_29 = arith.constant 0 : i32
    %dma_start3A_30 = tpu.memref_slice %arg8[%dma_start3A_24, %dma_start3A_29] : memref<2x80xi32, #tpu.memory_space<vmem>> -> memref<1x80xi32, #tpu.memory_space<vmem>>
    %dma_start3A_31 = tpu.memref_squeeze %dma_start3A_30 : memref<1x80xi32, #tpu.memory_space<vmem>> -> memref<80xi32, #tpu.memory_space<vmem>>
    %dma_start3A_32 = tpu.memref_slice %arg3[%add3A_23] : memref<320000xi32, #tpu.memory_space<hbm>> -> memref<80xi32, #tpu.memory_space<hbm>>
    tpu.enqueue_dma source(%dma_start3A_32 : memref<80xi32, #tpu.memory_space<hbm>>) target(%dma_start3A_31 : memref<80xi32, #tpu.memory_space<vmem>>) target_semaphore(%arg23 : memref<!tpu.dma_semaphore, #tpu.memory_space<semaphore_mem>>)
    %dma_start3A_33 = arith.constant 1 : i32
    %dma_start3A_34 = arith.constant 0 : i32
    %dma_start3A_35 = tpu.memref_slice %arg8[%dma_start3A_33, %dma_start3A_34] : memref<2x80xi32, #tpu.memory_space<vmem>> -> memref<1x80xi32, #tpu.memory_space<vmem>>
    %dma_start3A_36 = tpu.memref_squeeze %dma_start3A_35 : memref<1x80xi32, #tpu.memory_space<vmem>> -> memref<80xi32, #tpu.memory_space<vmem>>
    %dma_start3A_37 = tpu.memref_slice %arg4[%add3A_23] : memref<320000xi32, #tpu.memory_space<hbm>> -> memref<80xi32, #tpu.memory_space<hbm>>
    %dma_start3A_38 = arith.constant 0 : i32
    %dma_start3A_39 = tpu.memref_slice %arg8[%dma_start3A_33, %dma_start3A_38] : memref<2x80xi32, #tpu.memory_space<vmem>> -> memref<1x80xi32, #tpu.memory_space<vmem>>
    %dma_start3A_40 = tpu.memref_squeeze %dma_start3A_39 : memref<1x80xi32, #tpu.memory_space<vmem>> -> memref<80xi32, #tpu.memory_space<vmem>>
    %dma_start3A_41 = tpu.memref_slice %arg4[%add3A_23] : memref<320000xi32, #tpu.memory_space<hbm>> -> memref<80xi32, #tpu.memory_space<hbm>>
    tpu.enqueue_dma source(%dma_start3A_41 : memref<80xi32, #tpu.memory_space<hbm>>) target(%dma_start3A_40 : memref<80xi32, #tpu.memory_space<vmem>>) target_semaphore(%arg23 : memref<!tpu.dma_semaphore, #tpu.memory_space<semaphore_mem>>)
    %add3A_42 = arith.constant 160 : i32
    %add3A_43 = arith.addi %mul3A_2, %add3A_42 : i32
    %dma_start3A_44 = arith.constant 0 : i32
    %dma_start3A_45 = arith.constant 0 : i32
    %dma_start3A_46 = tpu.memref_slice %arg9[%dma_start3A_44, %dma_start3A_45] : memref<2x80xi32, #tpu.memory_space<vmem>> -> memref<1x80xi32, #tpu.memory_space<vmem>>
    %dma_start3A_47 = tpu.memref_squeeze %dma_start3A_46 : memref<1x80xi32, #tpu.memory_space<vmem>> -> memref<80xi32, #tpu.memory_space<vmem>>
    %dma_start3A_48 = tpu.memref_slice %arg3[%add3A_43] : memref<320000xi32, #tpu.memory_space<hbm>> -> memref<80xi32, #tpu.memory_space<hbm>>
    %dma_start3A_49 = arith.constant 0 : i32
    %dma_start3A_50 = tpu.memref_slice %arg9[%dma_start3A_44, %dma_start3A_49] : memref<2x80xi32, #tpu.memory_space<vmem>> -> memref<1x80xi32, #tpu.memory_space<vmem>>
    %dma_start3A_51 = tpu.memref_squeeze %dma_start3A_50 : memref<1x80xi32, #tpu.memory_space<vmem>> -> memref<80xi32, #tpu.memory_space<vmem>>
    %dma_start3A_52 = tpu.memref_slice %arg3[%add3A_43] : memref<320000xi32, #tpu.memory_space<hbm>> -> memref<80xi32, #tpu.memory_space<hbm>>
    tpu.enqueue_dma source(%dma_start3A_52 : memref<80xi32, #tpu.memory_space<hbm>>) target(%dma_start3A_51 : memref<80xi32, #tpu.memory_space<vmem>>) target_semaphore(%arg24 : memref<!tpu.dma_semaphore, #tpu.memory_space<semaphore_mem>>)
    %dma_start3A_53 = arith.constant 1 : i32
    %dma_start3A_54 = arith.constant 0 : i32
    %dma_start3A_55 = tpu.memref_slice %arg9[%dma_start3A_53, %dma_start3A_54] : memref<2x80xi32, #tpu.memory_space<vmem>> -> memref<1x80xi32, #tpu.memory_space<vmem>>
    %dma_start3A_56 = tpu.memref_squeeze %dma_start3A_55 : memref<1x80xi32, #tpu.memory_space<vmem>> -> memref<80xi32, #tpu.memory_space<vmem>>
    %dma_start3A_57 = tpu.memref_slice %arg4[%add3A_43] : memref<320000xi32, #tpu.memory_space<hbm>> -> memref<80xi32, #tpu.memory_space<hbm>>
    %dma_start3A_58 = arith.constant 0 : i32
    %dma_start3A_59 = tpu.memref_slice %arg9[%dma_start3A_53, %dma_start3A_58] : memref<2x80xi32, #tpu.memory_space<vmem>> -> memref<1x80xi32, #tpu.memory_space<vmem>>
    %dma_start3A_60 = tpu.memref_squeeze %dma_start3A_59 : memref<1x80xi32, #tpu.memory_space<vmem>> -> memref<80xi32, #tpu.memory_space<vmem>>
    %dma_start3A_61 = tpu.memref_slice %arg4[%add3A_43] : memref<320000xi32, #tpu.memory_space<hbm>> -> memref<80xi32, #tpu.memory_space<hbm>>
    tpu.enqueue_dma source(%dma_start3A_61 : memref<80xi32, #tpu.memory_space<hbm>>) target(%dma_start3A_60 : memref<80xi32, #tpu.memory_space<vmem>>) target_semaphore(%arg24 : memref<!tpu.dma_semaphore, #tpu.memory_space<semaphore_mem>>)
    %add3A_62 = arith.constant 240 : i32
    %add3A_63 = arith.addi %mul3A_2, %add3A_62 : i32
    %dma_start3A_64 = arith.constant 0 : i32
    %dma_start3A_65 = arith.constant 0 : i32
    %dma_start3A_66 = tpu.memref_slice %arg10[%dma_start3A_64, %dma_start3A_65] : memref<2x80xi32, #tpu.memory_space<vmem>> -> memref<1x80xi32, #tpu.memory_space<vmem>>
    %dma_start3A_67 = tpu.memref_squeeze %dma_start3A_66 : memref<1x80xi32, #tpu.memory_space<vmem>> -> memref<80xi32, #tpu.memory_space<vmem>>
    %dma_start3A_68 = tpu.memref_slice %arg3[%add3A_63] : memref<320000xi32, #tpu.memory_space<hbm>> -> memref<80xi32, #tpu.memory_space<hbm>>
    %dma_start3A_69 = arith.constant 0 : i32
    %dma_start3A_70 = tpu.memref_slice %arg10[%dma_start3A_64, %dma_start3A_69] : memref<2x80xi32, #tpu.memory_space<vmem>> -> memref<1x80xi32, #tpu.memory_space<vmem>>
    %dma_start3A_71 = tpu.memref_squeeze %dma_start3A_70 : memref<1x80xi32, #tpu.memory_space<vmem>> -> memref<80xi32, #tpu.memory_space<vmem>>
    %dma_start3A_72 = tpu.memref_slice %arg3[%add3A_63] : memref<320000xi32, #tpu.memory_space<hbm>> -> memref<80xi32, #tpu.memory_space<hbm>>
    tpu.enqueue_dma source(%dma_start3A_72 : memref<80xi32, #tpu.memory_space<hbm>>) target(%dma_start3A_71 : memref<80xi32, #tpu.memory_space<vmem>>) target_semaphore(%arg25 : memref<!tpu.dma_semaphore, #tpu.memory_space<semaphore_mem>>)
    %dma_start3A_73 = arith.constant 1 : i32
    %dma_start3A_74 = arith.constant 0 : i32
    %dma_start3A_75 = tpu.memref_slice %arg10[%dma_start3A_73, %dma_start3A_74] : memref<2x80xi32, #tpu.memory_space<vmem>> -> memref<1x80xi32, #tpu.memory_space<vmem>>
    %dma_start3A_76 = tpu.memref_squeeze %dma_start3A_75 : memref<1x80xi32, #tpu.memory_space<vmem>> -> memref<80xi32, #tpu.memory_space<vmem>>
    %dma_start3A_77 = tpu.memref_slice %arg4[%add3A_63] : memref<320000xi32, #tpu.memory_space<hbm>> -> memref<80xi32, #tpu.memory_space<hbm>>
    %dma_start3A_78 = arith.constant 0 : i32
    %dma_start3A_79 = tpu.memref_slice %arg10[%dma_start3A_73, %dma_start3A_78] : memref<2x80xi32, #tpu.memory_space<vmem>> -> memref<1x80xi32, #tpu.memory_space<vmem>>
    %dma_start3A_80 = tpu.memref_squeeze %dma_start3A_79 : memref<1x80xi32, #tpu.memory_space<vmem>> -> memref<80xi32, #tpu.memory_space<vmem>>
    %dma_start3A_81 = tpu.memref_slice %arg4[%add3A_63] : memref<320000xi32, #tpu.memory_space<hbm>> -> memref<80xi32, #tpu.memory_space<hbm>>
    tpu.enqueue_dma source(%dma_start3A_81 : memref<80xi32, #tpu.memory_space<hbm>>) target(%dma_start3A_80 : memref<80xi32, #tpu.memory_space<vmem>>) target_semaphore(%arg25 : memref<!tpu.dma_semaphore, #tpu.memory_space<semaphore_mem>>)
    %add3A_82 = arith.constant 320 : i32
    %add3A_83 = arith.addi %mul3A_2, %add3A_82 : i32
    %dma_start3A_84 = arith.constant 0 : i32
    %dma_start3A_85 = arith.constant 0 : i32
    %dma_start3A_86 = tpu.memref_slice %arg11[%dma_start3A_84, %dma_start3A_85] : memref<2x80xi32, #tpu.memory_space<vmem>> -> memref<1x80xi32, #tpu.memory_space<vmem>>
    %dma_start3A_87 = tpu.memref_squeeze %dma_start3A_86 : memref<1x80xi32, #tpu.memory_space<vmem>> -> memref<80xi32, #tpu.memory_space<vmem>>
    %dma_start3A_88 = tpu.memref_slice %arg3[%add3A_83] : memref<320000xi32, #tpu.memory_space<hbm>> -> memref<80xi32, #tpu.memory_space<hbm>>
    %dma_start3A_89 = arith.constant 0 : i32
    %dma_start3A_90 = tpu.memref_slice %arg11[%dma_start3A_84, %dma_start3A_89] : memref<2x80xi32, #tpu.memory_space<vmem>> -> memref<1x80xi32, #tpu.memory_space<vmem>>
    %dma_start3A_91 = tpu.memref_squeeze %dma_start3A_90 : memref<1x80xi32, #tpu.memory_space<vmem>> -> memref<80xi32, #tpu.memory_space<vmem>>
    %dma_start3A_92 = tpu.memref_slice %arg3[%add3A_83] : memref<320000xi32, #tpu.memory_space<hbm>> -> memref<80xi32, #tpu.memory_space<hbm>>
    tpu.enqueue_dma source(%dma_start3A_92 : memref<80xi32, #tpu.memory_space<hbm>>) target(%dma_start3A_91 : memref<80xi32, #tpu.memory_space<vmem>>) target_semaphore(%arg26 : memref<!tpu.dma_semaphore, #tpu.memory_space<semaphore_mem>>)
    %dma_start3A_93 = arith.constant 1 : i32
    %dma_start3A_94 = arith.constant 0 : i32
    %dma_start3A_95 = tpu.memref_slice %arg11[%dma_start3A_93, %dma_start3A_94] : memref<2x80xi32, #tpu.memory_space<vmem>> -> memref<1x80xi32, #tpu.memory_space<vmem>>
    %dma_start3A_96 = tpu.memref_squeeze %dma_start3A_95 : memref<1x80xi32, #tpu.memory_space<vmem>> -> memref<80xi32, #tpu.memory_space<vmem>>
    %dma_start3A_97 = tpu.memref_slice %arg4[%add3A_83] : memref<320000xi32, #tpu.memory_space<hbm>> -> memref<80xi32, #tpu.memory_space<hbm>>
    %dma_start3A_98 = arith.constant 0 : i32
    %dma_start3A_99 = tpu.memref_slice %arg11[%dma_start3A_93, %dma_start3A_98] : memref<2x80xi32, #tpu.memory_space<vmem>> -> memref<1x80xi32, #tpu.memory_space<vmem>>
    %dma_start3A_100 = tpu.memref_squeeze %dma_start3A_99 : memref<1x80xi32, #tpu.memory_space<vmem>> -> memref<80xi32, #tpu.memory_space<vmem>>
    %dma_start3A_101 = tpu.memref_slice %arg4[%add3A_83] : memref<320000xi32, #tpu.memory_space<hbm>> -> memref<80xi32, #tpu.memory_space<hbm>>
    tpu.enqueue_dma source(%dma_start3A_101 : memref<80xi32, #tpu.memory_space<hbm>>) target(%dma_start3A_100 : memref<80xi32, #tpu.memory_space<vmem>>) target_semaphore(%arg26 : memref<!tpu.dma_semaphore, #tpu.memory_space<semaphore_mem>>)
    %lt3A = arith.constant 15 : i32
    %lt3A_102 = arith.cmpi slt, %arg1, %lt3A : i32
    %convert_element_type3A = arith.extui %lt3A_102 : i1 to i32
    %cond3A = arith.constant 0 : i32
    %cond3A_103 = arith.cmpi ne, %convert_element_type3A, %cond3A : i32
    scf.if %cond3A_103 {
      %mul3A_380 = arith.constant 632 : i32
      %mul3A_381 = arith.muli %arg1, %mul3A_380 : i32
      "tpu.region"() ({
        %run_scoped3A = tpu.sem_alloc : memref<!tpu.dma_semaphore, #tpu.memory_space<semaphore_mem>>
        %dma_start3A_382 = arith.constant 0 : i32
        %dma_start3A_383 = tpu.memref_slice %arg28[%mul3A_381, %dma_start3A_382] : memref<10000x128xf32, #tpu.memory_space<vmem_shared>> -> memref<632x128xf32, #tpu.memory_space<vmem_shared>>
        tpu.enqueue_dma source(%arg5 : memref<632x128xf32, #tpu.memory_space<hbm>>) target(%dma_start3A_383 : memref<632x128xf32, #tpu.memory_space<vmem_shared>>) target_semaphore(%run_scoped3A : memref<!tpu.dma_semaphore, #tpu.memory_space<semaphore_mem>>)
        %dma_wait3A_384 = arith.constant 0 : i32
        %dma_wait3A_385 = tpu.memref_slice %arg28[%mul3A_381, %dma_wait3A_384] : memref<10000x128xf32, #tpu.memory_space<vmem_shared>> -> memref<632x128xf32, #tpu.memory_space<vmem_shared>>
        tpu.wait_dma2 semaphore(%run_scoped3A : memref<!tpu.dma_semaphore, #tpu.memory_space<semaphore_mem>>) src(%arg5 : memref<632x128xf32, #tpu.memory_space<hbm>>) dst(%dma_wait3A_385 : memref<632x128xf32, #tpu.memory_space<vmem_shared>>)
        tpu.yield
      }) : () -> ()
    } else {
    }
    %eq3A = arith.constant 15 : i32
    %eq3A_104 = arith.cmpi eq, %arg1, %eq3A : i32
    %convert_element_type3A_105 = arith.extui %eq3A_104 : i1 to i32
    %cond3A_106 = arith.constant 0 : i32
    %cond3A_107 = arith.cmpi ne, %convert_element_type3A_105, %cond3A_106 : i32
    scf.if %cond3A_107 {
      "tpu.region"() ({
        %run_scoped3A = tpu.sem_alloc : memref<!tpu.dma_semaphore, #tpu.memory_space<semaphore_mem>>
        %dma_start3A_380 = arith.constant 9480 : i32
        %dma_start3A_381 = arith.constant 0 : i32
        %dma_start3A_382 = tpu.memref_slice %arg28[%dma_start3A_380, %dma_start3A_381] : memref<10000x128xf32, #tpu.memory_space<vmem_shared>> -> memref<520x128xf32, #tpu.memory_space<vmem_shared>>
        %dma_start3A_383 = arith.constant 0 : i32
        %dma_start3A_384 = arith.constant 0 : i32
        %dma_start3A_385 = tpu.memref_slice %arg5[%dma_start3A_383, %dma_start3A_384] : memref<632x128xf32, #tpu.memory_space<hbm>> -> memref<520x128xf32, #tpu.memory_space<hbm>>
        tpu.enqueue_dma source(%dma_start3A_385 : memref<520x128xf32, #tpu.memory_space<hbm>>) target(%dma_start3A_382 : memref<520x128xf32, #tpu.memory_space<vmem_shared>>) target_semaphore(%run_scoped3A : memref<!tpu.dma_semaphore, #tpu.memory_space<semaphore_mem>>)
        %dma_wait3A_386 = arith.constant 9480 : i32
        %dma_wait3A_387 = arith.constant 0 : i32
        %dma_wait3A_388 = tpu.memref_slice %arg28[%dma_wait3A_386, %dma_wait3A_387] : memref<10000x128xf32, #tpu.memory_space<vmem_shared>> -> memref<520x128xf32, #tpu.memory_space<vmem_shared>>
        %dma_wait3A_389 = arith.constant 0 : i32
        %dma_wait3A_390 = arith.constant 0 : i32
        %dma_wait3A_391 = tpu.memref_slice %arg5[%dma_wait3A_389, %dma_wait3A_390] : memref<632x128xf32, #tpu.memory_space<hbm>> -> memref<520x128xf32, #tpu.memory_space<hbm>>
        tpu.wait_dma2 semaphore(%run_scoped3A : memref<!tpu.dma_semaphore, #tpu.memory_space<semaphore_mem>>) src(%dma_wait3A_391 : memref<520x128xf32, #tpu.memory_space<hbm>>) dst(%dma_wait3A_388 : memref<520x128xf32, #tpu.memory_space<vmem_shared>>)
        tpu.yield
      }) : () -> ()
    } else {
    }
    %barrier3A = arith.constant 0 : index
    tpu.barrier barrier_id(%barrier3A)
    %dma_wait3A = arith.constant 0 : i32
    %dma_wait3A_108 = arith.constant 0 : i32
    %dma_wait3A_109 = tpu.memref_slice %arg7[%dma_wait3A, %dma_wait3A_108] : memref<2x80xi32, #tpu.memory_space<vmem>> -> memref<1x80xi32, #tpu.memory_space<vmem>>
    %dma_wait3A_110 = tpu.memref_squeeze %dma_wait3A_109 : memref<1x80xi32, #tpu.memory_space<vmem>> -> memref<80xi32, #tpu.memory_space<vmem>>
    %dma_wait3A_111 = arith.constant 0 : i32
    %dma_wait3A_112 = tpu.memref_slice %arg3[%dma_wait3A_111] : memref<320000xi32, #tpu.memory_space<hbm>> -> memref<80xi32, #tpu.memory_space<hbm>>
    %dma_wait3A_113 = arith.constant 0 : i32
    %dma_wait3A_114 = tpu.memref_slice %arg7[%dma_wait3A, %dma_wait3A_113] : memref<2x80xi32, #tpu.memory_space<vmem>> -> memref<1x80xi32, #tpu.memory_space<vmem>>
    %dma_wait3A_115 = tpu.memref_squeeze %dma_wait3A_114 : memref<1x80xi32, #tpu.memory_space<vmem>> -> memref<80xi32, #tpu.memory_space<vmem>>
    %dma_wait3A_116 = arith.constant 0 : i32
    %dma_wait3A_117 = tpu.memref_slice %arg3[%dma_wait3A_116] : memref<320000xi32, #tpu.memory_space<hbm>> -> memref<80xi32, #tpu.memory_space<hbm>>
    tpu.wait_dma2 semaphore(%arg22 : memref<!tpu.dma_semaphore, #tpu.memory_space<semaphore_mem>>) src(%dma_wait3A_117 : memref<80xi32, #tpu.memory_space<hbm>>) dst(%dma_wait3A_115 : memref<80xi32, #tpu.memory_space<vmem>>)
    %dma_wait3A_118 = arith.constant 1 : i32
    %dma_wait3A_119 = arith.constant 0 : i32
    %dma_wait3A_120 = tpu.memref_slice %arg7[%dma_wait3A_118, %dma_wait3A_119] : memref<2x80xi32, #tpu.memory_space<vmem>> -> memref<1x80xi32, #tpu.memory_space<vmem>>
    %dma_wait3A_121 = tpu.memref_squeeze %dma_wait3A_120 : memref<1x80xi32, #tpu.memory_space<vmem>> -> memref<80xi32, #tpu.memory_space<vmem>>
    %dma_wait3A_122 = arith.constant 0 : i32
    %dma_wait3A_123 = tpu.memref_slice %arg4[%dma_wait3A_122] : memref<320000xi32, #tpu.memory_space<hbm>> -> memref<80xi32, #tpu.memory_space<hbm>>
    %dma_wait3A_124 = arith.constant 0 : i32
    %dma_wait3A_125 = tpu.memref_slice %arg7[%dma_wait3A_118, %dma_wait3A_124] : memref<2x80xi32, #tpu.memory_space<vmem>> -> memref<1x80xi32, #tpu.memory_space<vmem>>
    %dma_wait3A_126 = tpu.memref_squeeze %dma_wait3A_125 : memref<1x80xi32, #tpu.memory_space<vmem>> -> memref<80xi32, #tpu.memory_space<vmem>>
    %dma_wait3A_127 = arith.constant 0 : i32
    %dma_wait3A_128 = tpu.memref_slice %arg4[%dma_wait3A_127] : memref<320000xi32, #tpu.memory_space<hbm>> -> memref<80xi32, #tpu.memory_space<hbm>>
    tpu.wait_dma2 semaphore(%arg22 : memref<!tpu.dma_semaphore, #tpu.memory_space<semaphore_mem>>) src(%dma_wait3A_128 : memref<80xi32, #tpu.memory_space<hbm>>) dst(%dma_wait3A_126 : memref<80xi32, #tpu.memory_space<vmem>>)
    %dma_start3A_129 = arith.constant 0 : i32
    %dma_start3A_130 = arith.constant 0 : i32
    %dma_start3A_131 = tpu.memref_slice %arg7[%dma_start3A_129, %dma_start3A_130] : memref<2x80xi32, #tpu.memory_space<vmem>> -> memref<1x80xi32, #tpu.memory_space<vmem>>
    %dma_start3A_132 = tpu.memref_squeeze %dma_start3A_131 : memref<1x80xi32, #tpu.memory_space<vmem>> -> memref<80xi32, #tpu.memory_space<vmem>>
    %dma_start3A_133 = arith.constant 0 : i32
    %dma_start3A_134 = arith.constant 0 : i32
    %dma_start3A_135 = tpu.memref_slice %arg2[%dma_start3A_133, %dma_start3A_134] : memref<10000x128xf32, #tpu.memory_space<hbm>> -> memref<10000x128xf32, #tpu.memory_space<hbm>>
    tpu.enqueue_indirect_dma source(%dma_start3A_135 : memref<10000x128xf32, #tpu.memory_space<hbm>>) target(%arg13 : memref<80x128xf32, #tpu.memory_space<vmem>>) offsets(%dma_start3A_132 : memref<80xi32, #tpu.memory_space<vmem>>) semaphore(%arg16 : memref<!tpu.dma_semaphore, #tpu.memory_space<semaphore_mem>>)
    %dma_wait3A_136 = arith.constant 0 : i32
    %dma_wait3A_137 = arith.constant 0 : i32
    %dma_wait3A_138 = tpu.memref_slice %arg8[%dma_wait3A_136, %dma_wait3A_137] : memref<2x80xi32, #tpu.memory_space<vmem>> -> memref<1x80xi32, #tpu.memory_space<vmem>>
    %dma_wait3A_139 = tpu.memref_squeeze %dma_wait3A_138 : memref<1x80xi32, #tpu.memory_space<vmem>> -> memref<80xi32, #tpu.memory_space<vmem>>
    %dma_wait3A_140 = arith.constant 0 : i32
    %dma_wait3A_141 = tpu.memref_slice %arg3[%dma_wait3A_140] : memref<320000xi32, #tpu.memory_space<hbm>> -> memref<80xi32, #tpu.memory_space<hbm>>
    %dma_wait3A_142 = arith.constant 0 : i32
    %dma_wait3A_143 = tpu.memref_slice %arg8[%dma_wait3A_136, %dma_wait3A_142] : memref<2x80xi32, #tpu.memory_space<vmem>> -> memref<1x80xi32, #tpu.memory_space<vmem>>
    %dma_wait3A_144 = tpu.memref_squeeze %dma_wait3A_143 : memref<1x80xi32, #tpu.memory_space<vmem>> -> memref<80xi32, #tpu.memory_space<vmem>>
    %dma_wait3A_145 = arith.constant 0 : i32
    %dma_wait3A_146 = tpu.memref_slice %arg3[%dma_wait3A_145] : memref<320000xi32, #tpu.memory_space<hbm>> -> memref<80xi32, #tpu.memory_space<hbm>>
    tpu.wait_dma2 semaphore(%arg23 : memref<!tpu.dma_semaphore, #tpu.memory_space<semaphore_mem>>) src(%dma_wait3A_146 : memref<80xi32, #tpu.memory_space<hbm>>) dst(%dma_wait3A_144 : memref<80xi32, #tpu.memory_space<vmem>>)
    %dma_wait3A_147 = arith.constant 1 : i32
    %dma_wait3A_148 = arith.constant 0 : i32
    %dma_wait3A_149 = tpu.memref_slice %arg8[%dma_wait3A_147, %dma_wait3A_148] : memref<2x80xi32, #tpu.memory_space<vmem>> -> memref<1x80xi32, #tpu.memory_space<vmem>>
    %dma_wait3A_150 = tpu.memref_squeeze %dma_wait3A_149 : memref<1x80xi32, #tpu.memory_space<vmem>> -> memref<80xi32, #tpu.memory_space<vmem>>
    %dma_wait3A_151 = arith.constant 0 : i32
    %dma_wait3A_152 = tpu.memref_slice %arg4[%dma_wait3A_151] : memref<320000xi32, #tpu.memory_space<hbm>> -> memref<80xi32, #tpu.memory_space<hbm>>
    %dma_wait3A_153 = arith.constant 0 : i32
    %dma_wait3A_154 = tpu.memref_slice %arg8[%dma_wait3A_147, %dma_wait3A_153] : memref<2x80xi32, #tpu.memory_space<vmem>> -> memref<1x80xi32, #tpu.memory_space<vmem>>
    %dma_wait3A_155 = tpu.memref_squeeze %dma_wait3A_154 : memref<1x80xi32, #tpu.memory_space<vmem>> -> memref<80xi32, #tpu.memory_space<vmem>>
    %dma_wait3A_156 = arith.constant 0 : i32
    %dma_wait3A_157 = tpu.memref_slice %arg4[%dma_wait3A_156] : memref<320000xi32, #tpu.memory_space<hbm>> -> memref<80xi32, #tpu.memory_space<hbm>>
    tpu.wait_dma2 semaphore(%arg23 : memref<!tpu.dma_semaphore, #tpu.memory_space<semaphore_mem>>) src(%dma_wait3A_157 : memref<80xi32, #tpu.memory_space<hbm>>) dst(%dma_wait3A_155 : memref<80xi32, #tpu.memory_space<vmem>>)
    %dma_start3A_158 = arith.constant 0 : i32
    %dma_start3A_159 = arith.constant 0 : i32
    %dma_start3A_160 = tpu.memref_slice %arg8[%dma_start3A_158, %dma_start3A_159] : memref<2x80xi32, #tpu.memory_space<vmem>> -> memref<1x80xi32, #tpu.memory_space<vmem>>
    %dma_start3A_161 = tpu.memref_squeeze %dma_start3A_160 : memref<1x80xi32, #tpu.memory_space<vmem>> -> memref<80xi32, #tpu.memory_space<vmem>>
    %dma_start3A_162 = arith.constant 0 : i32
    %dma_start3A_163 = arith.constant 0 : i32
    %dma_start3A_164 = tpu.memref_slice %arg2[%dma_start3A_162, %dma_start3A_163] : memref<10000x128xf32, #tpu.memory_space<hbm>> -> memref<10000x128xf32, #tpu.memory_space<hbm>>
    tpu.enqueue_indirect_dma source(%dma_start3A_164 : memref<10000x128xf32, #tpu.memory_space<hbm>>) target(%arg14 : memref<80x128xf32, #tpu.memory_space<vmem>>) offsets(%dma_start3A_161 : memref<80xi32, #tpu.memory_space<vmem>>) semaphore(%arg17 : memref<!tpu.dma_semaphore, #tpu.memory_space<semaphore_mem>>)
    %scan3A = arith.constant 0 : i32
    %scan3A_165 = arith.constant 0 : i32
    %scan3A_166 = arith.constant 20 : i32
    %scan3A_167 = arith.addi %scan3A_165, %scan3A_166 : i32
    %scan3A_168 = arith.constant 1 : i32
    scf.for %scan3A_380 = %scan3A_165 to %scan3A_167 step %scan3A_168  : i32 {
      %mul3A_381 = arith.constant 6 : i32
      %mul3A_382 = arith.muli %mul3A_381, %scan3A_380 : i32
      %add3A_383 = arith.constant 0 : i32
      %add3A_384 = arith.addi %mul3A_382, %add3A_383 : i32
      %gt3A = arith.constant 0 : i32
      %gt3A_385 = arith.cmpi sgt, %add3A_384, %gt3A : i32
      %convert_element_type3A_386 = arith.extui %gt3A_385 : i1 to i32
      %cond3A_387 = arith.constant 0 : i32
      %cond3A_388 = arith.cmpi ne, %convert_element_type3A_386, %cond3A_387 : i32
      scf.if %cond3A_388 {
        %dma_wait3A_830 = arith.constant 1 : i32
        %dma_wait3A_831 = arith.constant 0 : i32
        %dma_wait3A_832 = tpu.memref_slice %arg12[%dma_wait3A_830, %dma_wait3A_831] : memref<2x80xi32, #tpu.memory_space<vmem>> -> memref<1x80xi32, #tpu.memory_space<vmem>>
        %dma_wait3A_833 = tpu.memref_squeeze %dma_wait3A_832 : memref<1x80xi32, #tpu.memory_space<vmem>> -> memref<80xi32, #tpu.memory_space<vmem>>
        %dma_wait3A_834 = arith.constant 0 : i32
        %dma_wait3A_835 = arith.constant 0 : i32
        %dma_wait3A_836 = tpu.memref_slice %arg28[%dma_wait3A_834, %dma_wait3A_835] : memref<10000x128xf32, #tpu.memory_space<vmem_shared>> -> memref<10000x128xf32, #tpu.memory_space<vmem_shared>>
        tpu.wait_indirect_dma semaphore(%arg21 : memref<!tpu.dma_semaphore, #tpu.memory_space<semaphore_mem>>) src(%arg15 : memref<80x128xf32, #tpu.memory_space<vmem>>) dst(%dma_wait3A_836 : memref<10000x128xf32, #tpu.memory_space<vmem_shared>>)
      } else {
      }
      %add3A_389 = arith.constant 5 : i32
      %add3A_390 = arith.addi %add3A_384, %add3A_389 : i32
      %mul3A_391 = arith.constant 80 : i32
      %mul3A_392 = arith.muli %add3A_390, %mul3A_391 : i32
      %add3A_393 = arith.addi %mul3A_2, %mul3A_392 : i32
      %dma_start3A_394 = arith.constant 0 : i32
      %dma_start3A_395 = arith.constant 0 : i32
      %dma_start3A_396 = tpu.memref_slice %arg12[%dma_start3A_394, %dma_start3A_395] : memref<2x80xi32, #tpu.memory_space<vmem>> -> memref<1x80xi32, #tpu.memory_space<vmem>>
      %dma_start3A_397 = tpu.memref_squeeze %dma_start3A_396 : memref<1x80xi32, #tpu.memory_space<vmem>> -> memref<80xi32, #tpu.memory_space<vmem>>
      %dma_start3A_398 = tpu.memref_slice %arg3[%add3A_393] : memref<320000xi32, #tpu.memory_space<hbm>> -> memref<80xi32, #tpu.memory_space<hbm>>
      %dma_start3A_399 = arith.constant 0 : i32
      %dma_start3A_400 = tpu.memref_slice %arg12[%dma_start3A_394, %dma_start3A_399] : memref<2x80xi32, #tpu.memory_space<vmem>> -> memref<1x80xi32, #tpu.memory_space<vmem>>
      %dma_start3A_401 = tpu.memref_squeeze %dma_start3A_400 : memref<1x80xi32, #tpu.memory_space<vmem>> -> memref<80xi32, #tpu.memory_space<vmem>>
      %dma_start3A_402 = tpu.memref_slice %arg3[%add3A_393] : memref<320000xi32, #tpu.memory_space<hbm>> -> memref<80xi32, #tpu.memory_space<hbm>>
      tpu.enqueue_dma source(%dma_start3A_402 : memref<80xi32, #tpu.memory_space<hbm>>) target(%dma_start3A_401 : memref<80xi32, #tpu.memory_space<vmem>>) target_semaphore(%arg27 : memref<!tpu.dma_semaphore, #tpu.memory_space<semaphore_mem>>)
      %dma_start3A_403 = arith.constant 1 : i32
      %dma_start3A_404 = arith.constant 0 : i32
      %dma_start3A_405 = tpu.memref_slice %arg12[%dma_start3A_403, %dma_start3A_404] : memref<2x80xi32, #tpu.memory_space<vmem>> -> memref<1x80xi32, #tpu.memory_space<vmem>>
      %dma_start3A_406 = tpu.memref_squeeze %dma_start3A_405 : memref<1x80xi32, #tpu.memory_space<vmem>> -> memref<80xi32, #tpu.memory_space<vmem>>
      %dma_start3A_407 = tpu.memref_slice %arg4[%add3A_393] : memref<320000xi32, #tpu.memory_space<hbm>> -> memref<80xi32, #tpu.memory_space<hbm>>
      %dma_start3A_408 = arith.constant 0 : i32
      %dma_start3A_409 = tpu.memref_slice %arg12[%dma_start3A_403, %dma_start3A_408] : memref<2x80xi32, #tpu.memory_space<vmem>> -> memref<1x80xi32, #tpu.memory_space<vmem>>
      %dma_start3A_410 = tpu.memref_squeeze %dma_start3A_409 : memref<1x80xi32, #tpu.memory_space<vmem>> -> memref<80xi32, #tpu.memory_space<vmem>>
      %dma_start3A_411 = tpu.memref_slice %arg4[%add3A_393] : memref<320000xi32, #tpu.memory_space<hbm>> -> memref<80xi32, #tpu.memory_space<hbm>>
      tpu.enqueue_dma source(%dma_start3A_411 : memref<80xi32, #tpu.memory_space<hbm>>) target(%dma_start3A_410 : memref<80xi32, #tpu.memory_space<vmem>>) target_semaphore(%arg27 : memref<!tpu.dma_semaphore, #tpu.memory_space<semaphore_mem>>)
      %dma_wait3A_412 = arith.constant 0 : i32
      %dma_wait3A_413 = arith.constant 0 : i32
      %dma_wait3A_414 = tpu.memref_slice %arg9[%dma_wait3A_412, %dma_wait3A_413] : memref<2x80xi32, #tpu.memory_space<vmem>> -> memref<1x80xi32, #tpu.memory_space<vmem>>
      %dma_wait3A_415 = tpu.memref_squeeze %dma_wait3A_414 : memref<1x80xi32, #tpu.memory_space<vmem>> -> memref<80xi32, #tpu.memory_space<vmem>>
      %dma_wait3A_416 = arith.constant 0 : i32
      %dma_wait3A_417 = tpu.memref_slice %arg3[%dma_wait3A_416] : memref<320000xi32, #tpu.memory_space<hbm>> -> memref<80xi32, #tpu.memory_space<hbm>>
      %dma_wait3A_418 = arith.constant 0 : i32
      %dma_wait3A_419 = tpu.memref_slice %arg9[%dma_wait3A_412, %dma_wait3A_418] : memref<2x80xi32, #tpu.memory_space<vmem>> -> memref<1x80xi32, #tpu.memory_space<vmem>>
      %dma_wait3A_420 = tpu.memref_squeeze %dma_wait3A_419 : memref<1x80xi32, #tpu.memory_space<vmem>> -> memref<80xi32, #tpu.memory_space<vmem>>
      %dma_wait3A_421 = arith.constant 0 : i32
      %dma_wait3A_422 = tpu.memref_slice %arg3[%dma_wait3A_421] : memref<320000xi32, #tpu.memory_space<hbm>> -> memref<80xi32, #tpu.memory_space<hbm>>
      tpu.wait_dma2 semaphore(%arg24 : memref<!tpu.dma_semaphore, #tpu.memory_space<semaphore_mem>>) src(%dma_wait3A_422 : memref<80xi32, #tpu.memory_space<hbm>>) dst(%dma_wait3A_420 : memref<80xi32, #tpu.memory_space<vmem>>)
      %dma_wait3A_423 = arith.constant 1 : i32
      %dma_wait3A_424 = arith.constant 0 : i32
      %dma_wait3A_425 = tpu.memref_slice %arg9[%dma_wait3A_423, %dma_wait3A_424] : memref<2x80xi32, #tpu.memory_space<vmem>> -> memref<1x80xi32, #tpu.memory_space<vmem>>
      %dma_wait3A_426 = tpu.memref_squeeze %dma_wait3A_425 : memref<1x80xi32, #tpu.memory_space<vmem>> -> memref<80xi32, #tpu.memory_space<vmem>>
      %dma_wait3A_427 = arith.constant 0 : i32
      %dma_wait3A_428 = tpu.memref_slice %arg4[%dma_wait3A_427] : memref<320000xi32, #tpu.memory_space<hbm>> -> memref<80xi32, #tpu.memory_space<hbm>>
      %dma_wait3A_429 = arith.constant 0 : i32
      %dma_wait3A_430 = tpu.memref_slice %arg9[%dma_wait3A_423, %dma_wait3A_429] : memref<2x80xi32, #tpu.memory_space<vmem>> -> memref<1x80xi32, #tpu.memory_space<vmem>>
      %dma_wait3A_431 = tpu.memref_squeeze %dma_wait3A_430 : memref<1x80xi32, #tpu.memory_space<vmem>> -> memref<80xi32, #tpu.memory_space<vmem>>
      %dma_wait3A_432 = arith.constant 0 : i32
      %dma_wait3A_433 = tpu.memref_slice %arg4[%dma_wait3A_432] : memref<320000xi32, #tpu.memory_space<hbm>> -> memref<80xi32, #tpu.memory_space<hbm>>
      tpu.wait_dma2 semaphore(%arg24 : memref<!tpu.dma_semaphore, #tpu.memory_space<semaphore_mem>>) src(%dma_wait3A_433 : memref<80xi32, #tpu.memory_space<hbm>>) dst(%dma_wait3A_431 : memref<80xi32, #tpu.memory_space<vmem>>)
      %dma_start3A_434 = arith.constant 0 : i32
      %dma_start3A_435 = arith.constant 0 : i32
      %dma_start3A_436 = tpu.memref_slice %arg9[%dma_start3A_434, %dma_start3A_435] : memref<2x80xi32, #tpu.memory_space<vmem>> -> memref<1x80xi32, #tpu.memory_space<vmem>>
      %dma_start3A_437 = tpu.memref_squeeze %dma_start3A_436 : memref<1x80xi32, #tpu.memory_space<vmem>> -> memref<80xi32, #tpu.memory_space<vmem>>
      %dma_start3A_438 = arith.constant 0 : i32
      %dma_start3A_439 = arith.constant 0 : i32
      %dma_start3A_440 = tpu.memref_slice %arg2[%dma_start3A_438, %dma_start3A_439] : memref<10000x128xf32, #tpu.memory_space<hbm>> -> memref<10000x128xf32, #tpu.memory_space<hbm>>
      tpu.enqueue_indirect_dma source(%dma_start3A_440 : memref<10000x128xf32, #tpu.memory_space<hbm>>) target(%arg15 : memref<80x128xf32, #tpu.memory_space<vmem>>) offsets(%dma_start3A_437 : memref<80xi32, #tpu.memory_space<vmem>>) semaphore(%arg18 : memref<!tpu.dma_semaphore, #tpu.memory_space<semaphore_mem>>)
      %dma_wait3A_441 = arith.constant 0 : i32
      %dma_wait3A_442 = arith.constant 0 : i32
      %dma_wait3A_443 = tpu.memref_slice %arg7[%dma_wait3A_441, %dma_wait3A_442] : memref<2x80xi32, #tpu.memory_space<vmem>> -> memref<1x80xi32, #tpu.memory_space<vmem>>
      %dma_wait3A_444 = tpu.memref_squeeze %dma_wait3A_443 : memref<1x80xi32, #tpu.memory_space<vmem>> -> memref<80xi32, #tpu.memory_space<vmem>>
      %dma_wait3A_445 = arith.constant 0 : i32
      %dma_wait3A_446 = arith.constant 0 : i32
      %dma_wait3A_447 = tpu.memref_slice %arg2[%dma_wait3A_445, %dma_wait3A_446] : memref<10000x128xf32, #tpu.memory_space<hbm>> -> memref<10000x128xf32, #tpu.memory_space<hbm>>
      tpu.wait_indirect_dma semaphore(%arg16 : memref<!tpu.dma_semaphore, #tpu.memory_space<semaphore_mem>>) src(%dma_wait3A_447 : memref<10000x128xf32, #tpu.memory_space<hbm>>) dst(%arg13 : memref<80x128xf32, #tpu.memory_space<vmem>>)
      %dma_start3A_448 = arith.constant 1 : i32
      %dma_start3A_449 = arith.constant 0 : i32
      %dma_start3A_450 = tpu.memref_slice %arg7[%dma_start3A_448, %dma_start3A_449] : memref<2x80xi32, #tpu.memory_space<vmem>> -> memref<1x80xi32, #tpu.memory_space<vmem>>
      %dma_start3A_451 = tpu.memref_squeeze %dma_start3A_450 : memref<1x80xi32, #tpu.memory_space<vmem>> -> memref<80xi32, #tpu.memory_space<vmem>>
      %dma_start3A_452 = arith.constant 0 : i32
      %dma_start3A_453 = arith.constant 0 : i32
      %dma_start3A_454 = tpu.memref_slice %arg28[%dma_start3A_452, %dma_start3A_453] : memref<10000x128xf32, #tpu.memory_space<vmem_shared>> -> memref<10000x128xf32, #tpu.memory_space<vmem_shared>>
      tpu.enqueue_indirect_dma source(%arg13 : memref<80x128xf32, #tpu.memory_space<vmem>>) target(%dma_start3A_454 : memref<10000x128xf32, #tpu.memory_space<vmem_shared>>) offsets(%dma_start3A_451 : memref<80xi32, #tpu.memory_space<vmem>>) semaphore(%arg19 : memref<!tpu.dma_semaphore, #tpu.memory_space<semaphore_mem>>) {add = true}
      %add3A_455 = arith.constant 1 : i32
      %add3A_456 = arith.addi %mul3A_382, %add3A_455 : i32
      %dma_wait3A_457 = arith.constant 1 : i32
      %dma_wait3A_458 = arith.constant 0 : i32
      %dma_wait3A_459 = tpu.memref_slice %arg7[%dma_wait3A_457, %dma_wait3A_458] : memref<2x80xi32, #tpu.memory_space<vmem>> -> memref<1x80xi32, #tpu.memory_space<vmem>>
      %dma_wait3A_460 = tpu.memref_squeeze %dma_wait3A_459 : memref<1x80xi32, #tpu.memory_space<vmem>> -> memref<80xi32, #tpu.memory_space<vmem>>
      %dma_wait3A_461 = arith.constant 0 : i32
      %dma_wait3A_462 = arith.constant 0 : i32
      %dma_wait3A_463 = tpu.memref_slice %arg28[%dma_wait3A_461, %dma_wait3A_462] : memref<10000x128xf32, #tpu.memory_space<vmem_shared>> -> memref<10000x128xf32, #tpu.memory_space<vmem_shared>>
      tpu.wait_indirect_dma semaphore(%arg19 : memref<!tpu.dma_semaphore, #tpu.memory_space<semaphore_mem>>) src(%arg13 : memref<80x128xf32, #tpu.memory_space<vmem>>) dst(%dma_wait3A_463 : memref<10000x128xf32, #tpu.memory_space<vmem_shared>>)
      %add3A_464 = arith.constant 5 : i32
      %add3A_465 = arith.addi %add3A_456, %add3A_464 : i32
      %mul3A_466 = arith.constant 80 : i32
      %mul3A_467 = arith.muli %add3A_465, %mul3A_466 : i32
      %add3A_468 = arith.addi %mul3A_2, %mul3A_467 : i32
      %dma_start3A_469 = arith.constant 0 : i32
      %dma_start3A_470 = arith.constant 0 : i32
      %dma_start3A_471 = tpu.memref_slice %arg7[%dma_start3A_469, %dma_start3A_470] : memref<2x80xi32, #tpu.memory_space<vmem>> -> memref<1x80xi32, #tpu.memory_space<vmem>>
      %dma_start3A_472 = tpu.memref_squeeze %dma_start3A_471 : memref<1x80xi32, #tpu.memory_space<vmem>> -> memref<80xi32, #tpu.memory_space<vmem>>
      %dma_start3A_473 = tpu.memref_slice %arg3[%add3A_468] : memref<320000xi32, #tpu.memory_space<hbm>> -> memref<80xi32, #tpu.memory_space<hbm>>
      %dma_start3A_474 = arith.constant 0 : i32
      %dma_start3A_475 = tpu.memref_slice %arg7[%dma_start3A_469, %dma_start3A_474] : memref<2x80xi32, #tpu.memory_space<vmem>> -> memref<1x80xi32, #tpu.memory_space<vmem>>
      %dma_start3A_476 = tpu.memref_squeeze %dma_start3A_475 : memref<1x80xi32, #tpu.memory_space<vmem>> -> memref<80xi32, #tpu.memory_space<vmem>>
      %dma_start3A_477 = tpu.memref_slice %arg3[%add3A_468] : memref<320000xi32, #tpu.memory_space<hbm>> -> memref<80xi32, #tpu.memory_space<hbm>>
      tpu.enqueue_dma source(%dma_start3A_477 : memref<80xi32, #tpu.memory_space<hbm>>) target(%dma_start3A_476 : memref<80xi32, #tpu.memory_space<vmem>>) target_semaphore(%arg22 : memref<!tpu.dma_semaphore, #tpu.memory_space<semaphore_mem>>)
      %dma_start3A_478 = arith.constant 1 : i32
      %dma_start3A_479 = arith.constant 0 : i32
      %dma_start3A_480 = tpu.memref_slice %arg7[%dma_start3A_478, %dma_start3A_479] : memref<2x80xi32, #tpu.memory_space<vmem>> -> memref<1x80xi32, #tpu.memory_space<vmem>>
      %dma_start3A_481 = tpu.memref_squeeze %dma_start3A_480 : memref<1x80xi32, #tpu.memory_space<vmem>> -> memref<80xi32, #tpu.memory_space<vmem>>
      %dma_start3A_482 = tpu.memref_slice %arg4[%add3A_468] : memref<320000xi32, #tpu.memory_space<hbm>> -> memref<80xi32, #tpu.memory_space<hbm>>
      %dma_start3A_483 = arith.constant 0 : i32
      %dma_start3A_484 = tpu.memref_slice %arg7[%dma_start3A_478, %dma_start3A_483] : memref<2x80xi32, #tpu.memory_space<vmem>> -> memref<1x80xi32, #tpu.memory_space<vmem>>
      %dma_start3A_485 = tpu.memref_squeeze %dma_start3A_484 : memref<1x80xi32, #tpu.memory_space<vmem>> -> memref<80xi32, #tpu.memory_space<vmem>>
      %dma_start3A_486 = tpu.memref_slice %arg4[%add3A_468] : memref<320000xi32, #tpu.memory_space<hbm>> -> memref<80xi32, #tpu.memory_space<hbm>>
      tpu.enqueue_dma source(%dma_start3A_486 : memref<80xi32, #tpu.memory_space<hbm>>) target(%dma_start3A_485 : memref<80xi32, #tpu.memory_space<vmem>>) target_semaphore(%arg22 : memref<!tpu.dma_semaphore, #tpu.memory_space<semaphore_mem>>)
      %dma_wait3A_487 = arith.constant 0 : i32
      %dma_wait3A_488 = arith.constant 0 : i32
      %dma_wait3A_489 = tpu.memref_slice %arg10[%dma_wait3A_487, %dma_wait3A_488] : memref<2x80xi32, #tpu.memory_space<vmem>> -> memref<1x80xi32, #tpu.memory_space<vmem>>
      %dma_wait3A_490 = tpu.memref_squeeze %dma_wait3A_489 : memref<1x80xi32, #tpu.memory_space<vmem>> -> memref<80xi32, #tpu.memory_space<vmem>>
      %dma_wait3A_491 = arith.constant 0 : i32
      %dma_wait3A_492 = tpu.memref_slice %arg3[%dma_wait3A_491] : memref<320000xi32, #tpu.memory_space<hbm>> -> memref<80xi32, #tpu.memory_space<hbm>>
      %dma_wait3A_493 = arith.constant 0 : i32
      %dma_wait3A_494 = tpu.memref_slice %arg10[%dma_wait3A_487, %dma_wait3A_493] : memref<2x80xi32, #tpu.memory_space<vmem>> -> memref<1x80xi32, #tpu.memory_space<vmem>>
      %dma_wait3A_495 = tpu.memref_squeeze %dma_wait3A_494 : memref<1x80xi32, #tpu.memory_space<vmem>> -> memref<80xi32, #tpu.memory_space<vmem>>
      %dma_wait3A_496 = arith.constant 0 : i32
      %dma_wait3A_497 = tpu.memref_slice %arg3[%dma_wait3A_496] : memref<320000xi32, #tpu.memory_space<hbm>> -> memref<80xi32, #tpu.memory_space<hbm>>
      tpu.wait_dma2 semaphore(%arg25 : memref<!tpu.dma_semaphore, #tpu.memory_space<semaphore_mem>>) src(%dma_wait3A_497 : memref<80xi32, #tpu.memory_space<hbm>>) dst(%dma_wait3A_495 : memref<80xi32, #tpu.memory_space<vmem>>)
      %dma_wait3A_498 = arith.constant 1 : i32
      %dma_wait3A_499 = arith.constant 0 : i32
      %dma_wait3A_500 = tpu.memref_slice %arg10[%dma_wait3A_498, %dma_wait3A_499] : memref<2x80xi32, #tpu.memory_space<vmem>> -> memref<1x80xi32, #tpu.memory_space<vmem>>
      %dma_wait3A_501 = tpu.memref_squeeze %dma_wait3A_500 : memref<1x80xi32, #tpu.memory_space<vmem>> -> memref<80xi32, #tpu.memory_space<vmem>>
      %dma_wait3A_502 = arith.constant 0 : i32
      %dma_wait3A_503 = tpu.memref_slice %arg4[%dma_wait3A_502] : memref<320000xi32, #tpu.memory_space<hbm>> -> memref<80xi32, #tpu.memory_space<hbm>>
      %dma_wait3A_504 = arith.constant 0 : i32
      %dma_wait3A_505 = tpu.memref_slice %arg10[%dma_wait3A_498, %dma_wait3A_504] : memref<2x80xi32, #tpu.memory_space<vmem>> -> memref<1x80xi32, #tpu.memory_space<vmem>>
      %dma_wait3A_506 = tpu.memref_squeeze %dma_wait3A_505 : memref<1x80xi32, #tpu.memory_space<vmem>> -> memref<80xi32, #tpu.memory_space<vmem>>
      %dma_wait3A_507 = arith.constant 0 : i32
      %dma_wait3A_508 = tpu.memref_slice %arg4[%dma_wait3A_507] : memref<320000xi32, #tpu.memory_space<hbm>> -> memref<80xi32, #tpu.memory_space<hbm>>
      tpu.wait_dma2 semaphore(%arg25 : memref<!tpu.dma_semaphore, #tpu.memory_space<semaphore_mem>>) src(%dma_wait3A_508 : memref<80xi32, #tpu.memory_space<hbm>>) dst(%dma_wait3A_506 : memref<80xi32, #tpu.memory_space<vmem>>)
      %dma_start3A_509 = arith.constant 0 : i32
      %dma_start3A_510 = arith.constant 0 : i32
      %dma_start3A_511 = tpu.memref_slice %arg10[%dma_start3A_509, %dma_start3A_510] : memref<2x80xi32, #tpu.memory_space<vmem>> -> memref<1x80xi32, #tpu.memory_space<vmem>>
      %dma_start3A_512 = tpu.memref_squeeze %dma_start3A_511 : memref<1x80xi32, #tpu.memory_space<vmem>> -> memref<80xi32, #tpu.memory_space<vmem>>
      %dma_start3A_513 = arith.constant 0 : i32
      %dma_start3A_514 = arith.constant 0 : i32
      %dma_start3A_515 = tpu.memref_slice %arg2[%dma_start3A_513, %dma_start3A_514] : memref<10000x128xf32, #tpu.memory_space<hbm>> -> memref<10000x128xf32, #tpu.memory_space<hbm>>
      tpu.enqueue_indirect_dma source(%dma_start3A_515 : memref<10000x128xf32, #tpu.memory_space<hbm>>) target(%arg13 : memref<80x128xf32, #tpu.memory_space<vmem>>) offsets(%dma_start3A_512 : memref<80xi32, #tpu.memory_space<vmem>>) semaphore(%arg16 : memref<!tpu.dma_semaphore, #tpu.memory_space<semaphore_mem>>)
      %dma_wait3A_516 = arith.constant 0 : i32
      %dma_wait3A_517 = arith.constant 0 : i32
      %dma_wait3A_518 = tpu.memref_slice %arg8[%dma_wait3A_516, %dma_wait3A_517] : memref<2x80xi32, #tpu.memory_space<vmem>> -> memref<1x80xi32, #tpu.memory_space<vmem>>
      %dma_wait3A_519 = tpu.memref_squeeze %dma_wait3A_518 : memref<1x80xi32, #tpu.memory_space<vmem>> -> memref<80xi32, #tpu.memory_space<vmem>>
      %dma_wait3A_520 = arith.constant 0 : i32
      %dma_wait3A_521 = arith.constant 0 : i32
      %dma_wait3A_522 = tpu.memref_slice %arg2[%dma_wait3A_520, %dma_wait3A_521] : memref<10000x128xf32, #tpu.memory_space<hbm>> -> memref<10000x128xf32, #tpu.memory_space<hbm>>
      tpu.wait_indirect_dma semaphore(%arg17 : memref<!tpu.dma_semaphore, #tpu.memory_space<semaphore_mem>>) src(%dma_wait3A_522 : memref<10000x128xf32, #tpu.memory_space<hbm>>) dst(%arg14 : memref<80x128xf32, #tpu.memory_space<vmem>>)
      %dma_start3A_523 = arith.constant 1 : i32
      %dma_start3A_524 = arith.constant 0 : i32
      %dma_start3A_525 = tpu.memref_slice %arg8[%dma_start3A_523, %dma_start3A_524] : memref<2x80xi32, #tpu.memory_space<vmem>> -> memref<1x80xi32, #tpu.memory_space<vmem>>
      %dma_start3A_526 = tpu.memref_squeeze %dma_start3A_525 : memref<1x80xi32, #tpu.memory_space<vmem>> -> memref<80xi32, #tpu.memory_space<vmem>>
      %dma_start3A_527 = arith.constant 0 : i32
      %dma_start3A_528 = arith.constant 0 : i32
      %dma_start3A_529 = tpu.memref_slice %arg28[%dma_start3A_527, %dma_start3A_528] : memref<10000x128xf32, #tpu.memory_space<vmem_shared>> -> memref<10000x128xf32, #tpu.memory_space<vmem_shared>>
      tpu.enqueue_indirect_dma source(%arg14 : memref<80x128xf32, #tpu.memory_space<vmem>>) target(%dma_start3A_529 : memref<10000x128xf32, #tpu.memory_space<vmem_shared>>) offsets(%dma_start3A_526 : memref<80xi32, #tpu.memory_space<vmem>>) semaphore(%arg20 : memref<!tpu.dma_semaphore, #tpu.memory_space<semaphore_mem>>) {add = true}
      %add3A_530 = arith.constant 2 : i32
      %add3A_531 = arith.addi %mul3A_382, %add3A_530 : i32
      %dma_wait3A_532 = arith.constant 1 : i32
      %dma_wait3A_533 = arith.constant 0 : i32
      %dma_wait3A_534 = tpu.memref_slice %arg8[%dma_wait3A_532, %dma_wait3A_533] : memref<2x80xi32, #tpu.memory_space<vmem>> -> memref<1x80xi32, #tpu.memory_space<vmem>>
      %dma_wait3A_535 = tpu.memref_squeeze %dma_wait3A_534 : memref<1x80xi32, #tpu.memory_space<vmem>> -> memref<80xi32, #tpu.memory_space<vmem>>
      %dma_wait3A_536 = arith.constant 0 : i32
      %dma_wait3A_537 = arith.constant 0 : i32
      %dma_wait3A_538 = tpu.memref_slice %arg28[%dma_wait3A_536, %dma_wait3A_537] : memref<10000x128xf32, #tpu.memory_space<vmem_shared>> -> memref<10000x128xf32, #tpu.memory_space<vmem_shared>>
      tpu.wait_indirect_dma semaphore(%arg20 : memref<!tpu.dma_semaphore, #tpu.memory_space<semaphore_mem>>) src(%arg14 : memref<80x128xf32, #tpu.memory_space<vmem>>) dst(%dma_wait3A_538 : memref<10000x128xf32, #tpu.memory_space<vmem_shared>>)
      %add3A_539 = arith.constant 5 : i32
      %add3A_540 = arith.addi %add3A_531, %add3A_539 : i32
      %mul3A_541 = arith.constant 80 : i32
      %mul3A_542 = arith.muli %add3A_540, %mul3A_541 : i32
      %add3A_543 = arith.addi %mul3A_2, %mul3A_542 : i32
      %dma_start3A_544 = arith.constant 0 : i32
      %dma_start3A_545 = arith.constant 0 : i32
      %dma_start3A_546 = tpu.memref_slice %arg8[%dma_start3A_544, %dma_start3A_545] : memref<2x80xi32, #tpu.memory_space<vmem>> -> memref<1x80xi32, #tpu.memory_space<vmem>>
      %dma_start3A_547 = tpu.memref_squeeze %dma_start3A_546 : memref<1x80xi32, #tpu.memory_space<vmem>> -> memref<80xi32, #tpu.memory_space<vmem>>
      %dma_start3A_548 = tpu.memref_slice %arg3[%add3A_543] : memref<320000xi32, #tpu.memory_space<hbm>> -> memref<80xi32, #tpu.memory_space<hbm>>
      %dma_start3A_549 = arith.constant 0 : i32
      %dma_start3A_550 = tpu.memref_slice %arg8[%dma_start3A_544, %dma_start3A_549] : memref<2x80xi32, #tpu.memory_space<vmem>> -> memref<1x80xi32, #tpu.memory_space<vmem>>
      %dma_start3A_551 = tpu.memref_squeeze %dma_start3A_550 : memref<1x80xi32, #tpu.memory_space<vmem>> -> memref<80xi32, #tpu.memory_space<vmem>>
      %dma_start3A_552 = tpu.memref_slice %arg3[%add3A_543] : memref<320000xi32, #tpu.memory_space<hbm>> -> memref<80xi32, #tpu.memory_space<hbm>>
      tpu.enqueue_dma source(%dma_start3A_552 : memref<80xi32, #tpu.memory_space<hbm>>) target(%dma_start3A_551 : memref<80xi32, #tpu.memory_space<vmem>>) target_semaphore(%arg23 : memref<!tpu.dma_semaphore, #tpu.memory_space<semaphore_mem>>)
      %dma_start3A_553 = arith.constant 1 : i32
      %dma_start3A_554 = arith.constant 0 : i32
      %dma_start3A_555 = tpu.memref_slice %arg8[%dma_start3A_553, %dma_start3A_554] : memref<2x80xi32, #tpu.memory_space<vmem>> -> memref<1x80xi32, #tpu.memory_space<vmem>>
      %dma_start3A_556 = tpu.memref_squeeze %dma_start3A_555 : memref<1x80xi32, #tpu.memory_space<vmem>> -> memref<80xi32, #tpu.memory_space<vmem>>
      %dma_start3A_557 = tpu.memref_slice %arg4[%add3A_543] : memref<320000xi32, #tpu.memory_space<hbm>> -> memref<80xi32, #tpu.memory_space<hbm>>
      %dma_start3A_558 = arith.constant 0 : i32
      %dma_start3A_559 = tpu.memref_slice %arg8[%dma_start3A_553, %dma_start3A_558] : memref<2x80xi32, #tpu.memory_space<vmem>> -> memref<1x80xi32, #tpu.memory_space<vmem>>
      %dma_start3A_560 = tpu.memref_squeeze %dma_start3A_559 : memref<1x80xi32, #tpu.memory_space<vmem>> -> memref<80xi32, #tpu.memory_space<vmem>>
      %dma_start3A_561 = tpu.memref_slice %arg4[%add3A_543] : memref<320000xi32, #tpu.memory_space<hbm>> -> memref<80xi32, #tpu.memory_space<hbm>>
      tpu.enqueue_dma source(%dma_start3A_561 : memref<80xi32, #tpu.memory_space<hbm>>) target(%dma_start3A_560 : memref<80xi32, #tpu.memory_space<vmem>>) target_semaphore(%arg23 : memref<!tpu.dma_semaphore, #tpu.memory_space<semaphore_mem>>)
      %dma_wait3A_562 = arith.constant 0 : i32
      %dma_wait3A_563 = arith.constant 0 : i32
      %dma_wait3A_564 = tpu.memref_slice %arg11[%dma_wait3A_562, %dma_wait3A_563] : memref<2x80xi32, #tpu.memory_space<vmem>> -> memref<1x80xi32, #tpu.memory_space<vmem>>
      %dma_wait3A_565 = tpu.memref_squeeze %dma_wait3A_564 : memref<1x80xi32, #tpu.memory_space<vmem>> -> memref<80xi32, #tpu.memory_space<vmem>>
      %dma_wait3A_566 = arith.constant 0 : i32
      %dma_wait3A_567 = tpu.memref_slice %arg3[%dma_wait3A_566] : memref<320000xi32, #tpu.memory_space<hbm>> -> memref<80xi32, #tpu.memory_space<hbm>>
      %dma_wait3A_568 = arith.constant 0 : i32
      %dma_wait3A_569 = tpu.memref_slice %arg11[%dma_wait3A_562, %dma_wait3A_568] : memref<2x80xi32, #tpu.memory_space<vmem>> -> memref<1x80xi32, #tpu.memory_space<vmem>>
      %dma_wait3A_570 = tpu.memref_squeeze %dma_wait3A_569 : memref<1x80xi32, #tpu.memory_space<vmem>> -> memref<80xi32, #tpu.memory_space<vmem>>
      %dma_wait3A_571 = arith.constant 0 : i32
      %dma_wait3A_572 = tpu.memref_slice %arg3[%dma_wait3A_571] : memref<320000xi32, #tpu.memory_space<hbm>> -> memref<80xi32, #tpu.memory_space<hbm>>
      tpu.wait_dma2 semaphore(%arg26 : memref<!tpu.dma_semaphore, #tpu.memory_space<semaphore_mem>>) src(%dma_wait3A_572 : memref<80xi32, #tpu.memory_space<hbm>>) dst(%dma_wait3A_570 : memref<80xi32, #tpu.memory_space<vmem>>)
      %dma_wait3A_573 = arith.constant 1 : i32
      %dma_wait3A_574 = arith.constant 0 : i32
      %dma_wait3A_575 = tpu.memref_slice %arg11[%dma_wait3A_573, %dma_wait3A_574] : memref<2x80xi32, #tpu.memory_space<vmem>> -> memref<1x80xi32, #tpu.memory_space<vmem>>
      %dma_wait3A_576 = tpu.memref_squeeze %dma_wait3A_575 : memref<1x80xi32, #tpu.memory_space<vmem>> -> memref<80xi32, #tpu.memory_space<vmem>>
      %dma_wait3A_577 = arith.constant 0 : i32
      %dma_wait3A_578 = tpu.memref_slice %arg4[%dma_wait3A_577] : memref<320000xi32, #tpu.memory_space<hbm>> -> memref<80xi32, #tpu.memory_space<hbm>>
      %dma_wait3A_579 = arith.constant 0 : i32
      %dma_wait3A_580 = tpu.memref_slice %arg11[%dma_wait3A_573, %dma_wait3A_579] : memref<2x80xi32, #tpu.memory_space<vmem>> -> memref<1x80xi32, #tpu.memory_space<vmem>>
      %dma_wait3A_581 = tpu.memref_squeeze %dma_wait3A_580 : memref<1x80xi32, #tpu.memory_space<vmem>> -> memref<80xi32, #tpu.memory_space<vmem>>
      %dma_wait3A_582 = arith.constant 0 : i32
      %dma_wait3A_583 = tpu.memref_slice %arg4[%dma_wait3A_582] : memref<320000xi32, #tpu.memory_space<hbm>> -> memref<80xi32, #tpu.memory_space<hbm>>
      tpu.wait_dma2 semaphore(%arg26 : memref<!tpu.dma_semaphore, #tpu.memory_space<semaphore_mem>>) src(%dma_wait3A_583 : memref<80xi32, #tpu.memory_space<hbm>>) dst(%dma_wait3A_581 : memref<80xi32, #tpu.memory_space<vmem>>)
      %dma_start3A_584 = arith.constant 0 : i32
      %dma_start3A_585 = arith.constant 0 : i32
      %dma_start3A_586 = tpu.memref_slice %arg11[%dma_start3A_584, %dma_start3A_585] : memref<2x80xi32, #tpu.memory_space<vmem>> -> memref<1x80xi32, #tpu.memory_space<vmem>>
      %dma_start3A_587 = tpu.memref_squeeze %dma_start3A_586 : memref<1x80xi32, #tpu.memory_space<vmem>> -> memref<80xi32, #tpu.memory_space<vmem>>
      %dma_start3A_588 = arith.constant 0 : i32
      %dma_start3A_589 = arith.constant 0 : i32
      %dma_start3A_590 = tpu.memref_slice %arg2[%dma_start3A_588, %dma_start3A_589] : memref<10000x128xf32, #tpu.memory_space<hbm>> -> memref<10000x128xf32, #tpu.memory_space<hbm>>
      tpu.enqueue_indirect_dma source(%dma_start3A_590 : memref<10000x128xf32, #tpu.memory_space<hbm>>) target(%arg14 : memref<80x128xf32, #tpu.memory_space<vmem>>) offsets(%dma_start3A_587 : memref<80xi32, #tpu.memory_space<vmem>>) semaphore(%arg17 : memref<!tpu.dma_semaphore, #tpu.memory_space<semaphore_mem>>)
      %dma_wait3A_591 = arith.constant 0 : i32
      %dma_wait3A_592 = arith.constant 0 : i32
      %dma_wait3A_593 = tpu.memref_slice %arg9[%dma_wait3A_591, %dma_wait3A_592] : memref<2x80xi32, #tpu.memory_space<vmem>> -> memref<1x80xi32, #tpu.memory_space<vmem>>
      %dma_wait3A_594 = tpu.memref_squeeze %dma_wait3A_593 : memref<1x80xi32, #tpu.memory_space<vmem>> -> memref<80xi32, #tpu.memory_space<vmem>>
      %dma_wait3A_595 = arith.constant 0 : i32
      %dma_wait3A_596 = arith.constant 0 : i32
      %dma_wait3A_597 = tpu.memref_slice %arg2[%dma_wait3A_595, %dma_wait3A_596] : memref<10000x128xf32, #tpu.memory_space<hbm>> -> memref<10000x128xf32, #tpu.memory_space<hbm>>
      tpu.wait_indirect_dma semaphore(%arg18 : memref<!tpu.dma_semaphore, #tpu.memory_space<semaphore_mem>>) src(%dma_wait3A_597 : memref<10000x128xf32, #tpu.memory_space<hbm>>) dst(%arg15 : memref<80x128xf32, #tpu.memory_space<vmem>>)
      %dma_start3A_598 = arith.constant 1 : i32
      %dma_start3A_599 = arith.constant 0 : i32
      %dma_start3A_600 = tpu.memref_slice %arg9[%dma_start3A_598, %dma_start3A_599] : memref<2x80xi32, #tpu.memory_space<vmem>> -> memref<1x80xi32, #tpu.memory_space<vmem>>
      %dma_start3A_601 = tpu.memref_squeeze %dma_start3A_600 : memref<1x80xi32, #tpu.memory_space<vmem>> -> memref<80xi32, #tpu.memory_space<vmem>>
      %dma_start3A_602 = arith.constant 0 : i32
      %dma_start3A_603 = arith.constant 0 : i32
      %dma_start3A_604 = tpu.memref_slice %arg28[%dma_start3A_602, %dma_start3A_603] : memref<10000x128xf32, #tpu.memory_space<vmem_shared>> -> memref<10000x128xf32, #tpu.memory_space<vmem_shared>>
      tpu.enqueue_indirect_dma source(%arg15 : memref<80x128xf32, #tpu.memory_space<vmem>>) target(%dma_start3A_604 : memref<10000x128xf32, #tpu.memory_space<vmem_shared>>) offsets(%dma_start3A_601 : memref<80xi32, #tpu.memory_space<vmem>>) semaphore(%arg21 : memref<!tpu.dma_semaphore, #tpu.memory_space<semaphore_mem>>) {add = true}
      %add3A_605 = arith.constant 3 : i32
      %add3A_606 = arith.addi %mul3A_382, %add3A_605 : i32
      %dma_wait3A_607 = arith.constant 1 : i32
      %dma_wait3A_608 = arith.constant 0 : i32
      %dma_wait3A_609 = tpu.memref_slice %arg9[%dma_wait3A_607, %dma_wait3A_608] : memref<2x80xi32, #tpu.memory_space<vmem>> -> memref<1x80xi32, #tpu.memory_space<vmem>>
      %dma_wait3A_610 = tpu.memref_squeeze %dma_wait3A_609 : memref<1x80xi32, #tpu.memory_space<vmem>> -> memref<80xi32, #tpu.memory_space<vmem>>
      %dma_wait3A_611 = arith.constant 0 : i32
      %dma_wait3A_612 = arith.constant 0 : i32
      %dma_wait3A_613 = tpu.memref_slice %arg28[%dma_wait3A_611, %dma_wait3A_612] : memref<10000x128xf32, #tpu.memory_space<vmem_shared>> -> memref<10000x128xf32, #tpu.memory_space<vmem_shared>>
      tpu.wait_indirect_dma semaphore(%arg21 : memref<!tpu.dma_semaphore, #tpu.memory_space<semaphore_mem>>) src(%arg15 : memref<80x128xf32, #tpu.memory_space<vmem>>) dst(%dma_wait3A_613 : memref<10000x128xf32, #tpu.memory_space<vmem_shared>>)
      %add3A_614 = arith.constant 5 : i32
      %add3A_615 = arith.addi %add3A_606, %add3A_614 : i32
      %mul3A_616 = arith.constant 80 : i32
      %mul3A_617 = arith.muli %add3A_615, %mul3A_616 : i32
      %add3A_618 = arith.addi %mul3A_2, %mul3A_617 : i32
      %dma_start3A_619 = arith.constant 0 : i32
      %dma_start3A_620 = arith.constant 0 : i32
      %dma_start3A_621 = tpu.memref_slice %arg9[%dma_start3A_619, %dma_start3A_620] : memref<2x80xi32, #tpu.memory_space<vmem>> -> memref<1x80xi32, #tpu.memory_space<vmem>>
      %dma_start3A_622 = tpu.memref_squeeze %dma_start3A_621 : memref<1x80xi32, #tpu.memory_space<vmem>> -> memref<80xi32, #tpu.memory_space<vmem>>
      %dma_start3A_623 = tpu.memref_slice %arg3[%add3A_618] : memref<320000xi32, #tpu.memory_space<hbm>> -> memref<80xi32, #tpu.memory_space<hbm>>
      %dma_start3A_624 = arith.constant 0 : i32
      %dma_start3A_625 = tpu.memref_slice %arg9[%dma_start3A_619, %dma_start3A_624] : memref<2x80xi32, #tpu.memory_space<vmem>> -> memref<1x80xi32, #tpu.memory_space<vmem>>
      %dma_start3A_626 = tpu.memref_squeeze %dma_start3A_625 : memref<1x80xi32, #tpu.memory_space<vmem>> -> memref<80xi32, #tpu.memory_space<vmem>>
      %dma_start3A_627 = tpu.memref_slice %arg3[%add3A_618] : memref<320000xi32, #tpu.memory_space<hbm>> -> memref<80xi32, #tpu.memory_space<hbm>>
      tpu.enqueue_dma source(%dma_start3A_627 : memref<80xi32, #tpu.memory_space<hbm>>) target(%dma_start3A_626 : memref<80xi32, #tpu.memory_space<vmem>>) target_semaphore(%arg24 : memref<!tpu.dma_semaphore, #tpu.memory_space<semaphore_mem>>)
      %dma_start3A_628 = arith.constant 1 : i32
      %dma_start3A_629 = arith.constant 0 : i32
      %dma_start3A_630 = tpu.memref_slice %arg9[%dma_start3A_628, %dma_start3A_629] : memref<2x80xi32, #tpu.memory_space<vmem>> -> memref<1x80xi32, #tpu.memory_space<vmem>>
      %dma_start3A_631 = tpu.memref_squeeze %dma_start3A_630 : memref<1x80xi32, #tpu.memory_space<vmem>> -> memref<80xi32, #tpu.memory_space<vmem>>
      %dma_start3A_632 = tpu.memref_slice %arg4[%add3A_618] : memref<320000xi32, #tpu.memory_space<hbm>> -> memref<80xi32, #tpu.memory_space<hbm>>
      %dma_start3A_633 = arith.constant 0 : i32
      %dma_start3A_634 = tpu.memref_slice %arg9[%dma_start3A_628, %dma_start3A_633] : memref<2x80xi32, #tpu.memory_space<vmem>> -> memref<1x80xi32, #tpu.memory_space<vmem>>
      %dma_start3A_635 = tpu.memref_squeeze %dma_start3A_634 : memref<1x80xi32, #tpu.memory_space<vmem>> -> memref<80xi32, #tpu.memory_space<vmem>>
      %dma_start3A_636 = tpu.memref_slice %arg4[%add3A_618] : memref<320000xi32, #tpu.memory_space<hbm>> -> memref<80xi32, #tpu.memory_space<hbm>>
      tpu.enqueue_dma source(%dma_start3A_636 : memref<80xi32, #tpu.memory_space<hbm>>) target(%dma_start3A_635 : memref<80xi32, #tpu.memory_space<vmem>>) target_semaphore(%arg24 : memref<!tpu.dma_semaphore, #tpu.memory_space<semaphore_mem>>)
      %dma_wait3A_637 = arith.constant 0 : i32
      %dma_wait3A_638 = arith.constant 0 : i32
      %dma_wait3A_639 = tpu.memref_slice %arg12[%dma_wait3A_637, %dma_wait3A_638] : memref<2x80xi32, #tpu.memory_space<vmem>> -> memref<1x80xi32, #tpu.memory_space<vmem>>
      %dma_wait3A_640 = tpu.memref_squeeze %dma_wait3A_639 : memref<1x80xi32, #tpu.memory_space<vmem>> -> memref<80xi32, #tpu.memory_space<vmem>>
      %dma_wait3A_641 = arith.constant 0 : i32
      %dma_wait3A_642 = tpu.memref_slice %arg3[%dma_wait3A_641] : memref<320000xi32, #tpu.memory_space<hbm>> -> memref<80xi32, #tpu.memory_space<hbm>>
      %dma_wait3A_643 = arith.constant 0 : i32
      %dma_wait3A_644 = tpu.memref_slice %arg12[%dma_wait3A_637, %dma_wait3A_643] : memref<2x80xi32, #tpu.memory_space<vmem>> -> memref<1x80xi32, #tpu.memory_space<vmem>>
      %dma_wait3A_645 = tpu.memref_squeeze %dma_wait3A_644 : memref<1x80xi32, #tpu.memory_space<vmem>> -> memref<80xi32, #tpu.memory_space<vmem>>
      %dma_wait3A_646 = arith.constant 0 : i32
      %dma_wait3A_647 = tpu.memref_slice %arg3[%dma_wait3A_646] : memref<320000xi32, #tpu.memory_space<hbm>> -> memref<80xi32, #tpu.memory_space<hbm>>
      tpu.wait_dma2 semaphore(%arg27 : memref<!tpu.dma_semaphore, #tpu.memory_space<semaphore_mem>>) src(%dma_wait3A_647 : memref<80xi32, #tpu.memory_space<hbm>>) dst(%dma_wait3A_645 : memref<80xi32, #tpu.memory_space<vmem>>)
      %dma_wait3A_648 = arith.constant 1 : i32
      %dma_wait3A_649 = arith.constant 0 : i32
      %dma_wait3A_650 = tpu.memref_slice %arg12[%dma_wait3A_648, %dma_wait3A_649] : memref<2x80xi32, #tpu.memory_space<vmem>> -> memref<1x80xi32, #tpu.memory_space<vmem>>
      %dma_wait3A_651 = tpu.memref_squeeze %dma_wait3A_650 : memref<1x80xi32, #tpu.memory_space<vmem>> -> memref<80xi32, #tpu.memory_space<vmem>>
      %dma_wait3A_652 = arith.constant 0 : i32
      %dma_wait3A_653 = tpu.memref_slice %arg4[%dma_wait3A_652] : memref<320000xi32, #tpu.memory_space<hbm>> -> memref<80xi32, #tpu.memory_space<hbm>>
      %dma_wait3A_654 = arith.constant 0 : i32
      %dma_wait3A_655 = tpu.memref_slice %arg12[%dma_wait3A_648, %dma_wait3A_654] : memref<2x80xi32, #tpu.memory_space<vmem>> -> memref<1x80xi32, #tpu.memory_space<vmem>>
      %dma_wait3A_656 = tpu.memref_squeeze %dma_wait3A_655 : memref<1x80xi32, #tpu.memory_space<vmem>> -> memref<80xi32, #tpu.memory_space<vmem>>
      %dma_wait3A_657 = arith.constant 0 : i32
      %dma_wait3A_658 = tpu.memref_slice %arg4[%dma_wait3A_657] : memref<320000xi32, #tpu.memory_space<hbm>> -> memref<80xi32, #tpu.memory_space<hbm>>
      tpu.wait_dma2 semaphore(%arg27 : memref<!tpu.dma_semaphore, #tpu.memory_space<semaphore_mem>>) src(%dma_wait3A_658 : memref<80xi32, #tpu.memory_space<hbm>>) dst(%dma_wait3A_656 : memref<80xi32, #tpu.memory_space<vmem>>)
      %dma_start3A_659 = arith.constant 0 : i32
      %dma_start3A_660 = arith.constant 0 : i32
      %dma_start3A_661 = tpu.memref_slice %arg12[%dma_start3A_659, %dma_start3A_660] : memref<2x80xi32, #tpu.memory_space<vmem>> -> memref<1x80xi32, #tpu.memory_space<vmem>>
      %dma_start3A_662 = tpu.memref_squeeze %dma_start3A_661 : memref<1x80xi32, #tpu.memory_space<vmem>> -> memref<80xi32, #tpu.memory_space<vmem>>
      %dma_start3A_663 = arith.constant 0 : i32
      %dma_start3A_664 = arith.constant 0 : i32
      %dma_start3A_665 = tpu.memref_slice %arg2[%dma_start3A_663, %dma_start3A_664] : memref<10000x128xf32, #tpu.memory_space<hbm>> -> memref<10000x128xf32, #tpu.memory_space<hbm>>
      tpu.enqueue_indirect_dma source(%dma_start3A_665 : memref<10000x128xf32, #tpu.memory_space<hbm>>) target(%arg15 : memref<80x128xf32, #tpu.memory_space<vmem>>) offsets(%dma_start3A_662 : memref<80xi32, #tpu.memory_space<vmem>>) semaphore(%arg18 : memref<!tpu.dma_semaphore, #tpu.memory_space<semaphore_mem>>)
      %dma_wait3A_666 = arith.constant 0 : i32
      %dma_wait3A_667 = arith.constant 0 : i32
      %dma_wait3A_668 = tpu.memref_slice %arg10[%dma_wait3A_666, %dma_wait3A_667] : memref<2x80xi32, #tpu.memory_space<vmem>> -> memref<1x80xi32, #tpu.memory_space<vmem>>
      %dma_wait3A_669 = tpu.memref_squeeze %dma_wait3A_668 : memref<1x80xi32, #tpu.memory_space<vmem>> -> memref<80xi32, #tpu.memory_space<vmem>>
      %dma_wait3A_670 = arith.constant 0 : i32
      %dma_wait3A_671 = arith.constant 0 : i32
      %dma_wait3A_672 = tpu.memref_slice %arg2[%dma_wait3A_670, %dma_wait3A_671] : memref<10000x128xf32, #tpu.memory_space<hbm>> -> memref<10000x128xf32, #tpu.memory_space<hbm>>
      tpu.wait_indirect_dma semaphore(%arg16 : memref<!tpu.dma_semaphore, #tpu.memory_space<semaphore_mem>>) src(%dma_wait3A_672 : memref<10000x128xf32, #tpu.memory_space<hbm>>) dst(%arg13 : memref<80x128xf32, #tpu.memory_space<vmem>>)
      %dma_start3A_673 = arith.constant 1 : i32
      %dma_start3A_674 = arith.constant 0 : i32
      %dma_start3A_675 = tpu.memref_slice %arg10[%dma_start3A_673, %dma_start3A_674] : memref<2x80xi32, #tpu.memory_space<vmem>> -> memref<1x80xi32, #tpu.memory_space<vmem>>
      %dma_start3A_676 = tpu.memref_squeeze %dma_start3A_675 : memref<1x80xi32, #tpu.memory_space<vmem>> -> memref<80xi32, #tpu.memory_space<vmem>>
      %dma_start3A_677 = arith.constant 0 : i32
      %dma_start3A_678 = arith.constant 0 : i32
      %dma_start3A_679 = tpu.memref_slice %arg28[%dma_start3A_677, %dma_start3A_678] : memref<10000x128xf32, #tpu.memory_space<vmem_shared>> -> memref<10000x128xf32, #tpu.memory_space<vmem_shared>>
      tpu.enqueue_indirect_dma source(%arg13 : memref<80x128xf32, #tpu.memory_space<vmem>>) target(%dma_start3A_679 : memref<10000x128xf32, #tpu.memory_space<vmem_shared>>) offsets(%dma_start3A_676 : memref<80xi32, #tpu.memory_space<vmem>>) semaphore(%arg19 : memref<!tpu.dma_semaphore, #tpu.memory_space<semaphore_mem>>) {add = true}
      %add3A_680 = arith.constant 4 : i32
      %add3A_681 = arith.addi %mul3A_382, %add3A_680 : i32
      %dma_wait3A_682 = arith.constant 1 : i32
      %dma_wait3A_683 = arith.constant 0 : i32
      %dma_wait3A_684 = tpu.memref_slice %arg10[%dma_wait3A_682, %dma_wait3A_683] : memref<2x80xi32, #tpu.memory_space<vmem>> -> memref<1x80xi32, #tpu.memory_space<vmem>>
      %dma_wait3A_685 = tpu.memref_squeeze %dma_wait3A_684 : memref<1x80xi32, #tpu.memory_space<vmem>> -> memref<80xi32, #tpu.memory_space<vmem>>
      %dma_wait3A_686 = arith.constant 0 : i32
      %dma_wait3A_687 = arith.constant 0 : i32
      %dma_wait3A_688 = tpu.memref_slice %arg28[%dma_wait3A_686, %dma_wait3A_687] : memref<10000x128xf32, #tpu.memory_space<vmem_shared>> -> memref<10000x128xf32, #tpu.memory_space<vmem_shared>>
      tpu.wait_indirect_dma semaphore(%arg19 : memref<!tpu.dma_semaphore, #tpu.memory_space<semaphore_mem>>) src(%arg13 : memref<80x128xf32, #tpu.memory_space<vmem>>) dst(%dma_wait3A_688 : memref<10000x128xf32, #tpu.memory_space<vmem_shared>>)
      %add3A_689 = arith.constant 5 : i32
      %add3A_690 = arith.addi %add3A_681, %add3A_689 : i32
      %mul3A_691 = arith.constant 80 : i32
      %mul3A_692 = arith.muli %add3A_690, %mul3A_691 : i32
      %add3A_693 = arith.addi %mul3A_2, %mul3A_692 : i32
      %dma_start3A_694 = arith.constant 0 : i32
      %dma_start3A_695 = arith.constant 0 : i32
      %dma_start3A_696 = tpu.memref_slice %arg10[%dma_start3A_694, %dma_start3A_695] : memref<2x80xi32, #tpu.memory_space<vmem>> -> memref<1x80xi32, #tpu.memory_space<vmem>>
      %dma_start3A_697 = tpu.memref_squeeze %dma_start3A_696 : memref<1x80xi32, #tpu.memory_space<vmem>> -> memref<80xi32, #tpu.memory_space<vmem>>
      %dma_start3A_698 = tpu.memref_slice %arg3[%add3A_693] : memref<320000xi32, #tpu.memory_space<hbm>> -> memref<80xi32, #tpu.memory_space<hbm>>
      %dma_start3A_699 = arith.constant 0 : i32
      %dma_start3A_700 = tpu.memref_slice %arg10[%dma_start3A_694, %dma_start3A_699] : memref<2x80xi32, #tpu.memory_space<vmem>> -> memref<1x80xi32, #tpu.memory_space<vmem>>
      %dma_start3A_701 = tpu.memref_squeeze %dma_start3A_700 : memref<1x80xi32, #tpu.memory_space<vmem>> -> memref<80xi32, #tpu.memory_space<vmem>>
      %dma_start3A_702 = tpu.memref_slice %arg3[%add3A_693] : memref<320000xi32, #tpu.memory_space<hbm>> -> memref<80xi32, #tpu.memory_space<hbm>>
      tpu.enqueue_dma source(%dma_start3A_702 : memref<80xi32, #tpu.memory_space<hbm>>) target(%dma_start3A_701 : memref<80xi32, #tpu.memory_space<vmem>>) target_semaphore(%arg25 : memref<!tpu.dma_semaphore, #tpu.memory_space<semaphore_mem>>)
      %dma_start3A_703 = arith.constant 1 : i32
      %dma_start3A_704 = arith.constant 0 : i32
      %dma_start3A_705 = tpu.memref_slice %arg10[%dma_start3A_703, %dma_start3A_704] : memref<2x80xi32, #tpu.memory_space<vmem>> -> memref<1x80xi32, #tpu.memory_space<vmem>>
      %dma_start3A_706 = tpu.memref_squeeze %dma_start3A_705 : memref<1x80xi32, #tpu.memory_space<vmem>> -> memref<80xi32, #tpu.memory_space<vmem>>
      %dma_start3A_707 = tpu.memref_slice %arg4[%add3A_693] : memref<320000xi32, #tpu.memory_space<hbm>> -> memref<80xi32, #tpu.memory_space<hbm>>
      %dma_start3A_708 = arith.constant 0 : i32
      %dma_start3A_709 = tpu.memref_slice %arg10[%dma_start3A_703, %dma_start3A_708] : memref<2x80xi32, #tpu.memory_space<vmem>> -> memref<1x80xi32, #tpu.memory_space<vmem>>
      %dma_start3A_710 = tpu.memref_squeeze %dma_start3A_709 : memref<1x80xi32, #tpu.memory_space<vmem>> -> memref<80xi32, #tpu.memory_space<vmem>>
      %dma_start3A_711 = tpu.memref_slice %arg4[%add3A_693] : memref<320000xi32, #tpu.memory_space<hbm>> -> memref<80xi32, #tpu.memory_space<hbm>>
      tpu.enqueue_dma source(%dma_start3A_711 : memref<80xi32, #tpu.memory_space<hbm>>) target(%dma_start3A_710 : memref<80xi32, #tpu.memory_space<vmem>>) target_semaphore(%arg25 : memref<!tpu.dma_semaphore, #tpu.memory_space<semaphore_mem>>)
      %dma_wait3A_712 = arith.constant 0 : i32
      %dma_wait3A_713 = arith.constant 0 : i32
      %dma_wait3A_714 = tpu.memref_slice %arg7[%dma_wait3A_712, %dma_wait3A_713] : memref<2x80xi32, #tpu.memory_space<vmem>> -> memref<1x80xi32, #tpu.memory_space<vmem>>
      %dma_wait3A_715 = tpu.memref_squeeze %dma_wait3A_714 : memref<1x80xi32, #tpu.memory_space<vmem>> -> memref<80xi32, #tpu.memory_space<vmem>>
      %dma_wait3A_716 = arith.constant 0 : i32
      %dma_wait3A_717 = tpu.memref_slice %arg3[%dma_wait3A_716] : memref<320000xi32, #tpu.memory_space<hbm>> -> memref<80xi32, #tpu.memory_space<hbm>>
      %dma_wait3A_718 = arith.constant 0 : i32
      %dma_wait3A_719 = tpu.memref_slice %arg7[%dma_wait3A_712, %dma_wait3A_718] : memref<2x80xi32, #tpu.memory_space<vmem>> -> memref<1x80xi32, #tpu.memory_space<vmem>>
      %dma_wait3A_720 = tpu.memref_squeeze %dma_wait3A_719 : memref<1x80xi32, #tpu.memory_space<vmem>> -> memref<80xi32, #tpu.memory_space<vmem>>
      %dma_wait3A_721 = arith.constant 0 : i32
      %dma_wait3A_722 = tpu.memref_slice %arg3[%dma_wait3A_721] : memref<320000xi32, #tpu.memory_space<hbm>> -> memref<80xi32, #tpu.memory_space<hbm>>
      tpu.wait_dma2 semaphore(%arg22 : memref<!tpu.dma_semaphore, #tpu.memory_space<semaphore_mem>>) src(%dma_wait3A_722 : memref<80xi32, #tpu.memory_space<hbm>>) dst(%dma_wait3A_720 : memref<80xi32, #tpu.memory_space<vmem>>)
      %dma_wait3A_723 = arith.constant 1 : i32
      %dma_wait3A_724 = arith.constant 0 : i32
      %dma_wait3A_725 = tpu.memref_slice %arg7[%dma_wait3A_723, %dma_wait3A_724] : memref<2x80xi32, #tpu.memory_space<vmem>> -> memref<1x80xi32, #tpu.memory_space<vmem>>
      %dma_wait3A_726 = tpu.memref_squeeze %dma_wait3A_725 : memref<1x80xi32, #tpu.memory_space<vmem>> -> memref<80xi32, #tpu.memory_space<vmem>>
      %dma_wait3A_727 = arith.constant 0 : i32
      %dma_wait3A_728 = tpu.memref_slice %arg4[%dma_wait3A_727] : memref<320000xi32, #tpu.memory_space<hbm>> -> memref<80xi32, #tpu.memory_space<hbm>>
      %dma_wait3A_729 = arith.constant 0 : i32
      %dma_wait3A_730 = tpu.memref_slice %arg7[%dma_wait3A_723, %dma_wait3A_729] : memref<2x80xi32, #tpu.memory_space<vmem>> -> memref<1x80xi32, #tpu.memory_space<vmem>>
      %dma_wait3A_731 = tpu.memref_squeeze %dma_wait3A_730 : memref<1x80xi32, #tpu.memory_space<vmem>> -> memref<80xi32, #tpu.memory_space<vmem>>
      %dma_wait3A_732 = arith.constant 0 : i32
      %dma_wait3A_733 = tpu.memref_slice %arg4[%dma_wait3A_732] : memref<320000xi32, #tpu.memory_space<hbm>> -> memref<80xi32, #tpu.memory_space<hbm>>
      tpu.wait_dma2 semaphore(%arg22 : memref<!tpu.dma_semaphore, #tpu.memory_space<semaphore_mem>>) src(%dma_wait3A_733 : memref<80xi32, #tpu.memory_space<hbm>>) dst(%dma_wait3A_731 : memref<80xi32, #tpu.memory_space<vmem>>)
      %dma_start3A_734 = arith.constant 0 : i32
      %dma_start3A_735 = arith.constant 0 : i32
      %dma_start3A_736 = tpu.memref_slice %arg7[%dma_start3A_734, %dma_start3A_735] : memref<2x80xi32, #tpu.memory_space<vmem>> -> memref<1x80xi32, #tpu.memory_space<vmem>>
      %dma_start3A_737 = tpu.memref_squeeze %dma_start3A_736 : memref<1x80xi32, #tpu.memory_space<vmem>> -> memref<80xi32, #tpu.memory_space<vmem>>
      %dma_start3A_738 = arith.constant 0 : i32
      %dma_start3A_739 = arith.constant 0 : i32
      %dma_start3A_740 = tpu.memref_slice %arg2[%dma_start3A_738, %dma_start3A_739] : memref<10000x128xf32, #tpu.memory_space<hbm>> -> memref<10000x128xf32, #tpu.memory_space<hbm>>
      tpu.enqueue_indirect_dma source(%dma_start3A_740 : memref<10000x128xf32, #tpu.memory_space<hbm>>) target(%arg13 : memref<80x128xf32, #tpu.memory_space<vmem>>) offsets(%dma_start3A_737 : memref<80xi32, #tpu.memory_space<vmem>>) semaphore(%arg16 : memref<!tpu.dma_semaphore, #tpu.memory_space<semaphore_mem>>)
      %dma_wait3A_741 = arith.constant 0 : i32
      %dma_wait3A_742 = arith.constant 0 : i32
      %dma_wait3A_743 = tpu.memref_slice %arg11[%dma_wait3A_741, %dma_wait3A_742] : memref<2x80xi32, #tpu.memory_space<vmem>> -> memref<1x80xi32, #tpu.memory_space<vmem>>
      %dma_wait3A_744 = tpu.memref_squeeze %dma_wait3A_743 : memref<1x80xi32, #tpu.memory_space<vmem>> -> memref<80xi32, #tpu.memory_space<vmem>>
      %dma_wait3A_745 = arith.constant 0 : i32
      %dma_wait3A_746 = arith.constant 0 : i32
      %dma_wait3A_747 = tpu.memref_slice %arg2[%dma_wait3A_745, %dma_wait3A_746] : memref<10000x128xf32, #tpu.memory_space<hbm>> -> memref<10000x128xf32, #tpu.memory_space<hbm>>
      tpu.wait_indirect_dma semaphore(%arg17 : memref<!tpu.dma_semaphore, #tpu.memory_space<semaphore_mem>>) src(%dma_wait3A_747 : memref<10000x128xf32, #tpu.memory_space<hbm>>) dst(%arg14 : memref<80x128xf32, #tpu.memory_space<vmem>>)
      %dma_start3A_748 = arith.constant 1 : i32
      %dma_start3A_749 = arith.constant 0 : i32
      %dma_start3A_750 = tpu.memref_slice %arg11[%dma_start3A_748, %dma_start3A_749] : memref<2x80xi32, #tpu.memory_space<vmem>> -> memref<1x80xi32, #tpu.memory_space<vmem>>
      %dma_start3A_751 = tpu.memref_squeeze %dma_start3A_750 : memref<1x80xi32, #tpu.memory_space<vmem>> -> memref<80xi32, #tpu.memory_space<vmem>>
      %dma_start3A_752 = arith.constant 0 : i32
      %dma_start3A_753 = arith.constant 0 : i32
      %dma_start3A_754 = tpu.memref_slice %arg28[%dma_start3A_752, %dma_start3A_753] : memref<10000x128xf32, #tpu.memory_space<vmem_shared>> -> memref<10000x128xf32, #tpu.memory_space<vmem_shared>>
      tpu.enqueue_indirect_dma source(%arg14 : memref<80x128xf32, #tpu.memory_space<vmem>>) target(%dma_start3A_754 : memref<10000x128xf32, #tpu.memory_space<vmem_shared>>) offsets(%dma_start3A_751 : memref<80xi32, #tpu.memory_space<vmem>>) semaphore(%arg20 : memref<!tpu.dma_semaphore, #tpu.memory_space<semaphore_mem>>) {add = true}
      %add3A_755 = arith.constant 5 : i32
      %add3A_756 = arith.addi %mul3A_382, %add3A_755 : i32
      %dma_wait3A_757 = arith.constant 1 : i32
      %dma_wait3A_758 = arith.constant 0 : i32
      %dma_wait3A_759 = tpu.memref_slice %arg11[%dma_wait3A_757, %dma_wait3A_758] : memref<2x80xi32, #tpu.memory_space<vmem>> -> memref<1x80xi32, #tpu.memory_space<vmem>>
      %dma_wait3A_760 = tpu.memref_squeeze %dma_wait3A_759 : memref<1x80xi32, #tpu.memory_space<vmem>> -> memref<80xi32, #tpu.memory_space<vmem>>
      %dma_wait3A_761 = arith.constant 0 : i32
      %dma_wait3A_762 = arith.constant 0 : i32
      %dma_wait3A_763 = tpu.memref_slice %arg28[%dma_wait3A_761, %dma_wait3A_762] : memref<10000x128xf32, #tpu.memory_space<vmem_shared>> -> memref<10000x128xf32, #tpu.memory_space<vmem_shared>>
      tpu.wait_indirect_dma semaphore(%arg20 : memref<!tpu.dma_semaphore, #tpu.memory_space<semaphore_mem>>) src(%arg14 : memref<80x128xf32, #tpu.memory_space<vmem>>) dst(%dma_wait3A_763 : memref<10000x128xf32, #tpu.memory_space<vmem_shared>>)
      %add3A_764 = arith.constant 5 : i32
      %add3A_765 = arith.addi %add3A_756, %add3A_764 : i32
      %mul3A_766 = arith.constant 80 : i32
      %mul3A_767 = arith.muli %add3A_765, %mul3A_766 : i32
      %add3A_768 = arith.addi %mul3A_2, %mul3A_767 : i32
      %dma_start3A_769 = arith.constant 0 : i32
      %dma_start3A_770 = arith.constant 0 : i32
      %dma_start3A_771 = tpu.memref_slice %arg11[%dma_start3A_769, %dma_start3A_770] : memref<2x80xi32, #tpu.memory_space<vmem>> -> memref<1x80xi32, #tpu.memory_space<vmem>>
      %dma_start3A_772 = tpu.memref_squeeze %dma_start3A_771 : memref<1x80xi32, #tpu.memory_space<vmem>> -> memref<80xi32, #tpu.memory_space<vmem>>
      %dma_start3A_773 = tpu.memref_slice %arg3[%add3A_768] : memref<320000xi32, #tpu.memory_space<hbm>> -> memref<80xi32, #tpu.memory_space<hbm>>
      %dma_start3A_774 = arith.constant 0 : i32
      %dma_start3A_775 = tpu.memref_slice %arg11[%dma_start3A_769, %dma_start3A_774] : memref<2x80xi32, #tpu.memory_space<vmem>> -> memref<1x80xi32, #tpu.memory_space<vmem>>
      %dma_start3A_776 = tpu.memref_squeeze %dma_start3A_775 : memref<1x80xi32, #tpu.memory_space<vmem>> -> memref<80xi32, #tpu.memory_space<vmem>>
      %dma_start3A_777 = tpu.memref_slice %arg3[%add3A_768] : memref<320000xi32, #tpu.memory_space<hbm>> -> memref<80xi32, #tpu.memory_space<hbm>>
      tpu.enqueue_dma source(%dma_start3A_777 : memref<80xi32, #tpu.memory_space<hbm>>) target(%dma_start3A_776 : memref<80xi32, #tpu.memory_space<vmem>>) target_semaphore(%arg26 : memref<!tpu.dma_semaphore, #tpu.memory_space<semaphore_mem>>)
      %dma_start3A_778 = arith.constant 1 : i32
      %dma_start3A_779 = arith.constant 0 : i32
      %dma_start3A_780 = tpu.memref_slice %arg11[%dma_start3A_778, %dma_start3A_779] : memref<2x80xi32, #tpu.memory_space<vmem>> -> memref<1x80xi32, #tpu.memory_space<vmem>>
      %dma_start3A_781 = tpu.memref_squeeze %dma_start3A_780 : memref<1x80xi32, #tpu.memory_space<vmem>> -> memref<80xi32, #tpu.memory_space<vmem>>
      %dma_start3A_782 = tpu.memref_slice %arg4[%add3A_768] : memref<320000xi32, #tpu.memory_space<hbm>> -> memref<80xi32, #tpu.memory_space<hbm>>
      %dma_start3A_783 = arith.constant 0 : i32
      %dma_start3A_784 = tpu.memref_slice %arg11[%dma_start3A_778, %dma_start3A_783] : memref<2x80xi32, #tpu.memory_space<vmem>> -> memref<1x80xi32, #tpu.memory_space<vmem>>
      %dma_start3A_785 = tpu.memref_squeeze %dma_start3A_784 : memref<1x80xi32, #tpu.memory_space<vmem>> -> memref<80xi32, #tpu.memory_space<vmem>>
      %dma_start3A_786 = tpu.memref_slice %arg4[%add3A_768] : memref<320000xi32, #tpu.memory_space<hbm>> -> memref<80xi32, #tpu.memory_space<hbm>>
      tpu.enqueue_dma source(%dma_start3A_786 : memref<80xi32, #tpu.memory_space<hbm>>) target(%dma_start3A_785 : memref<80xi32, #tpu.memory_space<vmem>>) target_semaphore(%arg26 : memref<!tpu.dma_semaphore, #tpu.memory_space<semaphore_mem>>)
      %dma_wait3A_787 = arith.constant 0 : i32
      %dma_wait3A_788 = arith.constant 0 : i32
      %dma_wait3A_789 = tpu.memref_slice %arg8[%dma_wait3A_787, %dma_wait3A_788] : memref<2x80xi32, #tpu.memory_space<vmem>> -> memref<1x80xi32, #tpu.memory_space<vmem>>
      %dma_wait3A_790 = tpu.memref_squeeze %dma_wait3A_789 : memref<1x80xi32, #tpu.memory_space<vmem>> -> memref<80xi32, #tpu.memory_space<vmem>>
      %dma_wait3A_791 = arith.constant 0 : i32
      %dma_wait3A_792 = tpu.memref_slice %arg3[%dma_wait3A_791] : memref<320000xi32, #tpu.memory_space<hbm>> -> memref<80xi32, #tpu.memory_space<hbm>>
      %dma_wait3A_793 = arith.constant 0 : i32
      %dma_wait3A_794 = tpu.memref_slice %arg8[%dma_wait3A_787, %dma_wait3A_793] : memref<2x80xi32, #tpu.memory_space<vmem>> -> memref<1x80xi32, #tpu.memory_space<vmem>>
      %dma_wait3A_795 = tpu.memref_squeeze %dma_wait3A_794 : memref<1x80xi32, #tpu.memory_space<vmem>> -> memref<80xi32, #tpu.memory_space<vmem>>
      %dma_wait3A_796 = arith.constant 0 : i32
      %dma_wait3A_797 = tpu.memref_slice %arg3[%dma_wait3A_796] : memref<320000xi32, #tpu.memory_space<hbm>> -> memref<80xi32, #tpu.memory_space<hbm>>
      tpu.wait_dma2 semaphore(%arg23 : memref<!tpu.dma_semaphore, #tpu.memory_space<semaphore_mem>>) src(%dma_wait3A_797 : memref<80xi32, #tpu.memory_space<hbm>>) dst(%dma_wait3A_795 : memref<80xi32, #tpu.memory_space<vmem>>)
      %dma_wait3A_798 = arith.constant 1 : i32
      %dma_wait3A_799 = arith.constant 0 : i32
      %dma_wait3A_800 = tpu.memref_slice %arg8[%dma_wait3A_798, %dma_wait3A_799] : memref<2x80xi32, #tpu.memory_space<vmem>> -> memref<1x80xi32, #tpu.memory_space<vmem>>
      %dma_wait3A_801 = tpu.memref_squeeze %dma_wait3A_800 : memref<1x80xi32, #tpu.memory_space<vmem>> -> memref<80xi32, #tpu.memory_space<vmem>>
      %dma_wait3A_802 = arith.constant 0 : i32
      %dma_wait3A_803 = tpu.memref_slice %arg4[%dma_wait3A_802] : memref<320000xi32, #tpu.memory_space<hbm>> -> memref<80xi32, #tpu.memory_space<hbm>>
      %dma_wait3A_804 = arith.constant 0 : i32
      %dma_wait3A_805 = tpu.memref_slice %arg8[%dma_wait3A_798, %dma_wait3A_804] : memref<2x80xi32, #tpu.memory_space<vmem>> -> memref<1x80xi32, #tpu.memory_space<vmem>>
      %dma_wait3A_806 = tpu.memref_squeeze %dma_wait3A_805 : memref<1x80xi32, #tpu.memory_space<vmem>> -> memref<80xi32, #tpu.memory_space<vmem>>
      %dma_wait3A_807 = arith.constant 0 : i32
      %dma_wait3A_808 = tpu.memref_slice %arg4[%dma_wait3A_807] : memref<320000xi32, #tpu.memory_space<hbm>> -> memref<80xi32, #tpu.memory_space<hbm>>
      tpu.wait_dma2 semaphore(%arg23 : memref<!tpu.dma_semaphore, #tpu.memory_space<semaphore_mem>>) src(%dma_wait3A_808 : memref<80xi32, #tpu.memory_space<hbm>>) dst(%dma_wait3A_806 : memref<80xi32, #tpu.memory_space<vmem>>)
      %dma_start3A_809 = arith.constant 0 : i32
      %dma_start3A_810 = arith.constant 0 : i32
      %dma_start3A_811 = tpu.memref_slice %arg8[%dma_start3A_809, %dma_start3A_810] : memref<2x80xi32, #tpu.memory_space<vmem>> -> memref<1x80xi32, #tpu.memory_space<vmem>>
      %dma_start3A_812 = tpu.memref_squeeze %dma_start3A_811 : memref<1x80xi32, #tpu.memory_space<vmem>> -> memref<80xi32, #tpu.memory_space<vmem>>
      %dma_start3A_813 = arith.constant 0 : i32
      %dma_start3A_814 = arith.constant 0 : i32
      %dma_start3A_815 = tpu.memref_slice %arg2[%dma_start3A_813, %dma_start3A_814] : memref<10000x128xf32, #tpu.memory_space<hbm>> -> memref<10000x128xf32, #tpu.memory_space<hbm>>
      tpu.enqueue_indirect_dma source(%dma_start3A_815 : memref<10000x128xf32, #tpu.memory_space<hbm>>) target(%arg14 : memref<80x128xf32, #tpu.memory_space<vmem>>) offsets(%dma_start3A_812 : memref<80xi32, #tpu.memory_space<vmem>>) semaphore(%arg17 : memref<!tpu.dma_semaphore, #tpu.memory_space<semaphore_mem>>)
      %dma_wait3A_816 = arith.constant 0 : i32
      %dma_wait3A_817 = arith.constant 0 : i32
      %dma_wait3A_818 = tpu.memref_slice %arg12[%dma_wait3A_816, %dma_wait3A_817] : memref<2x80xi32, #tpu.memory_space<vmem>> -> memref<1x80xi32, #tpu.memory_space<vmem>>
      %dma_wait3A_819 = tpu.memref_squeeze %dma_wait3A_818 : memref<1x80xi32, #tpu.memory_space<vmem>> -> memref<80xi32, #tpu.memory_space<vmem>>
      %dma_wait3A_820 = arith.constant 0 : i32
      %dma_wait3A_821 = arith.constant 0 : i32
      %dma_wait3A_822 = tpu.memref_slice %arg2[%dma_wait3A_820, %dma_wait3A_821] : memref<10000x128xf32, #tpu.memory_space<hbm>> -> memref<10000x128xf32, #tpu.memory_space<hbm>>
      tpu.wait_indirect_dma semaphore(%arg18 : memref<!tpu.dma_semaphore, #tpu.memory_space<semaphore_mem>>) src(%dma_wait3A_822 : memref<10000x128xf32, #tpu.memory_space<hbm>>) dst(%arg15 : memref<80x128xf32, #tpu.memory_space<vmem>>)
      %dma_start3A_823 = arith.constant 1 : i32
      %dma_start3A_824 = arith.constant 0 : i32
      %dma_start3A_825 = tpu.memref_slice %arg12[%dma_start3A_823, %dma_start3A_824] : memref<2x80xi32, #tpu.memory_space<vmem>> -> memref<1x80xi32, #tpu.memory_space<vmem>>
      %dma_start3A_826 = tpu.memref_squeeze %dma_start3A_825 : memref<1x80xi32, #tpu.memory_space<vmem>> -> memref<80xi32, #tpu.memory_space<vmem>>
      %dma_start3A_827 = arith.constant 0 : i32
      %dma_start3A_828 = arith.constant 0 : i32
      %dma_start3A_829 = tpu.memref_slice %arg28[%dma_start3A_827, %dma_start3A_828] : memref<10000x128xf32, #tpu.memory_space<vmem_shared>> -> memref<10000x128xf32, #tpu.memory_space<vmem_shared>>
      tpu.enqueue_indirect_dma source(%arg15 : memref<80x128xf32, #tpu.memory_space<vmem>>) target(%dma_start3A_829 : memref<10000x128xf32, #tpu.memory_space<vmem_shared>>) offsets(%dma_start3A_826 : memref<80xi32, #tpu.memory_space<vmem>>) semaphore(%arg21 : memref<!tpu.dma_semaphore, #tpu.memory_space<semaphore_mem>>) {add = true}
    }
    %scan3A_169 = arith.constant 20 : i32
    %dma_wait3A_170 = arith.constant 1 : i32
    %dma_wait3A_171 = arith.constant 0 : i32
    %dma_wait3A_172 = tpu.memref_slice %arg12[%dma_wait3A_170, %dma_wait3A_171] : memref<2x80xi32, #tpu.memory_space<vmem>> -> memref<1x80xi32, #tpu.memory_space<vmem>>
    %dma_wait3A_173 = tpu.memref_squeeze %dma_wait3A_172 : memref<1x80xi32, #tpu.memory_space<vmem>> -> memref<80xi32, #tpu.memory_space<vmem>>
    %dma_wait3A_174 = arith.constant 0 : i32
    %dma_wait3A_175 = arith.constant 0 : i32
    %dma_wait3A_176 = tpu.memref_slice %arg28[%dma_wait3A_174, %dma_wait3A_175] : memref<10000x128xf32, #tpu.memory_space<vmem_shared>> -> memref<10000x128xf32, #tpu.memory_space<vmem_shared>>
    tpu.wait_indirect_dma semaphore(%arg21 : memref<!tpu.dma_semaphore, #tpu.memory_space<semaphore_mem>>) src(%arg15 : memref<80x128xf32, #tpu.memory_space<vmem>>) dst(%dma_wait3A_176 : memref<10000x128xf32, #tpu.memory_space<vmem_shared>>)
    %dma_wait3A_177 = arith.constant 0 : i32
    %dma_wait3A_178 = arith.constant 0 : i32
    %dma_wait3A_179 = tpu.memref_slice %arg9[%dma_wait3A_177, %dma_wait3A_178] : memref<2x80xi32, #tpu.memory_space<vmem>> -> memref<1x80xi32, #tpu.memory_space<vmem>>
    %dma_wait3A_180 = tpu.memref_squeeze %dma_wait3A_179 : memref<1x80xi32, #tpu.memory_space<vmem>> -> memref<80xi32, #tpu.memory_space<vmem>>
    %dma_wait3A_181 = arith.constant 0 : i32
    %dma_wait3A_182 = tpu.memref_slice %arg3[%dma_wait3A_181] : memref<320000xi32, #tpu.memory_space<hbm>> -> memref<80xi32, #tpu.memory_space<hbm>>
    %dma_wait3A_183 = arith.constant 0 : i32
    %dma_wait3A_184 = tpu.memref_slice %arg9[%dma_wait3A_177, %dma_wait3A_183] : memref<2x80xi32, #tpu.memory_space<vmem>> -> memref<1x80xi32, #tpu.memory_space<vmem>>
    %dma_wait3A_185 = tpu.memref_squeeze %dma_wait3A_184 : memref<1x80xi32, #tpu.memory_space<vmem>> -> memref<80xi32, #tpu.memory_space<vmem>>
    %dma_wait3A_186 = arith.constant 0 : i32
    %dma_wait3A_187 = tpu.memref_slice %arg3[%dma_wait3A_186] : memref<320000xi32, #tpu.memory_space<hbm>> -> memref<80xi32, #tpu.memory_space<hbm>>
    tpu.wait_dma2 semaphore(%arg24 : memref<!tpu.dma_semaphore, #tpu.memory_space<semaphore_mem>>) src(%dma_wait3A_187 : memref<80xi32, #tpu.memory_space<hbm>>) dst(%dma_wait3A_185 : memref<80xi32, #tpu.memory_space<vmem>>)
    %dma_wait3A_188 = arith.constant 1 : i32
    %dma_wait3A_189 = arith.constant 0 : i32
    %dma_wait3A_190 = tpu.memref_slice %arg9[%dma_wait3A_188, %dma_wait3A_189] : memref<2x80xi32, #tpu.memory_space<vmem>> -> memref<1x80xi32, #tpu.memory_space<vmem>>
    %dma_wait3A_191 = tpu.memref_squeeze %dma_wait3A_190 : memref<1x80xi32, #tpu.memory_space<vmem>> -> memref<80xi32, #tpu.memory_space<vmem>>
    %dma_wait3A_192 = arith.constant 0 : i32
    %dma_wait3A_193 = tpu.memref_slice %arg4[%dma_wait3A_192] : memref<320000xi32, #tpu.memory_space<hbm>> -> memref<80xi32, #tpu.memory_space<hbm>>
    %dma_wait3A_194 = arith.constant 0 : i32
    %dma_wait3A_195 = tpu.memref_slice %arg9[%dma_wait3A_188, %dma_wait3A_194] : memref<2x80xi32, #tpu.memory_space<vmem>> -> memref<1x80xi32, #tpu.memory_space<vmem>>
    %dma_wait3A_196 = tpu.memref_squeeze %dma_wait3A_195 : memref<1x80xi32, #tpu.memory_space<vmem>> -> memref<80xi32, #tpu.memory_space<vmem>>
    %dma_wait3A_197 = arith.constant 0 : i32
    %dma_wait3A_198 = tpu.memref_slice %arg4[%dma_wait3A_197] : memref<320000xi32, #tpu.memory_space<hbm>> -> memref<80xi32, #tpu.memory_space<hbm>>
    tpu.wait_dma2 semaphore(%arg24 : memref<!tpu.dma_semaphore, #tpu.memory_space<semaphore_mem>>) src(%dma_wait3A_198 : memref<80xi32, #tpu.memory_space<hbm>>) dst(%dma_wait3A_196 : memref<80xi32, #tpu.memory_space<vmem>>)
    %dma_start3A_199 = arith.constant 0 : i32
    %dma_start3A_200 = arith.constant 0 : i32
    %dma_start3A_201 = tpu.memref_slice %arg9[%dma_start3A_199, %dma_start3A_200] : memref<2x80xi32, #tpu.memory_space<vmem>> -> memref<1x80xi32, #tpu.memory_space<vmem>>
    %dma_start3A_202 = tpu.memref_squeeze %dma_start3A_201 : memref<1x80xi32, #tpu.memory_space<vmem>> -> memref<80xi32, #tpu.memory_space<vmem>>
    %dma_start3A_203 = arith.constant 0 : i32
    %dma_start3A_204 = arith.constant 0 : i32
    %dma_start3A_205 = tpu.memref_slice %arg2[%dma_start3A_203, %dma_start3A_204] : memref<10000x128xf32, #tpu.memory_space<hbm>> -> memref<10000x128xf32, #tpu.memory_space<hbm>>
    tpu.enqueue_indirect_dma source(%dma_start3A_205 : memref<10000x128xf32, #tpu.memory_space<hbm>>) target(%arg15 : memref<80x128xf32, #tpu.memory_space<vmem>>) offsets(%dma_start3A_202 : memref<80xi32, #tpu.memory_space<vmem>>) semaphore(%arg18 : memref<!tpu.dma_semaphore, #tpu.memory_space<semaphore_mem>>)
    %dma_wait3A_206 = arith.constant 0 : i32
    %dma_wait3A_207 = arith.constant 0 : i32
    %dma_wait3A_208 = tpu.memref_slice %arg7[%dma_wait3A_206, %dma_wait3A_207] : memref<2x80xi32, #tpu.memory_space<vmem>> -> memref<1x80xi32, #tpu.memory_space<vmem>>
    %dma_wait3A_209 = tpu.memref_squeeze %dma_wait3A_208 : memref<1x80xi32, #tpu.memory_space<vmem>> -> memref<80xi32, #tpu.memory_space<vmem>>
    %dma_wait3A_210 = arith.constant 0 : i32
    %dma_wait3A_211 = arith.constant 0 : i32
    %dma_wait3A_212 = tpu.memref_slice %arg2[%dma_wait3A_210, %dma_wait3A_211] : memref<10000x128xf32, #tpu.memory_space<hbm>> -> memref<10000x128xf32, #tpu.memory_space<hbm>>
    tpu.wait_indirect_dma semaphore(%arg16 : memref<!tpu.dma_semaphore, #tpu.memory_space<semaphore_mem>>) src(%dma_wait3A_212 : memref<10000x128xf32, #tpu.memory_space<hbm>>) dst(%arg13 : memref<80x128xf32, #tpu.memory_space<vmem>>)
    %dma_start3A_213 = arith.constant 1 : i32
    %dma_start3A_214 = arith.constant 0 : i32
    %dma_start3A_215 = tpu.memref_slice %arg7[%dma_start3A_213, %dma_start3A_214] : memref<2x80xi32, #tpu.memory_space<vmem>> -> memref<1x80xi32, #tpu.memory_space<vmem>>
    %dma_start3A_216 = tpu.memref_squeeze %dma_start3A_215 : memref<1x80xi32, #tpu.memory_space<vmem>> -> memref<80xi32, #tpu.memory_space<vmem>>
    %dma_start3A_217 = arith.constant 0 : i32
    %dma_start3A_218 = arith.constant 0 : i32
    %dma_start3A_219 = tpu.memref_slice %arg28[%dma_start3A_217, %dma_start3A_218] : memref<10000x128xf32, #tpu.memory_space<vmem_shared>> -> memref<10000x128xf32, #tpu.memory_space<vmem_shared>>
    tpu.enqueue_indirect_dma source(%arg13 : memref<80x128xf32, #tpu.memory_space<vmem>>) target(%dma_start3A_219 : memref<10000x128xf32, #tpu.memory_space<vmem_shared>>) offsets(%dma_start3A_216 : memref<80xi32, #tpu.memory_space<vmem>>) semaphore(%arg19 : memref<!tpu.dma_semaphore, #tpu.memory_space<semaphore_mem>>) {add = true}
    %dma_wait3A_220 = arith.constant 1 : i32
    %dma_wait3A_221 = arith.constant 0 : i32
    %dma_wait3A_222 = tpu.memref_slice %arg7[%dma_wait3A_220, %dma_wait3A_221] : memref<2x80xi32, #tpu.memory_space<vmem>> -> memref<1x80xi32, #tpu.memory_space<vmem>>
    %dma_wait3A_223 = tpu.memref_squeeze %dma_wait3A_222 : memref<1x80xi32, #tpu.memory_space<vmem>> -> memref<80xi32, #tpu.memory_space<vmem>>
    %dma_wait3A_224 = arith.constant 0 : i32
    %dma_wait3A_225 = arith.constant 0 : i32
    %dma_wait3A_226 = tpu.memref_slice %arg28[%dma_wait3A_224, %dma_wait3A_225] : memref<10000x128xf32, #tpu.memory_space<vmem_shared>> -> memref<10000x128xf32, #tpu.memory_space<vmem_shared>>
    tpu.wait_indirect_dma semaphore(%arg19 : memref<!tpu.dma_semaphore, #tpu.memory_space<semaphore_mem>>) src(%arg13 : memref<80x128xf32, #tpu.memory_space<vmem>>) dst(%dma_wait3A_226 : memref<10000x128xf32, #tpu.memory_space<vmem_shared>>)
    %dma_wait3A_227 = arith.constant 0 : i32
    %dma_wait3A_228 = arith.constant 0 : i32
    %dma_wait3A_229 = tpu.memref_slice %arg10[%dma_wait3A_227, %dma_wait3A_228] : memref<2x80xi32, #tpu.memory_space<vmem>> -> memref<1x80xi32, #tpu.memory_space<vmem>>
    %dma_wait3A_230 = tpu.memref_squeeze %dma_wait3A_229 : memref<1x80xi32, #tpu.memory_space<vmem>> -> memref<80xi32, #tpu.memory_space<vmem>>
    %dma_wait3A_231 = arith.constant 0 : i32
    %dma_wait3A_232 = tpu.memref_slice %arg3[%dma_wait3A_231] : memref<320000xi32, #tpu.memory_space<hbm>> -> memref<80xi32, #tpu.memory_space<hbm>>
    %dma_wait3A_233 = arith.constant 0 : i32
    %dma_wait3A_234 = tpu.memref_slice %arg10[%dma_wait3A_227, %dma_wait3A_233] : memref<2x80xi32, #tpu.memory_space<vmem>> -> memref<1x80xi32, #tpu.memory_space<vmem>>
    %dma_wait3A_235 = tpu.memref_squeeze %dma_wait3A_234 : memref<1x80xi32, #tpu.memory_space<vmem>> -> memref<80xi32, #tpu.memory_space<vmem>>
    %dma_wait3A_236 = arith.constant 0 : i32
    %dma_wait3A_237 = tpu.memref_slice %arg3[%dma_wait3A_236] : memref<320000xi32, #tpu.memory_space<hbm>> -> memref<80xi32, #tpu.memory_space<hbm>>
    tpu.wait_dma2 semaphore(%arg25 : memref<!tpu.dma_semaphore, #tpu.memory_space<semaphore_mem>>) src(%dma_wait3A_237 : memref<80xi32, #tpu.memory_space<hbm>>) dst(%dma_wait3A_235 : memref<80xi32, #tpu.memory_space<vmem>>)
    %dma_wait3A_238 = arith.constant 1 : i32
    %dma_wait3A_239 = arith.constant 0 : i32
    %dma_wait3A_240 = tpu.memref_slice %arg10[%dma_wait3A_238, %dma_wait3A_239] : memref<2x80xi32, #tpu.memory_space<vmem>> -> memref<1x80xi32, #tpu.memory_space<vmem>>
    %dma_wait3A_241 = tpu.memref_squeeze %dma_wait3A_240 : memref<1x80xi32, #tpu.memory_space<vmem>> -> memref<80xi32, #tpu.memory_space<vmem>>
    %dma_wait3A_242 = arith.constant 0 : i32
    %dma_wait3A_243 = tpu.memref_slice %arg4[%dma_wait3A_242] : memref<320000xi32, #tpu.memory_space<hbm>> -> memref<80xi32, #tpu.memory_space<hbm>>
    %dma_wait3A_244 = arith.constant 0 : i32
    %dma_wait3A_245 = tpu.memref_slice %arg10[%dma_wait3A_238, %dma_wait3A_244] : memref<2x80xi32, #tpu.memory_space<vmem>> -> memref<1x80xi32, #tpu.memory_space<vmem>>
    %dma_wait3A_246 = tpu.memref_squeeze %dma_wait3A_245 : memref<1x80xi32, #tpu.memory_space<vmem>> -> memref<80xi32, #tpu.memory_space<vmem>>
    %dma_wait3A_247 = arith.constant 0 : i32
    %dma_wait3A_248 = tpu.memref_slice %arg4[%dma_wait3A_247] : memref<320000xi32, #tpu.memory_space<hbm>> -> memref<80xi32, #tpu.memory_space<hbm>>
    tpu.wait_dma2 semaphore(%arg25 : memref<!tpu.dma_semaphore, #tpu.memory_space<semaphore_mem>>) src(%dma_wait3A_248 : memref<80xi32, #tpu.memory_space<hbm>>) dst(%dma_wait3A_246 : memref<80xi32, #tpu.memory_space<vmem>>)
    %dma_start3A_249 = arith.constant 0 : i32
    %dma_start3A_250 = arith.constant 0 : i32
    %dma_start3A_251 = tpu.memref_slice %arg10[%dma_start3A_249, %dma_start3A_250] : memref<2x80xi32, #tpu.memory_space<vmem>> -> memref<1x80xi32, #tpu.memory_space<vmem>>
    %dma_start3A_252 = tpu.memref_squeeze %dma_start3A_251 : memref<1x80xi32, #tpu.memory_space<vmem>> -> memref<80xi32, #tpu.memory_space<vmem>>
    %dma_start3A_253 = arith.constant 0 : i32
    %dma_start3A_254 = arith.constant 0 : i32
    %dma_start3A_255 = tpu.memref_slice %arg2[%dma_start3A_253, %dma_start3A_254] : memref<10000x128xf32, #tpu.memory_space<hbm>> -> memref<10000x128xf32, #tpu.memory_space<hbm>>
    tpu.enqueue_indirect_dma source(%dma_start3A_255 : memref<10000x128xf32, #tpu.memory_space<hbm>>) target(%arg13 : memref<80x128xf32, #tpu.memory_space<vmem>>) offsets(%dma_start3A_252 : memref<80xi32, #tpu.memory_space<vmem>>) semaphore(%arg16 : memref<!tpu.dma_semaphore, #tpu.memory_space<semaphore_mem>>)
    %dma_wait3A_256 = arith.constant 0 : i32
    %dma_wait3A_257 = arith.constant 0 : i32
    %dma_wait3A_258 = tpu.memref_slice %arg8[%dma_wait3A_256, %dma_wait3A_257] : memref<2x80xi32, #tpu.memory_space<vmem>> -> memref<1x80xi32, #tpu.memory_space<vmem>>
    %dma_wait3A_259 = tpu.memref_squeeze %dma_wait3A_258 : memref<1x80xi32, #tpu.memory_space<vmem>> -> memref<80xi32, #tpu.memory_space<vmem>>
    %dma_wait3A_260 = arith.constant 0 : i32
    %dma_wait3A_261 = arith.constant 0 : i32
    %dma_wait3A_262 = tpu.memref_slice %arg2[%dma_wait3A_260, %dma_wait3A_261] : memref<10000x128xf32, #tpu.memory_space<hbm>> -> memref<10000x128xf32, #tpu.memory_space<hbm>>
    tpu.wait_indirect_dma semaphore(%arg17 : memref<!tpu.dma_semaphore, #tpu.memory_space<semaphore_mem>>) src(%dma_wait3A_262 : memref<10000x128xf32, #tpu.memory_space<hbm>>) dst(%arg14 : memref<80x128xf32, #tpu.memory_space<vmem>>)
    %dma_start3A_263 = arith.constant 1 : i32
    %dma_start3A_264 = arith.constant 0 : i32
    %dma_start3A_265 = tpu.memref_slice %arg8[%dma_start3A_263, %dma_start3A_264] : memref<2x80xi32, #tpu.memory_space<vmem>> -> memref<1x80xi32, #tpu.memory_space<vmem>>
    %dma_start3A_266 = tpu.memref_squeeze %dma_start3A_265 : memref<1x80xi32, #tpu.memory_space<vmem>> -> memref<80xi32, #tpu.memory_space<vmem>>
    %dma_start3A_267 = arith.constant 0 : i32
    %dma_start3A_268 = arith.constant 0 : i32
    %dma_start3A_269 = tpu.memref_slice %arg28[%dma_start3A_267, %dma_start3A_268] : memref<10000x128xf32, #tpu.memory_space<vmem_shared>> -> memref<10000x128xf32, #tpu.memory_space<vmem_shared>>
    tpu.enqueue_indirect_dma source(%arg14 : memref<80x128xf32, #tpu.memory_space<vmem>>) target(%dma_start3A_269 : memref<10000x128xf32, #tpu.memory_space<vmem_shared>>) offsets(%dma_start3A_266 : memref<80xi32, #tpu.memory_space<vmem>>) semaphore(%arg20 : memref<!tpu.dma_semaphore, #tpu.memory_space<semaphore_mem>>) {add = true}
    %dma_wait3A_270 = arith.constant 1 : i32
    %dma_wait3A_271 = arith.constant 0 : i32
    %dma_wait3A_272 = tpu.memref_slice %arg8[%dma_wait3A_270, %dma_wait3A_271] : memref<2x80xi32, #tpu.memory_space<vmem>> -> memref<1x80xi32, #tpu.memory_space<vmem>>
    %dma_wait3A_273 = tpu.memref_squeeze %dma_wait3A_272 : memref<1x80xi32, #tpu.memory_space<vmem>> -> memref<80xi32, #tpu.memory_space<vmem>>
    %dma_wait3A_274 = arith.constant 0 : i32
    %dma_wait3A_275 = arith.constant 0 : i32
    %dma_wait3A_276 = tpu.memref_slice %arg28[%dma_wait3A_274, %dma_wait3A_275] : memref<10000x128xf32, #tpu.memory_space<vmem_shared>> -> memref<10000x128xf32, #tpu.memory_space<vmem_shared>>
    tpu.wait_indirect_dma semaphore(%arg20 : memref<!tpu.dma_semaphore, #tpu.memory_space<semaphore_mem>>) src(%arg14 : memref<80x128xf32, #tpu.memory_space<vmem>>) dst(%dma_wait3A_276 : memref<10000x128xf32, #tpu.memory_space<vmem_shared>>)
    %dma_wait3A_277 = arith.constant 0 : i32
    %dma_wait3A_278 = arith.constant 0 : i32
    %dma_wait3A_279 = tpu.memref_slice %arg11[%dma_wait3A_277, %dma_wait3A_278] : memref<2x80xi32, #tpu.memory_space<vmem>> -> memref<1x80xi32, #tpu.memory_space<vmem>>
    %dma_wait3A_280 = tpu.memref_squeeze %dma_wait3A_279 : memref<1x80xi32, #tpu.memory_space<vmem>> -> memref<80xi32, #tpu.memory_space<vmem>>
    %dma_wait3A_281 = arith.constant 0 : i32
    %dma_wait3A_282 = tpu.memref_slice %arg3[%dma_wait3A_281] : memref<320000xi32, #tpu.memory_space<hbm>> -> memref<80xi32, #tpu.memory_space<hbm>>
    %dma_wait3A_283 = arith.constant 0 : i32
    %dma_wait3A_284 = tpu.memref_slice %arg11[%dma_wait3A_277, %dma_wait3A_283] : memref<2x80xi32, #tpu.memory_space<vmem>> -> memref<1x80xi32, #tpu.memory_space<vmem>>
    %dma_wait3A_285 = tpu.memref_squeeze %dma_wait3A_284 : memref<1x80xi32, #tpu.memory_space<vmem>> -> memref<80xi32, #tpu.memory_space<vmem>>
    %dma_wait3A_286 = arith.constant 0 : i32
    %dma_wait3A_287 = tpu.memref_slice %arg3[%dma_wait3A_286] : memref<320000xi32, #tpu.memory_space<hbm>> -> memref<80xi32, #tpu.memory_space<hbm>>
    tpu.wait_dma2 semaphore(%arg26 : memref<!tpu.dma_semaphore, #tpu.memory_space<semaphore_mem>>) src(%dma_wait3A_287 : memref<80xi32, #tpu.memory_space<hbm>>) dst(%dma_wait3A_285 : memref<80xi32, #tpu.memory_space<vmem>>)
    %dma_wait3A_288 = arith.constant 1 : i32
    %dma_wait3A_289 = arith.constant 0 : i32
    %dma_wait3A_290 = tpu.memref_slice %arg11[%dma_wait3A_288, %dma_wait3A_289] : memref<2x80xi32, #tpu.memory_space<vmem>> -> memref<1x80xi32, #tpu.memory_space<vmem>>
    %dma_wait3A_291 = tpu.memref_squeeze %dma_wait3A_290 : memref<1x80xi32, #tpu.memory_space<vmem>> -> memref<80xi32, #tpu.memory_space<vmem>>
    %dma_wait3A_292 = arith.constant 0 : i32
    %dma_wait3A_293 = tpu.memref_slice %arg4[%dma_wait3A_292] : memref<320000xi32, #tpu.memory_space<hbm>> -> memref<80xi32, #tpu.memory_space<hbm>>
    %dma_wait3A_294 = arith.constant 0 : i32
    %dma_wait3A_295 = tpu.memref_slice %arg11[%dma_wait3A_288, %dma_wait3A_294] : memref<2x80xi32, #tpu.memory_space<vmem>> -> memref<1x80xi32, #tpu.memory_space<vmem>>
    %dma_wait3A_296 = tpu.memref_squeeze %dma_wait3A_295 : memref<1x80xi32, #tpu.memory_space<vmem>> -> memref<80xi32, #tpu.memory_space<vmem>>
    %dma_wait3A_297 = arith.constant 0 : i32
    %dma_wait3A_298 = tpu.memref_slice %arg4[%dma_wait3A_297] : memref<320000xi32, #tpu.memory_space<hbm>> -> memref<80xi32, #tpu.memory_space<hbm>>
    tpu.wait_dma2 semaphore(%arg26 : memref<!tpu.dma_semaphore, #tpu.memory_space<semaphore_mem>>) src(%dma_wait3A_298 : memref<80xi32, #tpu.memory_space<hbm>>) dst(%dma_wait3A_296 : memref<80xi32, #tpu.memory_space<vmem>>)
    %dma_start3A_299 = arith.constant 0 : i32
    %dma_start3A_300 = arith.constant 0 : i32
    %dma_start3A_301 = tpu.memref_slice %arg11[%dma_start3A_299, %dma_start3A_300] : memref<2x80xi32, #tpu.memory_space<vmem>> -> memref<1x80xi32, #tpu.memory_space<vmem>>
    %dma_start3A_302 = tpu.memref_squeeze %dma_start3A_301 : memref<1x80xi32, #tpu.memory_space<vmem>> -> memref<80xi32, #tpu.memory_space<vmem>>
    %dma_start3A_303 = arith.constant 0 : i32
    %dma_start3A_304 = arith.constant 0 : i32
    %dma_start3A_305 = tpu.memref_slice %arg2[%dma_start3A_303, %dma_start3A_304] : memref<10000x128xf32, #tpu.memory_space<hbm>> -> memref<10000x128xf32, #tpu.memory_space<hbm>>
    tpu.enqueue_indirect_dma source(%dma_start3A_305 : memref<10000x128xf32, #tpu.memory_space<hbm>>) target(%arg14 : memref<80x128xf32, #tpu.memory_space<vmem>>) offsets(%dma_start3A_302 : memref<80xi32, #tpu.memory_space<vmem>>) semaphore(%arg17 : memref<!tpu.dma_semaphore, #tpu.memory_space<semaphore_mem>>)
    %dma_wait3A_306 = arith.constant 0 : i32
    %dma_wait3A_307 = arith.constant 0 : i32
    %dma_wait3A_308 = tpu.memref_slice %arg9[%dma_wait3A_306, %dma_wait3A_307] : memref<2x80xi32, #tpu.memory_space<vmem>> -> memref<1x80xi32, #tpu.memory_space<vmem>>
    %dma_wait3A_309 = tpu.memref_squeeze %dma_wait3A_308 : memref<1x80xi32, #tpu.memory_space<vmem>> -> memref<80xi32, #tpu.memory_space<vmem>>
    %dma_wait3A_310 = arith.constant 0 : i32
    %dma_wait3A_311 = arith.constant 0 : i32
    %dma_wait3A_312 = tpu.memref_slice %arg2[%dma_wait3A_310, %dma_wait3A_311] : memref<10000x128xf32, #tpu.memory_space<hbm>> -> memref<10000x128xf32, #tpu.memory_space<hbm>>
    tpu.wait_indirect_dma semaphore(%arg18 : memref<!tpu.dma_semaphore, #tpu.memory_space<semaphore_mem>>) src(%dma_wait3A_312 : memref<10000x128xf32, #tpu.memory_space<hbm>>) dst(%arg15 : memref<80x128xf32, #tpu.memory_space<vmem>>)
    %dma_start3A_313 = arith.constant 1 : i32
    %dma_start3A_314 = arith.constant 0 : i32
    %dma_start3A_315 = tpu.memref_slice %arg9[%dma_start3A_313, %dma_start3A_314] : memref<2x80xi32, #tpu.memory_space<vmem>> -> memref<1x80xi32, #tpu.memory_space<vmem>>
    %dma_start3A_316 = tpu.memref_squeeze %dma_start3A_315 : memref<1x80xi32, #tpu.memory_space<vmem>> -> memref<80xi32, #tpu.memory_space<vmem>>
    %dma_start3A_317 = arith.constant 0 : i32
    %dma_start3A_318 = arith.constant 0 : i32
    %dma_start3A_319 = tpu.memref_slice %arg28[%dma_start3A_317, %dma_start3A_318] : memref<10000x128xf32, #tpu.memory_space<vmem_shared>> -> memref<10000x128xf32, #tpu.memory_space<vmem_shared>>
    tpu.enqueue_indirect_dma source(%arg15 : memref<80x128xf32, #tpu.memory_space<vmem>>) target(%dma_start3A_319 : memref<10000x128xf32, #tpu.memory_space<vmem_shared>>) offsets(%dma_start3A_316 : memref<80xi32, #tpu.memory_space<vmem>>) semaphore(%arg21 : memref<!tpu.dma_semaphore, #tpu.memory_space<semaphore_mem>>) {add = true}
    %dma_wait3A_320 = arith.constant 1 : i32
    %dma_wait3A_321 = arith.constant 0 : i32
    %dma_wait3A_322 = tpu.memref_slice %arg9[%dma_wait3A_320, %dma_wait3A_321] : memref<2x80xi32, #tpu.memory_space<vmem>> -> memref<1x80xi32, #tpu.memory_space<vmem>>
    %dma_wait3A_323 = tpu.memref_squeeze %dma_wait3A_322 : memref<1x80xi32, #tpu.memory_space<vmem>> -> memref<80xi32, #tpu.memory_space<vmem>>
    %dma_wait3A_324 = arith.constant 0 : i32
    %dma_wait3A_325 = arith.constant 0 : i32
    %dma_wait3A_326 = tpu.memref_slice %arg28[%dma_wait3A_324, %dma_wait3A_325] : memref<10000x128xf32, #tpu.memory_space<vmem_shared>> -> memref<10000x128xf32, #tpu.memory_space<vmem_shared>>
    tpu.wait_indirect_dma semaphore(%arg21 : memref<!tpu.dma_semaphore, #tpu.memory_space<semaphore_mem>>) src(%arg15 : memref<80x128xf32, #tpu.memory_space<vmem>>) dst(%dma_wait3A_326 : memref<10000x128xf32, #tpu.memory_space<vmem_shared>>)
    %dma_wait3A_327 = arith.constant 0 : i32
    %dma_wait3A_328 = arith.constant 0 : i32
    %dma_wait3A_329 = tpu.memref_slice %arg10[%dma_wait3A_327, %dma_wait3A_328] : memref<2x80xi32, #tpu.memory_space<vmem>> -> memref<1x80xi32, #tpu.memory_space<vmem>>
    %dma_wait3A_330 = tpu.memref_squeeze %dma_wait3A_329 : memref<1x80xi32, #tpu.memory_space<vmem>> -> memref<80xi32, #tpu.memory_space<vmem>>
    %dma_wait3A_331 = arith.constant 0 : i32
    %dma_wait3A_332 = arith.constant 0 : i32
    %dma_wait3A_333 = tpu.memref_slice %arg2[%dma_wait3A_331, %dma_wait3A_332] : memref<10000x128xf32, #tpu.memory_space<hbm>> -> memref<10000x128xf32, #tpu.memory_space<hbm>>
    tpu.wait_indirect_dma semaphore(%arg16 : memref<!tpu.dma_semaphore, #tpu.memory_space<semaphore_mem>>) src(%dma_wait3A_333 : memref<10000x128xf32, #tpu.memory_space<hbm>>) dst(%arg13 : memref<80x128xf32, #tpu.memory_space<vmem>>)
    %dma_start3A_334 = arith.constant 1 : i32
    %dma_start3A_335 = arith.constant 0 : i32
    %dma_start3A_336 = tpu.memref_slice %arg10[%dma_start3A_334, %dma_start3A_335] : memref<2x80xi32, #tpu.memory_space<vmem>> -> memref<1x80xi32, #tpu.memory_space<vmem>>
    %dma_start3A_337 = tpu.memref_squeeze %dma_start3A_336 : memref<1x80xi32, #tpu.memory_space<vmem>> -> memref<80xi32, #tpu.memory_space<vmem>>
    %dma_start3A_338 = arith.constant 0 : i32
    %dma_start3A_339 = arith.constant 0 : i32
    %dma_start3A_340 = tpu.memref_slice %arg28[%dma_start3A_338, %dma_start3A_339] : memref<10000x128xf32, #tpu.memory_space<vmem_shared>> -> memref<10000x128xf32, #tpu.memory_space<vmem_shared>>
    tpu.enqueue_indirect_dma source(%arg13 : memref<80x128xf32, #tpu.memory_space<vmem>>) target(%dma_start3A_340 : memref<10000x128xf32, #tpu.memory_space<vmem_shared>>) offsets(%dma_start3A_337 : memref<80xi32, #tpu.memory_space<vmem>>) semaphore(%arg19 : memref<!tpu.dma_semaphore, #tpu.memory_space<semaphore_mem>>) {add = true}
    %dma_wait3A_341 = arith.constant 1 : i32
    %dma_wait3A_342 = arith.constant 0 : i32
    %dma_wait3A_343 = tpu.memref_slice %arg10[%dma_wait3A_341, %dma_wait3A_342] : memref<2x80xi32, #tpu.memory_space<vmem>> -> memref<1x80xi32, #tpu.memory_space<vmem>>
    %dma_wait3A_344 = tpu.memref_squeeze %dma_wait3A_343 : memref<1x80xi32, #tpu.memory_space<vmem>> -> memref<80xi32, #tpu.memory_space<vmem>>
    %dma_wait3A_345 = arith.constant 0 : i32
    %dma_wait3A_346 = arith.constant 0 : i32
    %dma_wait3A_347 = tpu.memref_slice %arg28[%dma_wait3A_345, %dma_wait3A_346] : memref<10000x128xf32, #tpu.memory_space<vmem_shared>> -> memref<10000x128xf32, #tpu.memory_space<vmem_shared>>
    tpu.wait_indirect_dma semaphore(%arg19 : memref<!tpu.dma_semaphore, #tpu.memory_space<semaphore_mem>>) src(%arg13 : memref<80x128xf32, #tpu.memory_space<vmem>>) dst(%dma_wait3A_347 : memref<10000x128xf32, #tpu.memory_space<vmem_shared>>)
    %dma_wait3A_348 = arith.constant 0 : i32
    %dma_wait3A_349 = arith.constant 0 : i32
    %dma_wait3A_350 = tpu.memref_slice %arg11[%dma_wait3A_348, %dma_wait3A_349] : memref<2x80xi32, #tpu.memory_space<vmem>> -> memref<1x80xi32, #tpu.memory_space<vmem>>
    %dma_wait3A_351 = tpu.memref_squeeze %dma_wait3A_350 : memref<1x80xi32, #tpu.memory_space<vmem>> -> memref<80xi32, #tpu.memory_space<vmem>>
    %dma_wait3A_352 = arith.constant 0 : i32
    %dma_wait3A_353 = arith.constant 0 : i32
    %dma_wait3A_354 = tpu.memref_slice %arg2[%dma_wait3A_352, %dma_wait3A_353] : memref<10000x128xf32, #tpu.memory_space<hbm>> -> memref<10000x128xf32, #tpu.memory_space<hbm>>
    tpu.wait_indirect_dma semaphore(%arg17 : memref<!tpu.dma_semaphore, #tpu.memory_space<semaphore_mem>>) src(%dma_wait3A_354 : memref<10000x128xf32, #tpu.memory_space<hbm>>) dst(%arg14 : memref<80x128xf32, #tpu.memory_space<vmem>>)
    %dma_start3A_355 = arith.constant 1 : i32
    %dma_start3A_356 = arith.constant 0 : i32
    %dma_start3A_357 = tpu.memref_slice %arg11[%dma_start3A_355, %dma_start3A_356] : memref<2x80xi32, #tpu.memory_space<vmem>> -> memref<1x80xi32, #tpu.memory_space<vmem>>
    %dma_start3A_358 = tpu.memref_squeeze %dma_start3A_357 : memref<1x80xi32, #tpu.memory_space<vmem>> -> memref<80xi32, #tpu.memory_space<vmem>>
    %dma_start3A_359 = arith.constant 0 : i32
    %dma_start3A_360 = arith.constant 0 : i32
    %dma_start3A_361 = tpu.memref_slice %arg28[%dma_start3A_359, %dma_start3A_360] : memref<10000x128xf32, #tpu.memory_space<vmem_shared>> -> memref<10000x128xf32, #tpu.memory_space<vmem_shared>>
    tpu.enqueue_indirect_dma source(%arg14 : memref<80x128xf32, #tpu.memory_space<vmem>>) target(%dma_start3A_361 : memref<10000x128xf32, #tpu.memory_space<vmem_shared>>) offsets(%dma_start3A_358 : memref<80xi32, #tpu.memory_space<vmem>>) semaphore(%arg20 : memref<!tpu.dma_semaphore, #tpu.memory_space<semaphore_mem>>) {add = true}
    %dma_wait3A_362 = arith.constant 1 : i32
    %dma_wait3A_363 = arith.constant 0 : i32
    %dma_wait3A_364 = tpu.memref_slice %arg11[%dma_wait3A_362, %dma_wait3A_363] : memref<2x80xi32, #tpu.memory_space<vmem>> -> memref<1x80xi32, #tpu.memory_space<vmem>>
    %dma_wait3A_365 = tpu.memref_squeeze %dma_wait3A_364 : memref<1x80xi32, #tpu.memory_space<vmem>> -> memref<80xi32, #tpu.memory_space<vmem>>
    %dma_wait3A_366 = arith.constant 0 : i32
    %dma_wait3A_367 = arith.constant 0 : i32
    %dma_wait3A_368 = tpu.memref_slice %arg28[%dma_wait3A_366, %dma_wait3A_367] : memref<10000x128xf32, #tpu.memory_space<vmem_shared>> -> memref<10000x128xf32, #tpu.memory_space<vmem_shared>>
    tpu.wait_indirect_dma semaphore(%arg20 : memref<!tpu.dma_semaphore, #tpu.memory_space<semaphore_mem>>) src(%arg14 : memref<80x128xf32, #tpu.memory_space<vmem>>) dst(%dma_wait3A_368 : memref<10000x128xf32, #tpu.memory_space<vmem_shared>>)
    %barrier3A_369 = arith.constant 0 : index
    tpu.barrier barrier_id(%barrier3A_369)
    %lt3A_370 = arith.constant 15 : i32
    %lt3A_371 = arith.cmpi slt, %arg1, %lt3A_370 : i32
    %convert_element_type3A_372 = arith.extui %lt3A_371 : i1 to i32
    %cond3A_373 = arith.constant 0 : i32
    %cond3A_374 = arith.cmpi ne, %convert_element_type3A_372, %cond3A_373 : i32
    scf.if %cond3A_374 {
      %mul3A_380 = arith.constant 632 : i32
      %mul3A_381 = arith.muli %arg1, %mul3A_380 : i32
      %mul3A_382 = arith.constant 10000 : i32
      %mul3A_383 = arith.muli %arg0, %mul3A_382 : i32
      %mul3A_384 = arith.constant 632 : i32
      %mul3A_385 = arith.muli %arg1, %mul3A_384 : i32
      %add3A_386 = arith.addi %mul3A_383, %mul3A_385 : i32
      "tpu.region"() ({
        %run_scoped3A = tpu.sem_alloc : memref<!tpu.dma_semaphore, #tpu.memory_space<semaphore_mem>>
        %dma_start3A_387 = arith.constant 0 : i32
        %dma_start3A_388 = tpu.memref_slice %arg6[%add3A_386, %dma_start3A_387] : memref<20000x128xf32, #tpu.memory_space<hbm>> -> memref<632x128xf32, #tpu.memory_space<hbm>>
        %dma_start3A_389 = arith.constant 0 : i32
        %dma_start3A_390 = tpu.memref_slice %arg28[%mul3A_381, %dma_start3A_389] : memref<10000x128xf32, #tpu.memory_space<vmem_shared>> -> memref<632x128xf32, #tpu.memory_space<vmem_shared>>
        tpu.enqueue_dma source(%dma_start3A_390 : memref<632x128xf32, #tpu.memory_space<vmem_shared>>) target(%dma_start3A_388 : memref<632x128xf32, #tpu.memory_space<hbm>>) target_semaphore(%run_scoped3A : memref<!tpu.dma_semaphore, #tpu.memory_space<semaphore_mem>>)
        %dma_wait3A_391 = arith.constant 0 : i32
        %dma_wait3A_392 = tpu.memref_slice %arg6[%add3A_386, %dma_wait3A_391] : memref<20000x128xf32, #tpu.memory_space<hbm>> -> memref<632x128xf32, #tpu.memory_space<hbm>>
        %dma_wait3A_393 = arith.constant 0 : i32
        %dma_wait3A_394 = tpu.memref_slice %arg28[%mul3A_381, %dma_wait3A_393] : memref<10000x128xf32, #tpu.memory_space<vmem_shared>> -> memref<632x128xf32, #tpu.memory_space<vmem_shared>>
        tpu.wait_dma2 semaphore(%run_scoped3A : memref<!tpu.dma_semaphore, #tpu.memory_space<semaphore_mem>>) src(%dma_wait3A_394 : memref<632x128xf32, #tpu.memory_space<vmem_shared>>) dst(%dma_wait3A_392 : memref<632x128xf32, #tpu.memory_space<hbm>>)
        tpu.yield
      }) : () -> ()
    } else {
    }
    %eq3A_375 = arith.constant 15 : i32
    %eq3A_376 = arith.cmpi eq, %arg1, %eq3A_375 : i32
    %convert_element_type3A_377 = arith.extui %eq3A_376 : i1 to i32
    %cond3A_378 = arith.constant 0 : i32
    %cond3A_379 = arith.cmpi ne, %convert_element_type3A_377, %cond3A_378 : i32
    scf.if %cond3A_379 {
      %mul3A_380 = arith.constant 10000 : i32
      %mul3A_381 = arith.muli %arg0, %mul3A_380 : i32
      %add3A_382 = arith.constant 9480 : i32
      %add3A_383 = arith.addi %mul3A_381, %add3A_382 : i32
      "tpu.region"() ({
        %run_scoped3A = tpu.sem_alloc : memref<!tpu.dma_semaphore, #tpu.memory_space<semaphore_mem>>
        %dma_start3A_384 = arith.constant 0 : i32
        %dma_start3A_385 = tpu.memref_slice %arg6[%add3A_383, %dma_start3A_384] : memref<20000x128xf32, #tpu.memory_space<hbm>> -> memref<520x128xf32, #tpu.memory_space<hbm>>
        %dma_start3A_386 = arith.constant 9480 : i32
        %dma_start3A_387 = arith.constant 0 : i32
        %dma_start3A_388 = tpu.memref_slice %arg28[%dma_start3A_386, %dma_start3A_387] : memref<10000x128xf32, #tpu.memory_space<vmem_shared>> -> memref<520x128xf32, #tpu.memory_space<vmem_shared>>
        tpu.enqueue_dma source(%dma_start3A_388 : memref<520x128xf32, #tpu.memory_space<vmem_shared>>) target(%dma_start3A_385 : memref<520x128xf32, #tpu.memory_space<hbm>>) target_semaphore(%run_scoped3A : memref<!tpu.dma_semaphore, #tpu.memory_space<semaphore_mem>>)
        %dma_wait3A_389 = arith.constant 0 : i32
        %dma_wait3A_390 = tpu.memref_slice %arg6[%add3A_383, %dma_wait3A_389] : memref<20000x128xf32, #tpu.memory_space<hbm>> -> memref<520x128xf32, #tpu.memory_space<hbm>>
        %dma_wait3A_391 = arith.constant 9480 : i32
        %dma_wait3A_392 = arith.constant 0 : i32
        %dma_wait3A_393 = tpu.memref_slice %arg28[%dma_wait3A_391, %dma_wait3A_392] : memref<10000x128xf32, #tpu.memory_space<vmem_shared>> -> memref<520x128xf32, #tpu.memory_space<vmem_shared>>
        tpu.wait_dma2 semaphore(%run_scoped3A : memref<!tpu.dma_semaphore, #tpu.memory_space<semaphore_mem>>) src(%dma_wait3A_393 : memref<520x128xf32, #tpu.memory_space<vmem_shared>>) dst(%dma_wait3A_390 : memref<520x128xf32, #tpu.memory_space<hbm>>)
        tpu.yield
      }) : () -> ()
    } else {
    }
    return
  }
}

module attributes {stable_mosaic.version = 14 : i64} {
  func.func @body(%arg0: memref<10000x128xf32, #tpu.memory_space<vmem>>, %arg1: memref<128x128xf32, #tpu.memory_space<vmem>>, %arg2: memref<128x128xf32, #tpu.memory_space<vmem>>, %arg3: memref<1x128xf32, #tpu.memory_space<vmem>>, %arg4: memref<10000x128xf32, #tpu.memory_space<vmem>>, %arg5: memref<10000x128xf32, #tpu.memory_space<vmem>>) attributes {dimension_semantics = [], scalar_prefetch = 0 : i64, scratch_operands = 0 : i64, tpu.core_type = #tpu.core_type<tc>} {
    %get3A = arith.constant 0 : index
    %get3A_0 = arith.constant 0 : index
    %get3A_1 = vector.load %arg0[%get3A, %get3A_0] : memref<10000x128xf32, #tpu.memory_space<vmem>>, vector<10000x128xf32>
    %get3A_2 = arith.constant 0 : index
    %get3A_3 = arith.constant 0 : index
    %get3A_4 = vector.load %arg1[%get3A_2, %get3A_3] : memref<128x128xf32, #tpu.memory_space<vmem>>, vector<128x128xf32>
    %dot_general3A = arith.constant dense<0.000000e+00> : vector<10000x128xf32>
    %dot_general3A_5 = tpu.matmul %get3A_1, %get3A_4, %dot_general3A {dimension_numbers = #tpu.dot_dimension_numbers<[1], [0], [0], [1], [0, 0, 1, 1], [], []>, transpose_lhs_hint = false} : vector<10000x128xf32>, vector<128x128xf32>, vector<10000x128xf32> -> vector<10000x128xf32>
    %swap3A = arith.constant 0 : index
    %swap3A_6 = arith.constant 0 : index
    %swap3A_7 = vector.load %arg4[%swap3A, %swap3A_6] : memref<10000x128xf32, #tpu.memory_space<vmem>>, vector<10000x128xf32>
    tpu.vector_store %arg4[%swap3A, %swap3A_6], %dot_general3A_5 {strides = array<i32>} : memref<10000x128xf32, #tpu.memory_space<vmem>>, vector<10000x128xf32>,
    %get3A_8 = arith.constant 0 : index
    %get3A_9 = arith.constant 0 : index
    %get3A_10 = vector.load %arg2[%get3A_8, %get3A_9] : memref<128x128xf32, #tpu.memory_space<vmem>>, vector<128x128xf32>
    %dot_general3A_11 = arith.constant dense<0.000000e+00> : vector<10000x128xf32>
    %dot_general3A_12 = tpu.matmul %get3A_1, %get3A_10, %dot_general3A_11 {dimension_numbers = #tpu.dot_dimension_numbers<[1], [0], [0], [1], [0, 0, 1, 1], [], []>, transpose_lhs_hint = false} : vector<10000x128xf32>, vector<128x128xf32>, vector<10000x128xf32> -> vector<10000x128xf32>
    %get3A_13 = arith.constant 0 : index
    %get3A_14 = arith.constant 0 : index
    %get3A_15 = vector.load %arg3[%get3A_13, %get3A_14] : memref<1x128xf32, #tpu.memory_space<vmem>>, vector<1x128xf32>
    %add3A = vector.broadcast %get3A_15 : vector<1x128xf32> to vector<10000x128xf32>
    %add3A_16 = arith.addf %dot_general3A_12, %add3A : vector<10000x128xf32>
    %swap3A_17 = arith.constant 0 : index
    %swap3A_18 = arith.constant 0 : index
    %swap3A_19 = vector.load %arg5[%swap3A_17, %swap3A_18] : memref<10000x128xf32, #tpu.memory_space<vmem>>, vector<10000x128xf32>
    tpu.vector_store %arg5[%swap3A_17, %swap3A_18], %add3A_16 {strides = array<i32>} : memref<10000x128xf32, #tpu.memory_space<vmem>>, vector<10000x128xf32>,
    return
  }
}

module attributes {stable_mosaic.version = 14 : i64} {
  func.func @body(%arg0: memref<20000x128xf32, #tpu.memory_space<vmem>>, %arg1: memref<10000x1xf32, #tpu.memory_space<vmem>>, %arg2: memref<10000x1xf32, #tpu.memory_space<vmem>>, %arg3: memref<10000x128xf32, #tpu.memory_space<vmem>>, %arg4: memref<1x128xf32, #tpu.memory_space<vmem>>, %arg5: memref<1x128xf32, #tpu.memory_space<vmem>>, %arg6: memref<128x128xf32, #tpu.memory_space<vmem>>, %arg7: memref<128x128xf32, #tpu.memory_space<vmem>>, %arg8: memref<1x128xf32, #tpu.memory_space<vmem>>, %arg9: memref<10000x128xf32, #tpu.memory_space<vmem>>, %arg10: memref<10000x128xf32, #tpu.memory_space<vmem>>, %arg11: memref<10000x1xf32, #tpu.memory_space<vmem>>) attributes {dimension_semantics = [], scalar_prefetch = 0 : i64, scratch_operands = 0 : i64, tpu.core_type = #tpu.core_type<tc>} {
    %get3A = arith.constant 0 : index
    %get3A_0 = arith.constant 0 : index
    %get3A_1 = vector.load %arg0[%get3A, %get3A_0] : memref<20000x128xf32, #tpu.memory_space<vmem>>, vector<10000x128xf32>
    %get3A_2 = arith.constant 10000 : index
    %get3A_3 = arith.constant 0 : index
    %get3A_4 = vector.load %arg0[%get3A_2, %get3A_3] : memref<20000x128xf32, #tpu.memory_space<vmem>>, vector<10000x128xf32>
    %add3A = arith.addf %get3A_1, %get3A_4 : vector<10000x128xf32>
    %get3A_5 = arith.constant 0 : index
    %get3A_6 = arith.constant 0 : index
    %get3A_7 = vector.load %arg1[%get3A_5, %get3A_6] : memref<10000x1xf32, #tpu.memory_space<vmem>>, vector<10000x1xf32>
    %get3A_8 = arith.constant 0 : index
    %get3A_9 = arith.constant 0 : index
    %get3A_10 = vector.load %arg2[%get3A_8, %get3A_9] : memref<10000x1xf32, #tpu.memory_space<vmem>>, vector<10000x1xf32>
    %add3A_11 = arith.addf %get3A_7, %get3A_10 : vector<10000x1xf32>
    %max3A = arith.constant 1.000000e+00 : f32
    %max3A_12 = vector.broadcast %max3A : f32 to vector<10000x1xf32>
    %max3A_13 = arith.maximumf %add3A_11, %max3A_12 : vector<10000x1xf32>
    %div3A = vector.broadcast %max3A_13 : vector<10000x1xf32> to vector<10000x128xf32>
    %div3A_14 = arith.divf %add3A, %div3A : vector<10000x128xf32>
    %get3A_15 = arith.constant 0 : index
    %get3A_16 = arith.constant 0 : index
    %get3A_17 = vector.load %arg3[%get3A_15, %get3A_16] : memref<10000x128xf32, #tpu.memory_space<vmem>>, vector<10000x128xf32>
    %add3A_18 = arith.addf %div3A_14, %get3A_17 : vector<10000x128xf32>
    %reduce_sum3A = arith.constant dense<0.000000e+00> : vector<128xf32>
    %reduce_sum3A_19 = vector.multi_reduction <add>, %add3A_18, %reduce_sum3A [0] : vector<10000x128xf32> to vector<128xf32>
    %broadcast_in_dim3A = vector.shape_cast %reduce_sum3A_19 : vector<128xf32> to vector<1x128xf32>
    %div3A_20 = arith.constant 1.000000e+04 : f32
    %div3A_21 = vector.broadcast %div3A_20 : f32 to vector<1x128xf32>
    %div3A_22 = arith.divf %broadcast_in_dim3A, %div3A_21 : vector<1x128xf32>
    %sub3A = vector.broadcast %div3A_22 : vector<1x128xf32> to vector<10000x128xf32>
    %sub3A_23 = arith.subf %add3A_18, %sub3A : vector<10000x128xf32>
    %integer_pow3A = arith.mulf %sub3A_23, %sub3A_23 : vector<10000x128xf32>
    %reduce_sum3A_24 = arith.constant dense<0.000000e+00> : vector<128xf32>
    %reduce_sum3A_25 = vector.multi_reduction <add>, %integer_pow3A, %reduce_sum3A_24 [0] : vector<10000x128xf32> to vector<128xf32>
    %broadcast_in_dim3A_26 = vector.shape_cast %reduce_sum3A_25 : vector<128xf32> to vector<1x128xf32>
    %div3A_27 = arith.constant 1.000000e+04 : f32
    %div3A_28 = vector.broadcast %div3A_27 : f32 to vector<1x128xf32>
    %div3A_29 = arith.divf %broadcast_in_dim3A_26, %div3A_28 : vector<1x128xf32>
    %sub3A_30 = vector.broadcast %div3A_22 : vector<1x128xf32> to vector<10000x128xf32>
    %sub3A_31 = arith.subf %add3A_18, %sub3A_30 : vector<10000x128xf32>
    %add3A_32 = arith.constant 9.99999974E-6 : f32
    %add3A_33 = vector.broadcast %add3A_32 : f32 to vector<1x128xf32>
    %add3A_34 = arith.addf %div3A_29, %add3A_33 : vector<1x128xf32>
    %rsqrt3A = math.rsqrt %add3A_34 : vector<1x128xf32>
    %mul3A = vector.broadcast %rsqrt3A : vector<1x128xf32> to vector<10000x128xf32>
    %mul3A_35 = arith.mulf %sub3A_31, %mul3A : vector<10000x128xf32>
    %get3A_36 = arith.constant 0 : index
    %get3A_37 = arith.constant 0 : index
    %get3A_38 = vector.load %arg4[%get3A_36, %get3A_37] : memref<1x128xf32, #tpu.memory_space<vmem>>, vector<1x128xf32>
    %mul3A_39 = vector.broadcast %get3A_38 : vector<1x128xf32> to vector<10000x128xf32>
    %mul3A_40 = arith.mulf %mul3A_35, %mul3A_39 : vector<10000x128xf32>
    %get3A_41 = arith.constant 0 : index
    %get3A_42 = arith.constant 0 : index
    %get3A_43 = vector.load %arg5[%get3A_41, %get3A_42] : memref<1x128xf32, #tpu.memory_space<vmem>>, vector<1x128xf32>
    %add3A_44 = vector.broadcast %get3A_43 : vector<1x128xf32> to vector<10000x128xf32>
    %add3A_45 = arith.addf %mul3A_40, %add3A_44 : vector<10000x128xf32>
    %max3A_46 = arith.constant 0.000000e+00 : f32
    %max3A_47 = vector.broadcast %max3A_46 : f32 to vector<10000x128xf32>
    %max3A_48 = arith.maximumf %add3A_45, %max3A_47 : vector<10000x128xf32>
    %get3A_49 = arith.constant 0 : index
    %get3A_50 = arith.constant 0 : index
    %get3A_51 = vector.load %arg6[%get3A_49, %get3A_50] : memref<128x128xf32, #tpu.memory_space<vmem>>, vector<128x128xf32>
    %dot_general3A = arith.constant dense<0.000000e+00> : vector<10000x128xf32>
    %dot_general3A_52 = tpu.matmul %max3A_48, %get3A_51, %dot_general3A {dimension_numbers = #tpu.dot_dimension_numbers<[1], [0], [0], [1], [0, 0, 1, 1], [], []>, transpose_lhs_hint = false} : vector<10000x128xf32>, vector<128x128xf32>, vector<10000x128xf32> -> vector<10000x128xf32>
    %swap3A = arith.constant 0 : index
    %swap3A_53 = arith.constant 0 : index
    %swap3A_54 = vector.load %arg9[%swap3A, %swap3A_53] : memref<10000x128xf32, #tpu.memory_space<vmem>>, vector<10000x128xf32>
    tpu.vector_store %arg9[%swap3A, %swap3A_53], %dot_general3A_52 {strides = array<i32>} : memref<10000x128xf32, #tpu.memory_space<vmem>>, vector<10000x128xf32>,
    %get3A_55 = arith.constant 0 : index
    %get3A_56 = arith.constant 0 : index
    %get3A_57 = vector.load %arg7[%get3A_55, %get3A_56] : memref<128x128xf32, #tpu.memory_space<vmem>>, vector<128x128xf32>
    %dot_general3A_58 = arith.constant dense<0.000000e+00> : vector<10000x128xf32>
    %dot_general3A_59 = tpu.matmul %max3A_48, %get3A_57, %dot_general3A_58 {dimension_numbers = #tpu.dot_dimension_numbers<[1], [0], [0], [1], [0, 0, 1, 1], [], []>, transpose_lhs_hint = false} : vector<10000x128xf32>, vector<128x128xf32>, vector<10000x128xf32> -> vector<10000x128xf32>
    %get3A_60 = arith.constant 0 : index
    %get3A_61 = arith.constant 0 : index
    %get3A_62 = vector.load %arg8[%get3A_60, %get3A_61] : memref<1x128xf32, #tpu.memory_space<vmem>>, vector<1x128xf32>
    %add3A_63 = vector.broadcast %get3A_62 : vector<1x128xf32> to vector<10000x128xf32>
    %add3A_64 = arith.addf %dot_general3A_59, %add3A_63 : vector<10000x128xf32>
    %swap3A_65 = arith.constant 0 : index
    %swap3A_66 = arith.constant 0 : index
    %swap3A_67 = vector.load %arg10[%swap3A_65, %swap3A_66] : memref<10000x128xf32, #tpu.memory_space<vmem>>, vector<10000x128xf32>
    tpu.vector_store %arg10[%swap3A_65, %swap3A_66], %add3A_64 {strides = array<i32>} : memref<10000x128xf32, #tpu.memory_space<vmem>>, vector<10000x128xf32>,
    %swap3A_68 = arith.constant 0 : index
    %swap3A_69 = arith.constant 0 : index
    %swap3A_70 = vector.load %arg11[%swap3A_68, %swap3A_69] : memref<10000x1xf32, #tpu.memory_space<vmem>>, vector<10000x1xf32>
    tpu.vector_store %arg11[%swap3A_68, %swap3A_69], %max3A_13 {strides = array<i32>} : memref<10000x1xf32, #tpu.memory_space<vmem>>, vector<10000x1xf32>,
    return
  }
}

module attributes {stable_mosaic.version = 14 : i64} {
  func.func @body(%arg0: memref<20000x128xf32, #tpu.memory_space<vmem>>, %arg1: memref<10000x1xf32, #tpu.memory_space<vmem>>, %arg2: memref<10000x128xf32, #tpu.memory_space<vmem>>, %arg3: memref<1x128xf32, #tpu.memory_space<vmem>>, %arg4: memref<1x128xf32, #tpu.memory_space<vmem>>, %arg5: memref<1x10000xi32, #tpu.memory_space<vmem>>, %arg6: memref<128x128xf32, #tpu.memory_space<vmem>>, %arg7: memref<1x128xf32, #tpu.memory_space<vmem>>, %arg8: memref<64x128xf32, #tpu.memory_space<vmem>>) attributes {dimension_semantics = [], scalar_prefetch = 0 : i64, scratch_operands = 0 : i64, tpu.core_type = #tpu.core_type<tc>} {
    %get3A = arith.constant 0 : index
    %get3A_0 = arith.constant 0 : index
    %get3A_1 = vector.load %arg0[%get3A, %get3A_0] : memref<20000x128xf32, #tpu.memory_space<vmem>>, vector<10000x128xf32>
    %get3A_2 = arith.constant 10000 : index
    %get3A_3 = arith.constant 0 : index
    %get3A_4 = vector.load %arg0[%get3A_2, %get3A_3] : memref<20000x128xf32, #tpu.memory_space<vmem>>, vector<10000x128xf32>
    %add3A = arith.addf %get3A_1, %get3A_4 : vector<10000x128xf32>
    %get3A_5 = arith.constant 0 : index
    %get3A_6 = arith.constant 0 : index
    %get3A_7 = vector.load %arg1[%get3A_5, %get3A_6] : memref<10000x1xf32, #tpu.memory_space<vmem>>, vector<10000x1xf32>
    %div3A = vector.broadcast %get3A_7 : vector<10000x1xf32> to vector<10000x128xf32>
    %div3A_8 = arith.divf %add3A, %div3A : vector<10000x128xf32>
    %get3A_9 = arith.constant 0 : index
    %get3A_10 = arith.constant 0 : index
    %get3A_11 = vector.load %arg2[%get3A_9, %get3A_10] : memref<10000x128xf32, #tpu.memory_space<vmem>>, vector<10000x128xf32>
    %add3A_12 = arith.addf %div3A_8, %get3A_11 : vector<10000x128xf32>
    %reduce_sum3A = arith.constant dense<0.000000e+00> : vector<128xf32>
    %reduce_sum3A_13 = vector.multi_reduction <add>, %add3A_12, %reduce_sum3A [0] : vector<10000x128xf32> to vector<128xf32>
    %broadcast_in_dim3A = vector.shape_cast %reduce_sum3A_13 : vector<128xf32> to vector<1x128xf32>
    %div3A_14 = arith.constant 1.000000e+04 : f32
    %div3A_15 = vector.broadcast %div3A_14 : f32 to vector<1x128xf32>
    %div3A_16 = arith.divf %broadcast_in_dim3A, %div3A_15 : vector<1x128xf32>
    %sub3A = vector.broadcast %div3A_16 : vector<1x128xf32> to vector<10000x128xf32>
    %sub3A_17 = arith.subf %add3A_12, %sub3A : vector<10000x128xf32>
    %integer_pow3A = arith.mulf %sub3A_17, %sub3A_17 : vector<10000x128xf32>
    %reduce_sum3A_18 = arith.constant dense<0.000000e+00> : vector<128xf32>
    %reduce_sum3A_19 = vector.multi_reduction <add>, %integer_pow3A, %reduce_sum3A_18 [0] : vector<10000x128xf32> to vector<128xf32>
    %broadcast_in_dim3A_20 = vector.shape_cast %reduce_sum3A_19 : vector<128xf32> to vector<1x128xf32>
    %div3A_21 = arith.constant 1.000000e+04 : f32
    %div3A_22 = vector.broadcast %div3A_21 : f32 to vector<1x128xf32>
    %div3A_23 = arith.divf %broadcast_in_dim3A_20, %div3A_22 : vector<1x128xf32>
    %sub3A_24 = vector.broadcast %div3A_16 : vector<1x128xf32> to vector<10000x128xf32>
    %sub3A_25 = arith.subf %add3A_12, %sub3A_24 : vector<10000x128xf32>
    %add3A_26 = arith.constant 9.99999974E-6 : f32
    %add3A_27 = vector.broadcast %add3A_26 : f32 to vector<1x128xf32>
    %add3A_28 = arith.addf %div3A_23, %add3A_27 : vector<1x128xf32>
    %rsqrt3A = math.rsqrt %add3A_28 : vector<1x128xf32>
    %mul3A = vector.broadcast %rsqrt3A : vector<1x128xf32> to vector<10000x128xf32>
    %mul3A_29 = arith.mulf %sub3A_25, %mul3A : vector<10000x128xf32>
    %get3A_30 = arith.constant 0 : index
    %get3A_31 = arith.constant 0 : index
    %get3A_32 = vector.load %arg3[%get3A_30, %get3A_31] : memref<1x128xf32, #tpu.memory_space<vmem>>, vector<1x128xf32>
    %mul3A_33 = vector.broadcast %get3A_32 : vector<1x128xf32> to vector<10000x128xf32>
    %mul3A_34 = arith.mulf %mul3A_29, %mul3A_33 : vector<10000x128xf32>
    %get3A_35 = arith.constant 0 : index
    %get3A_36 = arith.constant 0 : index
    %get3A_37 = vector.load %arg4[%get3A_35, %get3A_36] : memref<1x128xf32, #tpu.memory_space<vmem>>, vector<1x128xf32>
    %add3A_38 = vector.broadcast %get3A_37 : vector<1x128xf32> to vector<10000x128xf32>
    %add3A_39 = arith.addf %mul3A_34, %add3A_38 : vector<10000x128xf32>
    %max3A = arith.constant 0.000000e+00 : f32
    %max3A_40 = vector.broadcast %max3A : f32 to vector<10000x128xf32>
    %max3A_41 = arith.maximumf %add3A_39, %max3A_40 : vector<10000x128xf32>
    %iota3A = tpu.iota {dimensions = array<i32: 0>} : vector<64x10000xi32>
    %get3A_42 = arith.constant 0 : index
    %get3A_43 = arith.constant 0 : index
    %get3A_44 = vector.load %arg5[%get3A_42, %get3A_43] : memref<1x10000xi32, #tpu.memory_space<vmem>>, vector<1x10000xi32>
    %eq3A = vector.broadcast %get3A_44 : vector<1x10000xi32> to vector<64x10000xi32>
    %eq3A_45 = arith.cmpi eq, %iota3A, %eq3A : vector<64x10000xi32>
    %convert_element_type3A = arith.extui %eq3A_45 : vector<64x10000xi1> to vector<64x10000xi32>
    %convert_element_type3A_46 = arith.sitofp %convert_element_type3A : vector<64x10000xi32> to vector<64x10000xf32>
    %dot_general3A = arith.constant dense<0.000000e+00> : vector<64x128xf32>
    %dot_general3A_47 = tpu.matmul %convert_element_type3A_46, %max3A_41, %dot_general3A {dimension_numbers = #tpu.dot_dimension_numbers<[1], [0], [0], [1], [0, 0, 1, 1], [], []>, transpose_lhs_hint = false} : vector<64x10000xf32>, vector<10000x128xf32>, vector<64x128xf32> -> vector<64x128xf32>
    %reduce_sum3A_48 = arith.constant dense<0.000000e+00> : vector<64xf32>
    %reduce_sum3A_49 = vector.multi_reduction <add>, %convert_element_type3A_46, %reduce_sum3A_48 [1] : vector<64x10000xf32> to vector<64xf32>
    %broadcast_in_dim3A_50 = vector.shape_cast %reduce_sum3A_49 : vector<64xf32> to vector<64x1xf32>
    %max3A_51 = arith.constant 1.000000e+00 : f32
    %max3A_52 = vector.broadcast %max3A_51 : f32 to vector<64x1xf32>
    %max3A_53 = arith.maximumf %broadcast_in_dim3A_50, %max3A_52 : vector<64x1xf32>
    %div3A_54 = vector.broadcast %max3A_53 : vector<64x1xf32> to vector<64x128xf32>
    %div3A_55 = arith.divf %dot_general3A_47, %div3A_54 : vector<64x128xf32>
    %get3A_56 = arith.constant 0 : index
    %get3A_57 = arith.constant 0 : index
    %get3A_58 = vector.load %arg6[%get3A_56, %get3A_57] : memref<128x128xf32, #tpu.memory_space<vmem>>, vector<128x128xf32>
    %dot_general3A_59 = arith.constant dense<0.000000e+00> : vector<64x128xf32>
    %dot_general3A_60 = tpu.matmul %div3A_55, %get3A_58, %dot_general3A_59 {dimension_numbers = #tpu.dot_dimension_numbers<[1], [0], [0], [1], [0, 0, 1, 1], [], []>, transpose_lhs_hint = false} : vector<64x128xf32>, vector<128x128xf32>, vector<64x128xf32> -> vector<64x128xf32>
    %get3A_61 = arith.constant 0 : index
    %get3A_62 = arith.constant 0 : index
    %get3A_63 = vector.load %arg7[%get3A_61, %get3A_62] : memref<1x128xf32, #tpu.memory_space<vmem>>, vector<1x128xf32>
    %add3A_64 = vector.broadcast %get3A_63 : vector<1x128xf32> to vector<64x128xf32>
    %add3A_65 = arith.addf %dot_general3A_60, %add3A_64 : vector<64x128xf32>
    %neg3A = arith.constant 0.000000e+00 : f32
    %neg3A_66 = vector.broadcast %neg3A : f32 to vector<64x128xf32>
    %neg3A_67 = arith.subf %neg3A_66, %add3A_65 : vector<64x128xf32>
    %exp3A = math.exp %neg3A_67 : vector<64x128xf32>
    %add3A_68 = arith.constant 1.000000e+00 : f32
    %add3A_69 = vector.broadcast %add3A_68 : f32 to vector<64x128xf32>
    %add3A_70 = arith.addf %add3A_69, %exp3A : vector<64x128xf32>
    %div3A_71 = arith.constant 1.000000e+00 : f32
    %div3A_72 = vector.broadcast %div3A_71 : f32 to vector<64x128xf32>
    %div3A_73 = arith.divf %div3A_72, %add3A_70 : vector<64x128xf32>
    %swap3A = arith.constant 0 : index
    %swap3A_74 = arith.constant 0 : index
    %swap3A_75 = vector.load %arg8[%swap3A, %swap3A_74] : memref<64x128xf32, #tpu.memory_space<vmem>>, vector<64x128xf32>
    tpu.vector_store %arg8[%swap3A, %swap3A_74], %div3A_73 {strides = array<i32>} : memref<64x128xf32, #tpu.memory_space<vmem>>, vector<64x128xf32>,
    return
  }
}

</mosaic_0001>

<sc_bundles>
// kernel: kernel.10.cloned.1.call-start
scs
__scs_entry_jumppad:
0x0: {  	(pc) =	sbr.rel $0x88, $3  }
0x1: {  	(tag) =	ssettag $0x0;
	lr =	simm.s32 $0x1  }
0x2: {  	[smem:$0x3F92] =	sst lr;
	_ =	strace $0xD0000000  }
0x3: {  	_ = 	snop  }
0x4: {  	_ = 	snop  }
0x5: {  	_ = 	snop  }
0x6: {  	_ = 	snop  }
0x7: {  	_ = 	snop  }
__scs_overlays_trampoline_lowered:
0x8: {  	[smem:$0x3FA1] =	sst s0  }
0x9: {  	[smem:$0x3FA2] =	sst s1  }
0xa: {  	[smem:$0x3FA3] =	sst s2  }
0xb: {  	[smem:$0x3FA4] =	sst s3  }
0xc: {  	[smem:$0x3FA5] =	sst s4  }
0xd: {  	[smem:$0x3FA6] =	sst s5  }
0xe: {  	[smem:$0x3FA7] =	sst s6  }
0xf: {  	[smem:$0x3FA8] =	sst s7  }
0x10: {  	[smem:$0x3FA9] =	sst s8  }
0x11: {  	[smem:$0x3FAA] =	sst s9;
	s0 =	simm.s32 @!p0 $0x0  }
0x12: {  	s1 =	sld [smem:$0x3F90];
	s0 =	simm.s32 @p0 $0x1  }
0x13: {  	[smem:$0x3FAB] =	sst s0;
	s0 =	simm.s32 @!p1 $0x0  }
0x14: {  	s2 =	sld [smem:$0x3F8F];
	s0 =	simm.s32 @p1 $0x1  }
0x15: {  	[smem:$0x3FAC] =	sst s0;
	s0 =	simm.s32 @!p2 $0x0  }
0x16: {  	s3 =	sld [smem:$0x3FDB];
	s0 =	simm.s32 @p2 $0x1  }
0x17: {  	s4 =	simm.s32 $0x1BF5;
	[smem:$0x3FAE] =	sst s0  }
0x18: {  	s0 =	sld [smem:$0x3F91];
	_ =	swait.ge [sflag:s4], $0x0  }
0x19: {  	s7 =	sld [smem:$0x3F92]  }
0x1a: {  	s8 =	sadd.s32 $0xFFFFE003, lr  }
0x1b: {  	s9 =	sadd.s32 $0xFFFFFEF7, lr;
	s5 =	simm.s32 $0xFFFFFFFF;
	p2 =	slt.u32 s8, $0xFFFFF086  }
0x1c: {  	p1 =	slt.u32 s9, $0xF7A;
	s5 =	simm.s32 @!p2 $0x0  }
0x1d: {  	s5 =	simm.s32 @p1 $0x1;
	p0 =	seq.s32 s7, s2  }
0x1e: {  	s7 =	smul.u32 @!p0 $0xF7A, s2;
	p2 =	seq.s32 @!p0 s5, $0x0  }
0x1f: {  	s9 =	smul.u32 $0xF7A, s1;
	s8 =	simm.s32 @!p0 $0x1BF5;
	p2 =	por !p2, p0  }
0x20: {  	[sflag:s8] =	ssyncset.s32 @!p0 $0xFFFFF086;
	s6 =	sadd.s32 @!p0 s3, s7;
	s7 =	simm.s32 @!p0 $0x108  }
0x21: {  	s3 =	sadd.s32 s3, s9;
	s6 =	sadd.s32 @!p0 $0x88, s6;
	s7 =	simm.s32 @p2 $0x1082  }
0x22: {  	[simem:s7], [sflag:s8] =	dma.local @!p0 [hbm:s6], $0xF7A  }
0x23: {  	s9 =	sor.u32 $0xD0000000, s2;
	s6 =	simm.s32 $0x108;
	_ =	swait.ge @!p0 [sflag:s8], $0x0  }
0x24: {  	s3 =	sadd.s32 $0x88, s3;
	s6 =	simm.s32 @!p1 $0x1082;
	[sflag:s4] =	ssyncset.s32 $0xFFFFF086  }
0x25: {  	[simem:s6], [sflag:s4] =	dma.local [hbm:s3], $0xF7A  }
0x26: {  	[smem:$0x3F92] =	sst s1;
	(tag) =	ssettag s2;
	_ =	strace s9  }
0x27: {  	s1 =	sld [smem:$0x3FA2]  }
0x28: {  	s2 =	sld [smem:$0x3FA3]  }
0x29: {  	s4 =	sld [smem:$0x3FA5]  }
0x2a: {  	p0 =	seq.s32 s5, $0x0;
	s5 =	sld [smem:$0x3FA6]  }
0x2b: {  	s6 =	sld [smem:$0x3FA7]  }
0x2c: {  	s7 =	sld [smem:$0x3FA8]  }
0x2d: {  	s3 =	simm.s32 $0x108;
	s8 =	sld [smem:$0x3FA9]  }
0x2e: {  	s3 =	simm.s32 @!p0 $0x1082;
	s9 =	sld [smem:$0x3FAA]  }
0x2f: {  	lr =	sadd.s32 s0, s3;
	s0 =	sld [smem:$0x3FA1]  }
0x30: {  	s3 =	sld [smem:$0x3FA4]  }
0x31: {  	[smem:$0x3FAD] =	sst s10  }
0x32: {  	s10 =	sld [smem:$0x3FAB];
	_ =	sdelay $0x3  }
0x33: {  	p0 =	seq.s32 s10, $0x1;
	s10 =	sld [smem:$0x3FAD];
	_ =	sdelay $0x3  }
0x34: {  	[smem:$0x3FAD] =	sst s10  }
0x35: {  	s10 =	sld [smem:$0x3FAC];
	_ =	sdelay $0x3  }
0x36: {  	p1 =	seq.s32 s10, $0x1;
	s10 =	sld [smem:$0x3FAD];
	_ =	sdelay $0x3  }
0x37: {  	[smem:$0x3FAD] =	sst s10  }
0x38: {  	s10 =	sld [smem:$0x3FAE]  }
0x39: {  	_ = 	snop;
	(pc) =	sbr.ind lr, $3  }
0x3a: {  	_ = 	snop  }
0x3b: {  	_ = 	snop  }
0x3c: {  	p2 =	seq.s32 s10, $0x1;
	s10 =	sld [smem:$0x3FAD]  }
0x3d: {  	_ =	shalt  }
0x3e: {  	_ =	shalt  }
0x3f: {  	_ =	shalt  }
0x40: {  	_ =	shalt  }
0x41: {  	_ =	shalt  }
0x42: {  	_ =	shalt  }
0x43: {  	_ =	shalt  }
0x44: {  	_ =	shalt  }
0x45: {  	_ =	shalt  }
0x46: {  	_ =	shalt  }
0x47: {  	_ =	shalt  }
0x48: {  	_ =	shalt  }
0x49: {  	_ =	shalt  }
0x4a: {  	_ =	shalt  }
0x4b: {  	_ =	shalt  }
0x4c: {  	_ =	shalt  }
0x4d: {  	_ =	shalt  }
0x4e: {  	_ =	shalt  }
0x4f: {  	_ =	shalt  }
0x50: {  	_ =	shalt  }
0x51: {  	_ =	shalt  }
0x52: {  	_ =	shalt  }
0x53: {  	_ =	shalt  }
0x54: {  	_ =	shalt  }
0x55: {  	_ =	shalt  }
0x56: {  	_ =	shalt  }
0x57: {  	_ =	shalt  }
0x58: {  	_ =	shalt  }
0x59: {  	_ =	shalt  }
0x5a: {  	_ =	shalt  }
0x5b: {  	_ =	shalt  }
0x5c: {  	_ =	shalt  }
0x5d: {  	_ =	shalt  }
0x5e: {  	_ =	shalt  }
0x5f: {  	_ =	shalt  }
0x60: {  	_ =	shalt  }
0x61: {  	_ =	shalt  }
0x62: {  	_ =	shalt  }
0x63: {  	_ =	shalt  }
0x64: {  	_ =	shalt  }
0x65: {  	_ =	shalt  }
0x66: {  	_ =	shalt  }
0x67: {  	_ =	shalt  }
0x68: {  	_ =	shalt  }
0x69: {  	_ =	shalt  }
0x6a: {  	_ =	shalt  }
0x6b: {  	_ =	shalt  }
0x6c: {  	_ =	shalt  }
0x6d: {  	_ =	shalt  }
0x6e: {  	_ =	shalt  }
0x6f: {  	_ =	shalt  }
0x70: {  	_ =	shalt  }
0x71: {  	_ =	shalt  }
0x72: {  	_ =	shalt  }
0x73: {  	_ =	shalt  }
0x74: {  	_ =	shalt  }
0x75: {  	_ =	shalt  }
0x76: {  	_ =	shalt  }
0x77: {  	_ =	shalt  }
0x78: {  	_ =	shalt  }
0x79: {  	_ =	shalt  }
0x7a: {  	_ =	shalt  }
0x7b: {  	_ =	shalt  }
0x7c: {  	_ =	shalt  }
0x7d: {  	_ =	shalt  }
0x7e: {  	_ =	shalt  }
0x7f: {  	_ =	shalt  }
0x80: {  	_ =	shalt  }
0x81: {  	_ =	shalt  }
0x82: {  	_ =	shalt  }
0x83: {  	_ =	shalt  }
0x84: {  	_ =	shalt  }
0x85: {  	_ =	shalt  }
0x86: {  	_ =	shalt  }
0x87: {  	_ =	shalt  }
.Lfunc_end0:
.L_simem_size_0:
called_computation.1_lowered:
.L_overlay_start_0:
0x88: {  	s2 =	sld [smem:$0x3FD9]  }
0x89: {  	s3 =	sld [smem:$0x3FFE];
	_ =	sdelay $0x1  }
0x8a: {  	s1 =	srdreg.scid  }
0x8b: {  	s0 =	sand.u32 $0x1, s1  }
0x8c: {  	s16 =	sshll.u32 s0, $0xA;
	s2 =	sadd.s32 s3, s2  }
0x8d: {  	s2 =	sadd.s32 s2, s16  }
0x8e: {  	[smem:$0x3FB9] =	sst s2  }
0x8f: {  	_ = 	snop  }
0x90: {  	(tm) =	ssettm $0x1  }
0x91: {  	s17 =	sld [smem:$0x3FFB];
	_ =	sdelay $0x3  }
0x92: {  	_ =	strace s17  }
0x93: {  	s2 =	sld [smem:$0x3FFC];
	_ =	sdelay $0x3  }
0x94: {  	_ =	strace s2  }
0x95: {  	s2 =	sld [smem:$0x3FFD];
	_ =	sdelay $0x3  }
0x96: {  	_ =	strace s2  }
0x97: {  	_ =	strace $0x8FFFFFFF  }
0x98: {  	s18 =	sld [smem:$0x3FDB];
	_ =	sdelay $0x1  }
0x99: {  	s19 =	simm.s32 $_scs_section_size  }
0x9a: {  	s4 =	simm.s32 $_size__tile_overlayer_lowered;
	s5 =	simm.s32 $_tile_overlayer_lowered  }
0x9b: {  	s22 =	simm.s32 $0x1BFF;
	s21 =	sshll.u32 s5, $0x1;
	s2 =	sadd.s32 s19, s18  }
0x9c: {  	s6 =	simm.s32 $0x0;
	s20 =	sshll.u32 s4, $0x1;
	s4 =	sadd.s32 s21, s2  }
0x9d: {  	[timem:s6], [sflag:s22] =	dma.local [hbm:s4], s20  }
0x9e: {  	_ =	swait.ge [sflag:s22], s20  }
0x9f: {  	s3 =	ssub.s32 $0x0, s20;
	[sflag:s22] =	ssyncset.done $0x0  }
0xa0: {  	[sflag:s22] =	ssyncadd.s32 s3;
	_ =	sdelay $0x1  }
0xa1: {  	s23 =	simm.s32 $0x1B8B  }
0xa2: {  	_ =	swait.ge [sflag:s23], $0x1  }
0xa3: {  	[sflag:s23] =	ssyncset.done $0x0  }
0xa4: {  	s25 =	simm.s32 $0x1B8E;
	s24 =	sld [smem:$0x3FFE];
	[sflag:s23] =	ssyncadd.s32 $0xFFFFFFFF  }
0xa5: {  	s26 =	simm.s32 $execute0_lowered;
	[smem:$0x3FD2] =	sst s25  }
0xa6: {  	s4 =	sshll.u32 s26, $0x1;
	_ =	strace $0x80000049;
	[dreg:$0x1] =	wrdreg $0xFFFFFFFF  }
0xa7: {  	s28 =	simm.s32 $_size_execute0_lowered;
	s2 =	sadd.s32 s2, s4;
	[dreg:$0x0] =	wrdreg $0x0  }
0xa8: {  	s4 =	sshll.u32 s28, $0x1;
	[dreg:$0x2] =	wrdreg s2  }
0xa9: {  	[dreg:$0x3] =	wrdreg s4  }
0xaa: {  	[dreg:$0x4] =	wrdreg $0xC0  }
0xab: {  	_ =	task [dreg:s6], $0x5FFFF  }
0xac: {  	[dreg:$0x1] =	wrdreg $0xFFFFFFFF  }
0xad: {  	[dreg:$0x0] =	wrdreg $0x60  }
0xae: {  	[dreg:$0x2] =	wrdreg s24  }
0xaf: {  	[dreg:$0x3] =	wrdreg $0x7E000  }
0xb0: {  	[dreg:$0x4] =	wrdreg $0x9  }
0xb1: {  	_ =	task.clear_ibuf [dreg:s6], $0x5FFFF;
	_ =	strace $0x90000049  }
0xb2: {  	s29 =	simm.s32 $0x9;
	_ =	strace $0x8000004B  }
0xb3: {  	_ =	swait.ge [sflag:s29], $0x1  }
0xb4: {  	[sflag:s29] =	ssyncadd.s32 $0xFFFFFFFF  }
0xb5: {  	_ =	strace $0x9000004B  }
0xb6: {  	_ =	sfence  }
0xb7: {  	s30 =	sld [smem:$0x0];
	_ =	sdelay $0x2  }
0xb8: {  	s31 =	sshll.u32 s1, $0xD;
	s1 =	sshrl.u32 s1, $0x2  }
0xb9: {  	s3 =	sand.u32 $0x4000, s31;
	s1 =	sadd.s32 s1, s30  }
0xba: {  	s0 =	sor.u32 s3, s0;
	s1 =	sshll.u32 s1, $0x11  }
0xbb: {  	s0 =	sor.u32 s1, s0  }
0xbc: {  	s0 =	sadd.s32 $0x8F2B, s0  }
0xbd: {  	[sflag:s0] =	ssyncadd.remote.s32 $0x1  }
0xbe: {  	_ =	sfence.sel $0xFFFF  }
0xbf: {  	[dreg:$0x0] =	wrdreg $0xFFFFFFFF;
	(pc) =	sbr.abs _section_cstart, $3  }
0xc0: {  	[dreg:$0x1] =	wrdreg $0xFFFFFFFF  }
0xc1: {  	_ =	task.clear_ibuf [dreg:s6], $0x2FFFF;
	_ =	strace $0x9FFFFFFF  }
0xc2: {  	(tm) =	ssettm $0x7FFFFFFF  }
0xc3: {  	_ =	shalt  }
tec
execute0_lowered:
.L_overlay_start_1:
0x0: {  	(tag) =	ssettag $0x1  }
0x1: {  	s0 =	rddreg [dreg:$0x0]  }
0x2: {  	s1 =	rddreg [dreg:$0x1];
	s2 =	srdreg.scid;
	s3 =	simm.s32 $0x0  }
0x3: {  	s12 =	stileid.u32;
	s29 =	simm.s32 $0x580;
	s2 =	sand.u32 $0x1, s2  }
0x4: {  	[smem:$0x7FF] =	sst s3;
	s13 =	sadd.s32 $0xC600, s0;
	s9 =	smul.u32 $0x2710, s12  }
0x5: {  	s14 =	sadd.s32 $0x2800, s0;
	s6 =	sadd.s32 $0x64800, s0;
	s11 =	smul.u32 $0x2780, s12  }
0x6: {  	s15 =	smul.u32 $0x4F000, s12;
	p0 =	seq.s32 s12, $0xF;
	s4 =	sshll.u32 s2, $0x4  }
0x7: {  	_ =	strace $0x8000004A;
	[dreg:$0xf] =	wrdreg s6;
	s21 =	smul.u32 $0x27100, s2  }
0x8: {  	s19 =	ssub.s32 $0x2, s2;
	s2 =	smul.u32 $0x138800, s2;
	[dreg:$0xe] =	wrdreg s14  }
0x9: {  	[dreg:$0xd] =	wrdreg s13;
	s5 =	sor.u32 s12, s4;
	s4 =	sadd.s32 $0x16400, s0  }
0xa: {  	s0 =	sadd.s32 $0x67000, s0;
	s7 =	sshrl.u32 s19, $0x1;
	s17 =	sshrl.u32 s15, $0x2  }
0xb: {  	s12 =	simm.s32 $0x2E00;
	s15 =	simm.s32 $0x9;
	s5 =	smul.u32 $0x2710, s5  }
0xc: {  	s6 =	ssub.s32 s19, s7;
	s9 =	sadd.s32 s9, s21;
	s7 =	sadd.s32 s11, s21  }
0xd: {  	s2 =	sshrl.u32 s2, $0x3;
	s28 =	sadd.s32 $0x320, s9;
	s11 =	sadd.s32 $0x2D0, s9  }
0xe: {  	s18 =	sadd.s32 $0x280, s9;
	s7 =	sadd.s32 s0, s7;
	s0 =	sadd.s32 s0, s2  }
0xf: {  	s5 =	sshrl.u32 s5, $0x3;
	[dreg:$0x1b] =	wrdreg s7;
	s0 =	sadd.s32 $0x25080, s0  }
0x10: {  	s21 =	sadd.s32 $0x230, s9;
	s20 =	sadd.s32 s13, s5;
	[dreg:$0x1d] =	wrdreg s0  }
0x11: {  	s8 =	sadd.s32 s14, s5;
	s22 =	sadd.s32 $0xA, s5;
	[dreg:$0x10] =	wrdreg s20  }
0x12: {  	s7 =	sshrl.u32 s21, $0x3;
	[dreg:$0x11] =	wrdreg s8;
	s10 =	sadd.s32 s13, s22  }
0x13: {  	s23 =	sadd.s32 $0x14, s5;
	s8 =	sadd.s32 s14, s22;
	[dreg:$0x12] =	wrdreg s10  }
0x14: {  	s25 =	sadd.s32 $0x1E, s5;
	s24 =	sadd.s32 s13, s23;
	[dreg:$0x13] =	wrdreg s8  }
0x15: {  	s5 =	sadd.s32 $0x28, s5;
	s26 =	sadd.s32 s13, s25;
	[dreg:$0x14] =	wrdreg s24  }
0x16: {  	s21 =	simm.s32 $0x5;
	s30 =	sadd.s32 s13, s5;
	[dreg:$0x16] =	wrdreg s26  }
0x17: {  	s0 =	simm.s32 $0x0;
	s5 =	sadd.s32 s14, s5;
	[dreg:$0x18] =	wrdreg s30  }
0x18: {  	s22 =	sadd.s32 s7, s14;
	s8 =	sadd.s32 s14, s23;
	[dreg:$0x19] =	wrdreg s5  }
0x19: {  	s10 =	sadd.s32 s14, s25;
	s5 =	sshrl.u32 s18, $0x3;
	[dreg:$0x9] =	wrdreg s22  }
0x1a: {  	s23 =	sadd.s32 $0x128400, s1;
	s24 =	sadd.s32 $0x190, s9;
	[dreg:$0x15] =	wrdreg s8  }
0x1b: {  	s25 =	sadd.s32 s7, s13;
	s26 =	smax.u32 s6, $0x1;
	[dreg:$0x17] =	wrdreg s10  }
0x1c: {  	s30 =	sadd.s32 $0x1E0, s9;
	s9 =	simm.s32 $0x50;
	[dreg:$0x1c] =	wrdreg s23  }
0x1d: {  	s18 =	simm.s32 $0x4;
	s22 =	simm.s32 $0xB;
	[dreg:$0x1e] =	wrdreg s26  }
0x1e: {  	s7 =	simm.s32 $0x3;
	s8 =	sshrl.u32 s28, $0x3;
	[dreg:$0xa] =	wrdreg s25  }
0x1f: {  	s10 =	sshrl.u32 s11, $0x3;
	s20 =	sadd.s32 s5, s14;
	[dreg:$0x1f] =	wrdreg s30  }
0x20: {  	s5 =	sadd.s32 s5, s13;
	s2 =	sshrl.u32 s24, $0x3;
	[dreg:$0x7] =	wrdreg s20  }
0x21: {  	s11 =	simm.s32 $0x8;
	s31 =	sadd.s32 s8, s14;
	[dreg:$0x8] =	wrdreg s5  }
0x22: {  	s23 =	simm.s32 $0x6;
	s8 =	sadd.s32 s8, s13;
	[dreg:$0x3] =	wrdreg s31  }
0x23: {  	s16 =	sadd.s32 s10, s14;
	s19 =	sadd.s32 s10, s13;
	[dreg:$0x4] =	wrdreg s8  }
0x24: {  	s28 =	sadd.s32 s2, s14;
	s10 =	simm.s32 $0x600;
	[dreg:$0x5] =	wrdreg s16  }
0x25: {  	s20 =	simm.s32 $0x2;
	s5 =	simm.s32 $0xC;
	[dreg:$0x6] =	wrdreg s19  }
0x26: {  	s8 =	sadd.s32 s17, s1;
	[dreg:$0xb] =	wrdreg s28;
	s31 =	sadd.s32 s2, s13  }
0x27: {  	s16 =	simm.s32 $0x5600;
	s17 =	simm.s32 $0x1;
	[dreg:$0x1a] =	wrdreg s8  }
0x28: {  	s19 =	simm.s32 $0xA;
	[dreg:$0xc] =	wrdreg s31;
	s8 =	simm.s32 $0x7  }
.LBB2_1:
0x29: {  	[smem:$0x7FA] =	sst s0  }
0x2a: {  	s6 =	rddreg [dreg:$0x10]  }
0x2b: {  	s2 =	rddreg [dreg:$0x11]  }
0x2c: {  	[tilespmem:s3], [sflag:$0x7] =	stream.linear.gather [hbm4b:s6+s3], $0x50, $0x38;
	[tilespmem:$0x1B680] =	vst v63  }
0x2d: {  	s28 =	simm.s32 $0x80;
	s13 =	rddreg [dreg:$0x12]  }
0x2e: {  	[tilespmem:s28], [sflag:$0x7] =	stream.linear.gather [hbm4b:s2+s3], $0x50, $0x38;
	[tilespmem:$0x1B680] =	vst v63  }
0x2f: {  	s14 =	rddreg [dreg:$0x13];
	s2 =	simm.s32 $0x100  }
0x30: {  	[tilespmem:s2], [sflag:$0x8] =	stream.linear.gather [hbm4b:s13+s3], $0x50, $0x38;
	[tilespmem:$0x1B680] =	vst v63  }
0x31: {  	s30 =	simm.s32 $0x180;
	s24 =	rddreg [dreg:$0x14]  }
0x32: {  	[tilespmem:s30], [sflag:$0x8] =	stream.linear.gather [hbm4b:s14+s3], $0x50, $0x38;
	[tilespmem:$0x1B680] =	vst v63  }
0x33: {  	s31 =	simm.s32 $0x200;
	s25 =	rddreg [dreg:$0x15]  }
0x34: {  	[tilespmem:s31], [sflag:$0x9] =	stream.linear.gather [hbm4b:s24+s3], $0x50, $0x38;
	[tilespmem:$0x1B680] =	vst v63  }
0x35: {  	s0 =	simm.s32 $0x280;
	s26 =	rddreg [dreg:$0x16]  }
0x36: {  	[tilespmem:s0], [sflag:$0x9] =	stream.linear.gather [hbm4b:s25+s3], $0x50, $0x38;
	[tilespmem:$0x1B680] =	vst v63  }
0x37: {  	s6 =	rddreg [dreg:$0x1c];
	s13 =	simm.s32 $0x300  }
0x38: {  	[tilespmem:s13], [sflag:$0xA] =	stream.linear.gather [hbm4b:s26+s3], $0x50, $0x38;
	[tilespmem:$0x1B680] =	vst v63  }
0x39: {  	s14 =	rddreg [dreg:$0x17];
	s13 =	simm.s32 $0x380  }
0x3a: {  	[tilespmem:s13], [sflag:$0xA] =	stream.linear.gather [hbm4b:s14+s3], $0x50, $0x38;
	[tilespmem:$0x1B680] =	vst v63  }
0x3b: {  	s24 =	rddreg [dreg:$0x18];
	s14 =	simm.s32 $0x400  }
0x3c: {  	[tilespmem:s14], [sflag:$0xB] =	stream.linear.gather [hbm4b:s24+s3], $0x50, $0x38;
	[tilespmem:$0x1B680] =	vst v63  }
0x3d: {  	s25 =	rddreg [dreg:$0x19];
	s14 =	sshrl.u32 @p0 s6, $0x3  }
0x3e: {  	s26 =	simm.s32 $0x480;
	[smem:$0x7FB] =	sst s14  }
0x3f: {  	[tilespmem:s26], [sflag:$0xB] =	stream.linear.gather [hbm4b:s25+s3], $0x50, $0x38;
	[tilespmem:$0x1B680] =	vst v63  }
0x40: {  	s6 =	simm.s32 @p0 $0x1FCD;
	s25 =	rddreg [dreg:$0xf]  }
0x41: {  	[spmem:s14], [sflag:s6] =	dma.local @p0 [hbm:s25], $0x2080  }
0x42: {  	s6 =	simm.s32 @p0 $0xD  }
0x43: {  	s24 =	stileid.u32;
	_ =	swait.ge @p0 [sflag:s6], $0x2080  }
0x44: {  	s24 =	sshll.u32 @!p0 s24, $0x6;
	[sflag:s6] =	ssyncset.done @p0 $0x0  }
0x45: {  	s14 =	sor.u32 @!p0 $0x1C0D, s24;
	[sflag:s6] =	ssyncadd.s32 @p0 $0xFFFFDF80;
	s6 =	rddreg [dreg:$0x1a]  }
0x46: {  	[smem:$0x7FC] =	sst s14;
	s6 =	sshrl.u32 @!p0 s6, $0x3  }
0x47: {  	[smem:$0x7FD] =	sst s6  }
0x48: {  	[spmem:s6], [sflag:s14] =	dma.local @!p0 [hbm:s25], $0x2780  }
0x49: {  	s6 =	simm.s32 @!p0 $0xD  }
0x4a: {  	_ =	swait.ge @!p0 [sflag:s6], $0x2780  }
0x4b: {  	[sflag:s6] =	ssyncset.done @!p0 $0x0  }
0x4c: {  	[sflag:s6] =	ssyncadd.s32 @!p0 $0xFFFFD880  }
0x4d: {  	[bflag:$0x0] =	sbarrier.arrive $0xFFFF  }
0x4e: {  	_ =	swait.ge [sflag:s8], $0x50  }
0x4f: {  	[sflag:s8] =	ssyncset.done $0x0  }
0x50: {  	[sflag:s8] =	ssyncadd.s32 $0xFFFFFFB0  }
0x51: {  	_ =	swait.ge [sflag:s8], $0x50  }
0x52: {  	[sflag:s8] =	ssyncset.done $0x0  }
0x53: {  	[sflag:s8] =	ssyncadd.s32 $0xFFFFFFB0  }
0x54: {  	[tilespmem:s10], [sflag:$0x1] =	stream.indirect.gather [hbm4b:s4+s9], $0x80, s3, s9, $0xb8;
	[tilespmem:$0x1B680] =	vst v63  }
0x55: {  	_ =	swait.ge [sflag:s11], $0x50  }
0x56: {  	[sflag:s11] =	ssyncset.done $0x0  }
0x57: {  	[sflag:s11] =	ssyncadd.s32 $0xFFFFFFB0  }
0x58: {  	_ =	swait.ge [sflag:s11], $0x50  }
0x59: {  	p1 =	por $0x1, $0x1;
	[sflag:s11] =	ssyncset.done $0x0  }
0x5a: {  	s6 =	simm.s32 @!p1 $0x6;
	[sflag:s11] =	ssyncadd.s32 $0xFFFFFFB0  }
0x5b: {  	[tilespmem:s12], [sflag:$0x2] =	stream.indirect.gather [hbm4b:s4+s9], $0x80, s2, s9, $0xb8;
	[tilespmem:$0x1B680] =	vst v63  }
0x5c: {  	_ =	swait.ge @!p1 [sflag:s6], $0x2800  }
0x5d: {  	s14 =	rddreg [dreg:$0xc]  }
0x5e: {  	[sflag:s6] =	ssyncset.done @!p1 $0x0;
	s25 =	rddreg [dreg:$0xb]  }
0x5f: {  	[sflag:s6] =	ssyncadd.s32 @!p1 $0xFFFFD800;
	s26 =	sadd.s32 $0x0, s14;
	s14 =	simm.s32 $0x500  }
0x60: {  	[tilespmem:s14], [sflag:$0xC] =	stream.linear.gather [hbm4b:s26+s3], $0x50, $0x38;
	[tilespmem:$0x1B680] =	vst v63  }
0x61: {  	s24 =	sadd.s32 $0x0, s25  }
0x62: {  	[tilespmem:s29], [sflag:$0xC] =	stream.linear.gather [hbm4b:s24+s3], $0x50, $0x38;
	[tilespmem:$0x1B680] =	vst v63  }
0x63: {  	_ =	swait.ge [sflag:s15], $0x50  }
0x64: {  	[sflag:s15] =	ssyncset.done $0x0  }
0x65: {  	[sflag:s15] =	ssyncadd.s32 $0xFFFFFFB0  }
0x66: {  	_ =	swait.ge [sflag:s15], $0x50  }
0x67: {  	[sflag:s15] =	ssyncset.done $0x0  }
0x68: {  	[sflag:s15] =	ssyncadd.s32 $0xFFFFFFB0  }
0x69: {  	[tilespmem:s16], [sflag:$0x3] =	stream.indirect.gather [hbm4b:s4+s9], $0x80, s31, s9, $0xb8;
	[tilespmem:$0x1B680] =	vst v63  }
0x6a: {  	_ =	swait.ge [sflag:s17], $0x2800  }
0x6b: {  	[sflag:s17] =	ssyncset.done $0x0  }
0x6c: {  	[sflag:s17] =	ssyncadd.s32 $0xFFFFD800  }
0x6d: {  	[spmem:s1] =	stream.indirect.scatter.add.f32 [tilespmem:s10], [sflag:$0x4], $0x80, s28, s9, $0xb8;
	[tilespmem:$0x1B680] =	vst v63  }
0x6e: {  	_ =	swait.ge [sflag:s18], $0x2800  }
0x6f: {  	s26 =	rddreg [dreg:$0x1f]  }
0x70: {  	[sflag:s18] =	ssyncset.done $0x0;
	s25 =	rddreg [dreg:$0xd];
	s6 =	sshrl.u32 s26, $0x3  }
0x71: {  	s29 =	rddreg [dreg:$0xe];
	[sflag:s18] =	ssyncadd.s32 $0xFFFFD800;
	s24 =	sadd.s32 s25, s6  }
0x72: {  	[tilespmem:s3], [sflag:$0x7] =	stream.linear.gather [hbm4b:s24+s3], $0x50, $0x38;
	[tilespmem:$0x1B680] =	vst v63  }
0x73: {  	s6 =	sadd.s32 s29, s6  }
0x74: {  	[tilespmem:s28], [sflag:$0x7] =	stream.linear.gather [hbm4b:s6+s3], $0x50, $0x38;
	[tilespmem:$0x1B680] =	vst v63  }
0x75: {  	_ =	swait.ge [sflag:s19], $0x50  }
0x76: {  	[sflag:s19] =	ssyncset.done $0x0  }
0x77: {  	[sflag:s19] =	ssyncadd.s32 $0xFFFFFFB0  }
0x78: {  	_ =	swait.ge [sflag:s19], $0x50  }
0x79: {  	[sflag:s19] =	ssyncset.done $0x0  }
0x7a: {  	s28 =	simm.s32 $0x300;
	[sflag:s19] =	ssyncadd.s32 $0xFFFFFFB0  }
0x7b: {  	[tilespmem:s10], [sflag:$0x1] =	stream.indirect.gather [hbm4b:s4+s9], $0x80, s28, s9, $0xb8;
	[tilespmem:$0x1B680] =	vst v63  }
0x7c: {  	_ =	swait.ge [sflag:s20], $0x2800  }
0x7d: {  	[sflag:s20] =	ssyncset.done $0x0  }
0x7e: {  	[sflag:s20] =	ssyncadd.s32 $0xFFFFD800  }
0x7f: {  	[spmem:s1] =	stream.indirect.scatter.add.f32 [tilespmem:s12], [sflag:$0x5], $0x80, s30, s9, $0xb8;
	[tilespmem:$0x1B680] =	vst v63  }
0x80: {  	_ =	swait.ge [sflag:s21], $0x2800  }
0x81: {  	s25 =	rddreg [dreg:$0xa];
	[sflag:s21] =	ssyncset.done $0x0  }
0x82: {  	s29 =	rddreg [dreg:$0x9];
	[sflag:s21] =	ssyncadd.s32 $0xFFFFD800;
	s6 =	sadd.s32 $0x0, s25  }
0x83: {  	[tilespmem:s2], [sflag:$0x8] =	stream.linear.gather [hbm4b:s6+s3], $0x50, $0x38;
	[tilespmem:$0x1B680] =	vst v63  }
0x84: {  	s25 =	sadd.s32 $0x0, s29  }
0x85: {  	[tilespmem:s30], [sflag:$0x8] =	stream.linear.gather [hbm4b:s25+s3], $0x50, $0x38;
	[tilespmem:$0x1B680] =	vst v63  }
0x86: {  	_ =	swait.ge [sflag:s22], $0x50  }
0x87: {  	[sflag:s22] =	ssyncset.done $0x0  }
0x88: {  	[sflag:s22] =	ssyncadd.s32 $0xFFFFFFB0  }
0x89: {  	_ =	swait.ge [sflag:s22], $0x50  }
0x8a: {  	[sflag:s22] =	ssyncset.done $0x0  }
0x8b: {  	s25 =	simm.s32 $0x400;
	[sflag:s22] =	ssyncadd.s32 $0xFFFFFFB0  }
0x8c: {  	[tilespmem:s12], [sflag:$0x2] =	stream.indirect.gather [hbm4b:s4+s9], $0x80, s25, s9, $0xb8;
	[tilespmem:$0x1B680] =	vst v63  }
0x8d: {  	_ =	swait.ge [sflag:s7], $0x2800  }
0x8e: {  	[sflag:s7] =	ssyncset.done $0x0  }
0x8f: {  	[sflag:s7] =	ssyncadd.s32 $0xFFFFD800  }
0x90: {  	[spmem:s1] =	stream.indirect.scatter.add.f32 [tilespmem:s16], [sflag:$0x6], $0x80, s0, s9, $0xb8;
	[tilespmem:$0x1B680] =	vst v63  }
0x91: {  	_ =	swait.ge [sflag:s23], $0x2800  }
0x92: {  	s29 =	rddreg [dreg:$0x8];
	[sflag:s23] =	ssyncset.done $0x0  }
0x93: {  	s30 =	rddreg [dreg:$0x7];
	[sflag:s23] =	ssyncadd.s32 $0xFFFFD800;
	s6 =	sadd.s32 $0x0, s29  }
0x94: {  	[tilespmem:s31], [sflag:$0x9] =	stream.linear.gather [hbm4b:s6+s3], $0x50, $0x38;
	[tilespmem:$0x1B680] =	vst v63  }
0x95: {  	s31 =	sadd.s32 $0x0, s30  }
0x96: {  	[tilespmem:s0], [sflag:$0x9] =	stream.linear.gather [hbm4b:s31+s3], $0x50, $0x38;
	[tilespmem:$0x1B680] =	vst v63  }
0x97: {  	_ =	swait.ge [sflag:s5], $0x50  }
0x98: {  	[sflag:s5] =	ssyncset.done $0x0  }
0x99: {  	[sflag:s5] =	ssyncadd.s32 $0xFFFFFFB0  }
0x9a: {  	_ =	swait.ge [sflag:s5], $0x50  }
0x9b: {  	[sflag:s5] =	ssyncset.done $0x0  }
0x9c: {  	[sflag:s5] =	ssyncadd.s32 $0xFFFFFFB0  }
0x9d: {  	[tilespmem:s16], [sflag:$0x3] =	stream.indirect.gather [hbm4b:s4+s9], $0x80, s14, s9, $0xb8;
	[tilespmem:$0x1B680] =	vst v63  }
0x9e: {  	_ =	swait.ge [sflag:s17], $0x2800  }
0x9f: {  	[sflag:s17] =	ssyncset.done $0x0  }
0xa0: {  	[sflag:s17] =	ssyncadd.s32 $0xFFFFD800  }
0xa1: {  	[spmem:s1] =	stream.indirect.scatter.add.f32 [tilespmem:s10], [sflag:$0x4], $0x80, s13, s9, $0xb8;
	[tilespmem:$0x1B680] =	vst v63  }
0xa2: {  	_ =	swait.ge [sflag:s18], $0x2800  }
0xa3: {  	s0 =	rddreg [dreg:$0x6];
	[sflag:s18] =	ssyncset.done $0x0  }
0xa4: {  	s14 =	rddreg [dreg:$0x5];
	[sflag:s18] =	ssyncadd.s32 $0xFFFFD800;
	s6 =	sadd.s32 $0x0, s0  }
0xa5: {  	[tilespmem:s28], [sflag:$0xA] =	stream.linear.gather [hbm4b:s6+s3], $0x50, $0x38;
	[tilespmem:$0x1B680] =	vst v63  }
0xa6: {  	s24 =	sadd.s32 $0x0, s14  }
0xa7: {  	[tilespmem:s13], [sflag:$0xA] =	stream.linear.gather [hbm4b:s24+s3], $0x50, $0x38;
	[tilespmem:$0x1B680] =	vst v63  }
0xa8: {  	_ =	swait.ge [sflag:s8], $0x50  }
0xa9: {  	[sflag:s8] =	ssyncset.done $0x0  }
0xaa: {  	[sflag:s8] =	ssyncadd.s32 $0xFFFFFFB0  }
0xab: {  	_ =	swait.ge [sflag:s8], $0x50  }
0xac: {  	[sflag:s8] =	ssyncset.done $0x0  }
0xad: {  	[sflag:s8] =	ssyncadd.s32 $0xFFFFFFB0  }
0xae: {  	[tilespmem:s10], [sflag:$0x1] =	stream.indirect.gather [hbm4b:s4+s9], $0x80, s3, s9, $0xb8;
	[tilespmem:$0x1B680] =	vst v63  }
0xaf: {  	_ =	swait.ge [sflag:s20], $0x2800  }
0xb0: {  	[sflag:s20] =	ssyncset.done $0x0  }
0xb1: {  	s28 =	simm.s32 $0x480;
	[sflag:s20] =	ssyncadd.s32 $0xFFFFD800  }
0xb2: {  	[spmem:s1] =	stream.indirect.scatter.add.f32 [tilespmem:s12], [sflag:$0x5], $0x80, s28, s9, $0xb8;
	[tilespmem:$0x1B680] =	vst v63  }
0xb3: {  	_ =	swait.ge [sflag:s21], $0x2800  }
0xb4: {  	s29 =	rddreg [dreg:$0x4];
	[sflag:s21] =	ssyncset.done $0x0  }
0xb5: {  	s30 =	rddreg [dreg:$0x3];
	[sflag:s21] =	ssyncadd.s32 $0xFFFFD800;
	s6 =	sadd.s32 $0x0, s29  }
0xb6: {  	[tilespmem:s25], [sflag:$0xB] =	stream.linear.gather [hbm4b:s6+s3], $0x50, $0x38;
	[tilespmem:$0x1B680] =	vst v63  }
0xb7: {  	s31 =	sadd.s32 $0x0, s30  }
0xb8: {  	[tilespmem:s28], [sflag:$0xB] =	stream.linear.gather [hbm4b:s31+s3], $0x50, $0x38;
	[tilespmem:$0x1B680] =	vst v63  }
0xb9: {  	_ =	swait.ge [sflag:s11], $0x50  }
0xba: {  	[sflag:s11] =	ssyncset.done $0x0  }
0xbb: {  	[sflag:s11] =	ssyncadd.s32 $0xFFFFFFB0  }
0xbc: {  	_ =	swait.ge [sflag:s11], $0x50  }
0xbd: {  	[sflag:s11] =	ssyncset.done $0x0  }
0xbe: {  	[sflag:s11] =	ssyncadd.s32 $0xFFFFFFB0  }
0xbf: {  	[tilespmem:s12], [sflag:$0x2] =	stream.indirect.gather [hbm4b:s4+s9], $0x80, s2, s9, $0xb8;
	[tilespmem:$0x1B680] =	vst v63  }
0xc0: {  	p2 =	por $0x0, $0x0;
	s24 =	sadd.s32 $0x1E0, s26;
	_ =	swait.ge [sflag:s7], $0x2800  }
0xc1: {  	s6 =	simm.s32 $0x3C;
	s25 =	simm.s32 $0x78;
	[sflag:s7] =	ssyncset.done $0x0  }
.LBB2_2:
0xc2: {  	s28 =	simm.s32 @!p2 $0x6;
	[sflag:s7] =	ssyncadd.s32 $0xFFFFD800;
	s0 =	simm.s32 $0x580  }
0xc3: {  	[spmem:s1] =	stream.indirect.scatter.add.f32 [tilespmem:s16], [sflag:$0x6], $0x80, s0, s9, $0xb8;
	[tilespmem:$0x1B680] =	vst v63  }
0xc4: {  	_ =	swait.ge @!p2 [sflag:s28], $0x2800  }
0xc5: {  	s14 =	simm.s32 $0x500;
	[sflag:s28] =	ssyncset.done @!p2 $0x0;
	s29 =	rddreg [dreg:$0xc]  }
0xc6: {  	s30 =	rddreg [dreg:$0xb];
	[sflag:s28] =	ssyncadd.s32 @!p2 $0xFFFFD800;
	s29 =	sadd.s32 s6, s29  }
0xc7: {  	[tilespmem:s14], [sflag:$0xC] =	stream.linear.gather [hbm4b:s29+s3], $0x50, $0x38;
	[tilespmem:$0x1B680] =	vst v63  }
0xc8: {  	s28 =	sadd.s32 s6, s30  }
0xc9: {  	[tilespmem:s0], [sflag:$0xC] =	stream.linear.gather [hbm4b:s28+s3], $0x50, $0x38;
	[tilespmem:$0x1B680] =	vst v63  }
0xca: {  	_ =	swait.ge [sflag:s15], $0x50  }
0xcb: {  	[sflag:s15] =	ssyncset.done $0x0  }
0xcc: {  	[sflag:s15] =	ssyncadd.s32 $0xFFFFFFB0  }
0xcd: {  	_ =	swait.ge [sflag:s15], $0x50  }
0xce: {  	[sflag:s15] =	ssyncset.done $0x0  }
0xcf: {  	s0 =	simm.s32 $0x200;
	[sflag:s15] =	ssyncadd.s32 $0xFFFFFFB0  }
0xd0: {  	[tilespmem:s16], [sflag:$0x3] =	stream.indirect.gather [hbm4b:s4+s9], $0x80, s0, s9, $0xb8;
	[tilespmem:$0x1B680] =	vst v63  }
0xd1: {  	_ =	swait.ge [sflag:s17], $0x2800  }
0xd2: {  	[sflag:s17] =	ssyncset.done $0x0  }
0xd3: {  	s30 =	simm.s32 $0x80;
	[sflag:s17] =	ssyncadd.s32 $0xFFFFD800  }
0xd4: {  	[spmem:s1] =	stream.indirect.scatter.add.f32 [tilespmem:s10], [sflag:$0x4], $0x80, s30, s9, $0xb8;
	[tilespmem:$0x1B680] =	vst v63  }
0xd5: {  	_ =	swait.ge [sflag:s18], $0x2800  }
0xd6: {  	s31 =	sshrl.u32 s24, $0x3;
	[sflag:s18] =	ssyncset.done $0x0;
	s2 =	rddreg [dreg:$0xd]  }
0xd7: {  	s13 =	rddreg [dreg:$0xe];
	[sflag:s18] =	ssyncadd.s32 $0xFFFFD800;
	s29 =	sadd.s32 s2, s31  }
0xd8: {  	[tilespmem:s3], [sflag:$0x7] =	stream.linear.gather [hbm4b:s29+s3], $0x50, $0x38;
	[tilespmem:$0x1B680] =	vst v63  }
0xd9: {  	s28 =	sadd.s32 s13, s31  }
0xda: {  	[tilespmem:s30], [sflag:$0x7] =	stream.linear.gather [hbm4b:s28+s3], $0x50, $0x38;
	[tilespmem:$0x1B680] =	vst v63  }
0xdb: {  	_ =	swait.ge [sflag:s19], $0x50  }
0xdc: {  	[sflag:s19] =	ssyncset.done $0x0  }
0xdd: {  	[sflag:s19] =	ssyncadd.s32 $0xFFFFFFB0  }
0xde: {  	_ =	swait.ge [sflag:s19], $0x50  }
0xdf: {  	[sflag:s19] =	ssyncset.done $0x0  }
0xe0: {  	s2 =	simm.s32 $0x300;
	[sflag:s19] =	ssyncadd.s32 $0xFFFFFFB0  }
0xe1: {  	[tilespmem:s10], [sflag:$0x1] =	stream.indirect.gather [hbm4b:s4+s9], $0x80, s2, s9, $0xb8;
	[tilespmem:$0x1B680] =	vst v63  }
0xe2: {  	_ =	swait.ge [sflag:s20], $0x2800  }
0xe3: {  	[sflag:s20] =	ssyncset.done $0x0  }
0xe4: {  	s31 =	simm.s32 $0x180;
	[sflag:s20] =	ssyncadd.s32 $0xFFFFD800  }
0xe5: {  	[spmem:s1] =	stream.indirect.scatter.add.f32 [tilespmem:s12], [sflag:$0x5], $0x80, s31, s9, $0xb8;
	[tilespmem:$0x1B680] =	vst v63  }
0xe6: {  	_ =	swait.ge [sflag:s21], $0x2800  }
0xe7: {  	s30 =	rddreg [dreg:$0xa]  }
0xe8: {  	[sflag:s21] =	ssyncset.done $0x0;
	s13 =	rddreg [dreg:$0x9]  }
0xe9: {  	[sflag:s21] =	ssyncadd.s32 $0xFFFFD800;
	s28 =	sadd.s32 s6, s30;
	s30 =	simm.s32 $0x100  }
0xea: {  	[tilespmem:s30], [sflag:$0x8] =	stream.linear.gather [hbm4b:s28+s3], $0x50, $0x38;
	[tilespmem:$0x1B680] =	vst v63  }
0xeb: {  	s13 =	sadd.s32 s6, s13  }
0xec: {  	[tilespmem:s31], [sflag:$0x8] =	stream.linear.gather [hbm4b:s13+s3], $0x50, $0x38;
	[tilespmem:$0x1B680] =	vst v63  }
0xed: {  	_ =	swait.ge [sflag:s22], $0x50  }
0xee: {  	[sflag:s22] =	ssyncset.done $0x0  }
0xef: {  	[sflag:s22] =	ssyncadd.s32 $0xFFFFFFB0  }
0xf0: {  	_ =	swait.ge [sflag:s22], $0x50  }
0xf1: {  	[sflag:s22] =	ssyncset.done $0x0  }
0xf2: {  	s13 =	simm.s32 $0x400;
	[sflag:s22] =	ssyncadd.s32 $0xFFFFFFB0  }
0xf3: {  	[tilespmem:s12], [sflag:$0x2] =	stream.indirect.gather [hbm4b:s4+s9], $0x80, s13, s9, $0xb8;
	[tilespmem:$0x1B680] =	vst v63  }
0xf4: {  	_ =	swait.ge [sflag:s7], $0x2800  }
0xf5: {  	[sflag:s7] =	ssyncset.done $0x0  }
0xf6: {  	s31 =	simm.s32 $0x280;
	[sflag:s7] =	ssyncadd.s32 $0xFFFFD800  }
0xf7: {  	[spmem:s1] =	stream.indirect.scatter.add.f32 [tilespmem:s16], [sflag:$0x6], $0x80, s31, s9, $0xb8;
	[tilespmem:$0x1B680] =	vst v63  }
0xf8: {  	_ =	swait.ge [sflag:s23], $0x2800  }
0xf9: {  	s28 =	rddreg [dreg:$0x8];
	[sflag:s23] =	ssyncset.done $0x0  }
0xfa: {  	s29 =	rddreg [dreg:$0x7];
	[sflag:s23] =	ssyncadd.s32 $0xFFFFD800;
	s28 =	sadd.s32 s6, s28  }
0xfb: {  	[tilespmem:s0], [sflag:$0x9] =	stream.linear.gather [hbm4b:s28+s3], $0x50, $0x38;
	[tilespmem:$0x1B680] =	vst v63  }
0xfc: {  	s29 =	sadd.s32 s6, s29  }
0xfd: {  	[tilespmem:s31], [sflag:$0x9] =	stream.linear.gather [hbm4b:s29+s3], $0x50, $0x38;
	[tilespmem:$0x1B680] =	vst v63  }
0xfe: {  	_ =	swait.ge [sflag:s5], $0x50  }
0xff: {  	[sflag:s5] =	ssyncset.done $0x0  }
0x100: {  	[sflag:s5] =	ssyncadd.s32 $0xFFFFFFB0  }
0x101: {  	_ =	swait.ge [sflag:s5], $0x50  }
0x102: {  	[sflag:s5] =	ssyncset.done $0x0  }
0x103: {  	[sflag:s5] =	ssyncadd.s32 $0xFFFFFFB0  }
0x104: {  	[tilespmem:s16], [sflag:$0x3] =	stream.indirect.gather [hbm4b:s4+s9], $0x80, s14, s9, $0xb8;
	[tilespmem:$0x1B680] =	vst v63  }
0x105: {  	_ =	swait.ge [sflag:s17], $0x2800  }
0x106: {  	[sflag:s17] =	ssyncset.done $0x0  }
0x107: {  	s0 =	simm.s32 $0x380;
	[sflag:s17] =	ssyncadd.s32 $0xFFFFD800  }
0x108: {  	[spmem:s1] =	stream.indirect.scatter.add.f32 [tilespmem:s10], [sflag:$0x4], $0x80, s0, s9, $0xb8;
	[tilespmem:$0x1B680] =	vst v63  }
0x109: {  	_ =	swait.ge [sflag:s18], $0x2800  }
0x10a: {  	s31 =	rddreg [dreg:$0x6];
	[sflag:s18] =	ssyncset.done $0x0  }
0x10b: {  	s14 =	rddreg [dreg:$0x5];
	[sflag:s18] =	ssyncadd.s32 $0xFFFFD800;
	s28 =	sadd.s32 s6, s31  }
0x10c: {  	[tilespmem:s2], [sflag:$0xA] =	stream.linear.gather [hbm4b:s28+s3], $0x50, $0x38;
	[tilespmem:$0x1B680] =	vst v63  }
0x10d: {  	s31 =	sadd.s32 s6, s14  }
0x10e: {  	[tilespmem:s0], [sflag:$0xA] =	stream.linear.gather [hbm4b:s31+s3], $0x50, $0x38;
	[tilespmem:$0x1B680] =	vst v63  }
0x10f: {  	_ =	swait.ge [sflag:s8], $0x50  }
0x110: {  	[sflag:s8] =	ssyncset.done $0x0  }
0x111: {  	[sflag:s8] =	ssyncadd.s32 $0xFFFFFFB0  }
0x112: {  	_ =	swait.ge [sflag:s8], $0x50  }
0x113: {  	[sflag:s8] =	ssyncset.done $0x0  }
0x114: {  	[sflag:s8] =	ssyncadd.s32 $0xFFFFFFB0  }
0x115: {  	[tilespmem:s10], [sflag:$0x1] =	stream.indirect.gather [hbm4b:s4+s9], $0x80, s3, s9, $0xb8;
	[tilespmem:$0x1B680] =	vst v63  }
0x116: {  	_ =	swait.ge [sflag:s20], $0x2800  }
0x117: {  	[sflag:s20] =	ssyncset.done $0x0  }
0x118: {  	s0 =	simm.s32 $0x480;
	[sflag:s20] =	ssyncadd.s32 $0xFFFFD800  }
0x119: {  	[spmem:s1] =	stream.indirect.scatter.add.f32 [tilespmem:s12], [sflag:$0x5], $0x80, s0, s9, $0xb8;
	[tilespmem:$0x1B680] =	vst v63  }
0x11a: {  	_ =	swait.ge [sflag:s21], $0x2800  }
0x11b: {  	s2 =	rddreg [dreg:$0x4];
	[sflag:s21] =	ssyncset.done $0x0  }
0x11c: {  	s14 =	rddreg [dreg:$0x3];
	[sflag:s21] =	ssyncadd.s32 $0xFFFFD800;
	s28 =	sadd.s32 s6, s2  }
0x11d: {  	[tilespmem:s13], [sflag:$0xB] =	stream.linear.gather [hbm4b:s28+s3], $0x50, $0x38;
	[tilespmem:$0x1B680] =	vst v63  }
0x11e: {  	s31 =	sadd.s32 s6, s14  }
0x11f: {  	[tilespmem:s0], [sflag:$0xB] =	stream.linear.gather [hbm4b:s31+s3], $0x50, $0x38;
	[tilespmem:$0x1B680] =	vst v63  }
0x120: {  	_ =	swait.ge [sflag:s11], $0x50  }
0x121: {  	[sflag:s11] =	ssyncset.done $0x0  }
0x122: {  	s26 =	smov.u32 s25;
	s25 =	sadd.s32 $0x3C, s25;
	[sflag:s11] =	ssyncadd.s32 $0xFFFFFFB0  }
0x123: {  	p1 =	sne.s32 s25, $0x4B0;
	_ =	swait.ge [sflag:s11], $0x50  }
.Ltmp0:
0x124: {  	[sflag:s11] =	ssyncset.done $0x0;
	(pc) =	sbr.rel @p1 .LBB2_2-.Ltmp0, $4  }
0x125: {  	[sflag:s11] =	ssyncadd.s32 $0xFFFFFFB0  }
0x126: {  	[tilespmem:s12], [sflag:$0x2] =	stream.indirect.gather [hbm4b:s4+s9], $0x80, s30, s9, $0xb8;
	[tilespmem:$0x1B680] =	vst v63  }
0x127: {  	s6 =	smov.u32 s26;
	_ =	swait.ge [sflag:s7], $0x2800  }
0x128: {  	s24 =	sadd.s32 $0x1E0, s24;
	p2 =	seq.s32 s6, $0x0;
	[sflag:s7] =	ssyncset.done $0x0  }
0x129: {  	s25 =	simm.s32 @!p2 $0x6;
	[sflag:s7] =	ssyncadd.s32 $0xFFFFD800;
	s0 =	simm.s32 $0x580  }
0x12a: {  	[spmem:s1] =	stream.indirect.scatter.add.f32 [tilespmem:s16], [sflag:$0x6], $0x80, s0, s9, $0xb8;
	[tilespmem:$0x1B680] =	vst v63  }
0x12b: {  	_ =	swait.ge @!p2 [sflag:s25], $0x2800  }
0x12c: {  	s2 =	simm.s32 $0x500;
	s26 =	rddreg [dreg:$0xc];
	[sflag:s25] =	ssyncset.done @!p2 $0x0  }
0x12d: {  	s28 =	rddreg [dreg:$0xb];
	[sflag:s25] =	ssyncadd.s32 @!p2 $0xFFFFD800;
	s30 =	sadd.s32 s6, s26  }
0x12e: {  	[tilespmem:s2], [sflag:$0xC] =	stream.linear.gather [hbm4b:s30+s3], $0x50, $0x38;
	[tilespmem:$0x1B680] =	vst v63  }
0x12f: {  	s31 =	sadd.s32 s6, s28  }
0x130: {  	[tilespmem:s0], [sflag:$0xC] =	stream.linear.gather [hbm4b:s31+s3], $0x50, $0x38;
	[tilespmem:$0x1B680] =	vst v63  }
0x131: {  	_ =	swait.ge [sflag:s15], $0x50  }
0x132: {  	[sflag:s15] =	ssyncset.done $0x0  }
0x133: {  	[sflag:s15] =	ssyncadd.s32 $0xFFFFFFB0  }
0x134: {  	_ =	swait.ge [sflag:s15], $0x50  }
0x135: {  	[sflag:s15] =	ssyncset.done $0x0  }
0x136: {  	s30 =	simm.s32 $0x200;
	[sflag:s15] =	ssyncadd.s32 $0xFFFFFFB0  }
0x137: {  	[tilespmem:s16], [sflag:$0x3] =	stream.indirect.gather [hbm4b:s4+s9], $0x80, s30, s9, $0xb8;
	[tilespmem:$0x1B680] =	vst v63  }
0x138: {  	_ =	swait.ge [sflag:s17], $0x2800  }
0x139: {  	[sflag:s17] =	ssyncset.done $0x0  }
0x13a: {  	s13 =	simm.s32 $0x80;
	[sflag:s17] =	ssyncadd.s32 $0xFFFFD800  }
0x13b: {  	[spmem:s1] =	stream.indirect.scatter.add.f32 [tilespmem:s10], [sflag:$0x4], $0x80, s13, s9, $0xb8;
	[tilespmem:$0x1B680] =	vst v63  }
0x13c: {  	_ =	swait.ge [sflag:s18], $0x2800  }
0x13d: {  	s24 =	sshrl.u32 s24, $0x3;
	[sflag:s18] =	ssyncset.done $0x0;
	s14 =	rddreg [dreg:$0xd]  }
0x13e: {  	s26 =	rddreg [dreg:$0xe];
	[sflag:s18] =	ssyncadd.s32 $0xFFFFD800;
	s25 =	sadd.s32 s14, s24  }
0x13f: {  	[tilespmem:s3], [sflag:$0x7] =	stream.linear.gather [hbm4b:s25+s3], $0x50, $0x38;
	[tilespmem:$0x1B680] =	vst v63  }
0x140: {  	s24 =	sadd.s32 s26, s24  }
0x141: {  	[tilespmem:s13], [sflag:$0x7] =	stream.linear.gather [hbm4b:s24+s3], $0x50, $0x38;
	[tilespmem:$0x1B680] =	vst v63  }
0x142: {  	_ =	swait.ge [sflag:s19], $0x50  }
0x143: {  	[sflag:s19] =	ssyncset.done $0x0  }
0x144: {  	[sflag:s19] =	ssyncadd.s32 $0xFFFFFFB0  }
0x145: {  	_ =	swait.ge [sflag:s19], $0x50  }
0x146: {  	[sflag:s19] =	ssyncset.done $0x0  }
0x147: {  	s31 =	simm.s32 $0x300;
	[sflag:s19] =	ssyncadd.s32 $0xFFFFFFB0  }
0x148: {  	[tilespmem:s10], [sflag:$0x1] =	stream.indirect.gather [hbm4b:s4+s9], $0x80, s31, s9, $0xb8;
	[tilespmem:$0x1B680] =	vst v63  }
0x149: {  	_ =	swait.ge [sflag:s20], $0x2800  }
0x14a: {  	[sflag:s20] =	ssyncset.done $0x0  }
0x14b: {  	s14 =	simm.s32 $0x180;
	[sflag:s20] =	ssyncadd.s32 $0xFFFFD800  }
0x14c: {  	[spmem:s1] =	stream.indirect.scatter.add.f32 [tilespmem:s12], [sflag:$0x5], $0x80, s14, s9, $0xb8;
	[tilespmem:$0x1B680] =	vst v63  }
0x14d: {  	_ =	swait.ge [sflag:s21], $0x2800  }
0x14e: {  	s28 =	rddreg [dreg:$0xa]  }
0x14f: {  	[sflag:s21] =	ssyncset.done $0x0;
	s0 =	rddreg [dreg:$0x9]  }
0x150: {  	[sflag:s21] =	ssyncadd.s32 $0xFFFFD800;
	s24 =	sadd.s32 s6, s28;
	s28 =	simm.s32 $0x100  }
0x151: {  	[tilespmem:s28], [sflag:$0x8] =	stream.linear.gather [hbm4b:s24+s3], $0x50, $0x38;
	[tilespmem:$0x1B680] =	vst v63  }
0x152: {  	s13 =	sadd.s32 s6, s0  }
0x153: {  	[tilespmem:s14], [sflag:$0x8] =	stream.linear.gather [hbm4b:s13+s3], $0x50, $0x38;
	[tilespmem:$0x1B680] =	vst v63  }
0x154: {  	_ =	swait.ge [sflag:s22], $0x50  }
0x155: {  	[sflag:s22] =	ssyncset.done $0x0  }
0x156: {  	[sflag:s22] =	ssyncadd.s32 $0xFFFFFFB0  }
0x157: {  	_ =	swait.ge [sflag:s22], $0x50  }
0x158: {  	[sflag:s22] =	ssyncset.done $0x0  }
0x159: {  	s26 =	simm.s32 $0x400;
	[sflag:s22] =	ssyncadd.s32 $0xFFFFFFB0  }
0x15a: {  	[tilespmem:s12], [sflag:$0x2] =	stream.indirect.gather [hbm4b:s4+s9], $0x80, s26, s9, $0xb8;
	[tilespmem:$0x1B680] =	vst v63  }
0x15b: {  	_ =	swait.ge [sflag:s7], $0x2800  }
0x15c: {  	[sflag:s7] =	ssyncset.done $0x0  }
0x15d: {  	s0 =	simm.s32 $0x280;
	[sflag:s7] =	ssyncadd.s32 $0xFFFFD800  }
0x15e: {  	[spmem:s1] =	stream.indirect.scatter.add.f32 [tilespmem:s16], [sflag:$0x6], $0x80, s0, s9, $0xb8;
	[tilespmem:$0x1B680] =	vst v63  }
0x15f: {  	_ =	swait.ge [sflag:s23], $0x2800  }
0x160: {  	s25 =	rddreg [dreg:$0x8];
	[sflag:s23] =	ssyncset.done $0x0  }
0x161: {  	s13 =	rddreg [dreg:$0x7];
	[sflag:s23] =	ssyncadd.s32 $0xFFFFD800;
	s24 =	sadd.s32 s6, s25  }
0x162: {  	[tilespmem:s30], [sflag:$0x9] =	stream.linear.gather [hbm4b:s24+s3], $0x50, $0x38;
	[tilespmem:$0x1B680] =	vst v63  }
0x163: {  	s13 =	sadd.s32 s6, s13  }
0x164: {  	[tilespmem:s0], [sflag:$0x9] =	stream.linear.gather [hbm4b:s13+s3], $0x50, $0x38;
	[tilespmem:$0x1B680] =	vst v63  }
0x165: {  	_ =	swait.ge [sflag:s5], $0x50  }
0x166: {  	[sflag:s5] =	ssyncset.done $0x0  }
0x167: {  	[sflag:s5] =	ssyncadd.s32 $0xFFFFFFB0  }
0x168: {  	_ =	swait.ge [sflag:s5], $0x50  }
0x169: {  	[sflag:s5] =	ssyncset.done $0x0  }
0x16a: {  	[sflag:s5] =	ssyncadd.s32 $0xFFFFFFB0  }
0x16b: {  	[tilespmem:s16], [sflag:$0x3] =	stream.indirect.gather [hbm4b:s4+s9], $0x80, s2, s9, $0xb8;
	[tilespmem:$0x1B680] =	vst v63  }
0x16c: {  	_ =	swait.ge [sflag:s17], $0x2800  }
0x16d: {  	[sflag:s17] =	ssyncset.done $0x0  }
0x16e: {  	s2 =	simm.s32 $0x380;
	[sflag:s17] =	ssyncadd.s32 $0xFFFFD800  }
0x16f: {  	[spmem:s1] =	stream.indirect.scatter.add.f32 [tilespmem:s10], [sflag:$0x4], $0x80, s2, s9, $0xb8;
	[tilespmem:$0x1B680] =	vst v63  }
0x170: {  	_ =	swait.ge [sflag:s18], $0x2800  }
0x171: {  	s25 =	rddreg [dreg:$0x6];
	[sflag:s18] =	ssyncset.done $0x0  }
0x172: {  	s13 =	rddreg [dreg:$0x5];
	[sflag:s18] =	ssyncadd.s32 $0xFFFFD800;
	s24 =	sadd.s32 s6, s25  }
0x173: {  	[tilespmem:s31], [sflag:$0xA] =	stream.linear.gather [hbm4b:s24+s3], $0x50, $0x38;
	[tilespmem:$0x1B680] =	vst v63  }
0x174: {  	s13 =	sadd.s32 s6, s13  }
0x175: {  	[tilespmem:s2], [sflag:$0xA] =	stream.linear.gather [hbm4b:s13+s3], $0x50, $0x38;
	[tilespmem:$0x1B680] =	vst v63  }
0x176: {  	_ =	swait.ge [sflag:s8], $0x50  }
0x177: {  	[sflag:s8] =	ssyncset.done $0x0  }
0x178: {  	[sflag:s8] =	ssyncadd.s32 $0xFFFFFFB0  }
0x179: {  	_ =	swait.ge [sflag:s8], $0x50  }
0x17a: {  	[sflag:s8] =	ssyncset.done $0x0  }
0x17b: {  	[sflag:s8] =	ssyncadd.s32 $0xFFFFFFB0  }
0x17c: {  	[tilespmem:s10], [sflag:$0x1] =	stream.indirect.gather [hbm4b:s4+s9], $0x80, s3, s9, $0xb8;
	[tilespmem:$0x1B680] =	vst v63  }
0x17d: {  	_ =	swait.ge [sflag:s20], $0x2800  }
0x17e: {  	[sflag:s20] =	ssyncset.done $0x0  }
0x17f: {  	s13 =	simm.s32 $0x480;
	[sflag:s20] =	ssyncadd.s32 $0xFFFFD800  }
0x180: {  	[spmem:s1] =	stream.indirect.scatter.add.f32 [tilespmem:s12], [sflag:$0x5], $0x80, s13, s9, $0xb8;
	[tilespmem:$0x1B680] =	vst v63  }
0x181: {  	_ =	swait.ge [sflag:s21], $0x2800  }
0x182: {  	s24 =	rddreg [dreg:$0x4];
	[sflag:s21] =	ssyncset.done $0x0  }
0x183: {  	s25 =	rddreg [dreg:$0x3];
	[sflag:s21] =	ssyncadd.s32 $0xFFFFD800;
	s24 =	sadd.s32 s6, s24  }
0x184: {  	[tilespmem:s26], [sflag:$0xB] =	stream.linear.gather [hbm4b:s24+s3], $0x50, $0x38;
	[tilespmem:$0x1B680] =	vst v63  }
0x185: {  	s24 =	sadd.s32 s6, s25  }
0x186: {  	[tilespmem:s13], [sflag:$0xB] =	stream.linear.gather [hbm4b:s24+s3], $0x50, $0x38;
	[tilespmem:$0x1B680] =	vst v63  }
0x187: {  	_ =	swait.ge [sflag:s11], $0x50  }
0x188: {  	[sflag:s11] =	ssyncset.done $0x0  }
0x189: {  	[sflag:s11] =	ssyncadd.s32 $0xFFFFFFB0  }
0x18a: {  	_ =	swait.ge [sflag:s11], $0x50  }
0x18b: {  	[sflag:s11] =	ssyncset.done $0x0  }
0x18c: {  	[sflag:s11] =	ssyncadd.s32 $0xFFFFFFB0  }
0x18d: {  	[tilespmem:s12], [sflag:$0x2] =	stream.indirect.gather [hbm4b:s4+s9], $0x80, s28, s9, $0xb8;
	[tilespmem:$0x1B680] =	vst v63  }
0x18e: {  	_ =	swait.ge [sflag:s7], $0x2800  }
0x18f: {  	[sflag:s7] =	ssyncset.done $0x0  }
0x190: {  	s25 =	simm.s32 $0x580;
	[sflag:s7] =	ssyncadd.s32 $0xFFFFD800  }
0x191: {  	[spmem:s1] =	stream.indirect.scatter.add.f32 [tilespmem:s16], [sflag:$0x6], $0x80, s25, s9, $0xb8;
	[tilespmem:$0x1B680] =	vst v63  }
0x192: {  	_ =	swait.ge [sflag:s23], $0x2800  }
0x193: {  	[sflag:s23] =	ssyncset.done $0x0  }
0x194: {  	[sflag:s23] =	ssyncadd.s32 $0xFFFFD800  }
0x195: {  	_ =	swait.ge [sflag:s15], $0x50  }
0x196: {  	[sflag:s15] =	ssyncset.done $0x0  }
0x197: {  	[sflag:s15] =	ssyncadd.s32 $0xFFFFFFB0  }
0x198: {  	_ =	swait.ge [sflag:s15], $0x50  }
0x199: {  	[sflag:s15] =	ssyncset.done $0x0  }
0x19a: {  	[sflag:s15] =	ssyncadd.s32 $0xFFFFFFB0  }
0x19b: {  	[tilespmem:s16], [sflag:$0x3] =	stream.indirect.gather [hbm4b:s4+s9], $0x80, s30, s9, $0xb8;
	[tilespmem:$0x1B680] =	vst v63  }
0x19c: {  	_ =	swait.ge [sflag:s17], $0x2800  }
0x19d: {  	[sflag:s17] =	ssyncset.done $0x0  }
0x19e: {  	s28 =	simm.s32 $0x80;
	[sflag:s17] =	ssyncadd.s32 $0xFFFFD800  }
0x19f: {  	[spmem:s1] =	stream.indirect.scatter.add.f32 [tilespmem:s10], [sflag:$0x4], $0x80, s28, s9, $0xb8;
	[tilespmem:$0x1B680] =	vst v63  }
0x1a0: {  	_ =	swait.ge [sflag:s18], $0x2800  }
0x1a1: {  	[sflag:s18] =	ssyncset.done $0x0  }
0x1a2: {  	[sflag:s18] =	ssyncadd.s32 $0xFFFFD800  }
0x1a3: {  	_ =	swait.ge [sflag:s19], $0x50  }
0x1a4: {  	[sflag:s19] =	ssyncset.done $0x0  }
0x1a5: {  	[sflag:s19] =	ssyncadd.s32 $0xFFFFFFB0  }
0x1a6: {  	_ =	swait.ge [sflag:s19], $0x50  }
0x1a7: {  	[sflag:s19] =	ssyncset.done $0x0  }
0x1a8: {  	[sflag:s19] =	ssyncadd.s32 $0xFFFFFFB0  }
0x1a9: {  	[tilespmem:s10], [sflag:$0x1] =	stream.indirect.gather [hbm4b:s4+s9], $0x80, s31, s9, $0xb8;
	[tilespmem:$0x1B680] =	vst v63  }
0x1aa: {  	_ =	swait.ge [sflag:s20], $0x2800  }
0x1ab: {  	[sflag:s20] =	ssyncset.done $0x0  }
0x1ac: {  	[sflag:s20] =	ssyncadd.s32 $0xFFFFD800  }
0x1ad: {  	[spmem:s1] =	stream.indirect.scatter.add.f32 [tilespmem:s12], [sflag:$0x5], $0x80, s14, s9, $0xb8;
	[tilespmem:$0x1B680] =	vst v63  }
0x1ae: {  	_ =	swait.ge [sflag:s21], $0x2800  }
0x1af: {  	[sflag:s21] =	ssyncset.done $0x0  }
0x1b0: {  	[sflag:s21] =	ssyncadd.s32 $0xFFFFD800  }
0x1b1: {  	_ =	swait.ge [sflag:s22], $0x50  }
0x1b2: {  	[sflag:s22] =	ssyncset.done $0x0  }
0x1b3: {  	[sflag:s22] =	ssyncadd.s32 $0xFFFFFFB0  }
0x1b4: {  	_ =	swait.ge [sflag:s22], $0x50  }
0x1b5: {  	[sflag:s22] =	ssyncset.done $0x0  }
0x1b6: {  	[sflag:s22] =	ssyncadd.s32 $0xFFFFFFB0  }
0x1b7: {  	[tilespmem:s12], [sflag:$0x2] =	stream.indirect.gather [hbm4b:s4+s9], $0x80, s26, s9, $0xb8;
	[tilespmem:$0x1B680] =	vst v63  }
0x1b8: {  	_ =	swait.ge [sflag:s7], $0x2800  }
0x1b9: {  	[sflag:s7] =	ssyncset.done $0x0  }
0x1ba: {  	[sflag:s7] =	ssyncadd.s32 $0xFFFFD800  }
0x1bb: {  	[spmem:s1] =	stream.indirect.scatter.add.f32 [tilespmem:s16], [sflag:$0x6], $0x80, s0, s9, $0xb8;
	[tilespmem:$0x1B680] =	vst v63  }
0x1bc: {  	_ =	swait.ge [sflag:s23], $0x2800  }
0x1bd: {  	[sflag:s23] =	ssyncset.done $0x0  }
0x1be: {  	[sflag:s23] =	ssyncadd.s32 $0xFFFFD800  }
0x1bf: {  	_ =	swait.ge [sflag:s17], $0x2800  }
0x1c0: {  	[sflag:s17] =	ssyncset.done $0x0  }
0x1c1: {  	[sflag:s17] =	ssyncadd.s32 $0xFFFFD800  }
0x1c2: {  	[spmem:s1] =	stream.indirect.scatter.add.f32 [tilespmem:s10], [sflag:$0x4], $0x80, s2, s9, $0xb8;
	[tilespmem:$0x1B680] =	vst v63  }
0x1c3: {  	_ =	swait.ge [sflag:s18], $0x2800  }
0x1c4: {  	[sflag:s18] =	ssyncset.done $0x0  }
0x1c5: {  	[sflag:s18] =	ssyncadd.s32 $0xFFFFD800  }
0x1c6: {  	_ =	swait.ge [sflag:s20], $0x2800  }
0x1c7: {  	[sflag:s20] =	ssyncset.done $0x0  }
0x1c8: {  	[sflag:s20] =	ssyncadd.s32 $0xFFFFD800  }
0x1c9: {  	[spmem:s1] =	stream.indirect.scatter.add.f32 [tilespmem:s12], [sflag:$0x5], $0x80, s13, s9, $0xb8;
	[tilespmem:$0x1B680] =	vst v63  }
0x1ca: {  	_ =	swait.ge [sflag:s21], $0x2800  }
0x1cb: {  	[sflag:s21] =	ssyncset.done $0x0  }
0x1cc: {  	[sflag:s21] =	ssyncadd.s32 $0xFFFFD800  }
0x1cd: {  	[bflag:$0x0] =	sbarrier.arrive $0xFFFF  }
0x1ce: {  	s0 =	sld [smem:$0x7FB];
	_ =	sdelay $0x1  }
0x1cf: {  	s6 =	simm.s32 @p0 $0x1FCD;
	s24 =	rddreg [dreg:$0x1d]  }
0x1d0: {  	[hbm:s24], [sflag:s6] =	dma.local @p0 [spmem:s0], $0x2080  }
0x1d1: {  	s6 =	simm.s32 @p0 $0xD  }
0x1d2: {  	_ =	swait.ge @p0 [sflag:s6], $0x2080  }
0x1d3: {  	s0 =	sld [smem:$0x7FC]  }
0x1d4: {  	s2 =	sld [smem:$0x7FD]  }
0x1d5: {  	[sflag:s6] =	ssyncset.done @p0 $0x0  }
0x1d6: {  	[sflag:s6] =	ssyncadd.s32 @p0 $0xFFFFDF80;
	s6 =	rddreg [dreg:$0x1b]  }
0x1d7: {  	[hbm:s6], [sflag:s0] =	dma.local @!p0 [spmem:s2], $0x2780  }
0x1d8: {  	s6 =	simm.s32 @!p0 $0xD  }
0x1d9: {  	_ =	swait.ge @!p0 [sflag:s6], $0x2780  }
0x1da: {  	s30 =	sld [smem:$0x7FA];
	_ =	sdelay $0x2  }
0x1db: {  	s31 =	rddreg [dreg:$0x1e];
	s0 =	sadd.s32 $0x1, s30  }
0x1dc: {  	p1 =	sne.s32 s0, s31  }
.Ltmp1:
0x1dd: {  	_ = 	snop;
	(pc) =	sbr.rel @p1 .LBB2_1-.Ltmp1, $3  }
0x1de: {  	_ =	sdelay $0x1  }
0x1df: {  	[sflag:s6] =	ssyncset.done @!p0 $0x0  }
0x1e0: {  	s29 =	simm.s32 $0x580;
	[sflag:s6] =	ssyncadd.s32 @!p0 $0xFFFFD880  }
0x1e1: {  	_ =	sfence.sel $0x180000  }
0x1e2: {  	[bflag:$0x0] =	sbarrier.arrive $0xFFFF  }
0x1e3: {  	_ =	strace $0x9000004A  }
0x1e4: {  	s0 =	stileid.u32;
	[bflag:$0x2] =	sbarrier.arrive $0xFFFF  }
0x1e5: {  	p0 =	sne.s32 s0, $0x0;
	s0 =	rddreg [dreg:$0x2]  }
0x1e6: {  	s0 =	sadd.s32 @!p0 $0x100000, s0  }
0x1e7: {  	[sflag:s0] =	ssyncadd.tile.s32 @!p0 $0x1;
	_ =	shalt  }
.Lfunc_end2:
_tile_overlayer_lowered:
.L_overlay_start_2:
0x1e8: {  	(tag) =	ssettag $0x2  }
0x1e9: {  	s0 =	rddreg [dreg:$0x0];
	s2 =	stileid.u32  }
0x1ea: {  	s1 =	rddreg [dreg:$0x1];
	p0 =	sne.s32 s2, $0x0  }
0x1eb: {  	s3 =	rddreg [dreg:$0x2];
	[bflag:$0x3] =	sbarrier.arrive $0xFFFF;
	s2 =	simm.s32 @!p0 $0x1C0D  }
0x1ec: {  	[timem:s3], [sflag:s2] =	dma.local @!p0 [hbm:s0], s1  }
0x1ed: {  	s0 =	simm.s32 @!p0 $0xD  }
0x1ee: {  	_ =	swait.ge @!p0 [sflag:s0], s1  }
0x1ef: {  	s1 =	ssub.s32 @!p0 $0x0, s1;
	[sflag:s0] =	ssyncset.done @!p0 $0x0  }
0x1f0: {  	[sflag:s0] =	ssyncadd.s32 @!p0 s1  }
0x1f1: {  	[bflag:$0x3] =	sbarrier.arrive $0xFFFF  }
0x1f2: {  	_ =	shalt  }

// kernel: kernel.7.cloned.1.call-start
scs
__scs_entry_jumppad:
0x0: {  	(pc) =	sbr.rel $0x88, $3  }
0x1: {  	(tag) =	ssettag $0x0;
	lr =	simm.s32 $0x1  }
0x2: {  	[smem:$0x3F92] =	sst lr;
	_ =	strace $0xD0000000  }
0x3: {  	_ = 	snop  }
0x4: {  	_ = 	snop  }
0x5: {  	_ = 	snop  }
0x6: {  	_ = 	snop  }
0x7: {  	_ = 	snop  }
__scs_overlays_trampoline_lowered:
0x8: {  	[smem:$0x3FA1] =	sst s0  }
0x9: {  	[smem:$0x3FA2] =	sst s1  }
0xa: {  	[smem:$0x3FA3] =	sst s2  }
0xb: {  	[smem:$0x3FA4] =	sst s3  }
0xc: {  	[smem:$0x3FA5] =	sst s4  }
0xd: {  	[smem:$0x3FA6] =	sst s5  }
0xe: {  	[smem:$0x3FA7] =	sst s6  }
0xf: {  	[smem:$0x3FA8] =	sst s7  }
0x10: {  	[smem:$0x3FA9] =	sst s8  }
0x11: {  	[smem:$0x3FAA] =	sst s9;
	s0 =	simm.s32 @!p0 $0x0  }
0x12: {  	s1 =	sld [smem:$0x3F90];
	s0 =	simm.s32 @p0 $0x1  }
0x13: {  	[smem:$0x3FAB] =	sst s0;
	s0 =	simm.s32 @!p1 $0x0  }
0x14: {  	s2 =	sld [smem:$0x3F8F];
	s0 =	simm.s32 @p1 $0x1  }
0x15: {  	[smem:$0x3FAC] =	sst s0;
	s0 =	simm.s32 @!p2 $0x0  }
0x16: {  	s3 =	sld [smem:$0x3FDB];
	s0 =	simm.s32 @p2 $0x1  }
0x17: {  	s4 =	simm.s32 $0x1BF5;
	[smem:$0x3FAE] =	sst s0  }
0x18: {  	s0 =	sld [smem:$0x3F91];
	_ =	swait.ge [sflag:s4], $0x0  }
0x19: {  	s7 =	sld [smem:$0x3F92]  }
0x1a: {  	s8 =	sadd.s32 $0xFFFFE003, lr  }
0x1b: {  	s9 =	sadd.s32 $0xFFFFFEF7, lr;
	s5 =	simm.s32 $0xFFFFFFFF;
	p2 =	slt.u32 s8, $0xFFFFF086  }
0x1c: {  	p1 =	slt.u32 s9, $0xF7A;
	s5 =	simm.s32 @!p2 $0x0  }
0x1d: {  	s5 =	simm.s32 @p1 $0x1;
	p0 =	seq.s32 s7, s2  }
0x1e: {  	s7 =	smul.u32 @!p0 $0xF7A, s2;
	p2 =	seq.s32 @!p0 s5, $0x0  }
0x1f: {  	s9 =	smul.u32 $0xF7A, s1;
	s8 =	simm.s32 @!p0 $0x1BF5;
	p2 =	por !p2, p0  }
0x20: {  	[sflag:s8] =	ssyncset.s32 @!p0 $0xFFFFF086;
	s6 =	sadd.s32 @!p0 s3, s7;
	s7 =	simm.s32 @!p0 $0x108  }
0x21: {  	s3 =	sadd.s32 s3, s9;
	s6 =	sadd.s32 @!p0 $0x88, s6;
	s7 =	simm.s32 @p2 $0x1082  }
0x22: {  	[simem:s7], [sflag:s8] =	dma.local @!p0 [hbm:s6], $0xF7A  }
0x23: {  	s9 =	sor.u32 $0xD0000000, s2;
	s6 =	simm.s32 $0x108;
	_ =	swait.ge @!p0 [sflag:s8], $0x0  }
0x24: {  	s3 =	sadd.s32 $0x88, s3;
	s6 =	simm.s32 @!p1 $0x1082;
	[sflag:s4] =	ssyncset.s32 $0xFFFFF086  }
0x25: {  	[simem:s6], [sflag:s4] =	dma.local [hbm:s3], $0xF7A  }
0x26: {  	[smem:$0x3F92] =	sst s1;
	(tag) =	ssettag s2;
	_ =	strace s9  }
0x27: {  	s1 =	sld [smem:$0x3FA2]  }
0x28: {  	s2 =	sld [smem:$0x3FA3]  }
0x29: {  	s4 =	sld [smem:$0x3FA5]  }
0x2a: {  	p0 =	seq.s32 s5, $0x0;
	s5 =	sld [smem:$0x3FA6]  }
0x2b: {  	s6 =	sld [smem:$0x3FA7]  }
0x2c: {  	s7 =	sld [smem:$0x3FA8]  }
0x2d: {  	s3 =	simm.s32 $0x108;
	s8 =	sld [smem:$0x3FA9]  }
0x2e: {  	s3 =	simm.s32 @!p0 $0x1082;
	s9 =	sld [smem:$0x3FAA]  }
0x2f: {  	lr =	sadd.s32 s0, s3;
	s0 =	sld [smem:$0x3FA1]  }
0x30: {  	s3 =	sld [smem:$0x3FA4]  }
0x31: {  	[smem:$0x3FAD] =	sst s10  }
0x32: {  	s10 =	sld [smem:$0x3FAB];
	_ =	sdelay $0x3  }
0x33: {  	p0 =	seq.s32 s10, $0x1;
	s10 =	sld [smem:$0x3FAD];
	_ =	sdelay $0x3  }
0x34: {  	[smem:$0x3FAD] =	sst s10  }
0x35: {  	s10 =	sld [smem:$0x3FAC];
	_ =	sdelay $0x3  }
0x36: {  	p1 =	seq.s32 s10, $0x1;
	s10 =	sld [smem:$0x3FAD];
	_ =	sdelay $0x3  }
0x37: {  	[smem:$0x3FAD] =	sst s10  }
0x38: {  	s10 =	sld [smem:$0x3FAE]  }
0x39: {  	_ = 	snop;
	(pc) =	sbr.ind lr, $3  }
0x3a: {  	_ = 	snop  }
0x3b: {  	_ = 	snop  }
0x3c: {  	p2 =	seq.s32 s10, $0x1;
	s10 =	sld [smem:$0x3FAD]  }
0x3d: {  	_ =	shalt  }
0x3e: {  	_ =	shalt  }
0x3f: {  	_ =	shalt  }
0x40: {  	_ =	shalt  }
0x41: {  	_ =	shalt  }
0x42: {  	_ =	shalt  }
0x43: {  	_ =	shalt  }
0x44: {  	_ =	shalt  }
0x45: {  	_ =	shalt  }
0x46: {  	_ =	shalt  }
0x47: {  	_ =	shalt  }
0x48: {  	_ =	shalt  }
0x49: {  	_ =	shalt  }
0x4a: {  	_ =	shalt  }
0x4b: {  	_ =	shalt  }
0x4c: {  	_ =	shalt  }
0x4d: {  	_ =	shalt  }
0x4e: {  	_ =	shalt  }
0x4f: {  	_ =	shalt  }
0x50: {  	_ =	shalt  }
0x51: {  	_ =	shalt  }
0x52: {  	_ =	shalt  }
0x53: {  	_ =	shalt  }
0x54: {  	_ =	shalt  }
0x55: {  	_ =	shalt  }
0x56: {  	_ =	shalt  }
0x57: {  	_ =	shalt  }
0x58: {  	_ =	shalt  }
0x59: {  	_ =	shalt  }
0x5a: {  	_ =	shalt  }
0x5b: {  	_ =	shalt  }
0x5c: {  	_ =	shalt  }
0x5d: {  	_ =	shalt  }
0x5e: {  	_ =	shalt  }
0x5f: {  	_ =	shalt  }
0x60: {  	_ =	shalt  }
0x61: {  	_ =	shalt  }
0x62: {  	_ =	shalt  }
0x63: {  	_ =	shalt  }
0x64: {  	_ =	shalt  }
0x65: {  	_ =	shalt  }
0x66: {  	_ =	shalt  }
0x67: {  	_ =	shalt  }
0x68: {  	_ =	shalt  }
0x69: {  	_ =	shalt  }
0x6a: {  	_ =	shalt  }
0x6b: {  	_ =	shalt  }
0x6c: {  	_ =	shalt  }
0x6d: {  	_ =	shalt  }
0x6e: {  	_ =	shalt  }
0x6f: {  	_ =	shalt  }
0x70: {  	_ =	shalt  }
0x71: {  	_ =	shalt  }
0x72: {  	_ =	shalt  }
0x73: {  	_ =	shalt  }
0x74: {  	_ =	shalt  }
0x75: {  	_ =	shalt  }
0x76: {  	_ =	shalt  }
0x77: {  	_ =	shalt  }
0x78: {  	_ =	shalt  }
0x79: {  	_ =	shalt  }
0x7a: {  	_ =	shalt  }
0x7b: {  	_ =	shalt  }
0x7c: {  	_ =	shalt  }
0x7d: {  	_ =	shalt  }
0x7e: {  	_ =	shalt  }
0x7f: {  	_ =	shalt  }
0x80: {  	_ =	shalt  }
0x81: {  	_ =	shalt  }
0x82: {  	_ =	shalt  }
0x83: {  	_ =	shalt  }
0x84: {  	_ =	shalt  }
0x85: {  	_ =	shalt  }
0x86: {  	_ =	shalt  }
0x87: {  	_ =	shalt  }
.Lfunc_end0:
.L_simem_size_0:
called_computation_lowered:
.L_overlay_start_0:
0x88: {  	s2 =	sld [smem:$0x3FD9]  }
0x89: {  	s3 =	sld [smem:$0x3FFE];
	_ =	sdelay $0x1  }
0x8a: {  	s1 =	srdreg.scid  }
0x8b: {  	s0 =	sand.u32 $0x1, s1  }
0x8c: {  	s17 =	sshll.u32 s0, $0xA;
	s2 =	sadd.s32 s3, s2  }
0x8d: {  	s2 =	sadd.s32 s2, s17  }
0x8e: {  	[smem:$0x3FB9] =	sst s2  }
0x8f: {  	_ = 	snop  }
0x90: {  	s2 =	sld [smem:$0x3FD0];
	(tm) =	ssettm $0x1  }
0x91: {  	s18 =	sld [smem:$0x3FFB];
	_ =	sdelay $0x3  }
0x92: {  	_ =	strace s18  }
0x93: {  	s3 =	sld [smem:$0x3FFC];
	_ =	sdelay $0x3  }
0x94: {  	_ =	strace s3  }
0x95: {  	s3 =	sld [smem:$0x3FFD];
	_ =	sdelay $0x3  }
0x96: {  	_ =	strace s3  }
0x97: {  	_ =	strace $0x8FFFFFFF  }
0x98: {  	s19 =	sld [smem:$0x3FDB];
	_ =	sdelay $0x1  }
0x99: {  	s4 =	simm.s32 $_scs_section_size  }
0x9a: {  	s5 =	simm.s32 $_size__tile_overlayer_lowered;
	s6 =	simm.s32 $_tile_overlayer_lowered  }
0x9b: {  	s22 =	simm.s32 $0x1BFF;
	s21 =	sshll.u32 s6, $0x1;
	s3 =	sadd.s32 s4, s19  }
0x9c: {  	s7 =	simm.s32 $0x0;
	s20 =	sshll.u32 s5, $0x1;
	s5 =	sadd.s32 s21, s3  }
0x9d: {  	[timem:s7], [sflag:s22] =	dma.local [hbm:s5], s20  }
0x9e: {  	_ =	swait.ge [sflag:s22], s20  }
0x9f: {  	s4 =	ssub.s32 $0x0, s20;
	[sflag:s22] =	ssyncset.done $0x0  }
0xa0: {  	[sflag:s22] =	ssyncadd.s32 s4;
	_ =	sdelay $0x1  }
0xa1: {  	s23 =	simm.s32 $0x1B8B  }
0xa2: {  	_ =	swait.ge [sflag:s23], $0x1  }
0xa3: {  	[sflag:s23] =	ssyncset.done $0x0  }
0xa4: {  	s25 =	simm.s32 $0x1B8E;
	s24 =	sld [smem:$0x3FFE];
	[sflag:s23] =	ssyncadd.s32 $0xFFFFFFFF  }
0xa5: {  	s26 =	simm.s32 $execute0_lowered;
	[smem:$0x3FD2] =	sst s25  }
0xa6: {  	s5 =	sshll.u32 s26, $0x1;
	_ =	strace $0x80000046;
	[dreg:$0x1] =	wrdreg $0xFFFFFFFF  }
0xa7: {  	s28 =	simm.s32 $_size_execute0_lowered;
	s3 =	sadd.s32 s3, s5;
	[dreg:$0x0] =	wrdreg $0x0  }
0xa8: {  	s5 =	sshll.u32 s28, $0x1;
	[dreg:$0x2] =	wrdreg s3  }
0xa9: {  	[dreg:$0x3] =	wrdreg s5  }
0xaa: {  	[dreg:$0x4] =	wrdreg $0xC0  }
0xab: {  	_ =	task [dreg:s7], $0x5FFFF  }
0xac: {  	[dreg:$0x1] =	wrdreg $0xFFFFFFFF  }
0xad: {  	[dreg:$0x0] =	wrdreg $0x60  }
0xae: {  	[dreg:$0x2] =	wrdreg s24  }
0xaf: {  	[dreg:$0x3] =	wrdreg s2  }
0xb0: {  	[dreg:$0x4] =	wrdreg $0x7E000  }
0xb1: {  	[dreg:$0x5] =	wrdreg $0x1B7000  }
0xb2: {  	[dreg:$0x6] =	wrdreg $0x9  }
0xb3: {  	_ =	task.clear_ibuf [dreg:s7], $0x7FFFF;
	_ =	strace $0x90000046  }
0xb4: {  	s29 =	simm.s32 $0x9;
	_ =	strace $0x80000048  }
0xb5: {  	_ =	swait.ge [sflag:s29], $0x1  }
0xb6: {  	[sflag:s29] =	ssyncadd.s32 $0xFFFFFFFF  }
0xb7: {  	_ =	strace $0x90000048  }
0xb8: {  	_ =	sfence  }
0xb9: {  	s30 =	sld [smem:$0x0];
	_ =	sdelay $0x2  }
0xba: {  	s31 =	sshll.u32 s1, $0xD;
	s1 =	sshrl.u32 s1, $0x2  }
0xbb: {  	s3 =	sand.u32 $0x4000, s31;
	s1 =	sadd.s32 s1, s30  }
0xbc: {  	s0 =	sor.u32 s3, s0;
	s1 =	sshll.u32 s1, $0x11  }
0xbd: {  	s0 =	sor.u32 s1, s0  }
0xbe: {  	s0 =	sadd.s32 $0x8F2B, s0  }
0xbf: {  	[sflag:s0] =	ssyncadd.remote.s32 $0x1  }
0xc0: {  	_ =	sfence.sel $0xFFFF  }
0xc1: {  	[dreg:$0x0] =	wrdreg $0xFFFFFFFF;
	(pc) =	sbr.abs _section_cstart, $3  }
0xc2: {  	[dreg:$0x1] =	wrdreg $0xFFFFFFFF  }
0xc3: {  	_ =	task.clear_ibuf [dreg:s7], $0x2FFFF;
	_ =	strace $0x9FFFFFFF  }
0xc4: {  	(tm) =	ssettm $0x7FFFFFFF  }
0xc5: {  	_ =	shalt  }
tec
execute0_lowered:
.L_overlay_start_1:
0x0: {  	(tag) =	ssettag $0x1  }
0x1: {  	s0 =	rddreg [dreg:$0x0]  }
0x2: {  	s2 =	rddreg [dreg:$0x2]  }
0x3: {  	s3 =	rddreg [dreg:$0x3];
	s4 =	simm.s32 $0x0  }
0x4: {  	s1 =	srdreg.scid;
	s14 =	stileid.u32;
	s29 =	simm.s32 $0x1  }
0x5: {  	s31 =	simm.s32 $0x4;
	[smem:$0x7FF] =	sst s4;
	s5 =	sand.u32 $0x1, s1  }
0x6: {  	s6 =	sadd.s32 $0x16400, s0;
	s15 =	sadd.s32 $0xC600, s0;
	s16 =	sadd.s32 $0x2800, s0  }
0x7: {  	s7 =	sadd.s32 $0x64800, s0;
	s17 =	sadd.s32 $0x67000, s0;
	s18 =	smul.u32 $0x2710, s14  }
0x8: {  	s12 =	sadd.s32 $0x67200, s0;
	_ =	strace $0x80000047;
	[dreg:$0x11] =	wrdreg s7  }
0x9: {  	s21 =	smul.u32 $0x2780, s14;
	s1 =	sshll.u32 s5, $0x4;
	[dreg:$0x12] =	wrdreg s17  }
0xa: {  	s7 =	sadd.s32 $0x67C00, s0;
	s8 =	ssub.s32 $0x2, s5;
	s9 =	smul.u32 $0x27100, s5  }
0xb: {  	[dreg:$0xf] =	wrdreg s15;
	s1 =	sor.u32 s14, s1;
	s10 =	sshrl.u32 s8, $0x1  }
0xc: {  	[dreg:$0x10] =	wrdreg s16;
	s1 =	smul.u32 $0x2710, s1;
	s0 =	ssub.s32 s8, s10  }
0xd: {  	s24 =	sadd.s32 s21, s9;
	s10 =	smul.u32 $0x278, s14;
	s0 =	smax.u32 s0, $0x1  }
0xe: {  	s11 =	sshrl.u32 s1, $0x3;
	s1 =	sadd.s32 s18, s9;
	s18 =	smul.u32 $0x138800, s5  }
0xf: {  	s5 =	smul.u32 $0x2710, s5;
	[smem:$0x7FA] =	sst s0;
	s19 =	sadd.s32 s15, s11  }
0x10: {  	s20 =	sadd.s32 $0xA, s11;
	s13 =	sadd.s32 s16, s11;
	[dreg:$0x13] =	wrdreg s19  }
0x11: {  	s23 =	sadd.s32 $0x320, s1;
	[dreg:$0x14] =	wrdreg s13;
	s22 =	sadd.s32 s15, s20  }
0x12: {  	s28 =	sadd.s32 $0x2D0, s1;
	s8 =	sadd.s32 s16, s20;
	[dreg:$0x15] =	wrdreg s22  }
0x13: {  	s25 =	sshrl.u32 s23, $0x3;
	[dreg:$0x16] =	wrdreg s8;
	s8 =	sadd.s32 s7, s24  }
0x14: {  	s21 =	sadd.s32 $0x230, s1;
	s26 =	sadd.s32 s25, s16;
	[dreg:$0x17] =	wrdreg s8  }
0x15: {  	s13 =	sshrl.u32 s28, $0x3;
	s9 =	sadd.s32 s25, s15;
	[dreg:$0x5] =	wrdreg s26  }
0x16: {  	s19 =	sadd.s32 $0x280, s1;
	s17 =	sadd.s32 s13, s16;
	[dreg:$0x6] =	wrdreg s9  }
0x17: {  	s22 =	sadd.s32 s10, s5;
	s5 =	sadd.s32 $0x2508, s5;
	[dreg:$0x7] =	wrdreg s17  }
0x18: {  	s9 =	sadd.s32 s13, s15;
	s8 =	sshrl.u32 s19, $0x3;
	s13 =	sshrl.u32 s18, $0x3  }
0x19: {  	s5 =	sshrl.u32 s5, $0x3;
	[dreg:$0x8] =	wrdreg s9;
	s20 =	sadd.s32 s8, s16  }
0x1a: {  	s26 =	sadd.s32 $0x14, s11;
	s8 =	sadd.s32 s8, s15;
	[dreg:$0x9] =	wrdreg s20  }
0x1b: {  	s17 =	sadd.s32 $0x28, s11;
	s5 =	sadd.s32 s12, s5;
	[dreg:$0xa] =	wrdreg s8  }
0x1c: {  	s7 =	sadd.s32 s7, s13;
	s28 =	sadd.s32 s15, s26;
	[dreg:$0x19] =	wrdreg s5  }
0x1d: {  	s9 =	sshrl.u32 s21, $0x3;
	s21 =	sadd.s32 s15, s17;
	[dreg:$0x1a] =	wrdreg s28  }
0x1e: {  	s13 =	sshrl.u32 s22, $0x3;
	s22 =	sadd.s32 s16, s17;
	[dreg:$0x1e] =	wrdreg s21  }
0x1f: {  	s30 =	simm.s32 $0x2;
	s13 =	sadd.s32 s12, s13;
	[dreg:$0x1f] =	wrdreg s22  }
0x20: {  	p0 =	seq.s32 s14, $0xF;
	s23 =	sadd.s32 s9, s16;
	[dreg:$0x18] =	wrdreg s13  }
0x21: {  	s0 =	simm.s32 $0x5;
	s9 =	sadd.s32 s9, s15;
	[dreg:$0xb] =	wrdreg s23  }
0x22: {  	s24 =	sadd.s32 $0x190, s1;
	s5 =	sadd.s32 s16, s26;
	[dreg:$0xc] =	wrdreg s9  }
0x23: {  	s8 =	sshrl.u32 s24, $0x3;
	s24 =	sadd.s32 s10, s3;
	[dreg:$0x1b] =	wrdreg s5  }
0x24: {  	s19 =	smul.u32 $0x9E0, s14;
	s26 =	sadd.s32 $0x1E0, s1;
	[smem:$0x7F8] =	sst s24  }
0x25: {  	s17 =	simm.s32 $0xB;
	s28 =	sadd.s32 $0x128400, s2;
	[smem:$0x7FB] =	sst s26  }
0x26: {  	s12 =	sadd.s32 $0x1E, s11;
	s25 =	sadd.s32 s8, s16;
	[smem:$0x7FC] =	sst s28  }
0x27: {  	s9 =	sadd.s32 s8, s15;
	s13 =	smul.u32 $0x4F000, s14;
	[dreg:$0xd] =	wrdreg s25  }
0x28: {  	s18 =	sadd.s32 s15, s12;
	s5 =	sadd.s32 s16, s12;
	[dreg:$0xe] =	wrdreg s9  }
0x29: {  	s23 =	sshrl.u32 s19, $0x2;
	s24 =	sadd.s32 $0x2508, s3;
	[dreg:$0x1c] =	wrdreg s18  }
0x2a: {  	s8 =	simm.s32 $0x6;
	[dreg:$0x1d] =	wrdreg s5;
	s25 =	sadd.s32 $0x25080, s7  }
0x2b: {  	s9 =	simm.s32 $0xA;
	[smem:$0x7FD] =	sst s24;
	s20 =	sshrl.u32 s13, $0x2  }
0x2c: {  	s7 =	simm.s32 $0x3;
	[smem:$0x7F9] =	sst s25;
	s5 =	sadd.s32 s20, s2  }
0x2d: {  	s20 =	simm.s32 $0x50;
	[smem:$0x7F6] =	sst s5;
	s5 =	sadd.s32 s23, s3  }
0x2e: {  	s2 =	simm.s32 $0x0;
	[smem:$0x7F7] =	sst s5;
	s5 =	simm.s32 $0xC  }
.LBB2_1:
0x2f: {  	[smem:$0x7F2] =	sst s2  }
0x30: {  	s1 =	rddreg [dreg:$0x13]  }
0x31: {  	s25 =	rddreg [dreg:$0x14]  }
0x32: {  	s26 =	rddreg [dreg:$0x15]  }
0x33: {  	s2 =	rddreg [dreg:$0x16]  }
0x34: {  	[tilespmem:s4], [sflag:$0x7] =	stream.linear.gather [hbm4b:s1+s4], $0x50, $0x38;
	[tilespmem:$0x1BBF8] =	vst v63  }
0x35: {  	s12 =	simm.s32 $0x80;
	s11 =	rddreg [dreg:$0x1a]  }
0x36: {  	[tilespmem:s12], [sflag:$0x7] =	stream.linear.gather [hbm4b:s25+s4], $0x50, $0x38;
	[tilespmem:$0x1BBF8] =	vst v63  }
0x37: {  	s28 =	simm.s32 $0x100;
	s13 =	rddreg [dreg:$0x1b]  }
0x38: {  	[tilespmem:s28], [sflag:$0x8] =	stream.linear.gather [hbm4b:s26+s4], $0x50, $0x38;
	[tilespmem:$0x1BBF8] =	vst v63  }
0x39: {  	s10 =	simm.s32 $0x180;
	s15 =	rddreg [dreg:$0x1c]  }
0x3a: {  	[tilespmem:s10], [sflag:$0x8] =	stream.linear.gather [hbm4b:s2+s4], $0x50, $0x38;
	[tilespmem:$0x1BBF8] =	vst v63  }
0x3b: {  	s14 =	simm.s32 $0x200;
	s19 =	rddreg [dreg:$0x1d]  }
0x3c: {  	[tilespmem:s14], [sflag:$0x9] =	stream.linear.gather [hbm4b:s11+s4], $0x50, $0x38;
	[tilespmem:$0x1BBF8] =	vst v63  }
0x3d: {  	s16 =	simm.s32 $0x280;
	s1 =	sld [smem:$0x7FC]  }
0x3e: {  	[tilespmem:s16], [sflag:$0x9] =	stream.linear.gather [hbm4b:s13+s4], $0x50, $0x38;
	[tilespmem:$0x1BBF8] =	vst v63  }
0x3f: {  	s18 =	simm.s32 $0x300;
	s21 =	rddreg [dreg:$0x1e]  }
0x40: {  	[tilespmem:s18], [sflag:$0xA] =	stream.linear.gather [hbm4b:s15+s4], $0x50, $0x38;
	[tilespmem:$0x1BBF8] =	vst v63  }
0x41: {  	s23 =	rddreg [dreg:$0x1f];
	s25 =	simm.s32 $0x380;
	s1 =	sshrl.u32 @p0 s1, $0x3  }
0x42: {  	[tilespmem:s25], [sflag:$0xA] =	stream.linear.gather [hbm4b:s19+s4], $0x50, $0x38;
	[tilespmem:$0x1BBF8] =	vst v63  }
0x43: {  	s22 =	simm.s32 $0x400;
	[smem:$0x7F3] =	sst s1  }
0x44: {  	[tilespmem:s22], [sflag:$0xB] =	stream.linear.gather [hbm4b:s21+s4], $0x50, $0x38;
	[tilespmem:$0x1BBF8] =	vst v63  }
0x45: {  	s10 =	rddreg [dreg:$0x11];
	s11 =	simm.s32 @p0 $0x1FCD;
	s21 =	simm.s32 $0x480  }
0x46: {  	[tilespmem:s21], [sflag:$0xB] =	stream.linear.gather [hbm4b:s23+s4], $0x50, $0x38;
	[tilespmem:$0x1BBF8] =	vst v63  }
0x47: {  	[spmem:s1], [sflag:s11] =	dma.local @p0 [hbm:s10], $0x2080  }
0x48: {  	s11 =	simm.s32 @p0 $0xD  }
0x49: {  	s1 =	stileid.u32;
	_ =	swait.ge @p0 [sflag:s11], $0x2080  }
0x4a: {  	s13 =	sshll.u32 @!p0 s1, $0x6;
	s1 =	sld [smem:$0x7F6];
	_ =	sdelay $0x1  }
0x4b: {  	s2 =	sor.u32 @!p0 $0x1C0D, s13  }
0x4c: {  	[sflag:s11] =	ssyncset.done @p0 $0x0;
	[smem:$0x7F4] =	sst s2;
	s1 =	sshrl.u32 @!p0 s1, $0x3  }
0x4d: {  	s13 =	simm.s32 @!p0 $0xD;
	[sflag:s11] =	ssyncadd.s32 @p0 $0xFFFFDF80;
	[smem:$0x7F5] =	sst s1  }
0x4e: {  	[spmem:s1], [sflag:s2] =	dma.local @!p0 [hbm:s10], $0x2780  }
0x4f: {  	_ =	swait.ge @!p0 [sflag:s13], $0x2780  }
0x50: {  	s28 =	simm.s32 $0x1B978;
	[sflag:s13] =	ssyncset.done @!p0 $0x0  }
0x51: {  	s2 =	simm.s32 $0xD;
	s26 =	rddreg [dreg:$0x12];
	[sflag:s13] =	ssyncadd.s32 @!p0 $0xFFFFD880  }
0x52: {  	[tilespmem:s28], [sflag:$0xD] =	stream.linear.gather [hbm4b:s26+s4], $0x280, $0x38;
	[tilespmem:$0x1BBF8] =	vst v63  }
0x53: {  	_ =	swait.ge [sflag:s2], $0x280  }
0x54: {  	[sflag:s2] =	ssyncset.done $0x0  }
0x55: {  	s15 =	simm.s32 @p0 $0x1B978;
	[sflag:s2] =	ssyncadd.s32 $0xFFFFFD80  }
0x56: {  	[spmem:s24] =	stream.linear.scatter @p0 [tilespmem:s15], [sflag:$0xD], $0x208, $0x38;
	[tilespmem:$0x1BBF8] =	vst v63  }
0x57: {  	_ =	swait.ge @p0 [sflag:s11], $0x208  }
0x58: {  	s1 =	sld [smem:$0x7F7]  }
0x59: {  	[sflag:s11] =	ssyncset.done @p0 $0x0  }
0x5a: {  	[sflag:s11] =	ssyncadd.s32 @p0 $0xFFFFFDF8;
	s11 =	simm.s32 @!p0 $0x1B978  }
0x5b: {  	[spmem:s1] =	stream.linear.scatter @!p0 [tilespmem:s11], [sflag:$0xD], $0x278, $0x38;
	[tilespmem:$0x1BBF8] =	vst v63  }
0x5c: {  	_ =	swait.ge @!p0 [sflag:s13], $0x278  }
0x5d: {  	[sflag:s13] =	ssyncset.done @!p0 $0x0  }
0x5e: {  	[sflag:s13] =	ssyncadd.s32 @!p0 $0xFFFFFD88  }
0x5f: {  	s18 =	simm.s32 $0x1B680;
	s13 =	rddreg [dreg:$0x1]  }
0x60: {  	[tilespmem:s18], [sflag:$0xD] =	stream.linear.gather [hbm4b:s13+s4], $0x80, $0x38;
	[tilespmem:$0x1BBF8] =	vst v63  }
0x61: {  	_ =	swait.ge [sflag:s2], $0x80  }
0x62: {  	[sflag:s2] =	ssyncset.done $0x0  }
0x63: {  	[sflag:s2] =	ssyncadd.s32 $0xFFFFFF80  }
0x64: {  	s19 =	simm.s32 $0x7;
	[bflag:$0x0] =	sbarrier.arrive $0xFFFF  }
0x65: {  	_ =	swait.ge [sflag:s19], $0x50  }
0x66: {  	[sflag:s19] =	ssyncset.done $0x0  }
0x67: {  	[sflag:s19] =	ssyncadd.s32 $0xFFFFFFB0  }
0x68: {  	_ =	swait.ge [sflag:s19], $0x50  }
0x69: {  	[sflag:s19] =	ssyncset.done $0x0  }
0x6a: {  	s23 =	simm.s32 $0x600;
	s28 =	simm.s32 $0x8;
	[sflag:s19] =	ssyncadd.s32 $0xFFFFFFB0  }
0x6b: {  	[tilespmem:s23], [sflag:$0x1] =	stream.indirect.gather [hbm4b:s6+s20], $0x80, s4, s20, $0xb8;
	[tilespmem:$0x1BBF8] =	vst v63  }
0x6c: {  	_ =	swait.ge [sflag:s28], $0x50  }
0x6d: {  	[sflag:s28] =	ssyncset.done $0x0  }
0x6e: {  	[sflag:s28] =	ssyncadd.s32 $0xFFFFFFB0  }
0x6f: {  	p1 =	por $0x1, $0x1;
	_ =	swait.ge [sflag:s28], $0x50  }
0x70: {  	s3 =	simm.s32 $0x100;
	p1 =	por p1, p1;
	[sflag:s28] =	ssyncset.done $0x0  }
0x71: {  	s24 =	simm.s32 $0x2E00;
	s11 =	simm.s32 @!p1 $0x6;
	[sflag:s28] =	ssyncadd.s32 $0xFFFFFFB0  }
0x72: {  	[tilespmem:s24], [sflag:$0x2] =	stream.indirect.gather [hbm4b:s6+s20], $0x80, s3, s20, $0xb8;
	[tilespmem:$0x1BBF8] =	vst v63  }
0x73: {  	_ =	swait.ge @!p1 [sflag:s11], $0x2800  }
0x74: {  	[sflag:s11] =	ssyncset.done @!p1 $0x0  }
0x75: {  	[sflag:s11] =	ssyncadd.s32 @!p1 $0xFFFFD800  }
0x76: {  	_ =	swait.ge @!p1 [sflag:s11], $0x50  }
0x77: {  	s2 =	simm.s32 $0x500;
	s15 =	rddreg [dreg:$0xe];
	[sflag:s11] =	ssyncset.done @!p1 $0x0  }
0x78: {  	s26 =	rddreg [dreg:$0xd];
	[sflag:s11] =	ssyncadd.s32 @!p1 $0xFFFFFFB0;
	s1 =	sadd.s32 $0x0, s15  }
0x79: {  	[tilespmem:s2], [sflag:$0xC] =	stream.linear.gather [hbm4b:s1+s4], $0x50, $0x38;
	[tilespmem:$0x1BBF8] =	vst v63  }
0x7a: {  	s10 =	simm.s32 $0x580;
	s3 =	sadd.s32 $0x0, s26;
	s11 =	simm.s32 $0x9  }
0x7b: {  	[tilespmem:s10], [sflag:$0xC] =	stream.linear.gather [hbm4b:s3+s4], $0x50, $0x38;
	[tilespmem:$0x1BBF8] =	vst v63  }
0x7c: {  	_ =	swait.ge [sflag:s11], $0x50  }
0x7d: {  	[sflag:s11] =	ssyncset.done $0x0  }
0x7e: {  	[sflag:s11] =	ssyncadd.s32 $0xFFFFFFB0  }
0x7f: {  	_ =	swait.ge [sflag:s11], $0x50  }
0x80: {  	[sflag:s11] =	ssyncset.done $0x0  }
0x81: {  	s26 =	simm.s32 $0x5600;
	[sflag:s11] =	ssyncadd.s32 $0xFFFFFFB0  }
0x82: {  	[tilespmem:s26], [sflag:$0x3] =	stream.indirect.gather [hbm4b:s6+s20], $0x80, s14, s20, $0xb8;
	[tilespmem:$0x1BBF8] =	vst v63  }
0x83: {  	_ =	swait.ge [sflag:s29], $0x2800  }
0x84: {  	[sflag:s29] =	ssyncset.done $0x0  }
0x85: {  	[sflag:s29] =	ssyncadd.s32 $0xFFFFD800  }
0x86: {  	s3 =	rddreg [dreg:$0x2]  }
0x87: {  	[spmem:s3] =	stream.indirect.scatter.add.f32 [tilespmem:s23], [sflag:$0x4], $0x80, s12, s20, $0xb8;
	[tilespmem:$0x1BBF8] =	vst v63  }
0x88: {  	s15 =	rddreg [dreg:$0x3]  }
0x89: {  	[spmem:s15] =	stream.indirect.scatter.add.f32 [tilespmem:s18], [sflag:$0x4], $0x1, s12, s20, $0xb8;
	[tilespmem:$0x1BBF8] =	vst v63  }
0x8a: {  	_ =	swait.ge [sflag:s31], $0x2800  }
0x8b: {  	[sflag:s31] =	ssyncset.done $0x0  }
0x8c: {  	[sflag:s31] =	ssyncadd.s32 $0xFFFFD800  }
0x8d: {  	_ =	swait.ge [sflag:s31], $0x50  }
0x8e: {  	s10 =	sld [smem:$0x7FB];
	_ =	sdelay $0x2  }
0x8f: {  	[sflag:s31] =	ssyncset.done $0x0;
	s13 =	rddreg [dreg:$0xf];
	s11 =	sshrl.u32 s10, $0x3  }
0x90: {  	[sflag:s31] =	ssyncadd.s32 $0xFFFFFFB0;
	s1 =	sadd.s32 s13, s11;
	s13 =	rddreg [dreg:$0x10]  }
0x91: {  	[tilespmem:s4], [sflag:$0x7] =	stream.linear.gather [hbm4b:s1+s4], $0x50, $0x38;
	[tilespmem:$0x1BBF8] =	vst v63  }
0x92: {  	s11 =	sadd.s32 s13, s11  }
0x93: {  	[tilespmem:s12], [sflag:$0x7] =	stream.linear.gather [hbm4b:s11+s4], $0x50, $0x38;
	[tilespmem:$0x1BBF8] =	vst v63  }
0x94: {  	_ =	swait.ge [sflag:s9], $0x50  }
0x95: {  	[sflag:s9] =	ssyncset.done $0x0  }
0x96: {  	[sflag:s9] =	ssyncadd.s32 $0xFFFFFFB0  }
0x97: {  	_ =	swait.ge [sflag:s9], $0x50  }
0x98: {  	[sflag:s9] =	ssyncset.done $0x0  }
0x99: {  	s12 =	simm.s32 $0x300;
	[sflag:s9] =	ssyncadd.s32 $0xFFFFFFB0  }
0x9a: {  	[tilespmem:s23], [sflag:$0x1] =	stream.indirect.gather [hbm4b:s6+s20], $0x80, s12, s20, $0xb8;
	[tilespmem:$0x1BBF8] =	vst v63  }
0x9b: {  	_ =	swait.ge [sflag:s30], $0x2800  }
0x9c: {  	[sflag:s30] =	ssyncset.done $0x0  }
0x9d: {  	s11 =	simm.s32 $0x180;
	[sflag:s30] =	ssyncadd.s32 $0xFFFFD800  }
0x9e: {  	[spmem:s3] =	stream.indirect.scatter.add.f32 [tilespmem:s24], [sflag:$0x5], $0x80, s11, s20, $0xb8;
	[tilespmem:$0x1BBF8] =	vst v63  }
0x9f: {  	_ = 	snop  }
0xa0: {  	[spmem:s15] =	stream.indirect.scatter.add.f32 [tilespmem:s18], [sflag:$0x5], $0x1, s11, s20, $0xb8;
	[tilespmem:$0x1BBF8] =	vst v63  }
0xa1: {  	_ =	swait.ge [sflag:s0], $0x2800  }
0xa2: {  	[sflag:s0] =	ssyncset.done $0x0  }
0xa3: {  	[sflag:s0] =	ssyncadd.s32 $0xFFFFD800  }
0xa4: {  	_ =	swait.ge [sflag:s0], $0x50  }
0xa5: {  	s22 =	simm.s32 $0x100;
	s11 =	rddreg [dreg:$0xc];
	[sflag:s0] =	ssyncset.done $0x0  }
0xa6: {  	s13 =	rddreg [dreg:$0xb];
	[sflag:s0] =	ssyncadd.s32 $0xFFFFFFB0;
	s11 =	sadd.s32 $0x0, s11  }
0xa7: {  	[tilespmem:s22], [sflag:$0x8] =	stream.linear.gather [hbm4b:s11+s4], $0x50, $0x38;
	[tilespmem:$0x1BBF8] =	vst v63  }
0xa8: {  	s1 =	simm.s32 $0x180;
	s13 =	sadd.s32 $0x0, s13  }
0xa9: {  	[tilespmem:s1], [sflag:$0x8] =	stream.linear.gather [hbm4b:s13+s4], $0x50, $0x38;
	[tilespmem:$0x1BBF8] =	vst v63  }
0xaa: {  	_ =	swait.ge [sflag:s17], $0x50  }
0xab: {  	[sflag:s17] =	ssyncset.done $0x0  }
0xac: {  	[sflag:s17] =	ssyncadd.s32 $0xFFFFFFB0  }
0xad: {  	_ =	swait.ge [sflag:s17], $0x50  }
0xae: {  	[sflag:s17] =	ssyncset.done $0x0  }
0xaf: {  	s1 =	simm.s32 $0x400;
	[sflag:s17] =	ssyncadd.s32 $0xFFFFFFB0  }
0xb0: {  	[tilespmem:s24], [sflag:$0x2] =	stream.indirect.gather [hbm4b:s6+s20], $0x80, s1, s20, $0xb8;
	[tilespmem:$0x1BBF8] =	vst v63  }
0xb1: {  	_ =	swait.ge [sflag:s7], $0x2800  }
0xb2: {  	[sflag:s7] =	ssyncset.done $0x0  }
0xb3: {  	[sflag:s7] =	ssyncadd.s32 $0xFFFFD800  }
0xb4: {  	[spmem:s3] =	stream.indirect.scatter.add.f32 [tilespmem:s26], [sflag:$0x6], $0x80, s16, s20, $0xb8;
	[tilespmem:$0x1BBF8] =	vst v63  }
0xb5: {  	_ = 	snop  }
0xb6: {  	[spmem:s15] =	stream.indirect.scatter.add.f32 [tilespmem:s18], [sflag:$0x6], $0x1, s16, s20, $0xb8;
	[tilespmem:$0x1BBF8] =	vst v63  }
0xb7: {  	_ =	swait.ge [sflag:s8], $0x2800  }
0xb8: {  	[sflag:s8] =	ssyncset.done $0x0  }
0xb9: {  	[sflag:s8] =	ssyncadd.s32 $0xFFFFD800  }
0xba: {  	_ =	swait.ge [sflag:s8], $0x50  }
0xbb: {  	s11 =	rddreg [dreg:$0xa];
	[sflag:s8] =	ssyncset.done $0x0  }
0xbc: {  	s13 =	rddreg [dreg:$0x9];
	[sflag:s8] =	ssyncadd.s32 $0xFFFFFFB0;
	s11 =	sadd.s32 $0x0, s11  }
0xbd: {  	[tilespmem:s14], [sflag:$0x9] =	stream.linear.gather [hbm4b:s11+s4], $0x50, $0x38;
	[tilespmem:$0x1BBF8] =	vst v63  }
0xbe: {  	s14 =	sadd.s32 $0x0, s13  }
0xbf: {  	[tilespmem:s16], [sflag:$0x9] =	stream.linear.gather [hbm4b:s14+s4], $0x50, $0x38;
	[tilespmem:$0x1BBF8] =	vst v63  }
0xc0: {  	_ =	swait.ge [sflag:s5], $0x50  }
0xc1: {  	[sflag:s5] =	ssyncset.done $0x0  }
0xc2: {  	[sflag:s5] =	ssyncadd.s32 $0xFFFFFFB0  }
0xc3: {  	_ =	swait.ge [sflag:s5], $0x50  }
0xc4: {  	[sflag:s5] =	ssyncset.done $0x0  }
0xc5: {  	[sflag:s5] =	ssyncadd.s32 $0xFFFFFFB0  }
0xc6: {  	[tilespmem:s26], [sflag:$0x3] =	stream.indirect.gather [hbm4b:s6+s20], $0x80, s2, s20, $0xb8;
	[tilespmem:$0x1BBF8] =	vst v63  }
0xc7: {  	_ =	swait.ge [sflag:s29], $0x2800  }
0xc8: {  	[sflag:s29] =	ssyncset.done $0x0  }
0xc9: {  	[sflag:s29] =	ssyncadd.s32 $0xFFFFD800  }
0xca: {  	[spmem:s3] =	stream.indirect.scatter.add.f32 [tilespmem:s23], [sflag:$0x4], $0x80, s25, s20, $0xb8;
	[tilespmem:$0x1BBF8] =	vst v63  }
0xcb: {  	_ = 	snop  }
0xcc: {  	[spmem:s15] =	stream.indirect.scatter.add.f32 [tilespmem:s18], [sflag:$0x4], $0x1, s25, s20, $0xb8;
	[tilespmem:$0x1BBF8] =	vst v63  }
0xcd: {  	_ =	swait.ge [sflag:s31], $0x2800  }
0xce: {  	[sflag:s31] =	ssyncset.done $0x0  }
0xcf: {  	[sflag:s31] =	ssyncadd.s32 $0xFFFFD800  }
0xd0: {  	_ =	swait.ge [sflag:s31], $0x50  }
0xd1: {  	s13 =	rddreg [dreg:$0x8];
	[sflag:s31] =	ssyncset.done $0x0  }
0xd2: {  	s14 =	rddreg [dreg:$0x7];
	[sflag:s31] =	ssyncadd.s32 $0xFFFFFFB0;
	s11 =	sadd.s32 $0x0, s13  }
0xd3: {  	[tilespmem:s12], [sflag:$0xA] =	stream.linear.gather [hbm4b:s11+s4], $0x50, $0x38;
	[tilespmem:$0x1BBF8] =	vst v63  }
0xd4: {  	s16 =	sadd.s32 $0x0, s14  }
0xd5: {  	[tilespmem:s25], [sflag:$0xA] =	stream.linear.gather [hbm4b:s16+s4], $0x50, $0x38;
	[tilespmem:$0x1BBF8] =	vst v63  }
0xd6: {  	_ =	swait.ge [sflag:s19], $0x50  }
0xd7: {  	[sflag:s19] =	ssyncset.done $0x0  }
0xd8: {  	[sflag:s19] =	ssyncadd.s32 $0xFFFFFFB0  }
0xd9: {  	_ =	swait.ge [sflag:s19], $0x50  }
0xda: {  	[sflag:s19] =	ssyncset.done $0x0  }
0xdb: {  	[sflag:s19] =	ssyncadd.s32 $0xFFFFFFB0  }
0xdc: {  	[tilespmem:s23], [sflag:$0x1] =	stream.indirect.gather [hbm4b:s6+s20], $0x80, s4, s20, $0xb8;
	[tilespmem:$0x1BBF8] =	vst v63  }
0xdd: {  	_ =	swait.ge [sflag:s30], $0x2800  }
0xde: {  	[sflag:s30] =	ssyncset.done $0x0  }
0xdf: {  	[sflag:s30] =	ssyncadd.s32 $0xFFFFD800  }
0xe0: {  	[spmem:s3] =	stream.indirect.scatter.add.f32 [tilespmem:s24], [sflag:$0x5], $0x80, s21, s20, $0xb8;
	[tilespmem:$0x1BBF8] =	vst v63  }
0xe1: {  	_ = 	snop  }
0xe2: {  	[spmem:s15] =	stream.indirect.scatter.add.f32 [tilespmem:s18], [sflag:$0x5], $0x1, s21, s20, $0xb8;
	[tilespmem:$0x1BBF8] =	vst v63  }
0xe3: {  	_ =	swait.ge [sflag:s0], $0x2800  }
0xe4: {  	[sflag:s0] =	ssyncset.done $0x0  }
0xe5: {  	[sflag:s0] =	ssyncadd.s32 $0xFFFFD800  }
0xe6: {  	_ =	swait.ge [sflag:s0], $0x50  }
0xe7: {  	s19 =	rddreg [dreg:$0x6];
	[sflag:s0] =	ssyncset.done $0x0  }
0xe8: {  	s23 =	rddreg [dreg:$0x5];
	[sflag:s0] =	ssyncadd.s32 $0xFFFFFFB0;
	s11 =	sadd.s32 $0x0, s19  }
0xe9: {  	[tilespmem:s1], [sflag:$0xB] =	stream.linear.gather [hbm4b:s11+s4], $0x50, $0x38;
	[tilespmem:$0x1BBF8] =	vst v63  }
0xea: {  	s25 =	sadd.s32 $0x0, s23  }
0xeb: {  	[tilespmem:s21], [sflag:$0xB] =	stream.linear.gather [hbm4b:s25+s4], $0x50, $0x38;
	[tilespmem:$0x1BBF8] =	vst v63  }
0xec: {  	_ =	swait.ge [sflag:s28], $0x50  }
0xed: {  	[sflag:s28] =	ssyncset.done $0x0  }
0xee: {  	[sflag:s28] =	ssyncadd.s32 $0xFFFFFFB0  }
0xef: {  	_ =	swait.ge [sflag:s28], $0x50  }
0xf0: {  	[sflag:s28] =	ssyncset.done $0x0  }
0xf1: {  	p6 =	por $0x0, $0x0;
	s22 =	simm.s32 $0x100;
	[sflag:s28] =	ssyncadd.s32 $0xFFFFFFB0  }
0xf2: {  	[tilespmem:s24], [sflag:$0x2] =	stream.indirect.gather [hbm4b:s6+s20], $0x80, s22, s20, $0xb8;
	[tilespmem:$0x1BBF8] =	vst v63  }
0xf3: {  	p1 =	por p6, p6;
	_ =	swait.ge [sflag:s7], $0x2800  }
0xf4: {  	s13 =	sadd.s32 $0x1E0, s10;
	s15 =	simm.s32 $0x78;
	[sflag:s7] =	ssyncset.done $0x0  }
0xf5: {  	s11 =	simm.s32 $0x3C;
	s28 =	simm.s32 $0x580;
	[sflag:s7] =	ssyncadd.s32 $0xFFFFD800  }
0xf6: {  	[spmem:s3] =	stream.indirect.scatter.add.f32 [tilespmem:s26], [sflag:$0x6], $0x80, s28, s20, $0xb8;
	[tilespmem:$0x1BBF8] =	vst v63  }
.LBB2_2:
0xf7: {  	s18 =	rddreg [dreg:$0x3]  }
0xf8: {  	s19 =	simm.s32 $0x1B680;
	s22 =	simm.s32 $0x580;
	s1 =	simm.s32 @!p1 $0x6  }
0xf9: {  	[spmem:s18] =	stream.indirect.scatter.add.f32 [tilespmem:s19], [sflag:$0x6], $0x1, s22, s20, $0xb8;
	[tilespmem:$0x1BBF8] =	vst v63  }
0xfa: {  	_ =	swait.ge @!p1 [sflag:s1], $0x2800  }
0xfb: {  	[sflag:s1] =	ssyncset.done @!p1 $0x0  }
0xfc: {  	[sflag:s1] =	ssyncadd.s32 @!p1 $0xFFFFD800  }
0xfd: {  	_ =	swait.ge @!p1 [sflag:s1], $0x50  }
0xfe: {  	s2 =	simm.s32 $0x500;
	s10 =	rddreg [dreg:$0xe];
	[sflag:s1] =	ssyncset.done @!p1 $0x0  }
0xff: {  	s12 =	rddreg [dreg:$0xd];
	[sflag:s1] =	ssyncadd.s32 @!p1 $0xFFFFFFB0;
	s3 =	sadd.s32 s11, s10  }
0x100: {  	[tilespmem:s2], [sflag:$0xC] =	stream.linear.gather [hbm4b:s3+s4], $0x50, $0x38;
	[tilespmem:$0x1BBF8] =	vst v63  }
0x101: {  	s10 =	sadd.s32 s11, s12;
	s12 =	simm.s32 $0x9  }
0x102: {  	[tilespmem:s22], [sflag:$0xC] =	stream.linear.gather [hbm4b:s10+s4], $0x50, $0x38;
	[tilespmem:$0x1BBF8] =	vst v63  }
0x103: {  	_ =	swait.ge [sflag:s12], $0x50  }
0x104: {  	[sflag:s12] =	ssyncset.done $0x0  }
0x105: {  	[sflag:s12] =	ssyncadd.s32 $0xFFFFFFB0  }
0x106: {  	_ =	swait.ge [sflag:s12], $0x50  }
0x107: {  	[sflag:s12] =	ssyncset.done $0x0  }
0x108: {  	s16 =	simm.s32 $0x200;
	s26 =	simm.s32 $0x5600;
	[sflag:s12] =	ssyncadd.s32 $0xFFFFFFB0  }
0x109: {  	[tilespmem:s26], [sflag:$0x3] =	stream.indirect.gather [hbm4b:s6+s20], $0x80, s16, s20, $0xb8;
	[tilespmem:$0x1BBF8] =	vst v63  }
0x10a: {  	_ =	swait.ge [sflag:s29], $0x2800  }
0x10b: {  	[sflag:s29] =	ssyncset.done $0x0  }
0x10c: {  	[sflag:s29] =	ssyncadd.s32 $0xFFFFD800  }
0x10d: {  	s14 =	simm.s32 $0x80;
	s23 =	simm.s32 $0x600;
	s3 =	rddreg [dreg:$0x2]  }
0x10e: {  	[spmem:s3] =	stream.indirect.scatter.add.f32 [tilespmem:s23], [sflag:$0x4], $0x80, s14, s20, $0xb8;
	[tilespmem:$0x1BBF8] =	vst v63  }
0x10f: {  	_ = 	snop  }
0x110: {  	[spmem:s18] =	stream.indirect.scatter.add.f32 [tilespmem:s19], [sflag:$0x4], $0x1, s14, s20, $0xb8;
	[tilespmem:$0x1BBF8] =	vst v63  }
0x111: {  	_ =	swait.ge [sflag:s31], $0x2800  }
0x112: {  	[sflag:s31] =	ssyncset.done $0x0  }
0x113: {  	[sflag:s31] =	ssyncadd.s32 $0xFFFFD800  }
0x114: {  	_ =	swait.ge [sflag:s31], $0x50  }
0x115: {  	s21 =	sshrl.u32 s13, $0x3;
	[sflag:s31] =	ssyncset.done $0x0;
	s25 =	rddreg [dreg:$0xf]  }
0x116: {  	s28 =	rddreg [dreg:$0x10];
	[sflag:s31] =	ssyncadd.s32 $0xFFFFFFB0;
	s10 =	sadd.s32 s25, s21  }
0x117: {  	[tilespmem:s4], [sflag:$0x7] =	stream.linear.gather [hbm4b:s10+s4], $0x50, $0x38;
	[tilespmem:$0x1BBF8] =	vst v63  }
0x118: {  	s1 =	sadd.s32 s28, s21  }
0x119: {  	[tilespmem:s14], [sflag:$0x7] =	stream.linear.gather [hbm4b:s1+s4], $0x50, $0x38;
	[tilespmem:$0x1BBF8] =	vst v63  }
0x11a: {  	_ =	swait.ge [sflag:s9], $0x50  }
0x11b: {  	[sflag:s9] =	ssyncset.done $0x0  }
0x11c: {  	[sflag:s9] =	ssyncadd.s32 $0xFFFFFFB0  }
0x11d: {  	_ =	swait.ge [sflag:s9], $0x50  }
0x11e: {  	[sflag:s9] =	ssyncset.done $0x0  }
0x11f: {  	s25 =	simm.s32 $0x300;
	[sflag:s9] =	ssyncadd.s32 $0xFFFFFFB0  }
0x120: {  	[tilespmem:s23], [sflag:$0x1] =	stream.indirect.gather [hbm4b:s6+s20], $0x80, s25, s20, $0xb8;
	[tilespmem:$0x1BBF8] =	vst v63  }
0x121: {  	_ =	swait.ge [sflag:s30], $0x2800  }
0x122: {  	[sflag:s30] =	ssyncset.done $0x0  }
0x123: {  	s28 =	simm.s32 $0x2E00;
	s14 =	simm.s32 $0x180;
	[sflag:s30] =	ssyncadd.s32 $0xFFFFD800  }
0x124: {  	[spmem:s3] =	stream.indirect.scatter.add.f32 [tilespmem:s28], [sflag:$0x5], $0x80, s14, s20, $0xb8;
	[tilespmem:$0x1BBF8] =	vst v63  }
0x125: {  	_ = 	snop  }
0x126: {  	[spmem:s18] =	stream.indirect.scatter.add.f32 [tilespmem:s19], [sflag:$0x5], $0x1, s14, s20, $0xb8;
	[tilespmem:$0x1BBF8] =	vst v63  }
0x127: {  	_ =	swait.ge [sflag:s0], $0x2800  }
0x128: {  	[sflag:s0] =	ssyncset.done $0x0  }
0x129: {  	[sflag:s0] =	ssyncadd.s32 $0xFFFFD800  }
0x12a: {  	_ =	swait.ge [sflag:s0], $0x50  }
0x12b: {  	s12 =	rddreg [dreg:$0xc]  }
0x12c: {  	[sflag:s0] =	ssyncset.done $0x0;
	s21 =	rddreg [dreg:$0xb]  }
0x12d: {  	[sflag:s0] =	ssyncadd.s32 $0xFFFFFFB0;
	s1 =	sadd.s32 s11, s12;
	s12 =	simm.s32 $0x100  }
0x12e: {  	[tilespmem:s12], [sflag:$0x8] =	stream.linear.gather [hbm4b:s1+s4], $0x50, $0x38;
	[tilespmem:$0x1BBF8] =	vst v63  }
0x12f: {  	s21 =	sadd.s32 s11, s21  }
0x130: {  	[tilespmem:s14], [sflag:$0x8] =	stream.linear.gather [hbm4b:s21+s4], $0x50, $0x38;
	[tilespmem:$0x1BBF8] =	vst v63  }
0x131: {  	_ =	swait.ge [sflag:s17], $0x50  }
0x132: {  	[sflag:s17] =	ssyncset.done $0x0  }
0x133: {  	[sflag:s17] =	ssyncadd.s32 $0xFFFFFFB0  }
0x134: {  	_ =	swait.ge [sflag:s17], $0x50  }
0x135: {  	[sflag:s17] =	ssyncset.done $0x0  }
0x136: {  	s21 =	simm.s32 $0x400;
	[sflag:s17] =	ssyncadd.s32 $0xFFFFFFB0  }
0x137: {  	[tilespmem:s28], [sflag:$0x2] =	stream.indirect.gather [hbm4b:s6+s20], $0x80, s21, s20, $0xb8;
	[tilespmem:$0x1BBF8] =	vst v63  }
0x138: {  	_ =	swait.ge [sflag:s7], $0x2800  }
0x139: {  	[sflag:s7] =	ssyncset.done $0x0  }
0x13a: {  	s14 =	simm.s32 $0x280;
	[sflag:s7] =	ssyncadd.s32 $0xFFFFD800  }
0x13b: {  	[spmem:s3] =	stream.indirect.scatter.add.f32 [tilespmem:s26], [sflag:$0x6], $0x80, s14, s20, $0xb8;
	[tilespmem:$0x1BBF8] =	vst v63  }
0x13c: {  	_ = 	snop  }
0x13d: {  	[spmem:s18] =	stream.indirect.scatter.add.f32 [tilespmem:s19], [sflag:$0x6], $0x1, s14, s20, $0xb8;
	[tilespmem:$0x1BBF8] =	vst v63  }
0x13e: {  	_ =	swait.ge [sflag:s8], $0x2800  }
0x13f: {  	[sflag:s8] =	ssyncset.done $0x0  }
0x140: {  	[sflag:s8] =	ssyncadd.s32 $0xFFFFD800  }
0x141: {  	_ =	swait.ge [sflag:s8], $0x50  }
0x142: {  	s1 =	rddreg [dreg:$0xa];
	[sflag:s8] =	ssyncset.done $0x0  }
0x143: {  	s10 =	rddreg [dreg:$0x9];
	[sflag:s8] =	ssyncadd.s32 $0xFFFFFFB0;
	s1 =	sadd.s32 s11, s1  }
0x144: {  	[tilespmem:s16], [sflag:$0x9] =	stream.linear.gather [hbm4b:s1+s4], $0x50, $0x38;
	[tilespmem:$0x1BBF8] =	vst v63  }
0x145: {  	s10 =	sadd.s32 s11, s10  }
0x146: {  	[tilespmem:s14], [sflag:$0x9] =	stream.linear.gather [hbm4b:s10+s4], $0x50, $0x38;
	[tilespmem:$0x1BBF8] =	vst v63  }
0x147: {  	_ =	swait.ge [sflag:s5], $0x50  }
0x148: {  	[sflag:s5] =	ssyncset.done $0x0  }
0x149: {  	[sflag:s5] =	ssyncadd.s32 $0xFFFFFFB0  }
0x14a: {  	_ =	swait.ge [sflag:s5], $0x50  }
0x14b: {  	[sflag:s5] =	ssyncset.done $0x0  }
0x14c: {  	[sflag:s5] =	ssyncadd.s32 $0xFFFFFFB0  }
0x14d: {  	[tilespmem:s26], [sflag:$0x3] =	stream.indirect.gather [hbm4b:s6+s20], $0x80, s2, s20, $0xb8;
	[tilespmem:$0x1BBF8] =	vst v63  }
0x14e: {  	_ =	swait.ge [sflag:s29], $0x2800  }
0x14f: {  	[sflag:s29] =	ssyncset.done $0x0  }
0x150: {  	s14 =	simm.s32 $0x380;
	[sflag:s29] =	ssyncadd.s32 $0xFFFFD800  }
0x151: {  	[spmem:s3] =	stream.indirect.scatter.add.f32 [tilespmem:s23], [sflag:$0x4], $0x80, s14, s20, $0xb8;
	[tilespmem:$0x1BBF8] =	vst v63  }
0x152: {  	_ = 	snop  }
0x153: {  	[spmem:s18] =	stream.indirect.scatter.add.f32 [tilespmem:s19], [sflag:$0x4], $0x1, s14, s20, $0xb8;
	[tilespmem:$0x1BBF8] =	vst v63  }
0x154: {  	_ =	swait.ge [sflag:s31], $0x2800  }
0x155: {  	[sflag:s31] =	ssyncset.done $0x0  }
0x156: {  	[sflag:s31] =	ssyncadd.s32 $0xFFFFD800  }
0x157: {  	_ =	swait.ge [sflag:s31], $0x50  }
0x158: {  	s16 =	rddreg [dreg:$0x8];
	[sflag:s31] =	ssyncset.done $0x0  }
0x159: {  	s2 =	rddreg [dreg:$0x7];
	[sflag:s31] =	ssyncadd.s32 $0xFFFFFFB0;
	s1 =	sadd.s32 s11, s16  }
0x15a: {  	[tilespmem:s25], [sflag:$0xA] =	stream.linear.gather [hbm4b:s1+s4], $0x50, $0x38;
	[tilespmem:$0x1BBF8] =	vst v63  }
0x15b: {  	s10 =	sadd.s32 s11, s2  }
0x15c: {  	[tilespmem:s14], [sflag:$0xA] =	stream.linear.gather [hbm4b:s10+s4], $0x50, $0x38;
	[tilespmem:$0x1BBF8] =	vst v63  }
0x15d: {  	s14 =	simm.s32 $0x7  }
0x15e: {  	_ =	swait.ge [sflag:s14], $0x50  }
0x15f: {  	[sflag:s14] =	ssyncset.done $0x0  }
0x160: {  	[sflag:s14] =	ssyncadd.s32 $0xFFFFFFB0  }
0x161: {  	_ =	swait.ge [sflag:s14], $0x50  }
0x162: {  	[sflag:s14] =	ssyncset.done $0x0  }
0x163: {  	[sflag:s14] =	ssyncadd.s32 $0xFFFFFFB0  }
0x164: {  	[tilespmem:s23], [sflag:$0x1] =	stream.indirect.gather [hbm4b:s6+s20], $0x80, s4, s20, $0xb8;
	[tilespmem:$0x1BBF8] =	vst v63  }
0x165: {  	_ =	swait.ge [sflag:s30], $0x2800  }
0x166: {  	[sflag:s30] =	ssyncset.done $0x0  }
0x167: {  	s16 =	simm.s32 $0x480;
	[sflag:s30] =	ssyncadd.s32 $0xFFFFD800  }
0x168: {  	[spmem:s3] =	stream.indirect.scatter.add.f32 [tilespmem:s28], [sflag:$0x5], $0x80, s16, s20, $0xb8;
	[tilespmem:$0x1BBF8] =	vst v63  }
0x169: {  	_ = 	snop  }
0x16a: {  	[spmem:s18] =	stream.indirect.scatter.add.f32 [tilespmem:s19], [sflag:$0x5], $0x1, s16, s20, $0xb8;
	[tilespmem:$0x1BBF8] =	vst v63  }
0x16b: {  	_ =	swait.ge [sflag:s0], $0x2800  }
0x16c: {  	[sflag:s0] =	ssyncset.done $0x0  }
0x16d: {  	[sflag:s0] =	ssyncadd.s32 $0xFFFFD800  }
0x16e: {  	_ =	swait.ge [sflag:s0], $0x50  }
0x16f: {  	s18 =	rddreg [dreg:$0x6];
	[sflag:s0] =	ssyncset.done $0x0  }
0x170: {  	s19 =	rddreg [dreg:$0x5];
	[sflag:s0] =	ssyncadd.s32 $0xFFFFFFB0;
	s1 =	sadd.s32 s11, s18  }
0x171: {  	[tilespmem:s21], [sflag:$0xB] =	stream.linear.gather [hbm4b:s1+s4], $0x50, $0x38;
	[tilespmem:$0x1BBF8] =	vst v63  }
0x172: {  	s25 =	simm.s32 $0x8;
	s23 =	sadd.s32 s11, s19  }
0x173: {  	[tilespmem:s16], [sflag:$0xB] =	stream.linear.gather [hbm4b:s23+s4], $0x50, $0x38;
	[tilespmem:$0x1BBF8] =	vst v63  }
0x174: {  	_ =	swait.ge [sflag:s25], $0x50  }
0x175: {  	[sflag:s25] =	ssyncset.done $0x0  }
0x176: {  	[sflag:s25] =	ssyncadd.s32 $0xFFFFFFB0  }
0x177: {  	_ =	swait.ge [sflag:s25], $0x50  }
0x178: {  	s24 =	smov.u32 s15;
	s15 =	sadd.s32 $0x3C, s15;
	[sflag:s25] =	ssyncset.done $0x0  }
0x179: {  	p2 =	sne.s32 s15, $0x4B0;
	[sflag:s25] =	ssyncadd.s32 $0xFFFFFFB0  }
0x17a: {  	[tilespmem:s28], [sflag:$0x2] =	stream.indirect.gather [hbm4b:s6+s20], $0x80, s12, s20, $0xb8;
	[tilespmem:$0x1BBF8] =	vst v63  }
.Ltmp0:
0x17b: {  	_ = 	snop;
	(pc) =	sbr.rel @p2 .LBB2_2-.Ltmp0, $4  }
0x17c: {  	_ =	swait.ge [sflag:s7], $0x2800  }
0x17d: {  	s13 =	sadd.s32 $0x1E0, s13;
	p3 =	seq.s32 s24, $0x0;
	[sflag:s7] =	ssyncset.done $0x0  }
0x17e: {  	p1 =	por p3, p3;
	s11 =	smov.u32 s24;
	[sflag:s7] =	ssyncadd.s32 $0xFFFFD800  }
0x17f: {  	[spmem:s3] =	stream.indirect.scatter.add.f32 [tilespmem:s26], [sflag:$0x6], $0x80, s22, s20, $0xb8;
	[tilespmem:$0x1BBF8] =	vst v63  }
0x180: {  	s18 =	rddreg [dreg:$0x3]  }
0x181: {  	s19 =	simm.s32 $0x1B680;
	s22 =	simm.s32 $0x580;
	s1 =	simm.s32 @!p1 $0x6  }
0x182: {  	[spmem:s18] =	stream.indirect.scatter.add.f32 [tilespmem:s19], [sflag:$0x6], $0x1, s22, s20, $0xb8;
	[tilespmem:$0x1BBF8] =	vst v63  }
0x183: {  	_ =	swait.ge @!p1 [sflag:s1], $0x2800  }
0x184: {  	[sflag:s1] =	ssyncset.done @!p1 $0x0  }
0x185: {  	[sflag:s1] =	ssyncadd.s32 @!p1 $0xFFFFD800  }
0x186: {  	_ =	swait.ge @!p1 [sflag:s1], $0x50  }
0x187: {  	s25 =	simm.s32 $0x500;
	s10 =	rddreg [dreg:$0xe];
	[sflag:s1] =	ssyncset.done @!p1 $0x0  }
0x188: {  	s12 =	rddreg [dreg:$0xd];
	[sflag:s1] =	ssyncadd.s32 @!p1 $0xFFFFFFB0;
	s21 =	sadd.s32 s11, s10  }
0x189: {  	[tilespmem:s25], [sflag:$0xC] =	stream.linear.gather [hbm4b:s21+s4], $0x50, $0x38;
	[tilespmem:$0x1BBF8] =	vst v63  }
0x18a: {  	s2 =	simm.s32 $0x9;
	s23 =	sadd.s32 s11, s12  }
0x18b: {  	[tilespmem:s22], [sflag:$0xC] =	stream.linear.gather [hbm4b:s23+s4], $0x50, $0x38;
	[tilespmem:$0x1BBF8] =	vst v63  }
0x18c: {  	_ =	swait.ge [sflag:s2], $0x50  }
0x18d: {  	[sflag:s2] =	ssyncset.done $0x0  }
0x18e: {  	[sflag:s2] =	ssyncadd.s32 $0xFFFFFFB0  }
0x18f: {  	_ =	swait.ge [sflag:s2], $0x50  }
0x190: {  	[sflag:s2] =	ssyncset.done $0x0  }
0x191: {  	s24 =	simm.s32 $0x200;
	s26 =	simm.s32 $0x5600;
	[sflag:s2] =	ssyncadd.s32 $0xFFFFFFB0  }
0x192: {  	[tilespmem:s26], [sflag:$0x3] =	stream.indirect.gather [hbm4b:s6+s20], $0x80, s24, s20, $0xb8;
	[tilespmem:$0x1BBF8] =	vst v63  }
0x193: {  	_ =	swait.ge [sflag:s29], $0x2800  }
0x194: {  	[sflag:s29] =	ssyncset.done $0x0  }
0x195: {  	[sflag:s29] =	ssyncadd.s32 $0xFFFFD800  }
0x196: {  	s14 =	simm.s32 $0x600;
	s23 =	simm.s32 $0x80;
	s3 =	rddreg [dreg:$0x2]  }
0x197: {  	[spmem:s3] =	stream.indirect.scatter.add.f32 [tilespmem:s14], [sflag:$0x4], $0x80, s23, s20, $0xb8;
	[tilespmem:$0x1BBF8] =	vst v63  }
0x198: {  	_ = 	snop  }
0x199: {  	[spmem:s18] =	stream.indirect.scatter.add.f32 [tilespmem:s19], [sflag:$0x4], $0x1, s23, s20, $0xb8;
	[tilespmem:$0x1BBF8] =	vst v63  }
0x19a: {  	_ =	swait.ge [sflag:s31], $0x2800  }
0x19b: {  	[sflag:s31] =	ssyncset.done $0x0  }
0x19c: {  	[sflag:s31] =	ssyncadd.s32 $0xFFFFD800  }
0x19d: {  	_ =	swait.ge [sflag:s31], $0x50  }
0x19e: {  	s28 =	sshrl.u32 s13, $0x3;
	[sflag:s31] =	ssyncset.done $0x0;
	s13 =	rddreg [dreg:$0xf]  }
0x19f: {  	s15 =	rddreg [dreg:$0x10];
	[sflag:s31] =	ssyncadd.s32 $0xFFFFFFB0;
	s10 =	sadd.s32 s13, s28  }
0x1a0: {  	[tilespmem:s4], [sflag:$0x7] =	stream.linear.gather [hbm4b:s10+s4], $0x50, $0x38;
	[tilespmem:$0x1BBF8] =	vst v63  }
0x1a1: {  	s1 =	sadd.s32 s15, s28  }
0x1a2: {  	[tilespmem:s23], [sflag:$0x7] =	stream.linear.gather [hbm4b:s1+s4], $0x50, $0x38;
	[tilespmem:$0x1BBF8] =	vst v63  }
0x1a3: {  	_ =	swait.ge [sflag:s9], $0x50  }
0x1a4: {  	[sflag:s9] =	ssyncset.done $0x0  }
0x1a5: {  	[sflag:s9] =	ssyncadd.s32 $0xFFFFFFB0  }
0x1a6: {  	_ =	swait.ge [sflag:s9], $0x50  }
0x1a7: {  	[sflag:s9] =	ssyncset.done $0x0  }
0x1a8: {  	s24 =	simm.s32 $0x300;
	[sflag:s9] =	ssyncadd.s32 $0xFFFFFFB0  }
0x1a9: {  	[tilespmem:s14], [sflag:$0x1] =	stream.indirect.gather [hbm4b:s6+s20], $0x80, s24, s20, $0xb8;
	[tilespmem:$0x1BBF8] =	vst v63  }
0x1aa: {  	_ =	swait.ge [sflag:s30], $0x2800  }
0x1ab: {  	[sflag:s30] =	ssyncset.done $0x0  }
0x1ac: {  	s15 =	simm.s32 $0x180;
	s28 =	simm.s32 $0x2E00;
	[sflag:s30] =	ssyncadd.s32 $0xFFFFD800  }
0x1ad: {  	[spmem:s3] =	stream.indirect.scatter.add.f32 [tilespmem:s28], [sflag:$0x5], $0x80, s15, s20, $0xb8;
	[tilespmem:$0x1BBF8] =	vst v63  }
0x1ae: {  	_ = 	snop  }
0x1af: {  	[spmem:s18] =	stream.indirect.scatter.add.f32 [tilespmem:s19], [sflag:$0x5], $0x1, s15, s20, $0xb8;
	[tilespmem:$0x1BBF8] =	vst v63  }
0x1b0: {  	_ =	swait.ge [sflag:s0], $0x2800  }
0x1b1: {  	[sflag:s0] =	ssyncset.done $0x0  }
0x1b2: {  	[sflag:s0] =	ssyncadd.s32 $0xFFFFD800  }
0x1b3: {  	_ =	swait.ge [sflag:s0], $0x50  }
0x1b4: {  	s13 =	simm.s32 $0x100;
	s16 =	rddreg [dreg:$0xc];
	[sflag:s0] =	ssyncset.done $0x0  }
0x1b5: {  	s21 =	rddreg [dreg:$0xb];
	[sflag:s0] =	ssyncadd.s32 $0xFFFFFFB0;
	s1 =	sadd.s32 s11, s16  }
0x1b6: {  	[tilespmem:s13], [sflag:$0x8] =	stream.linear.gather [hbm4b:s1+s4], $0x50, $0x38;
	[tilespmem:$0x1BBF8] =	vst v63  }
0x1b7: {  	s10 =	sadd.s32 s11, s21  }
0x1b8: {  	[tilespmem:s15], [sflag:$0x8] =	stream.linear.gather [hbm4b:s10+s4], $0x50, $0x38;
	[tilespmem:$0x1BBF8] =	vst v63  }
0x1b9: {  	_ =	swait.ge [sflag:s17], $0x50  }
0x1ba: {  	[sflag:s17] =	ssyncset.done $0x0  }
0x1bb: {  	[sflag:s17] =	ssyncadd.s32 $0xFFFFFFB0  }
0x1bc: {  	_ =	swait.ge [sflag:s17], $0x50  }
0x1bd: {  	[sflag:s17] =	ssyncset.done $0x0  }
0x1be: {  	s21 =	simm.s32 $0x400;
	[sflag:s17] =	ssyncadd.s32 $0xFFFFFFB0  }
0x1bf: {  	[tilespmem:s28], [sflag:$0x2] =	stream.indirect.gather [hbm4b:s6+s20], $0x80, s21, s20, $0xb8;
	[tilespmem:$0x1BBF8] =	vst v63  }
0x1c0: {  	_ =	swait.ge [sflag:s7], $0x2800  }
0x1c1: {  	[sflag:s7] =	ssyncset.done $0x0  }
0x1c2: {  	s16 =	simm.s32 $0x280;
	[sflag:s7] =	ssyncadd.s32 $0xFFFFD800  }
0x1c3: {  	[spmem:s3] =	stream.indirect.scatter.add.f32 [tilespmem:s26], [sflag:$0x6], $0x80, s16, s20, $0xb8;
	[tilespmem:$0x1BBF8] =	vst v63  }
0x1c4: {  	_ = 	snop  }
0x1c5: {  	[spmem:s18] =	stream.indirect.scatter.add.f32 [tilespmem:s19], [sflag:$0x6], $0x1, s16, s20, $0xb8;
	[tilespmem:$0x1BBF8] =	vst v63  }
0x1c6: {  	_ =	swait.ge [sflag:s8], $0x2800  }
0x1c7: {  	[sflag:s8] =	ssyncset.done $0x0  }
0x1c8: {  	[sflag:s8] =	ssyncadd.s32 $0xFFFFD800  }
0x1c9: {  	_ =	swait.ge [sflag:s8], $0x50  }
0x1ca: {  	s12 =	simm.s32 $0x200;
	s1 =	rddreg [dreg:$0xa];
	[sflag:s8] =	ssyncset.done $0x0  }
0x1cb: {  	s10 =	rddreg [dreg:$0x9];
	[sflag:s8] =	ssyncadd.s32 $0xFFFFFFB0;
	s1 =	sadd.s32 s11, s1  }
0x1cc: {  	[tilespmem:s12], [sflag:$0x9] =	stream.linear.gather [hbm4b:s1+s4], $0x50, $0x38;
	[tilespmem:$0x1BBF8] =	vst v63  }
0x1cd: {  	s12 =	sadd.s32 s11, s10  }
0x1ce: {  	[tilespmem:s16], [sflag:$0x9] =	stream.linear.gather [hbm4b:s12+s4], $0x50, $0x38;
	[tilespmem:$0x1BBF8] =	vst v63  }
0x1cf: {  	_ =	swait.ge [sflag:s5], $0x50  }
0x1d0: {  	[sflag:s5] =	ssyncset.done $0x0  }
0x1d1: {  	[sflag:s5] =	ssyncadd.s32 $0xFFFFFFB0  }
0x1d2: {  	_ =	swait.ge [sflag:s5], $0x50  }
0x1d3: {  	[sflag:s5] =	ssyncset.done $0x0  }
0x1d4: {  	[sflag:s5] =	ssyncadd.s32 $0xFFFFFFB0  }
0x1d5: {  	[tilespmem:s26], [sflag:$0x3] =	stream.indirect.gather [hbm4b:s6+s20], $0x80, s25, s20, $0xb8;
	[tilespmem:$0x1BBF8] =	vst v63  }
0x1d6: {  	_ =	swait.ge [sflag:s29], $0x2800  }
0x1d7: {  	[sflag:s29] =	ssyncset.done $0x0  }
0x1d8: {  	s25 =	simm.s32 $0x380;
	[sflag:s29] =	ssyncadd.s32 $0xFFFFD800  }
0x1d9: {  	[spmem:s3] =	stream.indirect.scatter.add.f32 [tilespmem:s14], [sflag:$0x4], $0x80, s25, s20, $0xb8;
	[tilespmem:$0x1BBF8] =	vst v63  }
0x1da: {  	_ = 	snop  }
0x1db: {  	[spmem:s18] =	stream.indirect.scatter.add.f32 [tilespmem:s19], [sflag:$0x4], $0x1, s25, s20, $0xb8;
	[tilespmem:$0x1BBF8] =	vst v63  }
0x1dc: {  	_ =	swait.ge [sflag:s31], $0x2800  }
0x1dd: {  	[sflag:s31] =	ssyncset.done $0x0  }
0x1de: {  	[sflag:s31] =	ssyncadd.s32 $0xFFFFD800  }
0x1df: {  	_ =	swait.ge [sflag:s31], $0x50  }
0x1e0: {  	s10 =	rddreg [dreg:$0x8];
	[sflag:s31] =	ssyncset.done $0x0  }
0x1e1: {  	s12 =	rddreg [dreg:$0x7];
	[sflag:s31] =	ssyncadd.s32 $0xFFFFFFB0;
	s1 =	sadd.s32 s11, s10  }
0x1e2: {  	[tilespmem:s24], [sflag:$0xA] =	stream.linear.gather [hbm4b:s1+s4], $0x50, $0x38;
	[tilespmem:$0x1BBF8] =	vst v63  }
0x1e3: {  	s10 =	sadd.s32 s11, s12;
	s12 =	simm.s32 $0x7  }
0x1e4: {  	[tilespmem:s25], [sflag:$0xA] =	stream.linear.gather [hbm4b:s10+s4], $0x50, $0x38;
	[tilespmem:$0x1BBF8] =	vst v63  }
0x1e5: {  	_ =	swait.ge [sflag:s12], $0x50  }
0x1e6: {  	[sflag:s12] =	ssyncset.done $0x0  }
0x1e7: {  	[sflag:s12] =	ssyncadd.s32 $0xFFFFFFB0  }
0x1e8: {  	_ =	swait.ge [sflag:s12], $0x50  }
0x1e9: {  	[sflag:s12] =	ssyncset.done $0x0  }
0x1ea: {  	[sflag:s12] =	ssyncadd.s32 $0xFFFFFFB0  }
0x1eb: {  	[tilespmem:s14], [sflag:$0x1] =	stream.indirect.gather [hbm4b:s6+s20], $0x80, s4, s20, $0xb8;
	[tilespmem:$0x1BBF8] =	vst v63  }
0x1ec: {  	_ =	swait.ge [sflag:s30], $0x2800  }
0x1ed: {  	[sflag:s30] =	ssyncset.done $0x0  }
0x1ee: {  	s12 =	simm.s32 $0x480;
	[sflag:s30] =	ssyncadd.s32 $0xFFFFD800  }
0x1ef: {  	[spmem:s3] =	stream.indirect.scatter.add.f32 [tilespmem:s28], [sflag:$0x5], $0x80, s12, s20, $0xb8;
	[tilespmem:$0x1BBF8] =	vst v63  }
0x1f0: {  	_ = 	snop  }
0x1f1: {  	[spmem:s18] =	stream.indirect.scatter.add.f32 [tilespmem:s19], [sflag:$0x5], $0x1, s12, s20, $0xb8;
	[tilespmem:$0x1BBF8] =	vst v63  }
0x1f2: {  	_ =	swait.ge [sflag:s0], $0x2800  }
0x1f3: {  	[sflag:s0] =	ssyncset.done $0x0  }
0x1f4: {  	[sflag:s0] =	ssyncadd.s32 $0xFFFFD800  }
0x1f5: {  	_ =	swait.ge [sflag:s0], $0x50  }
0x1f6: {  	s1 =	rddreg [dreg:$0x6];
	[sflag:s0] =	ssyncset.done $0x0  }
0x1f7: {  	s10 =	rddreg [dreg:$0x5];
	[sflag:s0] =	ssyncadd.s32 $0xFFFFFFB0;
	s1 =	sadd.s32 s11, s1  }
0x1f8: {  	[tilespmem:s21], [sflag:$0xB] =	stream.linear.gather [hbm4b:s1+s4], $0x50, $0x38;
	[tilespmem:$0x1BBF8] =	vst v63  }
0x1f9: {  	s10 =	sadd.s32 s11, s10;
	s11 =	simm.s32 $0x8  }
0x1fa: {  	[tilespmem:s12], [sflag:$0xB] =	stream.linear.gather [hbm4b:s10+s4], $0x50, $0x38;
	[tilespmem:$0x1BBF8] =	vst v63  }
0x1fb: {  	_ =	swait.ge [sflag:s11], $0x50  }
0x1fc: {  	[sflag:s11] =	ssyncset.done $0x0  }
0x1fd: {  	[sflag:s11] =	ssyncadd.s32 $0xFFFFFFB0  }
0x1fe: {  	_ =	swait.ge [sflag:s11], $0x50  }
0x1ff: {  	[sflag:s11] =	ssyncset.done $0x0  }
0x200: {  	[sflag:s11] =	ssyncadd.s32 $0xFFFFFFB0  }
0x201: {  	[tilespmem:s28], [sflag:$0x2] =	stream.indirect.gather [hbm4b:s6+s20], $0x80, s13, s20, $0xb8;
	[tilespmem:$0x1BBF8] =	vst v63  }
0x202: {  	_ =	swait.ge [sflag:s7], $0x2800  }
0x203: {  	[sflag:s7] =	ssyncset.done $0x0  }
0x204: {  	[sflag:s7] =	ssyncadd.s32 $0xFFFFD800  }
0x205: {  	[spmem:s3] =	stream.indirect.scatter.add.f32 [tilespmem:s26], [sflag:$0x6], $0x80, s22, s20, $0xb8;
	[tilespmem:$0x1BBF8] =	vst v63  }
0x206: {  	_ = 	snop  }
0x207: {  	[spmem:s18] =	stream.indirect.scatter.add.f32 [tilespmem:s19], [sflag:$0x6], $0x1, s22, s20, $0xb8;
	[tilespmem:$0x1BBF8] =	vst v63  }
0x208: {  	_ =	swait.ge [sflag:s8], $0x2800  }
0x209: {  	[sflag:s8] =	ssyncset.done $0x0  }
0x20a: {  	[sflag:s8] =	ssyncadd.s32 $0xFFFFD800  }
0x20b: {  	_ =	swait.ge [sflag:s8], $0x50  }
0x20c: {  	[sflag:s8] =	ssyncset.done $0x0  }
0x20d: {  	[sflag:s8] =	ssyncadd.s32 $0xFFFFFFB0  }
0x20e: {  	_ =	swait.ge [sflag:s2], $0x50  }
0x20f: {  	[sflag:s2] =	ssyncset.done $0x0  }
0x210: {  	[sflag:s2] =	ssyncadd.s32 $0xFFFFFFB0  }
0x211: {  	_ =	swait.ge [sflag:s2], $0x50  }
0x212: {  	[sflag:s2] =	ssyncset.done $0x0  }
0x213: {  	s22 =	simm.s32 $0x200;
	[sflag:s2] =	ssyncadd.s32 $0xFFFFFFB0  }
0x214: {  	[tilespmem:s26], [sflag:$0x3] =	stream.indirect.gather [hbm4b:s6+s20], $0x80, s22, s20, $0xb8;
	[tilespmem:$0x1BBF8] =	vst v63  }
0x215: {  	_ =	swait.ge [sflag:s29], $0x2800  }
0x216: {  	[sflag:s29] =	ssyncset.done $0x0  }
0x217: {  	[sflag:s29] =	ssyncadd.s32 $0xFFFFD800  }
0x218: {  	[spmem:s3] =	stream.indirect.scatter.add.f32 [tilespmem:s14], [sflag:$0x4], $0x80, s23, s20, $0xb8;
	[tilespmem:$0x1BBF8] =	vst v63  }
0x219: {  	_ = 	snop  }
0x21a: {  	[spmem:s18] =	stream.indirect.scatter.add.f32 [tilespmem:s19], [sflag:$0x4], $0x1, s23, s20, $0xb8;
	[tilespmem:$0x1BBF8] =	vst v63  }
0x21b: {  	_ =	swait.ge [sflag:s31], $0x2800  }
0x21c: {  	[sflag:s31] =	ssyncset.done $0x0  }
0x21d: {  	[sflag:s31] =	ssyncadd.s32 $0xFFFFD800  }
0x21e: {  	_ =	swait.ge [sflag:s31], $0x50  }
0x21f: {  	[sflag:s31] =	ssyncset.done $0x0  }
0x220: {  	[sflag:s31] =	ssyncadd.s32 $0xFFFFFFB0  }
0x221: {  	_ =	swait.ge [sflag:s9], $0x50  }
0x222: {  	[sflag:s9] =	ssyncset.done $0x0  }
0x223: {  	[sflag:s9] =	ssyncadd.s32 $0xFFFFFFB0  }
0x224: {  	_ =	swait.ge [sflag:s9], $0x50  }
0x225: {  	[sflag:s9] =	ssyncset.done $0x0  }
0x226: {  	[sflag:s9] =	ssyncadd.s32 $0xFFFFFFB0  }
0x227: {  	[tilespmem:s14], [sflag:$0x1] =	stream.indirect.gather [hbm4b:s6+s20], $0x80, s24, s20, $0xb8;
	[tilespmem:$0x1BBF8] =	vst v63  }
0x228: {  	_ =	swait.ge [sflag:s30], $0x2800  }
0x229: {  	[sflag:s30] =	ssyncset.done $0x0  }
0x22a: {  	[sflag:s30] =	ssyncadd.s32 $0xFFFFD800  }
0x22b: {  	[spmem:s3] =	stream.indirect.scatter.add.f32 [tilespmem:s28], [sflag:$0x5], $0x80, s15, s20, $0xb8;
	[tilespmem:$0x1BBF8] =	vst v63  }
0x22c: {  	_ = 	snop  }
0x22d: {  	[spmem:s18] =	stream.indirect.scatter.add.f32 [tilespmem:s19], [sflag:$0x5], $0x1, s15, s20, $0xb8;
	[tilespmem:$0x1BBF8] =	vst v63  }
0x22e: {  	_ =	swait.ge [sflag:s0], $0x2800  }
0x22f: {  	[sflag:s0] =	ssyncset.done $0x0  }
0x230: {  	[sflag:s0] =	ssyncadd.s32 $0xFFFFD800  }
0x231: {  	_ =	swait.ge [sflag:s0], $0x50  }
0x232: {  	[sflag:s0] =	ssyncset.done $0x0  }
0x233: {  	[sflag:s0] =	ssyncadd.s32 $0xFFFFFFB0  }
0x234: {  	_ =	swait.ge [sflag:s17], $0x50  }
0x235: {  	[sflag:s17] =	ssyncset.done $0x0  }
0x236: {  	[sflag:s17] =	ssyncadd.s32 $0xFFFFFFB0  }
0x237: {  	_ =	swait.ge [sflag:s17], $0x50  }
0x238: {  	[sflag:s17] =	ssyncset.done $0x0  }
0x239: {  	[sflag:s17] =	ssyncadd.s32 $0xFFFFFFB0  }
0x23a: {  	[tilespmem:s28], [sflag:$0x2] =	stream.indirect.gather [hbm4b:s6+s20], $0x80, s21, s20, $0xb8;
	[tilespmem:$0x1BBF8] =	vst v63  }
0x23b: {  	_ =	swait.ge [sflag:s7], $0x2800  }
0x23c: {  	[sflag:s7] =	ssyncset.done $0x0  }
0x23d: {  	[sflag:s7] =	ssyncadd.s32 $0xFFFFD800  }
0x23e: {  	[spmem:s3] =	stream.indirect.scatter.add.f32 [tilespmem:s26], [sflag:$0x6], $0x80, s16, s20, $0xb8;
	[tilespmem:$0x1BBF8] =	vst v63  }
0x23f: {  	_ = 	snop  }
0x240: {  	[spmem:s18] =	stream.indirect.scatter.add.f32 [tilespmem:s19], [sflag:$0x6], $0x1, s16, s20, $0xb8;
	[tilespmem:$0x1BBF8] =	vst v63  }
0x241: {  	_ =	swait.ge [sflag:s8], $0x2800  }
0x242: {  	[sflag:s8] =	ssyncset.done $0x0  }
0x243: {  	[sflag:s8] =	ssyncadd.s32 $0xFFFFD800  }
0x244: {  	_ =	swait.ge [sflag:s8], $0x50  }
0x245: {  	[sflag:s8] =	ssyncset.done $0x0  }
0x246: {  	[sflag:s8] =	ssyncadd.s32 $0xFFFFFFB0  }
0x247: {  	_ =	swait.ge [sflag:s29], $0x2800  }
0x248: {  	[sflag:s29] =	ssyncset.done $0x0  }
0x249: {  	[sflag:s29] =	ssyncadd.s32 $0xFFFFD800  }
0x24a: {  	[spmem:s3] =	stream.indirect.scatter.add.f32 [tilespmem:s14], [sflag:$0x4], $0x80, s25, s20, $0xb8;
	[tilespmem:$0x1BBF8] =	vst v63  }
0x24b: {  	_ = 	snop  }
0x24c: {  	[spmem:s18] =	stream.indirect.scatter.add.f32 [tilespmem:s19], [sflag:$0x4], $0x1, s25, s20, $0xb8;
	[tilespmem:$0x1BBF8] =	vst v63  }
0x24d: {  	_ =	swait.ge [sflag:s31], $0x2800  }
0x24e: {  	[sflag:s31] =	ssyncset.done $0x0  }
0x24f: {  	[sflag:s31] =	ssyncadd.s32 $0xFFFFD800  }
0x250: {  	_ =	swait.ge [sflag:s31], $0x50  }
0x251: {  	[sflag:s31] =	ssyncset.done $0x0  }
0x252: {  	[sflag:s31] =	ssyncadd.s32 $0xFFFFFFB0  }
0x253: {  	_ =	swait.ge [sflag:s30], $0x2800  }
0x254: {  	[sflag:s30] =	ssyncset.done $0x0  }
0x255: {  	[sflag:s30] =	ssyncadd.s32 $0xFFFFD800  }
0x256: {  	[spmem:s3] =	stream.indirect.scatter.add.f32 [tilespmem:s28], [sflag:$0x5], $0x80, s12, s20, $0xb8;
	[tilespmem:$0x1BBF8] =	vst v63  }
0x257: {  	_ = 	snop  }
0x258: {  	[spmem:s18] =	stream.indirect.scatter.add.f32 [tilespmem:s19], [sflag:$0x5], $0x1, s12, s20, $0xb8;
	[tilespmem:$0x1BBF8] =	vst v63  }
0x259: {  	_ =	swait.ge [sflag:s0], $0x2800  }
0x25a: {  	[sflag:s0] =	ssyncset.done $0x0  }
0x25b: {  	[sflag:s0] =	ssyncadd.s32 $0xFFFFD800  }
0x25c: {  	_ =	swait.ge [sflag:s0], $0x50  }
0x25d: {  	[sflag:s0] =	ssyncset.done $0x0  }
0x25e: {  	[sflag:s0] =	ssyncadd.s32 $0xFFFFFFB0  }
0x25f: {  	[bflag:$0x0] =	sbarrier.arrive $0xFFFF  }
0x260: {  	s10 =	sld [smem:$0x7F9]  }
0x261: {  	s2 =	sld [smem:$0x7F3];
	_ =	sdelay $0x1  }
0x262: {  	s1 =	simm.s32 @p0 $0x1FCD  }
0x263: {  	[hbm:s10], [sflag:s1] =	dma.local @p0 [spmem:s2], $0x2080  }
0x264: {  	s1 =	simm.s32 @p0 $0xD  }
0x265: {  	_ =	swait.ge @p0 [sflag:s1], $0x2080  }
0x266: {  	s24 =	sld [smem:$0x7FD]  }
0x267: {  	[sflag:s1] =	ssyncset.done @p0 $0x0  }
0x268: {  	s10 =	simm.s32 @p0 $0x1B978;
	[sflag:s1] =	ssyncadd.s32 @p0 $0xFFFFDF80  }
0x269: {  	[tilespmem:s10], [sflag:$0xD] =	stream.linear.gather @p0 [spmem:s24], $0x208, $0x38;
	[tilespmem:$0x1BBF8] =	vst v63  }
0x26a: {  	_ =	swait.ge @p0 [sflag:s1], $0x208  }
0x26b: {  	[sflag:s1] =	ssyncset.done @p0 $0x0  }
0x26c: {  	s11 =	simm.s32 @p0 $0x0;
	s12 =	rddreg [dreg:$0x19];
	[sflag:s1] =	ssyncadd.s32 @p0 $0xFFFFFDF8  }
0x26d: {  	[hbm4b:s12+s11] =	stream.linear.scatter @p0 [tilespmem:s10], [sflag:$0xD], $0x208, $0x38;
	[tilespmem:$0x1BBF8] =	vst v63  }
0x26e: {  	_ =	swait.ge @p0 [sflag:s1], $0x208  }
0x26f: {  	s2 =	sld [smem:$0x7F4]  }
0x270: {  	s3 =	sld [smem:$0x7F5]  }
0x271: {  	[sflag:s1] =	ssyncset.done @p0 $0x0  }
0x272: {  	[sflag:s1] =	ssyncadd.s32 @p0 $0xFFFFFDF8;
	s1 =	rddreg [dreg:$0x17]  }
0x273: {  	[hbm:s1], [sflag:s2] =	dma.local @!p0 [spmem:s3], $0x2780  }
0x274: {  	s1 =	simm.s32 @!p0 $0xD  }
0x275: {  	_ =	swait.ge @!p0 [sflag:s1], $0x2780  }
0x276: {  	s11 =	sld [smem:$0x7F8]  }
0x277: {  	[sflag:s1] =	ssyncset.done @!p0 $0x0  }
0x278: {  	s10 =	simm.s32 @!p0 $0x1B978;
	[sflag:s1] =	ssyncadd.s32 @!p0 $0xFFFFD880  }
0x279: {  	[tilespmem:s10], [sflag:$0xD] =	stream.linear.gather @!p0 [spmem:s11], $0x278, $0x38;
	[tilespmem:$0x1BBF8] =	vst v63  }
0x27a: {  	_ =	swait.ge @!p0 [sflag:s1], $0x278  }
0x27b: {  	[sflag:s1] =	ssyncset.done @!p0 $0x0  }
0x27c: {  	s11 =	simm.s32 @!p0 $0x0;
	s12 =	rddreg [dreg:$0x18];
	[sflag:s1] =	ssyncadd.s32 @!p0 $0xFFFFFD88  }
0x27d: {  	[hbm4b:s12+s11] =	stream.linear.scatter @!p0 [tilespmem:s10], [sflag:$0xD], $0x278, $0x38;
	[tilespmem:$0x1BBF8] =	vst v63  }
0x27e: {  	_ =	swait.ge @!p0 [sflag:s1], $0x278  }
0x27f: {  	s26 =	sld [smem:$0x7F2]  }
0x280: {  	s28 =	sld [smem:$0x7FA];
	_ =	sdelay $0x1  }
0x281: {  	s2 =	sadd.s32 $0x1, s26  }
0x282: {  	p1 =	sne.s32 s2, s28  }
.Ltmp1:
0x283: {  	_ = 	snop;
	(pc) =	sbr.rel @p1 .LBB2_1-.Ltmp1, $3  }
0x284: {  	_ =	sdelay $0x1  }
0x285: {  	[sflag:s1] =	ssyncset.done @!p0 $0x0  }
0x286: {  	[sflag:s1] =	ssyncadd.s32 @!p0 $0xFFFFFD88  }
0x287: {  	_ =	sfence.sel $0x180000  }
0x288: {  	[bflag:$0x0] =	sbarrier.arrive $0xFFFF  }
0x289: {  	_ =	strace $0x90000047  }
0x28a: {  	s0 =	stileid.u32;
	[bflag:$0x2] =	sbarrier.arrive $0xFFFF  }
0x28b: {  	p0 =	sne.s32 s0, $0x0;
	s0 =	rddreg [dreg:$0x4]  }
0x28c: {  	s0 =	sadd.s32 @!p0 $0x100000, s0  }
0x28d: {  	[sflag:s0] =	ssyncadd.tile.s32 @!p0 $0x1;
	_ =	shalt  }
.Lfunc_end2:
_tile_overlayer_lowered:
.L_overlay_start_2:
0x28e: {  	(tag) =	ssettag $0x2  }
0x28f: {  	s0 =	rddreg [dreg:$0x0];
	s2 =	stileid.u32  }
0x290: {  	s1 =	rddreg [dreg:$0x1];
	p0 =	sne.s32 s2, $0x0  }
0x291: {  	s3 =	rddreg [dreg:$0x2];
	[bflag:$0x3] =	sbarrier.arrive $0xFFFF;
	s2 =	simm.s32 @!p0 $0x1C0D  }
0x292: {  	[timem:s3], [sflag:s2] =	dma.local @!p0 [hbm:s0], s1  }
0x293: {  	s0 =	simm.s32 @!p0 $0xD  }
0x294: {  	_ =	swait.ge @!p0 [sflag:s0], s1  }
0x295: {  	s1 =	ssub.s32 @!p0 $0x0, s1;
	[sflag:s0] =	ssyncset.done @!p0 $0x0  }
0x296: {  	[sflag:s0] =	ssyncadd.s32 @!p0 s1  }
0x297: {  	[bflag:$0x3] =	sbarrier.arrive $0xFFFF  }
0x298: {  	_ =	shalt  }

</sc_bundles>
